<compile_context>
chip_gen: v7x
topology: tpu7x:2x2x1
jax: 0.10.2.dev20260603
libtpu: 0.0.44.dev20260713+nightly
codegen_flags: <defaults>
</compile_context>

<pallas_src>
import jax
import jax.numpy as jnp
from jax import lax
from jax.experimental import pallas as pl
from jax.experimental.pallas import tpu as pltpu
from jax.experimental.pallas import tpu_sc as plsc

B = 16384
C = 26
EMB = 256
L = 16
NC = 2
NS = 16
NW = NC * NS
ROWS = B // NW
HALF = 128
CH = 256
NCH = ROWS // CH


def _body(xt_hbm, out_hbm, vals8, buf0, buf1, sem0, sem1):
    wid = lax.axis_index("s") * NC + lax.axis_index("c")
    base = wid * ROWS
    pltpu.sync_copy(xt_hbm.at[pl.ds(0, 8), pl.ds(base, ROWS)], vals8)
    bufs = (buf0, buf1)
    sems = (sem0, sem1)
    pending = [(), ()]
    for c in range(NCH):
        buf = bufs[c % 2]
        for cp in pending[c % 2]:
            cp.wait()

        def group_body(g, c=c, buf=buf):
            v16 = vals8[0, pl.ds(c * CH + g * L, L)]
            for i in range(L):
                splat = jnp.full((L,), v16[i], jnp.int32)
                for j in range(HALF // L):
                    buf[g * L + i, pl.ds(j * L, L)] = splat

        plsc.parallel_loop(0, CH // L, unroll=2)(group_body)

        pending[c % 2] = tuple(
            pltpu.async_copy(
                buf,
                out_hbm.at[pl.ds(base + c * CH, CH), pl.ds(h * HALF, HALF)],
                sems[c % 2],
            )
            for h in range(EMB // HALF)
        )
    for grp in pending:
        for cp in grp:
            cp.wait()


def kernel(inputs):
    xt = inputs.T
    mesh = plsc.VectorSubcoreMesh(core_axis_name="c", subcore_axis_name="s")
    k = pl.kernel(
        _body,
        out_type=jax.ShapeDtypeStruct((B, EMB), jnp.int32),
        mesh=mesh,
        scratch_types=[
            pltpu.VMEM((8, ROWS), jnp.int32),
            pltpu.VMEM((CH, HALF), jnp.int32),
            pltpu.VMEM((CH, HALF), jnp.int32),
            pltpu.SemaphoreType.DMA,
            pltpu.SemaphoreType.DMA,
        ],
    )
    return k(xt)

# --- scband reference (transcript-rebuilt; emitter-appended) ---
"""Pipeline reference for scband-embedding-model-56848187129923 (READ-ONLY COPY).

The authoritative reference and input builder live on the scoring server;
editing this copy changes nothing except your own understanding.
"""

import jax, jax.numpy as jnp
import numpy as np

EMBEDDING_SIZE = 256

def setup_inputs(seed: int = 0) -> dict:
    key = jax.random.key(seed)
    inputs = jax.random.randint(key, (16384, 26), 0, 1000000, dtype=jnp.int32)
    return {"inputs": inputs}

def reference(inputs):
    # Faithful translation of the torch forward:
    #   for each row i, take idx = inputs[i][0] and repeat it EMBEDDING_SIZE times.
    # Vectorized: broadcast the first column to [B, EMBEDDING_SIZE]. Output is integer-typed
    # (torch.tensor of python ints), matching the original module.
    idx = inputs[:, 0]
    out = jnp.broadcast_to(idx[:, None], (inputs.shape[0], EMBEDDING_SIZE))
    return out

if __name__ == "__main__":
    import jax
    _d = setup_inputs()
    print(jax.jit(kernel)(*tuple(_d.values())))

</pallas_src>

<mosaic_0001>
#map = affine_map<(d0, d1) -> (0, 0)>
module attributes {stable_mosaic.version = 14 : i64} {
  func.func @_body(%arg0: i32, %arg1: i32, %arg2: memref<26x16384xi32, #tpu.memory_space<hbm>>, %arg3: memref<16384x256xi32, #tpu.memory_space<hbm>>, %arg4: memref<8x512xi32, #tpu.memory_space<vmem>>, %arg5: memref<256x128xi32, #tpu.memory_space<vmem>>, %arg6: memref<256x128xi32, #tpu.memory_space<vmem>>, %arg7: memref<!tpu.dma_semaphore, #tpu.memory_space<semaphore_mem>>, %arg8: memref<!tpu.dma_semaphore, #tpu.memory_space<semaphore_mem>>) attributes {dimension_semantics = [#tpu.dimension_semantics<core_parallel>, #tpu.dimension_semantics<subcore_parallel>], iteration_bounds = array<i64: 2, 16>, scalar_prefetch = 0 : i64, scratch_operands = 5 : i64, tpu.core_type = #tpu.core_type<sc_vector_subcore>, window_params = [{transform_indices = #map}, {transform_indices = #map}]} {
    %mul3A = arith.constant 2 : i32
    %mul3A_0 = arith.muli %arg1, %mul3A : i32
    %add3A = arith.addi %mul3A_0, %arg0 : i32
    %mul3A_1 = arith.constant 512 : i32
    %mul3A_2 = arith.muli %add3A, %mul3A_1 : i32
    "tpu.region"() ({
      %run_scoped3A = tpu.sem_alloc : memref<!tpu.dma_semaphore, #tpu.memory_space<semaphore_mem>>
      %dma_start3A_46 = arith.constant 0 : i32
      %dma_start3A_47 = tpu.memref_slice %arg2[%dma_start3A_46, %mul3A_2] : memref<26x16384xi32, #tpu.memory_space<hbm>> -> memref<8x512xi32, #tpu.memory_space<hbm>>
      %dma_start3A_48 = arith.constant 0 : i32
      %dma_start3A_49 = tpu.memref_slice %arg2[%dma_start3A_48, %mul3A_2] : memref<26x16384xi32, #tpu.memory_space<hbm>> -> memref<8x512xi32, #tpu.memory_space<hbm>>
      tpu.enqueue_dma source(%dma_start3A_49 : memref<8x512xi32, #tpu.memory_space<hbm>>) target(%arg4 : memref<8x512xi32, #tpu.memory_space<vmem>>) target_semaphore(%run_scoped3A : memref<!tpu.dma_semaphore, #tpu.memory_space<semaphore_mem>>)
      %dma_wait3A_50 = arith.constant 0 : i32
      %dma_wait3A_51 = tpu.memref_slice %arg2[%dma_wait3A_50, %mul3A_2] : memref<26x16384xi32, #tpu.memory_space<hbm>> -> memref<8x512xi32, #tpu.memory_space<hbm>>
      %dma_wait3A_52 = arith.constant 0 : i32
      %dma_wait3A_53 = tpu.memref_slice %arg2[%dma_wait3A_52, %mul3A_2] : memref<26x16384xi32, #tpu.memory_space<hbm>> -> memref<8x512xi32, #tpu.memory_space<hbm>>
      tpu.wait_dma2 semaphore(%run_scoped3A : memref<!tpu.dma_semaphore, #tpu.memory_space<semaphore_mem>>) src(%dma_wait3A_53 : memref<8x512xi32, #tpu.memory_space<hbm>>) dst(%arg4 : memref<8x512xi32, #tpu.memory_space<vmem>>)
      tpu.yield
    }) : () -> ()
    %parallel_loop3A = arith.constant 0 : i32
    %parallel_loop3A_3 = arith.constant 16 : i32
    %parallel_loop3A_4 = arith.constant 1 : i32
    scf.for %parallel_loop3A_46 = %parallel_loop3A to %parallel_loop3A_3 step %parallel_loop3A_4  : i32 {
      %parallel_loop3A_47 = arith.constant 16 : i32
      %parallel_loop3A_48 = arith.muli %parallel_loop3A_46, %parallel_loop3A_47 : i32
      %parallel_loop3A_49 = arith.constant 0 : i32
      %parallel_loop3A_50 = arith.addi %parallel_loop3A_49, %parallel_loop3A_48 : i32
      %parallel_loop3A_51 = arith.constant 0 : i32
      %parallel_loop3A_52 = arith.index_cast %parallel_loop3A_51 : i32 to index
      %parallel_loop3A_53 = arith.index_cast %parallel_loop3A_50 : i32 to index
      %parallel_loop3A_54 = tpu.vector_load %arg4[%parallel_loop3A_52, %parallel_loop3A_53] {strides = array<i32>} : memref<8x512xi32, #tpu.memory_space<vmem>>, vector<1x16xi32>,
      %parallel_loop3A_55 = vector.shape_cast %parallel_loop3A_54 : vector<1x16xi32> to vector<16xi32>
      %parallel_loop3A_56 = vector.extract_strided_slice %parallel_loop3A_55 {offsets = [0], sizes = [1], strides = [1]} : vector<16xi32> to vector<1xi32>
      %parallel_loop3A_57 = vector.extract %parallel_loop3A_56[0] : i32 from vector<1xi32>
      %parallel_loop3A_58 = vector.broadcast %parallel_loop3A_57 : i32 to vector<16xi32>
      %parallel_loop3A_59 = arith.constant 16 : i32
      %parallel_loop3A_60 = arith.muli %parallel_loop3A_46, %parallel_loop3A_59 : i32
      %parallel_loop3A_61 = arith.constant 0 : i32
      %parallel_loop3A_62 = arith.addi %parallel_loop3A_60, %parallel_loop3A_61 : i32
      %parallel_loop3A_63 = arith.index_cast %parallel_loop3A_62 : i32 to index
      %parallel_loop3A_64 = arith.constant 0 : index
      %parallel_loop3A_65 = tpu.vector_load %arg5[%parallel_loop3A_63, %parallel_loop3A_64] {strides = array<i32>} : memref<256x128xi32, #tpu.memory_space<vmem>>, vector<1x16xi32>,
      %parallel_loop3A_66 = vector.shape_cast %parallel_loop3A_65 : vector<1x16xi32> to vector<16xi32>
      %parallel_loop3A_67 = vector.shape_cast %parallel_loop3A_58 : vector<16xi32> to vector<1x16xi32>
      tpu.vector_store %arg5[%parallel_loop3A_63, %parallel_loop3A_64], %parallel_loop3A_67 {strides = array<i32>} : memref<256x128xi32, #tpu.memory_space<vmem>>, vector<1x16xi32>,
      %parallel_loop3A_68 = arith.constant 16 : i32
      %parallel_loop3A_69 = arith.muli %parallel_loop3A_46, %parallel_loop3A_68 : i32
      %parallel_loop3A_70 = arith.constant 0 : i32
      %parallel_loop3A_71 = arith.addi %parallel_loop3A_69, %parallel_loop3A_70 : i32
      %parallel_loop3A_72 = arith.index_cast %parallel_loop3A_71 : i32 to index
      %parallel_loop3A_73 = arith.constant 16 : index
      %parallel_loop3A_74 = tpu.vector_load %arg5[%parallel_loop3A_72, %parallel_loop3A_73] {strides = array<i32>} : memref<256x128xi32, #tpu.memory_space<vmem>>, vector<1x16xi32>,
      %parallel_loop3A_75 = vector.shape_cast %parallel_loop3A_74 : vector<1x16xi32> to vector<16xi32>
      %parallel_loop3A_76 = vector.shape_cast %parallel_loop3A_58 : vector<16xi32> to vector<1x16xi32>
      tpu.vector_store %arg5[%parallel_loop3A_72, %parallel_loop3A_73], %parallel_loop3A_76 {strides = array<i32>} : memref<256x128xi32, #tpu.memory_space<vmem>>, vector<1x16xi32>,
      %parallel_loop3A_77 = arith.constant 16 : i32
      %parallel_loop3A_78 = arith.muli %parallel_loop3A_46, %parallel_loop3A_77 : i32
      %parallel_loop3A_79 = arith.constant 0 : i32
      %parallel_loop3A_80 = arith.addi %parallel_loop3A_78, %parallel_loop3A_79 : i32
      %parallel_loop3A_81 = arith.index_cast %parallel_loop3A_80 : i32 to index
      %parallel_loop3A_82 = arith.constant 32 : index
      %parallel_loop3A_83 = tpu.vector_load %arg5[%parallel_loop3A_81, %parallel_loop3A_82] {strides = array<i32>} : memref<256x128xi32, #tpu.memory_space<vmem>>, vector<1x16xi32>,
      %parallel_loop3A_84 = vector.shape_cast %parallel_loop3A_83 : vector<1x16xi32> to vector<16xi32>
      %parallel_loop3A_85 = vector.shape_cast %parallel_loop3A_58 : vector<16xi32> to vector<1x16xi32>
      tpu.vector_store %arg5[%parallel_loop3A_81, %parallel_loop3A_82], %parallel_loop3A_85 {strides = array<i32>} : memref<256x128xi32, #tpu.memory_space<vmem>>, vector<1x16xi32>,
      %parallel_loop3A_86 = arith.constant 16 : i32
      %parallel_loop3A_87 = arith.muli %parallel_loop3A_46, %parallel_loop3A_86 : i32
      %parallel_loop3A_88 = arith.constant 0 : i32
      %parallel_loop3A_89 = arith.addi %parallel_loop3A_87, %parallel_loop3A_88 : i32
      %parallel_loop3A_90 = arith.index_cast %parallel_loop3A_89 : i32 to index
      %parallel_loop3A_91 = arith.constant 48 : index
      %parallel_loop3A_92 = tpu.vector_load %arg5[%parallel_loop3A_90, %parallel_loop3A_91] {strides = array<i32>} : memref<256x128xi32, #tpu.memory_space<vmem>>, vector<1x16xi32>,
      %parallel_loop3A_93 = vector.shape_cast %parallel_loop3A_92 : vector<1x16xi32> to vector<16xi32>
      %parallel_loop3A_94 = vector.shape_cast %parallel_loop3A_58 : vector<16xi32> to vector<1x16xi32>
      tpu.vector_store %arg5[%parallel_loop3A_90, %parallel_loop3A_91], %parallel_loop3A_94 {strides = array<i32>} : memref<256x128xi32, #tpu.memory_space<vmem>>, vector<1x16xi32>,
      %parallel_loop3A_95 = arith.constant 16 : i32
      %parallel_loop3A_96 = arith.muli %parallel_loop3A_46, %parallel_loop3A_95 : i32
      %parallel_loop3A_97 = arith.constant 0 : i32
      %parallel_loop3A_98 = arith.addi %parallel_loop3A_96, %parallel_loop3A_97 : i32
      %parallel_loop3A_99 = arith.index_cast %parallel_loop3A_98 : i32 to index
      %parallel_loop3A_100 = arith.constant 64 : index
      %parallel_loop3A_101 = tpu.vector_load %arg5[%parallel_loop3A_99, %parallel_loop3A_100] {strides = array<i32>} : memref<256x128xi32, #tpu.memory_space<vmem>>, vector<1x16xi32>,
      %parallel_loop3A_102 = vector.shape_cast %parallel_loop3A_101 : vector<1x16xi32> to vector<16xi32>
      %parallel_loop3A_103 = vector.shape_cast %parallel_loop3A_58 : vector<16xi32> to vector<1x16xi32>
      tpu.vector_store %arg5[%parallel_loop3A_99, %parallel_loop3A_100], %parallel_loop3A_103 {strides = array<i32>} : memref<256x128xi32, #tpu.memory_space<vmem>>, vector<1x16xi32>,
      %parallel_loop3A_104 = arith.constant 16 : i32
      %parallel_loop3A_105 = arith.muli %parallel_loop3A_46, %parallel_loop3A_104 : i32
      %parallel_loop3A_106 = arith.constant 0 : i32
      %parallel_loop3A_107 = arith.addi %parallel_loop3A_105, %parallel_loop3A_106 : i32
      %parallel_loop3A_108 = arith.index_cast %parallel_loop3A_107 : i32 to index
      %parallel_loop3A_109 = arith.constant 80 : index
      %parallel_loop3A_110 = tpu.vector_load %arg5[%parallel_loop3A_108, %parallel_loop3A_109] {strides = array<i32>} : memref<256x128xi32, #tpu.memory_space<vmem>>, vector<1x16xi32>,
      %parallel_loop3A_111 = vector.shape_cast %parallel_loop3A_110 : vector<1x16xi32> to vector<16xi32>
      %parallel_loop3A_112 = vector.shape_cast %parallel_loop3A_58 : vector<16xi32> to vector<1x16xi32>
      tpu.vector_store %arg5[%parallel_loop3A_108, %parallel_loop3A_109], %parallel_loop3A_112 {strides = array<i32>} : memref<256x128xi32, #tpu.memory_space<vmem>>, vector<1x16xi32>,
      %parallel_loop3A_113 = arith.constant 16 : i32
      %parallel_loop3A_114 = arith.muli %parallel_loop3A_46, %parallel_loop3A_113 : i32
      %parallel_loop3A_115 = arith.constant 0 : i32
      %parallel_loop3A_116 = arith.addi %parallel_loop3A_114, %parallel_loop3A_115 : i32
      %parallel_loop3A_117 = arith.index_cast %parallel_loop3A_116 : i32 to index
      %parallel_loop3A_118 = arith.constant 96 : index
      %parallel_loop3A_119 = tpu.vector_load %arg5[%parallel_loop3A_117, %parallel_loop3A_118] {strides = array<i32>} : memref<256x128xi32, #tpu.memory_space<vmem>>, vector<1x16xi32>,
      %parallel_loop3A_120 = vector.shape_cast %parallel_loop3A_119 : vector<1x16xi32> to vector<16xi32>
      %parallel_loop3A_121 = vector.shape_cast %parallel_loop3A_58 : vector<16xi32> to vector<1x16xi32>
      tpu.vector_store %arg5[%parallel_loop3A_117, %parallel_loop3A_118], %parallel_loop3A_121 {strides = array<i32>} : memref<256x128xi32, #tpu.memory_space<vmem>>, vector<1x16xi32>,
      %parallel_loop3A_122 = arith.constant 16 : i32
      %parallel_loop3A_123 = arith.muli %parallel_loop3A_46, %parallel_loop3A_122 : i32
      %parallel_loop3A_124 = arith.constant 0 : i32
      %parallel_loop3A_125 = arith.addi %parallel_loop3A_123, %parallel_loop3A_124 : i32
      %parallel_loop3A_126 = arith.index_cast %parallel_loop3A_125 : i32 to index
      %parallel_loop3A_127 = arith.constant 112 : index
      %parallel_loop3A_128 = tpu.vector_load %arg5[%parallel_loop3A_126, %parallel_loop3A_127] {strides = array<i32>} : memref<256x128xi32, #tpu.memory_space<vmem>>, vector<1x16xi32>,
      %parallel_loop3A_129 = vector.shape_cast %parallel_loop3A_128 : vector<1x16xi32> to vector<16xi32>
      %parallel_loop3A_130 = vector.shape_cast %parallel_loop3A_58 : vector<16xi32> to vector<1x16xi32>
      tpu.vector_store %arg5[%parallel_loop3A_126, %parallel_loop3A_127], %parallel_loop3A_130 {strides = array<i32>} : memref<256x128xi32, #tpu.memory_space<vmem>>, vector<1x16xi32>,
      %parallel_loop3A_131 = vector.extract_strided_slice %parallel_loop3A_55 {offsets = [1], sizes = [1], strides = [1]} : vector<16xi32> to vector<1xi32>
      %parallel_loop3A_132 = vector.extract %parallel_loop3A_131[0] : i32 from vector<1xi32>
      %parallel_loop3A_133 = vector.broadcast %parallel_loop3A_132 : i32 to vector<16xi32>
      %parallel_loop3A_134 = arith.constant 16 : i32
      %parallel_loop3A_135 = arith.muli %parallel_loop3A_46, %parallel_loop3A_134 : i32
      %parallel_loop3A_136 = arith.constant 1 : i32
      %parallel_loop3A_137 = arith.addi %parallel_loop3A_135, %parallel_loop3A_136 : i32
      %parallel_loop3A_138 = arith.index_cast %parallel_loop3A_137 : i32 to index
      %parallel_loop3A_139 = arith.constant 0 : index
      %parallel_loop3A_140 = tpu.vector_load %arg5[%parallel_loop3A_138, %parallel_loop3A_139] {strides = array<i32>} : memref<256x128xi32, #tpu.memory_space<vmem>>, vector<1x16xi32>,
      %parallel_loop3A_141 = vector.shape_cast %parallel_loop3A_140 : vector<1x16xi32> to vector<16xi32>
      %parallel_loop3A_142 = vector.shape_cast %parallel_loop3A_133 : vector<16xi32> to vector<1x16xi32>
      tpu.vector_store %arg5[%parallel_loop3A_138, %parallel_loop3A_139], %parallel_loop3A_142 {strides = array<i32>} : memref<256x128xi32, #tpu.memory_space<vmem>>, vector<1x16xi32>,
      %parallel_loop3A_143 = arith.constant 16 : i32
      %parallel_loop3A_144 = arith.muli %parallel_loop3A_46, %parallel_loop3A_143 : i32
      %parallel_loop3A_145 = arith.constant 1 : i32
      %parallel_loop3A_146 = arith.addi %parallel_loop3A_144, %parallel_loop3A_145 : i32
      %parallel_loop3A_147 = arith.index_cast %parallel_loop3A_146 : i32 to index
      %parallel_loop3A_148 = arith.constant 16 : index
      %parallel_loop3A_149 = tpu.vector_load %arg5[%parallel_loop3A_147, %parallel_loop3A_148] {strides = array<i32>} : memref<256x128xi32, #tpu.memory_space<vmem>>, vector<1x16xi32>,
      %parallel_loop3A_150 = vector.shape_cast %parallel_loop3A_149 : vector<1x16xi32> to vector<16xi32>
      %parallel_loop3A_151 = vector.shape_cast %parallel_loop3A_133 : vector<16xi32> to vector<1x16xi32>
      tpu.vector_store %arg5[%parallel_loop3A_147, %parallel_loop3A_148], %parallel_loop3A_151 {strides = array<i32>} : memref<256x128xi32, #tpu.memory_space<vmem>>, vector<1x16xi32>,
      %parallel_loop3A_152 = arith.constant 16 : i32
      %parallel_loop3A_153 = arith.muli %parallel_loop3A_46, %parallel_loop3A_152 : i32
      %parallel_loop3A_154 = arith.constant 1 : i32
      %parallel_loop3A_155 = arith.addi %parallel_loop3A_153, %parallel_loop3A_154 : i32
      %parallel_loop3A_156 = arith.index_cast %parallel_loop3A_155 : i32 to index
      %parallel_loop3A_157 = arith.constant 32 : index
      %parallel_loop3A_158 = tpu.vector_load %arg5[%parallel_loop3A_156, %parallel_loop3A_157] {strides = array<i32>} : memref<256x128xi32, #tpu.memory_space<vmem>>, vector<1x16xi32>,
      %parallel_loop3A_159 = vector.shape_cast %parallel_loop3A_158 : vector<1x16xi32> to vector<16xi32>
      %parallel_loop3A_160 = vector.shape_cast %parallel_loop3A_133 : vector<16xi32> to vector<1x16xi32>
      tpu.vector_store %arg5[%parallel_loop3A_156, %parallel_loop3A_157], %parallel_loop3A_160 {strides = array<i32>} : memref<256x128xi32, #tpu.memory_space<vmem>>, vector<1x16xi32>,
      %parallel_loop3A_161 = arith.constant 16 : i32
      %parallel_loop3A_162 = arith.muli %parallel_loop3A_46, %parallel_loop3A_161 : i32
      %parallel_loop3A_163 = arith.constant 1 : i32
      %parallel_loop3A_164 = arith.addi %parallel_loop3A_162, %parallel_loop3A_163 : i32
      %parallel_loop3A_165 = arith.index_cast %parallel_loop3A_164 : i32 to index
      %parallel_loop3A_166 = arith.constant 48 : index
      %parallel_loop3A_167 = tpu.vector_load %arg5[%parallel_loop3A_165, %parallel_loop3A_166] {strides = array<i32>} : memref<256x128xi32, #tpu.memory_space<vmem>>, vector<1x16xi32>,
      %parallel_loop3A_168 = vector.shape_cast %parallel_loop3A_167 : vector<1x16xi32> to vector<16xi32>
      %parallel_loop3A_169 = vector.shape_cast %parallel_loop3A_133 : vector<16xi32> to vector<1x16xi32>
      tpu.vector_store %arg5[%parallel_loop3A_165, %parallel_loop3A_166], %parallel_loop3A_169 {strides = array<i32>} : memref<256x128xi32, #tpu.memory_space<vmem>>, vector<1x16xi32>,
      %parallel_loop3A_170 = arith.constant 16 : i32
      %parallel_loop3A_171 = arith.muli %parallel_loop3A_46, %parallel_loop3A_170 : i32
      %parallel_loop3A_172 = arith.constant 1 : i32
      %parallel_loop3A_173 = arith.addi %parallel_loop3A_171, %parallel_loop3A_172 : i32
      %parallel_loop3A_174 = arith.index_cast %parallel_loop3A_173 : i32 to index
      %parallel_loop3A_175 = arith.constant 64 : index
      %parallel_loop3A_176 = tpu.vector_load %arg5[%parallel_loop3A_174, %parallel_loop3A_175] {strides = array<i32>} : memref<256x128xi32, #tpu.memory_space<vmem>>, vector<1x16xi32>,
      %parallel_loop3A_177 = vector.shape_cast %parallel_loop3A_176 : vector<1x16xi32> to vector<16xi32>
      %parallel_loop3A_178 = vector.shape_cast %parallel_loop3A_133 : vector<16xi32> to vector<1x16xi32>
      tpu.vector_store %arg5[%parallel_loop3A_174, %parallel_loop3A_175], %parallel_loop3A_178 {strides = array<i32>} : memref<256x128xi32, #tpu.memory_space<vmem>>, vector<1x16xi32>,
      %parallel_loop3A_179 = arith.constant 16 : i32
      %parallel_loop3A_180 = arith.muli %parallel_loop3A_46, %parallel_loop3A_179 : i32
      %parallel_loop3A_181 = arith.constant 1 : i32
      %parallel_loop3A_182 = arith.addi %parallel_loop3A_180, %parallel_loop3A_181 : i32
      %parallel_loop3A_183 = arith.index_cast %parallel_loop3A_182 : i32 to index
      %parallel_loop3A_184 = arith.constant 80 : index
      %parallel_loop3A_185 = tpu.vector_load %arg5[%parallel_loop3A_183, %parallel_loop3A_184] {strides = array<i32>} : memref<256x128xi32, #tpu.memory_space<vmem>>, vector<1x16xi32>,
      %parallel_loop3A_186 = vector.shape_cast %parallel_loop3A_185 : vector<1x16xi32> to vector<16xi32>
      %parallel_loop3A_187 = vector.shape_cast %parallel_loop3A_133 : vector<16xi32> to vector<1x16xi32>
      tpu.vector_store %arg5[%parallel_loop3A_183, %parallel_loop3A_184], %parallel_loop3A_187 {strides = array<i32>} : memref<256x128xi32, #tpu.memory_space<vmem>>, vector<1x16xi32>,
      %parallel_loop3A_188 = arith.constant 16 : i32
      %parallel_loop3A_189 = arith.muli %parallel_loop3A_46, %parallel_loop3A_188 : i32
      %parallel_loop3A_190 = arith.constant 1 : i32
      %parallel_loop3A_191 = arith.addi %parallel_loop3A_189, %parallel_loop3A_190 : i32
      %parallel_loop3A_192 = arith.index_cast %parallel_loop3A_191 : i32 to index
      %parallel_loop3A_193 = arith.constant 96 : index
      %parallel_loop3A_194 = tpu.vector_load %arg5[%parallel_loop3A_192, %parallel_loop3A_193] {strides = array<i32>} : memref<256x128xi32, #tpu.memory_space<vmem>>, vector<1x16xi32>,
      %parallel_loop3A_195 = vector.shape_cast %parallel_loop3A_194 : vector<1x16xi32> to vector<16xi32>
      %parallel_loop3A_196 = vector.shape_cast %parallel_loop3A_133 : vector<16xi32> to vector<1x16xi32>
      tpu.vector_store %arg5[%parallel_loop3A_192, %parallel_loop3A_193], %parallel_loop3A_196 {strides = array<i32>} : memref<256x128xi32, #tpu.memory_space<vmem>>, vector<1x16xi32>,
      %parallel_loop3A_197 = arith.constant 16 : i32
      %parallel_loop3A_198 = arith.muli %parallel_loop3A_46, %parallel_loop3A_197 : i32
      %parallel_loop3A_199 = arith.constant 1 : i32
      %parallel_loop3A_200 = arith.addi %parallel_loop3A_198, %parallel_loop3A_199 : i32
      %parallel_loop3A_201 = arith.index_cast %parallel_loop3A_200 : i32 to index
      %parallel_loop3A_202 = arith.constant 112 : index
      %parallel_loop3A_203 = tpu.vector_load %arg5[%parallel_loop3A_201, %parallel_loop3A_202] {strides = array<i32>} : memref<256x128xi32, #tpu.memory_space<vmem>>, vector<1x16xi32>,
      %parallel_loop3A_204 = vector.shape_cast %parallel_loop3A_203 : vector<1x16xi32> to vector<16xi32>
      %parallel_loop3A_205 = vector.shape_cast %parallel_loop3A_133 : vector<16xi32> to vector<1x16xi32>
      tpu.vector_store %arg5[%parallel_loop3A_201, %parallel_loop3A_202], %parallel_loop3A_205 {strides = array<i32>} : memref<256x128xi32, #tpu.memory_space<vmem>>, vector<1x16xi32>,
      %parallel_loop3A_206 = vector.extract_strided_slice %parallel_loop3A_55 {offsets = [2], sizes = [1], strides = [1]} : vector<16xi32> to vector<1xi32>
      %parallel_loop3A_207 = vector.extract %parallel_loop3A_206[0] : i32 from vector<1xi32>
      %parallel_loop3A_208 = vector.broadcast %parallel_loop3A_207 : i32 to vector<16xi32>
      %parallel_loop3A_209 = arith.constant 16 : i32
      %parallel_loop3A_210 = arith.muli %parallel_loop3A_46, %parallel_loop3A_209 : i32
      %parallel_loop3A_211 = arith.constant 2 : i32
      %parallel_loop3A_212 = arith.addi %parallel_loop3A_210, %parallel_loop3A_211 : i32
      %parallel_loop3A_213 = arith.index_cast %parallel_loop3A_212 : i32 to index
      %parallel_loop3A_214 = arith.constant 0 : index
      %parallel_loop3A_215 = tpu.vector_load %arg5[%parallel_loop3A_213, %parallel_loop3A_214] {strides = array<i32>} : memref<256x128xi32, #tpu.memory_space<vmem>>, vector<1x16xi32>,
      %parallel_loop3A_216 = vector.shape_cast %parallel_loop3A_215 : vector<1x16xi32> to vector<16xi32>
      %parallel_loop3A_217 = vector.shape_cast %parallel_loop3A_208 : vector<16xi32> to vector<1x16xi32>
      tpu.vector_store %arg5[%parallel_loop3A_213, %parallel_loop3A_214], %parallel_loop3A_217 {strides = array<i32>} : memref<256x128xi32, #tpu.memory_space<vmem>>, vector<1x16xi32>,
      %parallel_loop3A_218 = arith.constant 16 : i32
      %parallel_loop3A_219 = arith.muli %parallel_loop3A_46, %parallel_loop3A_218 : i32
      %parallel_loop3A_220 = arith.constant 2 : i32
      %parallel_loop3A_221 = arith.addi %parallel_loop3A_219, %parallel_loop3A_220 : i32
      %parallel_loop3A_222 = arith.index_cast %parallel_loop3A_221 : i32 to index
      %parallel_loop3A_223 = arith.constant 16 : index
      %parallel_loop3A_224 = tpu.vector_load %arg5[%parallel_loop3A_222, %parallel_loop3A_223] {strides = array<i32>} : memref<256x128xi32, #tpu.memory_space<vmem>>, vector<1x16xi32>,
      %parallel_loop3A_225 = vector.shape_cast %parallel_loop3A_224 : vector<1x16xi32> to vector<16xi32>
      %parallel_loop3A_226 = vector.shape_cast %parallel_loop3A_208 : vector<16xi32> to vector<1x16xi32>
      tpu.vector_store %arg5[%parallel_loop3A_222, %parallel_loop3A_223], %parallel_loop3A_226 {strides = array<i32>} : memref<256x128xi32, #tpu.memory_space<vmem>>, vector<1x16xi32>,
      %parallel_loop3A_227 = arith.constant 16 : i32
      %parallel_loop3A_228 = arith.muli %parallel_loop3A_46, %parallel_loop3A_227 : i32
      %parallel_loop3A_229 = arith.constant 2 : i32
      %parallel_loop3A_230 = arith.addi %parallel_loop3A_228, %parallel_loop3A_229 : i32
      %parallel_loop3A_231 = arith.index_cast %parallel_loop3A_230 : i32 to index
      %parallel_loop3A_232 = arith.constant 32 : index
      %parallel_loop3A_233 = tpu.vector_load %arg5[%parallel_loop3A_231, %parallel_loop3A_232] {strides = array<i32>} : memref<256x128xi32, #tpu.memory_space<vmem>>, vector<1x16xi32>,
      %parallel_loop3A_234 = vector.shape_cast %parallel_loop3A_233 : vector<1x16xi32> to vector<16xi32>
      %parallel_loop3A_235 = vector.shape_cast %parallel_loop3A_208 : vector<16xi32> to vector<1x16xi32>
      tpu.vector_store %arg5[%parallel_loop3A_231, %parallel_loop3A_232], %parallel_loop3A_235 {strides = array<i32>} : memref<256x128xi32, #tpu.memory_space<vmem>>, vector<1x16xi32>,
      %parallel_loop3A_236 = arith.constant 16 : i32
      %parallel_loop3A_237 = arith.muli %parallel_loop3A_46, %parallel_loop3A_236 : i32
      %parallel_loop3A_238 = arith.constant 2 : i32
      %parallel_loop3A_239 = arith.addi %parallel_loop3A_237, %parallel_loop3A_238 : i32
      %parallel_loop3A_240 = arith.index_cast %parallel_loop3A_239 : i32 to index
      %parallel_loop3A_241 = arith.constant 48 : index
      %parallel_loop3A_242 = tpu.vector_load %arg5[%parallel_loop3A_240, %parallel_loop3A_241] {strides = array<i32>} : memref<256x128xi32, #tpu.memory_space<vmem>>, vector<1x16xi32>,
      %parallel_loop3A_243 = vector.shape_cast %parallel_loop3A_242 : vector<1x16xi32> to vector<16xi32>
      %parallel_loop3A_244 = vector.shape_cast %parallel_loop3A_208 : vector<16xi32> to vector<1x16xi32>
      tpu.vector_store %arg5[%parallel_loop3A_240, %parallel_loop3A_241], %parallel_loop3A_244 {strides = array<i32>} : memref<256x128xi32, #tpu.memory_space<vmem>>, vector<1x16xi32>,
      %parallel_loop3A_245 = arith.constant 16 : i32
      %parallel_loop3A_246 = arith.muli %parallel_loop3A_46, %parallel_loop3A_245 : i32
      %parallel_loop3A_247 = arith.constant 2 : i32
      %parallel_loop3A_248 = arith.addi %parallel_loop3A_246, %parallel_loop3A_247 : i32
      %parallel_loop3A_249 = arith.index_cast %parallel_loop3A_248 : i32 to index
      %parallel_loop3A_250 = arith.constant 64 : index
      %parallel_loop3A_251 = tpu.vector_load %arg5[%parallel_loop3A_249, %parallel_loop3A_250] {strides = array<i32>} : memref<256x128xi32, #tpu.memory_space<vmem>>, vector<1x16xi32>,
      %parallel_loop3A_252 = vector.shape_cast %parallel_loop3A_251 : vector<1x16xi32> to vector<16xi32>
      %parallel_loop3A_253 = vector.shape_cast %parallel_loop3A_208 : vector<16xi32> to vector<1x16xi32>
      tpu.vector_store %arg5[%parallel_loop3A_249, %parallel_loop3A_250], %parallel_loop3A_253 {strides = array<i32>} : memref<256x128xi32, #tpu.memory_space<vmem>>, vector<1x16xi32>,
      %parallel_loop3A_254 = arith.constant 16 : i32
      %parallel_loop3A_255 = arith.muli %parallel_loop3A_46, %parallel_loop3A_254 : i32
      %parallel_loop3A_256 = arith.constant 2 : i32
      %parallel_loop3A_257 = arith.addi %parallel_loop3A_255, %parallel_loop3A_256 : i32
      %parallel_loop3A_258 = arith.index_cast %parallel_loop3A_257 : i32 to index
      %parallel_loop3A_259 = arith.constant 80 : index
      %parallel_loop3A_260 = tpu.vector_load %arg5[%parallel_loop3A_258, %parallel_loop3A_259] {strides = array<i32>} : memref<256x128xi32, #tpu.memory_space<vmem>>, vector<1x16xi32>,
      %parallel_loop3A_261 = vector.shape_cast %parallel_loop3A_260 : vector<1x16xi32> to vector<16xi32>
      %parallel_loop3A_262 = vector.shape_cast %parallel_loop3A_208 : vector<16xi32> to vector<1x16xi32>
      tpu.vector_store %arg5[%parallel_loop3A_258, %parallel_loop3A_259], %parallel_loop3A_262 {strides = array<i32>} : memref<256x128xi32, #tpu.memory_space<vmem>>, vector<1x16xi32>,
      %parallel_loop3A_263 = arith.constant 16 : i32
      %parallel_loop3A_264 = arith.muli %parallel_loop3A_46, %parallel_loop3A_263 : i32
      %parallel_loop3A_265 = arith.constant 2 : i32
      %parallel_loop3A_266 = arith.addi %parallel_loop3A_264, %parallel_loop3A_265 : i32
      %parallel_loop3A_267 = arith.index_cast %parallel_loop3A_266 : i32 to index
      %parallel_loop3A_268 = arith.constant 96 : index
      %parallel_loop3A_269 = tpu.vector_load %arg5[%parallel_loop3A_267, %parallel_loop3A_268] {strides = array<i32>} : memref<256x128xi32, #tpu.memory_space<vmem>>, vector<1x16xi32>,
      %parallel_loop3A_270 = vector.shape_cast %parallel_loop3A_269 : vector<1x16xi32> to vector<16xi32>
      %parallel_loop3A_271 = vector.shape_cast %parallel_loop3A_208 : vector<16xi32> to vector<1x16xi32>
      tpu.vector_store %arg5[%parallel_loop3A_267, %parallel_loop3A_268], %parallel_loop3A_271 {strides = array<i32>} : memref<256x128xi32, #tpu.memory_space<vmem>>, vector<1x16xi32>,
      %parallel_loop3A_272 = arith.constant 16 : i32
      %parallel_loop3A_273 = arith.muli %parallel_loop3A_46, %parallel_loop3A_272 : i32
      %parallel_loop3A_274 = arith.constant 2 : i32
      %parallel_loop3A_275 = arith.addi %parallel_loop3A_273, %parallel_loop3A_274 : i32
      %parallel_loop3A_276 = arith.index_cast %parallel_loop3A_275 : i32 to index
      %parallel_loop3A_277 = arith.constant 112 : index
      %parallel_loop3A_278 = tpu.vector_load %arg5[%parallel_loop3A_276, %parallel_loop3A_277] {strides = array<i32>} : memref<256x128xi32, #tpu.memory_space<vmem>>, vector<1x16xi32>,
      %parallel_loop3A_279 = vector.shape_cast %parallel_loop3A_278 : vector<1x16xi32> to vector<16xi32>
      %parallel_loop3A_280 = vector.shape_cast %parallel_loop3A_208 : vector<16xi32> to vector<1x16xi32>
      tpu.vector_store %arg5[%parallel_loop3A_276, %parallel_loop3A_277], %parallel_loop3A_280 {strides = array<i32>} : memref<256x128xi32, #tpu.memory_space<vmem>>, vector<1x16xi32>,
      %parallel_loop3A_281 = vector.extract_strided_slice %parallel_loop3A_55 {offsets = [3], sizes = [1], strides = [1]} : vector<16xi32> to vector<1xi32>
      %parallel_loop3A_282 = vector.extract %parallel_loop3A_281[0] : i32 from vector<1xi32>
      %parallel_loop3A_283 = vector.broadcast %parallel_loop3A_282 : i32 to vector<16xi32>
      %parallel_loop3A_284 = arith.constant 16 : i32
      %parallel_loop3A_285 = arith.muli %parallel_loop3A_46, %parallel_loop3A_284 : i32
      %parallel_loop3A_286 = arith.constant 3 : i32
      %parallel_loop3A_287 = arith.addi %parallel_loop3A_285, %parallel_loop3A_286 : i32
      %parallel_loop3A_288 = arith.index_cast %parallel_loop3A_287 : i32 to index
      %parallel_loop3A_289 = arith.constant 0 : index
      %parallel_loop3A_290 = tpu.vector_load %arg5[%parallel_loop3A_288, %parallel_loop3A_289] {strides = array<i32>} : memref<256x128xi32, #tpu.memory_space<vmem>>, vector<1x16xi32>,
      %parallel_loop3A_291 = vector.shape_cast %parallel_loop3A_290 : vector<1x16xi32> to vector<16xi32>
      %parallel_loop3A_292 = vector.shape_cast %parallel_loop3A_283 : vector<16xi32> to vector<1x16xi32>
      tpu.vector_store %arg5[%parallel_loop3A_288, %parallel_loop3A_289], %parallel_loop3A_292 {strides = array<i32>} : memref<256x128xi32, #tpu.memory_space<vmem>>, vector<1x16xi32>,
      %parallel_loop3A_293 = arith.constant 16 : i32
      %parallel_loop3A_294 = arith.muli %parallel_loop3A_46, %parallel_loop3A_293 : i32
      %parallel_loop3A_295 = arith.constant 3 : i32
      %parallel_loop3A_296 = arith.addi %parallel_loop3A_294, %parallel_loop3A_295 : i32
      %parallel_loop3A_297 = arith.index_cast %parallel_loop3A_296 : i32 to index
      %parallel_loop3A_298 = arith.constant 16 : index
      %parallel_loop3A_299 = tpu.vector_load %arg5[%parallel_loop3A_297, %parallel_loop3A_298] {strides = array<i32>} : memref<256x128xi32, #tpu.memory_space<vmem>>, vector<1x16xi32>,
      %parallel_loop3A_300 = vector.shape_cast %parallel_loop3A_299 : vector<1x16xi32> to vector<16xi32>
      %parallel_loop3A_301 = vector.shape_cast %parallel_loop3A_283 : vector<16xi32> to vector<1x16xi32>
      tpu.vector_store %arg5[%parallel_loop3A_297, %parallel_loop3A_298], %parallel_loop3A_301 {strides = array<i32>} : memref<256x128xi32, #tpu.memory_space<vmem>>, vector<1x16xi32>,
      %parallel_loop3A_302 = arith.constant 16 : i32
      %parallel_loop3A_303 = arith.muli %parallel_loop3A_46, %parallel_loop3A_302 : i32
      %parallel_loop3A_304 = arith.constant 3 : i32
      %parallel_loop3A_305 = arith.addi %parallel_loop3A_303, %parallel_loop3A_304 : i32
      %parallel_loop3A_306 = arith.index_cast %parallel_loop3A_305 : i32 to index
      %parallel_loop3A_307 = arith.constant 32 : index
      %parallel_loop3A_308 = tpu.vector_load %arg5[%parallel_loop3A_306, %parallel_loop3A_307] {strides = array<i32>} : memref<256x128xi32, #tpu.memory_space<vmem>>, vector<1x16xi32>,
      %parallel_loop3A_309 = vector.shape_cast %parallel_loop3A_308 : vector<1x16xi32> to vector<16xi32>
      %parallel_loop3A_310 = vector.shape_cast %parallel_loop3A_283 : vector<16xi32> to vector<1x16xi32>
      tpu.vector_store %arg5[%parallel_loop3A_306, %parallel_loop3A_307], %parallel_loop3A_310 {strides = array<i32>} : memref<256x128xi32, #tpu.memory_space<vmem>>, vector<1x16xi32>,
      %parallel_loop3A_311 = arith.constant 16 : i32
      %parallel_loop3A_312 = arith.muli %parallel_loop3A_46, %parallel_loop3A_311 : i32
      %parallel_loop3A_313 = arith.constant 3 : i32
      %parallel_loop3A_314 = arith.addi %parallel_loop3A_312, %parallel_loop3A_313 : i32
      %parallel_loop3A_315 = arith.index_cast %parallel_loop3A_314 : i32 to index
      %parallel_loop3A_316 = arith.constant 48 : index
      %parallel_loop3A_317 = tpu.vector_load %arg5[%parallel_loop3A_315, %parallel_loop3A_316] {strides = array<i32>} : memref<256x128xi32, #tpu.memory_space<vmem>>, vector<1x16xi32>,
      %parallel_loop3A_318 = vector.shape_cast %parallel_loop3A_317 : vector<1x16xi32> to vector<16xi32>
      %parallel_loop3A_319 = vector.shape_cast %parallel_loop3A_283 : vector<16xi32> to vector<1x16xi32>
      tpu.vector_store %arg5[%parallel_loop3A_315, %parallel_loop3A_316], %parallel_loop3A_319 {strides = array<i32>} : memref<256x128xi32, #tpu.memory_space<vmem>>, vector<1x16xi32>,
      %parallel_loop3A_320 = arith.constant 16 : i32
      %parallel_loop3A_321 = arith.muli %parallel_loop3A_46, %parallel_loop3A_320 : i32
      %parallel_loop3A_322 = arith.constant 3 : i32
      %parallel_loop3A_323 = arith.addi %parallel_loop3A_321, %parallel_loop3A_322 : i32
      %parallel_loop3A_324 = arith.index_cast %parallel_loop3A_323 : i32 to index
      %parallel_loop3A_325 = arith.constant 64 : index
      %parallel_loop3A_326 = tpu.vector_load %arg5[%parallel_loop3A_324, %parallel_loop3A_325] {strides = array<i32>} : memref<256x128xi32, #tpu.memory_space<vmem>>, vector<1x16xi32>,
      %parallel_loop3A_327 = vector.shape_cast %parallel_loop3A_326 : vector<1x16xi32> to vector<16xi32>
      %parallel_loop3A_328 = vector.shape_cast %parallel_loop3A_283 : vector<16xi32> to vector<1x16xi32>
      tpu.vector_store %arg5[%parallel_loop3A_324, %parallel_loop3A_325], %parallel_loop3A_328 {strides = array<i32>} : memref<256x128xi32, #tpu.memory_space<vmem>>, vector<1x16xi32>,
      %parallel_loop3A_329 = arith.constant 16 : i32
      %parallel_loop3A_330 = arith.muli %parallel_loop3A_46, %parallel_loop3A_329 : i32
      %parallel_loop3A_331 = arith.constant 3 : i32
      %parallel_loop3A_332 = arith.addi %parallel_loop3A_330, %parallel_loop3A_331 : i32
      %parallel_loop3A_333 = arith.index_cast %parallel_loop3A_332 : i32 to index
      %parallel_loop3A_334 = arith.constant 80 : index
      %parallel_loop3A_335 = tpu.vector_load %arg5[%parallel_loop3A_333, %parallel_loop3A_334] {strides = array<i32>} : memref<256x128xi32, #tpu.memory_space<vmem>>, vector<1x16xi32>,
      %parallel_loop3A_336 = vector.shape_cast %parallel_loop3A_335 : vector<1x16xi32> to vector<16xi32>
      %parallel_loop3A_337 = vector.shape_cast %parallel_loop3A_283 : vector<16xi32> to vector<1x16xi32>
      tpu.vector_store %arg5[%parallel_loop3A_333, %parallel_loop3A_334], %parallel_loop3A_337 {strides = array<i32>} : memref<256x128xi32, #tpu.memory_space<vmem>>, vector<1x16xi32>,
      %parallel_loop3A_338 = arith.constant 16 : i32
      %parallel_loop3A_339 = arith.muli %parallel_loop3A_46, %parallel_loop3A_338 : i32
      %parallel_loop3A_340 = arith.constant 3 : i32
      %parallel_loop3A_341 = arith.addi %parallel_loop3A_339, %parallel_loop3A_340 : i32
      %parallel_loop3A_342 = arith.index_cast %parallel_loop3A_341 : i32 to index
      %parallel_loop3A_343 = arith.constant 96 : index
      %parallel_loop3A_344 = tpu.vector_load %arg5[%parallel_loop3A_342, %parallel_loop3A_343] {strides = array<i32>} : memref<256x128xi32, #tpu.memory_space<vmem>>, vector<1x16xi32>,
      %parallel_loop3A_345 = vector.shape_cast %parallel_loop3A_344 : vector<1x16xi32> to vector<16xi32>
      %parallel_loop3A_346 = vector.shape_cast %parallel_loop3A_283 : vector<16xi32> to vector<1x16xi32>
      tpu.vector_store %arg5[%parallel_loop3A_342, %parallel_loop3A_343], %parallel_loop3A_346 {strides = array<i32>} : memref<256x128xi32, #tpu.memory_space<vmem>>, vector<1x16xi32>,
      %parallel_loop3A_347 = arith.constant 16 : i32
      %parallel_loop3A_348 = arith.muli %parallel_loop3A_46, %parallel_loop3A_347 : i32
      %parallel_loop3A_349 = arith.constant 3 : i32
      %parallel_loop3A_350 = arith.addi %parallel_loop3A_348, %parallel_loop3A_349 : i32
      %parallel_loop3A_351 = arith.index_cast %parallel_loop3A_350 : i32 to index
      %parallel_loop3A_352 = arith.constant 112 : index
      %parallel_loop3A_353 = tpu.vector_load %arg5[%parallel_loop3A_351, %parallel_loop3A_352] {strides = array<i32>} : memref<256x128xi32, #tpu.memory_space<vmem>>, vector<1x16xi32>,
      %parallel_loop3A_354 = vector.shape_cast %parallel_loop3A_353 : vector<1x16xi32> to vector<16xi32>
      %parallel_loop3A_355 = vector.shape_cast %parallel_loop3A_283 : vector<16xi32> to vector<1x16xi32>
      tpu.vector_store %arg5[%parallel_loop3A_351, %parallel_loop3A_352], %parallel_loop3A_355 {strides = array<i32>} : memref<256x128xi32, #tpu.memory_space<vmem>>, vector<1x16xi32>,
      %parallel_loop3A_356 = vector.extract_strided_slice %parallel_loop3A_55 {offsets = [4], sizes = [1], strides = [1]} : vector<16xi32> to vector<1xi32>
      %parallel_loop3A_357 = vector.extract %parallel_loop3A_356[0] : i32 from vector<1xi32>
      %parallel_loop3A_358 = vector.broadcast %parallel_loop3A_357 : i32 to vector<16xi32>
      %parallel_loop3A_359 = arith.constant 16 : i32
      %parallel_loop3A_360 = arith.muli %parallel_loop3A_46, %parallel_loop3A_359 : i32
      %parallel_loop3A_361 = arith.constant 4 : i32
      %parallel_loop3A_362 = arith.addi %parallel_loop3A_360, %parallel_loop3A_361 : i32
      %parallel_loop3A_363 = arith.index_cast %parallel_loop3A_362 : i32 to index
      %parallel_loop3A_364 = arith.constant 0 : index
      %parallel_loop3A_365 = tpu.vector_load %arg5[%parallel_loop3A_363, %parallel_loop3A_364] {strides = array<i32>} : memref<256x128xi32, #tpu.memory_space<vmem>>, vector<1x16xi32>,
      %parallel_loop3A_366 = vector.shape_cast %parallel_loop3A_365 : vector<1x16xi32> to vector<16xi32>
      %parallel_loop3A_367 = vector.shape_cast %parallel_loop3A_358 : vector<16xi32> to vector<1x16xi32>
      tpu.vector_store %arg5[%parallel_loop3A_363, %parallel_loop3A_364], %parallel_loop3A_367 {strides = array<i32>} : memref<256x128xi32, #tpu.memory_space<vmem>>, vector<1x16xi32>,
      %parallel_loop3A_368 = arith.constant 16 : i32
      %parallel_loop3A_369 = arith.muli %parallel_loop3A_46, %parallel_loop3A_368 : i32
      %parallel_loop3A_370 = arith.constant 4 : i32
      %parallel_loop3A_371 = arith.addi %parallel_loop3A_369, %parallel_loop3A_370 : i32
      %parallel_loop3A_372 = arith.index_cast %parallel_loop3A_371 : i32 to index
      %parallel_loop3A_373 = arith.constant 16 : index
      %parallel_loop3A_374 = tpu.vector_load %arg5[%parallel_loop3A_372, %parallel_loop3A_373] {strides = array<i32>} : memref<256x128xi32, #tpu.memory_space<vmem>>, vector<1x16xi32>,
      %parallel_loop3A_375 = vector.shape_cast %parallel_loop3A_374 : vector<1x16xi32> to vector<16xi32>
      %parallel_loop3A_376 = vector.shape_cast %parallel_loop3A_358 : vector<16xi32> to vector<1x16xi32>
      tpu.vector_store %arg5[%parallel_loop3A_372, %parallel_loop3A_373], %parallel_loop3A_376 {strides = array<i32>} : memref<256x128xi32, #tpu.memory_space<vmem>>, vector<1x16xi32>,
      %parallel_loop3A_377 = arith.constant 16 : i32
      %parallel_loop3A_378 = arith.muli %parallel_loop3A_46, %parallel_loop3A_377 : i32
      %parallel_loop3A_379 = arith.constant 4 : i32
      %parallel_loop3A_380 = arith.addi %parallel_loop3A_378, %parallel_loop3A_379 : i32
      %parallel_loop3A_381 = arith.index_cast %parallel_loop3A_380 : i32 to index
      %parallel_loop3A_382 = arith.constant 32 : index
      %parallel_loop3A_383 = tpu.vector_load %arg5[%parallel_loop3A_381, %parallel_loop3A_382] {strides = array<i32>} : memref<256x128xi32, #tpu.memory_space<vmem>>, vector<1x16xi32>,
      %parallel_loop3A_384 = vector.shape_cast %parallel_loop3A_383 : vector<1x16xi32> to vector<16xi32>
      %parallel_loop3A_385 = vector.shape_cast %parallel_loop3A_358 : vector<16xi32> to vector<1x16xi32>
      tpu.vector_store %arg5[%parallel_loop3A_381, %parallel_loop3A_382], %parallel_loop3A_385 {strides = array<i32>} : memref<256x128xi32, #tpu.memory_space<vmem>>, vector<1x16xi32>,
      %parallel_loop3A_386 = arith.constant 16 : i32
      %parallel_loop3A_387 = arith.muli %parallel_loop3A_46, %parallel_loop3A_386 : i32
      %parallel_loop3A_388 = arith.constant 4 : i32
      %parallel_loop3A_389 = arith.addi %parallel_loop3A_387, %parallel_loop3A_388 : i32
      %parallel_loop3A_390 = arith.index_cast %parallel_loop3A_389 : i32 to index
      %parallel_loop3A_391 = arith.constant 48 : index
      %parallel_loop3A_392 = tpu.vector_load %arg5[%parallel_loop3A_390, %parallel_loop3A_391] {strides = array<i32>} : memref<256x128xi32, #tpu.memory_space<vmem>>, vector<1x16xi32>,
      %parallel_loop3A_393 = vector.shape_cast %parallel_loop3A_392 : vector<1x16xi32> to vector<16xi32>
      %parallel_loop3A_394 = vector.shape_cast %parallel_loop3A_358 : vector<16xi32> to vector<1x16xi32>
      tpu.vector_store %arg5[%parallel_loop3A_390, %parallel_loop3A_391], %parallel_loop3A_394 {strides = array<i32>} : memref<256x128xi32, #tpu.memory_space<vmem>>, vector<1x16xi32>,
      %parallel_loop3A_395 = arith.constant 16 : i32
      %parallel_loop3A_396 = arith.muli %parallel_loop3A_46, %parallel_loop3A_395 : i32
      %parallel_loop3A_397 = arith.constant 4 : i32
      %parallel_loop3A_398 = arith.addi %parallel_loop3A_396, %parallel_loop3A_397 : i32
      %parallel_loop3A_399 = arith.index_cast %parallel_loop3A_398 : i32 to index
      %parallel_loop3A_400 = arith.constant 64 : index
      %parallel_loop3A_401 = tpu.vector_load %arg5[%parallel_loop3A_399, %parallel_loop3A_400] {strides = array<i32>} : memref<256x128xi32, #tpu.memory_space<vmem>>, vector<1x16xi32>,
      %parallel_loop3A_402 = vector.shape_cast %parallel_loop3A_401 : vector<1x16xi32> to vector<16xi32>
      %parallel_loop3A_403 = vector.shape_cast %parallel_loop3A_358 : vector<16xi32> to vector<1x16xi32>
      tpu.vector_store %arg5[%parallel_loop3A_399, %parallel_loop3A_400], %parallel_loop3A_403 {strides = array<i32>} : memref<256x128xi32, #tpu.memory_space<vmem>>, vector<1x16xi32>,
      %parallel_loop3A_404 = arith.constant 16 : i32
      %parallel_loop3A_405 = arith.muli %parallel_loop3A_46, %parallel_loop3A_404 : i32
      %parallel_loop3A_406 = arith.constant 4 : i32
      %parallel_loop3A_407 = arith.addi %parallel_loop3A_405, %parallel_loop3A_406 : i32
      %parallel_loop3A_408 = arith.index_cast %parallel_loop3A_407 : i32 to index
      %parallel_loop3A_409 = arith.constant 80 : index
      %parallel_loop3A_410 = tpu.vector_load %arg5[%parallel_loop3A_408, %parallel_loop3A_409] {strides = array<i32>} : memref<256x128xi32, #tpu.memory_space<vmem>>, vector<1x16xi32>,
      %parallel_loop3A_411 = vector.shape_cast %parallel_loop3A_410 : vector<1x16xi32> to vector<16xi32>
      %parallel_loop3A_412 = vector.shape_cast %parallel_loop3A_358 : vector<16xi32> to vector<1x16xi32>
      tpu.vector_store %arg5[%parallel_loop3A_408, %parallel_loop3A_409], %parallel_loop3A_412 {strides = array<i32>} : memref<256x128xi32, #tpu.memory_space<vmem>>, vector<1x16xi32>,
      %parallel_loop3A_413 = arith.constant 16 : i32
      %parallel_loop3A_414 = arith.muli %parallel_loop3A_46, %parallel_loop3A_413 : i32
      %parallel_loop3A_415 = arith.constant 4 : i32
      %parallel_loop3A_416 = arith.addi %parallel_loop3A_414, %parallel_loop3A_415 : i32
      %parallel_loop3A_417 = arith.index_cast %parallel_loop3A_416 : i32 to index
      %parallel_loop3A_418 = arith.constant 96 : index
      %parallel_loop3A_419 = tpu.vector_load %arg5[%parallel_loop3A_417, %parallel_loop3A_418] {strides = array<i32>} : memref<256x128xi32, #tpu.memory_space<vmem>>, vector<1x16xi32>,
      %parallel_loop3A_420 = vector.shape_cast %parallel_loop3A_419 : vector<1x16xi32> to vector<16xi32>
      %parallel_loop3A_421 = vector.shape_cast %parallel_loop3A_358 : vector<16xi32> to vector<1x16xi32>
      tpu.vector_store %arg5[%parallel_loop3A_417, %parallel_loop3A_418], %parallel_loop3A_421 {strides = array<i32>} : memref<256x128xi32, #tpu.memory_space<vmem>>, vector<1x16xi32>,
      %parallel_loop3A_422 = arith.constant 16 : i32
      %parallel_loop3A_423 = arith.muli %parallel_loop3A_46, %parallel_loop3A_422 : i32
      %parallel_loop3A_424 = arith.constant 4 : i32
      %parallel_loop3A_425 = arith.addi %parallel_loop3A_423, %parallel_loop3A_424 : i32
      %parallel_loop3A_426 = arith.index_cast %parallel_loop3A_425 : i32 to index
      %parallel_loop3A_427 = arith.constant 112 : index
      %parallel_loop3A_428 = tpu.vector_load %arg5[%parallel_loop3A_426, %parallel_loop3A_427] {strides = array<i32>} : memref<256x128xi32, #tpu.memory_space<vmem>>, vector<1x16xi32>,
      %parallel_loop3A_429 = vector.shape_cast %parallel_loop3A_428 : vector<1x16xi32> to vector<16xi32>
      %parallel_loop3A_430 = vector.shape_cast %parallel_loop3A_358 : vector<16xi32> to vector<1x16xi32>
      tpu.vector_store %arg5[%parallel_loop3A_426, %parallel_loop3A_427], %parallel_loop3A_430 {strides = array<i32>} : memref<256x128xi32, #tpu.memory_space<vmem>>, vector<1x16xi32>,
      %parallel_loop3A_431 = vector.extract_strided_slice %parallel_loop3A_55 {offsets = [5], sizes = [1], strides = [1]} : vector<16xi32> to vector<1xi32>
      %parallel_loop3A_432 = vector.extract %parallel_loop3A_431[0] : i32 from vector<1xi32>
      %parallel_loop3A_433 = vector.broadcast %parallel_loop3A_432 : i32 to vector<16xi32>
      %parallel_loop3A_434 = arith.constant 16 : i32
      %parallel_loop3A_435 = arith.muli %parallel_loop3A_46, %parallel_loop3A_434 : i32
      %parallel_loop3A_436 = arith.constant 5 : i32
      %parallel_loop3A_437 = arith.addi %parallel_loop3A_435, %parallel_loop3A_436 : i32
      %parallel_loop3A_438 = arith.index_cast %parallel_loop3A_437 : i32 to index
      %parallel_loop3A_439 = arith.constant 0 : index
      %parallel_loop3A_440 = tpu.vector_load %arg5[%parallel_loop3A_438, %parallel_loop3A_439] {strides = array<i32>} : memref<256x128xi32, #tpu.memory_space<vmem>>, vector<1x16xi32>,
      %parallel_loop3A_441 = vector.shape_cast %parallel_loop3A_440 : vector<1x16xi32> to vector<16xi32>
      %parallel_loop3A_442 = vector.shape_cast %parallel_loop3A_433 : vector<16xi32> to vector<1x16xi32>
      tpu.vector_store %arg5[%parallel_loop3A_438, %parallel_loop3A_439], %parallel_loop3A_442 {strides = array<i32>} : memref<256x128xi32, #tpu.memory_space<vmem>>, vector<1x16xi32>,
      %parallel_loop3A_443 = arith.constant 16 : i32
      %parallel_loop3A_444 = arith.muli %parallel_loop3A_46, %parallel_loop3A_443 : i32
      %parallel_loop3A_445 = arith.constant 5 : i32
      %parallel_loop3A_446 = arith.addi %parallel_loop3A_444, %parallel_loop3A_445 : i32
      %parallel_loop3A_447 = arith.index_cast %parallel_loop3A_446 : i32 to index
      %parallel_loop3A_448 = arith.constant 16 : index
      %parallel_loop3A_449 = tpu.vector_load %arg5[%parallel_loop3A_447, %parallel_loop3A_448] {strides = array<i32>} : memref<256x128xi32, #tpu.memory_space<vmem>>, vector<1x16xi32>,
      %parallel_loop3A_450 = vector.shape_cast %parallel_loop3A_449 : vector<1x16xi32> to vector<16xi32>
      %parallel_loop3A_451 = vector.shape_cast %parallel_loop3A_433 : vector<16xi32> to vector<1x16xi32>
      tpu.vector_store %arg5[%parallel_loop3A_447, %parallel_loop3A_448], %parallel_loop3A_451 {strides = array<i32>} : memref<256x128xi32, #tpu.memory_space<vmem>>, vector<1x16xi32>,
      %parallel_loop3A_452 = arith.constant 16 : i32
      %parallel_loop3A_453 = arith.muli %parallel_loop3A_46, %parallel_loop3A_452 : i32
      %parallel_loop3A_454 = arith.constant 5 : i32
      %parallel_loop3A_455 = arith.addi %parallel_loop3A_453, %parallel_loop3A_454 : i32
      %parallel_loop3A_456 = arith.index_cast %parallel_loop3A_455 : i32 to index
      %parallel_loop3A_457 = arith.constant 32 : index
      %parallel_loop3A_458 = tpu.vector_load %arg5[%parallel_loop3A_456, %parallel_loop3A_457] {strides = array<i32>} : memref<256x128xi32, #tpu.memory_space<vmem>>, vector<1x16xi32>,
      %parallel_loop3A_459 = vector.shape_cast %parallel_loop3A_458 : vector<1x16xi32> to vector<16xi32>
      %parallel_loop3A_460 = vector.shape_cast %parallel_loop3A_433 : vector<16xi32> to vector<1x16xi32>
      tpu.vector_store %arg5[%parallel_loop3A_456, %parallel_loop3A_457], %parallel_loop3A_460 {strides = array<i32>} : memref<256x128xi32, #tpu.memory_space<vmem>>, vector<1x16xi32>,
      %parallel_loop3A_461 = arith.constant 16 : i32
      %parallel_loop3A_462 = arith.muli %parallel_loop3A_46, %parallel_loop3A_461 : i32
      %parallel_loop3A_463 = arith.constant 5 : i32
      %parallel_loop3A_464 = arith.addi %parallel_loop3A_462, %parallel_loop3A_463 : i32
      %parallel_loop3A_465 = arith.index_cast %parallel_loop3A_464 : i32 to index
      %parallel_loop3A_466 = arith.constant 48 : index
      %parallel_loop3A_467 = tpu.vector_load %arg5[%parallel_loop3A_465, %parallel_loop3A_466] {strides = array<i32>} : memref<256x128xi32, #tpu.memory_space<vmem>>, vector<1x16xi32>,
      %parallel_loop3A_468 = vector.shape_cast %parallel_loop3A_467 : vector<1x16xi32> to vector<16xi32>
      %parallel_loop3A_469 = vector.shape_cast %parallel_loop3A_433 : vector<16xi32> to vector<1x16xi32>
      tpu.vector_store %arg5[%parallel_loop3A_465, %parallel_loop3A_466], %parallel_loop3A_469 {strides = array<i32>} : memref<256x128xi32, #tpu.memory_space<vmem>>, vector<1x16xi32>,
      %parallel_loop3A_470 = arith.constant 16 : i32
      %parallel_loop3A_471 = arith.muli %parallel_loop3A_46, %parallel_loop3A_470 : i32
      %parallel_loop3A_472 = arith.constant 5 : i32
      %parallel_loop3A_473 = arith.addi %parallel_loop3A_471, %parallel_loop3A_472 : i32
      %parallel_loop3A_474 = arith.index_cast %parallel_loop3A_473 : i32 to index
      %parallel_loop3A_475 = arith.constant 64 : index
      %parallel_loop3A_476 = tpu.vector_load %arg5[%parallel_loop3A_474, %parallel_loop3A_475] {strides = array<i32>} : memref<256x128xi32, #tpu.memory_space<vmem>>, vector<1x16xi32>,
      %parallel_loop3A_477 = vector.shape_cast %parallel_loop3A_476 : vector<1x16xi32> to vector<16xi32>
      %parallel_loop3A_478 = vector.shape_cast %parallel_loop3A_433 : vector<16xi32> to vector<1x16xi32>
      tpu.vector_store %arg5[%parallel_loop3A_474, %parallel_loop3A_475], %parallel_loop3A_478 {strides = array<i32>} : memref<256x128xi32, #tpu.memory_space<vmem>>, vector<1x16xi32>,
      %parallel_loop3A_479 = arith.constant 16 : i32
      %parallel_loop3A_480 = arith.muli %parallel_loop3A_46, %parallel_loop3A_479 : i32
      %parallel_loop3A_481 = arith.constant 5 : i32
      %parallel_loop3A_482 = arith.addi %parallel_loop3A_480, %parallel_loop3A_481 : i32
      %parallel_loop3A_483 = arith.index_cast %parallel_loop3A_482 : i32 to index
      %parallel_loop3A_484 = arith.constant 80 : index
      %parallel_loop3A_485 = tpu.vector_load %arg5[%parallel_loop3A_483, %parallel_loop3A_484] {strides = array<i32>} : memref<256x128xi32, #tpu.memory_space<vmem>>, vector<1x16xi32>,
      %parallel_loop3A_486 = vector.shape_cast %parallel_loop3A_485 : vector<1x16xi32> to vector<16xi32>
      %parallel_loop3A_487 = vector.shape_cast %parallel_loop3A_433 : vector<16xi32> to vector<1x16xi32>
      tpu.vector_store %arg5[%parallel_loop3A_483, %parallel_loop3A_484], %parallel_loop3A_487 {strides = array<i32>} : memref<256x128xi32, #tpu.memory_space<vmem>>, vector<1x16xi32>,
      %parallel_loop3A_488 = arith.constant 16 : i32
      %parallel_loop3A_489 = arith.muli %parallel_loop3A_46, %parallel_loop3A_488 : i32
      %parallel_loop3A_490 = arith.constant 5 : i32
      %parallel_loop3A_491 = arith.addi %parallel_loop3A_489, %parallel_loop3A_490 : i32
      %parallel_loop3A_492 = arith.index_cast %parallel_loop3A_491 : i32 to index
      %parallel_loop3A_493 = arith.constant 96 : index
      %parallel_loop3A_494 = tpu.vector_load %arg5[%parallel_loop3A_492, %parallel_loop3A_493] {strides = array<i32>} : memref<256x128xi32, #tpu.memory_space<vmem>>, vector<1x16xi32>,
      %parallel_loop3A_495 = vector.shape_cast %parallel_loop3A_494 : vector<1x16xi32> to vector<16xi32>
      %parallel_loop3A_496 = vector.shape_cast %parallel_loop3A_433 : vector<16xi32> to vector<1x16xi32>
      tpu.vector_store %arg5[%parallel_loop3A_492, %parallel_loop3A_493], %parallel_loop3A_496 {strides = array<i32>} : memref<256x128xi32, #tpu.memory_space<vmem>>, vector<1x16xi32>,
      %parallel_loop3A_497 = arith.constant 16 : i32
      %parallel_loop3A_498 = arith.muli %parallel_loop3A_46, %parallel_loop3A_497 : i32
      %parallel_loop3A_499 = arith.constant 5 : i32
      %parallel_loop3A_500 = arith.addi %parallel_loop3A_498, %parallel_loop3A_499 : i32
      %parallel_loop3A_501 = arith.index_cast %parallel_loop3A_500 : i32 to index
      %parallel_loop3A_502 = arith.constant 112 : index
      %parallel_loop3A_503 = tpu.vector_load %arg5[%parallel_loop3A_501, %parallel_loop3A_502] {strides = array<i32>} : memref<256x128xi32, #tpu.memory_space<vmem>>, vector<1x16xi32>,
      %parallel_loop3A_504 = vector.shape_cast %parallel_loop3A_503 : vector<1x16xi32> to vector<16xi32>
      %parallel_loop3A_505 = vector.shape_cast %parallel_loop3A_433 : vector<16xi32> to vector<1x16xi32>
      tpu.vector_store %arg5[%parallel_loop3A_501, %parallel_loop3A_502], %parallel_loop3A_505 {strides = array<i32>} : memref<256x128xi32, #tpu.memory_space<vmem>>, vector<1x16xi32>,
      %parallel_loop3A_506 = vector.extract_strided_slice %parallel_loop3A_55 {offsets = [6], sizes = [1], strides = [1]} : vector<16xi32> to vector<1xi32>
      %parallel_loop3A_507 = vector.extract %parallel_loop3A_506[0] : i32 from vector<1xi32>
      %parallel_loop3A_508 = vector.broadcast %parallel_loop3A_507 : i32 to vector<16xi32>
      %parallel_loop3A_509 = arith.constant 16 : i32
      %parallel_loop3A_510 = arith.muli %parallel_loop3A_46, %parallel_loop3A_509 : i32
      %parallel_loop3A_511 = arith.constant 6 : i32
      %parallel_loop3A_512 = arith.addi %parallel_loop3A_510, %parallel_loop3A_511 : i32
      %parallel_loop3A_513 = arith.index_cast %parallel_loop3A_512 : i32 to index
      %parallel_loop3A_514 = arith.constant 0 : index
      %parallel_loop3A_515 = tpu.vector_load %arg5[%parallel_loop3A_513, %parallel_loop3A_514] {strides = array<i32>} : memref<256x128xi32, #tpu.memory_space<vmem>>, vector<1x16xi32>,
      %parallel_loop3A_516 = vector.shape_cast %parallel_loop3A_515 : vector<1x16xi32> to vector<16xi32>
      %parallel_loop3A_517 = vector.shape_cast %parallel_loop3A_508 : vector<16xi32> to vector<1x16xi32>
      tpu.vector_store %arg5[%parallel_loop3A_513, %parallel_loop3A_514], %parallel_loop3A_517 {strides = array<i32>} : memref<256x128xi32, #tpu.memory_space<vmem>>, vector<1x16xi32>,
      %parallel_loop3A_518 = arith.constant 16 : i32
      %parallel_loop3A_519 = arith.muli %parallel_loop3A_46, %parallel_loop3A_518 : i32
      %parallel_loop3A_520 = arith.constant 6 : i32
      %parallel_loop3A_521 = arith.addi %parallel_loop3A_519, %parallel_loop3A_520 : i32
      %parallel_loop3A_522 = arith.index_cast %parallel_loop3A_521 : i32 to index
      %parallel_loop3A_523 = arith.constant 16 : index
      %parallel_loop3A_524 = tpu.vector_load %arg5[%parallel_loop3A_522, %parallel_loop3A_523] {strides = array<i32>} : memref<256x128xi32, #tpu.memory_space<vmem>>, vector<1x16xi32>,
      %parallel_loop3A_525 = vector.shape_cast %parallel_loop3A_524 : vector<1x16xi32> to vector<16xi32>
      %parallel_loop3A_526 = vector.shape_cast %parallel_loop3A_508 : vector<16xi32> to vector<1x16xi32>
      tpu.vector_store %arg5[%parallel_loop3A_522, %parallel_loop3A_523], %parallel_loop3A_526 {strides = array<i32>} : memref<256x128xi32, #tpu.memory_space<vmem>>, vector<1x16xi32>,
      %parallel_loop3A_527 = arith.constant 16 : i32
      %parallel_loop3A_528 = arith.muli %parallel_loop3A_46, %parallel_loop3A_527 : i32
      %parallel_loop3A_529 = arith.constant 6 : i32
      %parallel_loop3A_530 = arith.addi %parallel_loop3A_528, %parallel_loop3A_529 : i32
      %parallel_loop3A_531 = arith.index_cast %parallel_loop3A_530 : i32 to index
      %parallel_loop3A_532 = arith.constant 32 : index
      %parallel_loop3A_533 = tpu.vector_load %arg5[%parallel_loop3A_531, %parallel_loop3A_532] {strides = array<i32>} : memref<256x128xi32, #tpu.memory_space<vmem>>, vector<1x16xi32>,
      %parallel_loop3A_534 = vector.shape_cast %parallel_loop3A_533 : vector<1x16xi32> to vector<16xi32>
      %parallel_loop3A_535 = vector.shape_cast %parallel_loop3A_508 : vector<16xi32> to vector<1x16xi32>
      tpu.vector_store %arg5[%parallel_loop3A_531, %parallel_loop3A_532], %parallel_loop3A_535 {strides = array<i32>} : memref<256x128xi32, #tpu.memory_space<vmem>>, vector<1x16xi32>,
      %parallel_loop3A_536 = arith.constant 16 : i32
      %parallel_loop3A_537 = arith.muli %parallel_loop3A_46, %parallel_loop3A_536 : i32
      %parallel_loop3A_538 = arith.constant 6 : i32
      %parallel_loop3A_539 = arith.addi %parallel_loop3A_537, %parallel_loop3A_538 : i32
      %parallel_loop3A_540 = arith.index_cast %parallel_loop3A_539 : i32 to index
      %parallel_loop3A_541 = arith.constant 48 : index
      %parallel_loop3A_542 = tpu.vector_load %arg5[%parallel_loop3A_540, %parallel_loop3A_541] {strides = array<i32>} : memref<256x128xi32, #tpu.memory_space<vmem>>, vector<1x16xi32>,
      %parallel_loop3A_543 = vector.shape_cast %parallel_loop3A_542 : vector<1x16xi32> to vector<16xi32>
      %parallel_loop3A_544 = vector.shape_cast %parallel_loop3A_508 : vector<16xi32> to vector<1x16xi32>
      tpu.vector_store %arg5[%parallel_loop3A_540, %parallel_loop3A_541], %parallel_loop3A_544 {strides = array<i32>} : memref<256x128xi32, #tpu.memory_space<vmem>>, vector<1x16xi32>,
      %parallel_loop3A_545 = arith.constant 16 : i32
      %parallel_loop3A_546 = arith.muli %parallel_loop3A_46, %parallel_loop3A_545 : i32
      %parallel_loop3A_547 = arith.constant 6 : i32
      %parallel_loop3A_548 = arith.addi %parallel_loop3A_546, %parallel_loop3A_547 : i32
      %parallel_loop3A_549 = arith.index_cast %parallel_loop3A_548 : i32 to index
      %parallel_loop3A_550 = arith.constant 64 : index
      %parallel_loop3A_551 = tpu.vector_load %arg5[%parallel_loop3A_549, %parallel_loop3A_550] {strides = array<i32>} : memref<256x128xi32, #tpu.memory_space<vmem>>, vector<1x16xi32>,
      %parallel_loop3A_552 = vector.shape_cast %parallel_loop3A_551 : vector<1x16xi32> to vector<16xi32>
      %parallel_loop3A_553 = vector.shape_cast %parallel_loop3A_508 : vector<16xi32> to vector<1x16xi32>
      tpu.vector_store %arg5[%parallel_loop3A_549, %parallel_loop3A_550], %parallel_loop3A_553 {strides = array<i32>} : memref<256x128xi32, #tpu.memory_space<vmem>>, vector<1x16xi32>,
      %parallel_loop3A_554 = arith.constant 16 : i32
      %parallel_loop3A_555 = arith.muli %parallel_loop3A_46, %parallel_loop3A_554 : i32
      %parallel_loop3A_556 = arith.constant 6 : i32
      %parallel_loop3A_557 = arith.addi %parallel_loop3A_555, %parallel_loop3A_556 : i32
      %parallel_loop3A_558 = arith.index_cast %parallel_loop3A_557 : i32 to index
      %parallel_loop3A_559 = arith.constant 80 : index
      %parallel_loop3A_560 = tpu.vector_load %arg5[%parallel_loop3A_558, %parallel_loop3A_559] {strides = array<i32>} : memref<256x128xi32, #tpu.memory_space<vmem>>, vector<1x16xi32>,
      %parallel_loop3A_561 = vector.shape_cast %parallel_loop3A_560 : vector<1x16xi32> to vector<16xi32>
      %parallel_loop3A_562 = vector.shape_cast %parallel_loop3A_508 : vector<16xi32> to vector<1x16xi32>
      tpu.vector_store %arg5[%parallel_loop3A_558, %parallel_loop3A_559], %parallel_loop3A_562 {strides = array<i32>} : memref<256x128xi32, #tpu.memory_space<vmem>>, vector<1x16xi32>,
      %parallel_loop3A_563 = arith.constant 16 : i32
      %parallel_loop3A_564 = arith.muli %parallel_loop3A_46, %parallel_loop3A_563 : i32
      %parallel_loop3A_565 = arith.constant 6 : i32
      %parallel_loop3A_566 = arith.addi %parallel_loop3A_564, %parallel_loop3A_565 : i32
      %parallel_loop3A_567 = arith.index_cast %parallel_loop3A_566 : i32 to index
      %parallel_loop3A_568 = arith.constant 96 : index
      %parallel_loop3A_569 = tpu.vector_load %arg5[%parallel_loop3A_567, %parallel_loop3A_568] {strides = array<i32>} : memref<256x128xi32, #tpu.memory_space<vmem>>, vector<1x16xi32>,
      %parallel_loop3A_570 = vector.shape_cast %parallel_loop3A_569 : vector<1x16xi32> to vector<16xi32>
      %parallel_loop3A_571 = vector.shape_cast %parallel_loop3A_508 : vector<16xi32> to vector<1x16xi32>
      tpu.vector_store %arg5[%parallel_loop3A_567, %parallel_loop3A_568], %parallel_loop3A_571 {strides = array<i32>} : memref<256x128xi32, #tpu.memory_space<vmem>>, vector<1x16xi32>,
      %parallel_loop3A_572 = arith.constant 16 : i32
      %parallel_loop3A_573 = arith.muli %parallel_loop3A_46, %parallel_loop3A_572 : i32
      %parallel_loop3A_574 = arith.constant 6 : i32
      %parallel_loop3A_575 = arith.addi %parallel_loop3A_573, %parallel_loop3A_574 : i32
      %parallel_loop3A_576 = arith.index_cast %parallel_loop3A_575 : i32 to index
      %parallel_loop3A_577 = arith.constant 112 : index
      %parallel_loop3A_578 = tpu.vector_load %arg5[%parallel_loop3A_576, %parallel_loop3A_577] {strides = array<i32>} : memref<256x128xi32, #tpu.memory_space<vmem>>, vector<1x16xi32>,
      %parallel_loop3A_579 = vector.shape_cast %parallel_loop3A_578 : vector<1x16xi32> to vector<16xi32>
      %parallel_loop3A_580 = vector.shape_cast %parallel_loop3A_508 : vector<16xi32> to vector<1x16xi32>
      tpu.vector_store %arg5[%parallel_loop3A_576, %parallel_loop3A_577], %parallel_loop3A_580 {strides = array<i32>} : memref<256x128xi32, #tpu.memory_space<vmem>>, vector<1x16xi32>,
      %parallel_loop3A_581 = vector.extract_strided_slice %parallel_loop3A_55 {offsets = [7], sizes = [1], strides = [1]} : vector<16xi32> to vector<1xi32>
      %parallel_loop3A_582 = vector.extract %parallel_loop3A_581[0] : i32 from vector<1xi32>
      %parallel_loop3A_583 = vector.broadcast %parallel_loop3A_582 : i32 to vector<16xi32>
      %parallel_loop3A_584 = arith.constant 16 : i32
      %parallel_loop3A_585 = arith.muli %parallel_loop3A_46, %parallel_loop3A_584 : i32
      %parallel_loop3A_586 = arith.constant 7 : i32
      %parallel_loop3A_587 = arith.addi %parallel_loop3A_585, %parallel_loop3A_586 : i32
      %parallel_loop3A_588 = arith.index_cast %parallel_loop3A_587 : i32 to index
      %parallel_loop3A_589 = arith.constant 0 : index
      %parallel_loop3A_590 = tpu.vector_load %arg5[%parallel_loop3A_588, %parallel_loop3A_589] {strides = array<i32>} : memref<256x128xi32, #tpu.memory_space<vmem>>, vector<1x16xi32>,
      %parallel_loop3A_591 = vector.shape_cast %parallel_loop3A_590 : vector<1x16xi32> to vector<16xi32>
      %parallel_loop3A_592 = vector.shape_cast %parallel_loop3A_583 : vector<16xi32> to vector<1x16xi32>
      tpu.vector_store %arg5[%parallel_loop3A_588, %parallel_loop3A_589], %parallel_loop3A_592 {strides = array<i32>} : memref<256x128xi32, #tpu.memory_space<vmem>>, vector<1x16xi32>,
      %parallel_loop3A_593 = arith.constant 16 : i32
      %parallel_loop3A_594 = arith.muli %parallel_loop3A_46, %parallel_loop3A_593 : i32
      %parallel_loop3A_595 = arith.constant 7 : i32
      %parallel_loop3A_596 = arith.addi %parallel_loop3A_594, %parallel_loop3A_595 : i32
      %parallel_loop3A_597 = arith.index_cast %parallel_loop3A_596 : i32 to index
      %parallel_loop3A_598 = arith.constant 16 : index
      %parallel_loop3A_599 = tpu.vector_load %arg5[%parallel_loop3A_597, %parallel_loop3A_598] {strides = array<i32>} : memref<256x128xi32, #tpu.memory_space<vmem>>, vector<1x16xi32>,
      %parallel_loop3A_600 = vector.shape_cast %parallel_loop3A_599 : vector<1x16xi32> to vector<16xi32>
      %parallel_loop3A_601 = vector.shape_cast %parallel_loop3A_583 : vector<16xi32> to vector<1x16xi32>
      tpu.vector_store %arg5[%parallel_loop3A_597, %parallel_loop3A_598], %parallel_loop3A_601 {strides = array<i32>} : memref<256x128xi32, #tpu.memory_space<vmem>>, vector<1x16xi32>,
      %parallel_loop3A_602 = arith.constant 16 : i32
      %parallel_loop3A_603 = arith.muli %parallel_loop3A_46, %parallel_loop3A_602 : i32
      %parallel_loop3A_604 = arith.constant 7 : i32
      %parallel_loop3A_605 = arith.addi %parallel_loop3A_603, %parallel_loop3A_604 : i32
      %parallel_loop3A_606 = arith.index_cast %parallel_loop3A_605 : i32 to index
      %parallel_loop3A_607 = arith.constant 32 : index
      %parallel_loop3A_608 = tpu.vector_load %arg5[%parallel_loop3A_606, %parallel_loop3A_607] {strides = array<i32>} : memref<256x128xi32, #tpu.memory_space<vmem>>, vector<1x16xi32>,
      %parallel_loop3A_609 = vector.shape_cast %parallel_loop3A_608 : vector<1x16xi32> to vector<16xi32>
      %parallel_loop3A_610 = vector.shape_cast %parallel_loop3A_583 : vector<16xi32> to vector<1x16xi32>
      tpu.vector_store %arg5[%parallel_loop3A_606, %parallel_loop3A_607], %parallel_loop3A_610 {strides = array<i32>} : memref<256x128xi32, #tpu.memory_space<vmem>>, vector<1x16xi32>,
      %parallel_loop3A_611 = arith.constant 16 : i32
      %parallel_loop3A_612 = arith.muli %parallel_loop3A_46, %parallel_loop3A_611 : i32
      %parallel_loop3A_613 = arith.constant 7 : i32
      %parallel_loop3A_614 = arith.addi %parallel_loop3A_612, %parallel_loop3A_613 : i32
      %parallel_loop3A_615 = arith.index_cast %parallel_loop3A_614 : i32 to index
      %parallel_loop3A_616 = arith.constant 48 : index
      %parallel_loop3A_617 = tpu.vector_load %arg5[%parallel_loop3A_615, %parallel_loop3A_616] {strides = array<i32>} : memref<256x128xi32, #tpu.memory_space<vmem>>, vector<1x16xi32>,
      %parallel_loop3A_618 = vector.shape_cast %parallel_loop3A_617 : vector<1x16xi32> to vector<16xi32>
      %parallel_loop3A_619 = vector.shape_cast %parallel_loop3A_583 : vector<16xi32> to vector<1x16xi32>
      tpu.vector_store %arg5[%parallel_loop3A_615, %parallel_loop3A_616], %parallel_loop3A_619 {strides = array<i32>} : memref<256x128xi32, #tpu.memory_space<vmem>>, vector<1x16xi32>,
      %parallel_loop3A_620 = arith.constant 16 : i32
      %parallel_loop3A_621 = arith.muli %parallel_loop3A_46, %parallel_loop3A_620 : i32
      %parallel_loop3A_622 = arith.constant 7 : i32
      %parallel_loop3A_623 = arith.addi %parallel_loop3A_621, %parallel_loop3A_622 : i32
      %parallel_loop3A_624 = arith.index_cast %parallel_loop3A_623 : i32 to index
      %parallel_loop3A_625 = arith.constant 64 : index
      %parallel_loop3A_626 = tpu.vector_load %arg5[%parallel_loop3A_624, %parallel_loop3A_625] {strides = array<i32>} : memref<256x128xi32, #tpu.memory_space<vmem>>, vector<1x16xi32>,
      %parallel_loop3A_627 = vector.shape_cast %parallel_loop3A_626 : vector<1x16xi32> to vector<16xi32>
      %parallel_loop3A_628 = vector.shape_cast %parallel_loop3A_583 : vector<16xi32> to vector<1x16xi32>
      tpu.vector_store %arg5[%parallel_loop3A_624, %parallel_loop3A_625], %parallel_loop3A_628 {strides = array<i32>} : memref<256x128xi32, #tpu.memory_space<vmem>>, vector<1x16xi32>,
      %parallel_loop3A_629 = arith.constant 16 : i32
      %parallel_loop3A_630 = arith.muli %parallel_loop3A_46, %parallel_loop3A_629 : i32
      %parallel_loop3A_631 = arith.constant 7 : i32
      %parallel_loop3A_632 = arith.addi %parallel_loop3A_630, %parallel_loop3A_631 : i32
      %parallel_loop3A_633 = arith.index_cast %parallel_loop3A_632 : i32 to index
      %parallel_loop3A_634 = arith.constant 80 : index
      %parallel_loop3A_635 = tpu.vector_load %arg5[%parallel_loop3A_633, %parallel_loop3A_634] {strides = array<i32>} : memref<256x128xi32, #tpu.memory_space<vmem>>, vector<1x16xi32>,
      %parallel_loop3A_636 = vector.shape_cast %parallel_loop3A_635 : vector<1x16xi32> to vector<16xi32>
      %parallel_loop3A_637 = vector.shape_cast %parallel_loop3A_583 : vector<16xi32> to vector<1x16xi32>
      tpu.vector_store %arg5[%parallel_loop3A_633, %parallel_loop3A_634], %parallel_loop3A_637 {strides = array<i32>} : memref<256x128xi32, #tpu.memory_space<vmem>>, vector<1x16xi32>,
      %parallel_loop3A_638 = arith.constant 16 : i32
      %parallel_loop3A_639 = arith.muli %parallel_loop3A_46, %parallel_loop3A_638 : i32
      %parallel_loop3A_640 = arith.constant 7 : i32
      %parallel_loop3A_641 = arith.addi %parallel_loop3A_639, %parallel_loop3A_640 : i32
      %parallel_loop3A_642 = arith.index_cast %parallel_loop3A_641 : i32 to index
      %parallel_loop3A_643 = arith.constant 96 : index
      %parallel_loop3A_644 = tpu.vector_load %arg5[%parallel_loop3A_642, %parallel_loop3A_643] {strides = array<i32>} : memref<256x128xi32, #tpu.memory_space<vmem>>, vector<1x16xi32>,
      %parallel_loop3A_645 = vector.shape_cast %parallel_loop3A_644 : vector<1x16xi32> to vector<16xi32>
      %parallel_loop3A_646 = vector.shape_cast %parallel_loop3A_583 : vector<16xi32> to vector<1x16xi32>
      tpu.vector_store %arg5[%parallel_loop3A_642, %parallel_loop3A_643], %parallel_loop3A_646 {strides = array<i32>} : memref<256x128xi32, #tpu.memory_space<vmem>>, vector<1x16xi32>,
      %parallel_loop3A_647 = arith.constant 16 : i32
      %parallel_loop3A_648 = arith.muli %parallel_loop3A_46, %parallel_loop3A_647 : i32
      %parallel_loop3A_649 = arith.constant 7 : i32
      %parallel_loop3A_650 = arith.addi %parallel_loop3A_648, %parallel_loop3A_649 : i32
      %parallel_loop3A_651 = arith.index_cast %parallel_loop3A_650 : i32 to index
      %parallel_loop3A_652 = arith.constant 112 : index
      %parallel_loop3A_653 = tpu.vector_load %arg5[%parallel_loop3A_651, %parallel_loop3A_652] {strides = array<i32>} : memref<256x128xi32, #tpu.memory_space<vmem>>, vector<1x16xi32>,
      %parallel_loop3A_654 = vector.shape_cast %parallel_loop3A_653 : vector<1x16xi32> to vector<16xi32>
      %parallel_loop3A_655 = vector.shape_cast %parallel_loop3A_583 : vector<16xi32> to vector<1x16xi32>
      tpu.vector_store %arg5[%parallel_loop3A_651, %parallel_loop3A_652], %parallel_loop3A_655 {strides = array<i32>} : memref<256x128xi32, #tpu.memory_space<vmem>>, vector<1x16xi32>,
      %parallel_loop3A_656 = vector.extract_strided_slice %parallel_loop3A_55 {offsets = [8], sizes = [1], strides = [1]} : vector<16xi32> to vector<1xi32>
      %parallel_loop3A_657 = vector.extract %parallel_loop3A_656[0] : i32 from vector<1xi32>
      %parallel_loop3A_658 = vector.broadcast %parallel_loop3A_657 : i32 to vector<16xi32>
      %parallel_loop3A_659 = arith.constant 16 : i32
      %parallel_loop3A_660 = arith.muli %parallel_loop3A_46, %parallel_loop3A_659 : i32
      %parallel_loop3A_661 = arith.constant 8 : i32
      %parallel_loop3A_662 = arith.addi %parallel_loop3A_660, %parallel_loop3A_661 : i32
      %parallel_loop3A_663 = arith.index_cast %parallel_loop3A_662 : i32 to index
      %parallel_loop3A_664 = arith.constant 0 : index
      %parallel_loop3A_665 = tpu.vector_load %arg5[%parallel_loop3A_663, %parallel_loop3A_664] {strides = array<i32>} : memref<256x128xi32, #tpu.memory_space<vmem>>, vector<1x16xi32>,
      %parallel_loop3A_666 = vector.shape_cast %parallel_loop3A_665 : vector<1x16xi32> to vector<16xi32>
      %parallel_loop3A_667 = vector.shape_cast %parallel_loop3A_658 : vector<16xi32> to vector<1x16xi32>
      tpu.vector_store %arg5[%parallel_loop3A_663, %parallel_loop3A_664], %parallel_loop3A_667 {strides = array<i32>} : memref<256x128xi32, #tpu.memory_space<vmem>>, vector<1x16xi32>,
      %parallel_loop3A_668 = arith.constant 16 : i32
      %parallel_loop3A_669 = arith.muli %parallel_loop3A_46, %parallel_loop3A_668 : i32
      %parallel_loop3A_670 = arith.constant 8 : i32
      %parallel_loop3A_671 = arith.addi %parallel_loop3A_669, %parallel_loop3A_670 : i32
      %parallel_loop3A_672 = arith.index_cast %parallel_loop3A_671 : i32 to index
      %parallel_loop3A_673 = arith.constant 16 : index
      %parallel_loop3A_674 = tpu.vector_load %arg5[%parallel_loop3A_672, %parallel_loop3A_673] {strides = array<i32>} : memref<256x128xi32, #tpu.memory_space<vmem>>, vector<1x16xi32>,
      %parallel_loop3A_675 = vector.shape_cast %parallel_loop3A_674 : vector<1x16xi32> to vector<16xi32>
      %parallel_loop3A_676 = vector.shape_cast %parallel_loop3A_658 : vector<16xi32> to vector<1x16xi32>
      tpu.vector_store %arg5[%parallel_loop3A_672, %parallel_loop3A_673], %parallel_loop3A_676 {strides = array<i32>} : memref<256x128xi32, #tpu.memory_space<vmem>>, vector<1x16xi32>,
      %parallel_loop3A_677 = arith.constant 16 : i32
      %parallel_loop3A_678 = arith.muli %parallel_loop3A_46, %parallel_loop3A_677 : i32
      %parallel_loop3A_679 = arith.constant 8 : i32
      %parallel_loop3A_680 = arith.addi %parallel_loop3A_678, %parallel_loop3A_679 : i32
      %parallel_loop3A_681 = arith.index_cast %parallel_loop3A_680 : i32 to index
      %parallel_loop3A_682 = arith.constant 32 : index
      %parallel_loop3A_683 = tpu.vector_load %arg5[%parallel_loop3A_681, %parallel_loop3A_682] {strides = array<i32>} : memref<256x128xi32, #tpu.memory_space<vmem>>, vector<1x16xi32>,
      %parallel_loop3A_684 = vector.shape_cast %parallel_loop3A_683 : vector<1x16xi32> to vector<16xi32>
      %parallel_loop3A_685 = vector.shape_cast %parallel_loop3A_658 : vector<16xi32> to vector<1x16xi32>
      tpu.vector_store %arg5[%parallel_loop3A_681, %parallel_loop3A_682], %parallel_loop3A_685 {strides = array<i32>} : memref<256x128xi32, #tpu.memory_space<vmem>>, vector<1x16xi32>,
      %parallel_loop3A_686 = arith.constant 16 : i32
      %parallel_loop3A_687 = arith.muli %parallel_loop3A_46, %parallel_loop3A_686 : i32
      %parallel_loop3A_688 = arith.constant 8 : i32
      %parallel_loop3A_689 = arith.addi %parallel_loop3A_687, %parallel_loop3A_688 : i32
      %parallel_loop3A_690 = arith.index_cast %parallel_loop3A_689 : i32 to index
      %parallel_loop3A_691 = arith.constant 48 : index
      %parallel_loop3A_692 = tpu.vector_load %arg5[%parallel_loop3A_690, %parallel_loop3A_691] {strides = array<i32>} : memref<256x128xi32, #tpu.memory_space<vmem>>, vector<1x16xi32>,
      %parallel_loop3A_693 = vector.shape_cast %parallel_loop3A_692 : vector<1x16xi32> to vector<16xi32>
      %parallel_loop3A_694 = vector.shape_cast %parallel_loop3A_658 : vector<16xi32> to vector<1x16xi32>
      tpu.vector_store %arg5[%parallel_loop3A_690, %parallel_loop3A_691], %parallel_loop3A_694 {strides = array<i32>} : memref<256x128xi32, #tpu.memory_space<vmem>>, vector<1x16xi32>,
      %parallel_loop3A_695 = arith.constant 16 : i32
      %parallel_loop3A_696 = arith.muli %parallel_loop3A_46, %parallel_loop3A_695 : i32
      %parallel_loop3A_697 = arith.constant 8 : i32
      %parallel_loop3A_698 = arith.addi %parallel_loop3A_696, %parallel_loop3A_697 : i32
      %parallel_loop3A_699 = arith.index_cast %parallel_loop3A_698 : i32 to index
      %parallel_loop3A_700 = arith.constant 64 : index
      %parallel_loop3A_701 = tpu.vector_load %arg5[%parallel_loop3A_699, %parallel_loop3A_700] {strides = array<i32>} : memref<256x128xi32, #tpu.memory_space<vmem>>, vector<1x16xi32>,
      %parallel_loop3A_702 = vector.shape_cast %parallel_loop3A_701 : vector<1x16xi32> to vector<16xi32>
      %parallel_loop3A_703 = vector.shape_cast %parallel_loop3A_658 : vector<16xi32> to vector<1x16xi32>
      tpu.vector_store %arg5[%parallel_loop3A_699, %parallel_loop3A_700], %parallel_loop3A_703 {strides = array<i32>} : memref<256x128xi32, #tpu.memory_space<vmem>>, vector<1x16xi32>,
      %parallel_loop3A_704 = arith.constant 16 : i32
      %parallel_loop3A_705 = arith.muli %parallel_loop3A_46, %parallel_loop3A_704 : i32
      %parallel_loop3A_706 = arith.constant 8 : i32
      %parallel_loop3A_707 = arith.addi %parallel_loop3A_705, %parallel_loop3A_706 : i32
      %parallel_loop3A_708 = arith.index_cast %parallel_loop3A_707 : i32 to index
      %parallel_loop3A_709 = arith.constant 80 : index
      %parallel_loop3A_710 = tpu.vector_load %arg5[%parallel_loop3A_708, %parallel_loop3A_709] {strides = array<i32>} : memref<256x128xi32, #tpu.memory_space<vmem>>, vector<1x16xi32>,
      %parallel_loop3A_711 = vector.shape_cast %parallel_loop3A_710 : vector<1x16xi32> to vector<16xi32>
      %parallel_loop3A_712 = vector.shape_cast %parallel_loop3A_658 : vector<16xi32> to vector<1x16xi32>
      tpu.vector_store %arg5[%parallel_loop3A_708, %parallel_loop3A_709], %parallel_loop3A_712 {strides = array<i32>} : memref<256x128xi32, #tpu.memory_space<vmem>>, vector<1x16xi32>,
      %parallel_loop3A_713 = arith.constant 16 : i32
      %parallel_loop3A_714 = arith.muli %parallel_loop3A_46, %parallel_loop3A_713 : i32
      %parallel_loop3A_715 = arith.constant 8 : i32
      %parallel_loop3A_716 = arith.addi %parallel_loop3A_714, %parallel_loop3A_715 : i32
      %parallel_loop3A_717 = arith.index_cast %parallel_loop3A_716 : i32 to index
      %parallel_loop3A_718 = arith.constant 96 : index
      %parallel_loop3A_719 = tpu.vector_load %arg5[%parallel_loop3A_717, %parallel_loop3A_718] {strides = array<i32>} : memref<256x128xi32, #tpu.memory_space<vmem>>, vector<1x16xi32>,
      %parallel_loop3A_720 = vector.shape_cast %parallel_loop3A_719 : vector<1x16xi32> to vector<16xi32>
      %parallel_loop3A_721 = vector.shape_cast %parallel_loop3A_658 : vector<16xi32> to vector<1x16xi32>
      tpu.vector_store %arg5[%parallel_loop3A_717, %parallel_loop3A_718], %parallel_loop3A_721 {strides = array<i32>} : memref<256x128xi32, #tpu.memory_space<vmem>>, vector<1x16xi32>,
      %parallel_loop3A_722 = arith.constant 16 : i32
      %parallel_loop3A_723 = arith.muli %parallel_loop3A_46, %parallel_loop3A_722 : i32
      %parallel_loop3A_724 = arith.constant 8 : i32
      %parallel_loop3A_725 = arith.addi %parallel_loop3A_723, %parallel_loop3A_724 : i32
      %parallel_loop3A_726 = arith.index_cast %parallel_loop3A_725 : i32 to index
      %parallel_loop3A_727 = arith.constant 112 : index
      %parallel_loop3A_728 = tpu.vector_load %arg5[%parallel_loop3A_726, %parallel_loop3A_727] {strides = array<i32>} : memref<256x128xi32, #tpu.memory_space<vmem>>, vector<1x16xi32>,
      %parallel_loop3A_729 = vector.shape_cast %parallel_loop3A_728 : vector<1x16xi32> to vector<16xi32>
      %parallel_loop3A_730 = vector.shape_cast %parallel_loop3A_658 : vector<16xi32> to vector<1x16xi32>
      tpu.vector_store %arg5[%parallel_loop3A_726, %parallel_loop3A_727], %parallel_loop3A_730 {strides = array<i32>} : memref<256x128xi32, #tpu.memory_space<vmem>>, vector<1x16xi32>,
      %parallel_loop3A_731 = vector.extract_strided_slice %parallel_loop3A_55 {offsets = [9], sizes = [1], strides = [1]} : vector<16xi32> to vector<1xi32>
      %parallel_loop3A_732 = vector.extract %parallel_loop3A_731[0] : i32 from vector<1xi32>
      %parallel_loop3A_733 = vector.broadcast %parallel_loop3A_732 : i32 to vector<16xi32>
      %parallel_loop3A_734 = arith.constant 16 : i32
      %parallel_loop3A_735 = arith.muli %parallel_loop3A_46, %parallel_loop3A_734 : i32
      %parallel_loop3A_736 = arith.constant 9 : i32
      %parallel_loop3A_737 = arith.addi %parallel_loop3A_735, %parallel_loop3A_736 : i32
      %parallel_loop3A_738 = arith.index_cast %parallel_loop3A_737 : i32 to index
      %parallel_loop3A_739 = arith.constant 0 : index
      %parallel_loop3A_740 = tpu.vector_load %arg5[%parallel_loop3A_738, %parallel_loop3A_739] {strides = array<i32>} : memref<256x128xi32, #tpu.memory_space<vmem>>, vector<1x16xi32>,
      %parallel_loop3A_741 = vector.shape_cast %parallel_loop3A_740 : vector<1x16xi32> to vector<16xi32>
      %parallel_loop3A_742 = vector.shape_cast %parallel_loop3A_733 : vector<16xi32> to vector<1x16xi32>
      tpu.vector_store %arg5[%parallel_loop3A_738, %parallel_loop3A_739], %parallel_loop3A_742 {strides = array<i32>} : memref<256x128xi32, #tpu.memory_space<vmem>>, vector<1x16xi32>,
      %parallel_loop3A_743 = arith.constant 16 : i32
      %parallel_loop3A_744 = arith.muli %parallel_loop3A_46, %parallel_loop3A_743 : i32
      %parallel_loop3A_745 = arith.constant 9 : i32
      %parallel_loop3A_746 = arith.addi %parallel_loop3A_744, %parallel_loop3A_745 : i32
      %parallel_loop3A_747 = arith.index_cast %parallel_loop3A_746 : i32 to index
      %parallel_loop3A_748 = arith.constant 16 : index
      %parallel_loop3A_749 = tpu.vector_load %arg5[%parallel_loop3A_747, %parallel_loop3A_748] {strides = array<i32>} : memref<256x128xi32, #tpu.memory_space<vmem>>, vector<1x16xi32>,
      %parallel_loop3A_750 = vector.shape_cast %parallel_loop3A_749 : vector<1x16xi32> to vector<16xi32>
      %parallel_loop3A_751 = vector.shape_cast %parallel_loop3A_733 : vector<16xi32> to vector<1x16xi32>
      tpu.vector_store %arg5[%parallel_loop3A_747, %parallel_loop3A_748], %parallel_loop3A_751 {strides = array<i32>} : memref<256x128xi32, #tpu.memory_space<vmem>>, vector<1x16xi32>,
      %parallel_loop3A_752 = arith.constant 16 : i32
      %parallel_loop3A_753 = arith.muli %parallel_loop3A_46, %parallel_loop3A_752 : i32
      %parallel_loop3A_754 = arith.constant 9 : i32
      %parallel_loop3A_755 = arith.addi %parallel_loop3A_753, %parallel_loop3A_754 : i32
      %parallel_loop3A_756 = arith.index_cast %parallel_loop3A_755 : i32 to index
      %parallel_loop3A_757 = arith.constant 32 : index
      %parallel_loop3A_758 = tpu.vector_load %arg5[%parallel_loop3A_756, %parallel_loop3A_757] {strides = array<i32>} : memref<256x128xi32, #tpu.memory_space<vmem>>, vector<1x16xi32>,
      %parallel_loop3A_759 = vector.shape_cast %parallel_loop3A_758 : vector<1x16xi32> to vector<16xi32>
      %parallel_loop3A_760 = vector.shape_cast %parallel_loop3A_733 : vector<16xi32> to vector<1x16xi32>
      tpu.vector_store %arg5[%parallel_loop3A_756, %parallel_loop3A_757], %parallel_loop3A_760 {strides = array<i32>} : memref<256x128xi32, #tpu.memory_space<vmem>>, vector<1x16xi32>,
      %parallel_loop3A_761 = arith.constant 16 : i32
      %parallel_loop3A_762 = arith.muli %parallel_loop3A_46, %parallel_loop3A_761 : i32
      %parallel_loop3A_763 = arith.constant 9 : i32
      %parallel_loop3A_764 = arith.addi %parallel_loop3A_762, %parallel_loop3A_763 : i32
      %parallel_loop3A_765 = arith.index_cast %parallel_loop3A_764 : i32 to index
      %parallel_loop3A_766 = arith.constant 48 : index
      %parallel_loop3A_767 = tpu.vector_load %arg5[%parallel_loop3A_765, %parallel_loop3A_766] {strides = array<i32>} : memref<256x128xi32, #tpu.memory_space<vmem>>, vector<1x16xi32>,
      %parallel_loop3A_768 = vector.shape_cast %parallel_loop3A_767 : vector<1x16xi32> to vector<16xi32>
      %parallel_loop3A_769 = vector.shape_cast %parallel_loop3A_733 : vector<16xi32> to vector<1x16xi32>
      tpu.vector_store %arg5[%parallel_loop3A_765, %parallel_loop3A_766], %parallel_loop3A_769 {strides = array<i32>} : memref<256x128xi32, #tpu.memory_space<vmem>>, vector<1x16xi32>,
      %parallel_loop3A_770 = arith.constant 16 : i32
      %parallel_loop3A_771 = arith.muli %parallel_loop3A_46, %parallel_loop3A_770 : i32
      %parallel_loop3A_772 = arith.constant 9 : i32
      %parallel_loop3A_773 = arith.addi %parallel_loop3A_771, %parallel_loop3A_772 : i32
      %parallel_loop3A_774 = arith.index_cast %parallel_loop3A_773 : i32 to index
      %parallel_loop3A_775 = arith.constant 64 : index
      %parallel_loop3A_776 = tpu.vector_load %arg5[%parallel_loop3A_774, %parallel_loop3A_775] {strides = array<i32>} : memref<256x128xi32, #tpu.memory_space<vmem>>, vector<1x16xi32>,
      %parallel_loop3A_777 = vector.shape_cast %parallel_loop3A_776 : vector<1x16xi32> to vector<16xi32>
      %parallel_loop3A_778 = vector.shape_cast %parallel_loop3A_733 : vector<16xi32> to vector<1x16xi32>
      tpu.vector_store %arg5[%parallel_loop3A_774, %parallel_loop3A_775], %parallel_loop3A_778 {strides = array<i32>} : memref<256x128xi32, #tpu.memory_space<vmem>>, vector<1x16xi32>,
      %parallel_loop3A_779 = arith.constant 16 : i32
      %parallel_loop3A_780 = arith.muli %parallel_loop3A_46, %parallel_loop3A_779 : i32
      %parallel_loop3A_781 = arith.constant 9 : i32
      %parallel_loop3A_782 = arith.addi %parallel_loop3A_780, %parallel_loop3A_781 : i32
      %parallel_loop3A_783 = arith.index_cast %parallel_loop3A_782 : i32 to index
      %parallel_loop3A_784 = arith.constant 80 : index
      %parallel_loop3A_785 = tpu.vector_load %arg5[%parallel_loop3A_783, %parallel_loop3A_784] {strides = array<i32>} : memref<256x128xi32, #tpu.memory_space<vmem>>, vector<1x16xi32>,
      %parallel_loop3A_786 = vector.shape_cast %parallel_loop3A_785 : vector<1x16xi32> to vector<16xi32>
      %parallel_loop3A_787 = vector.shape_cast %parallel_loop3A_733 : vector<16xi32> to vector<1x16xi32>
      tpu.vector_store %arg5[%parallel_loop3A_783, %parallel_loop3A_784], %parallel_loop3A_787 {strides = array<i32>} : memref<256x128xi32, #tpu.memory_space<vmem>>, vector<1x16xi32>,
      %parallel_loop3A_788 = arith.constant 16 : i32
      %parallel_loop3A_789 = arith.muli %parallel_loop3A_46, %parallel_loop3A_788 : i32
      %parallel_loop3A_790 = arith.constant 9 : i32
      %parallel_loop3A_791 = arith.addi %parallel_loop3A_789, %parallel_loop3A_790 : i32
      %parallel_loop3A_792 = arith.index_cast %parallel_loop3A_791 : i32 to index
      %parallel_loop3A_793 = arith.constant 96 : index
      %parallel_loop3A_794 = tpu.vector_load %arg5[%parallel_loop3A_792, %parallel_loop3A_793] {strides = array<i32>} : memref<256x128xi32, #tpu.memory_space<vmem>>, vector<1x16xi32>,
      %parallel_loop3A_795 = vector.shape_cast %parallel_loop3A_794 : vector<1x16xi32> to vector<16xi32>
      %parallel_loop3A_796 = vector.shape_cast %parallel_loop3A_733 : vector<16xi32> to vector<1x16xi32>
      tpu.vector_store %arg5[%parallel_loop3A_792, %parallel_loop3A_793], %parallel_loop3A_796 {strides = array<i32>} : memref<256x128xi32, #tpu.memory_space<vmem>>, vector<1x16xi32>,
      %parallel_loop3A_797 = arith.constant 16 : i32
      %parallel_loop3A_798 = arith.muli %parallel_loop3A_46, %parallel_loop3A_797 : i32
      %parallel_loop3A_799 = arith.constant 9 : i32
      %parallel_loop3A_800 = arith.addi %parallel_loop3A_798, %parallel_loop3A_799 : i32
      %parallel_loop3A_801 = arith.index_cast %parallel_loop3A_800 : i32 to index
      %parallel_loop3A_802 = arith.constant 112 : index
      %parallel_loop3A_803 = tpu.vector_load %arg5[%parallel_loop3A_801, %parallel_loop3A_802] {strides = array<i32>} : memref<256x128xi32, #tpu.memory_space<vmem>>, vector<1x16xi32>,
      %parallel_loop3A_804 = vector.shape_cast %parallel_loop3A_803 : vector<1x16xi32> to vector<16xi32>
      %parallel_loop3A_805 = vector.shape_cast %parallel_loop3A_733 : vector<16xi32> to vector<1x16xi32>
      tpu.vector_store %arg5[%parallel_loop3A_801, %parallel_loop3A_802], %parallel_loop3A_805 {strides = array<i32>} : memref<256x128xi32, #tpu.memory_space<vmem>>, vector<1x16xi32>,
      %parallel_loop3A_806 = vector.extract_strided_slice %parallel_loop3A_55 {offsets = [10], sizes = [1], strides = [1]} : vector<16xi32> to vector<1xi32>
      %parallel_loop3A_807 = vector.extract %parallel_loop3A_806[0] : i32 from vector<1xi32>
      %parallel_loop3A_808 = vector.broadcast %parallel_loop3A_807 : i32 to vector<16xi32>
      %parallel_loop3A_809 = arith.constant 16 : i32
      %parallel_loop3A_810 = arith.muli %parallel_loop3A_46, %parallel_loop3A_809 : i32
      %parallel_loop3A_811 = arith.constant 10 : i32
      %parallel_loop3A_812 = arith.addi %parallel_loop3A_810, %parallel_loop3A_811 : i32
      %parallel_loop3A_813 = arith.index_cast %parallel_loop3A_812 : i32 to index
      %parallel_loop3A_814 = arith.constant 0 : index
      %parallel_loop3A_815 = tpu.vector_load %arg5[%parallel_loop3A_813, %parallel_loop3A_814] {strides = array<i32>} : memref<256x128xi32, #tpu.memory_space<vmem>>, vector<1x16xi32>,
      %parallel_loop3A_816 = vector.shape_cast %parallel_loop3A_815 : vector<1x16xi32> to vector<16xi32>
      %parallel_loop3A_817 = vector.shape_cast %parallel_loop3A_808 : vector<16xi32> to vector<1x16xi32>
      tpu.vector_store %arg5[%parallel_loop3A_813, %parallel_loop3A_814], %parallel_loop3A_817 {strides = array<i32>} : memref<256x128xi32, #tpu.memory_space<vmem>>, vector<1x16xi32>,
      %parallel_loop3A_818 = arith.constant 16 : i32
      %parallel_loop3A_819 = arith.muli %parallel_loop3A_46, %parallel_loop3A_818 : i32
      %parallel_loop3A_820 = arith.constant 10 : i32
      %parallel_loop3A_821 = arith.addi %parallel_loop3A_819, %parallel_loop3A_820 : i32
      %parallel_loop3A_822 = arith.index_cast %parallel_loop3A_821 : i32 to index
      %parallel_loop3A_823 = arith.constant 16 : index
      %parallel_loop3A_824 = tpu.vector_load %arg5[%parallel_loop3A_822, %parallel_loop3A_823] {strides = array<i32>} : memref<256x128xi32, #tpu.memory_space<vmem>>, vector<1x16xi32>,
      %parallel_loop3A_825 = vector.shape_cast %parallel_loop3A_824 : vector<1x16xi32> to vector<16xi32>
      %parallel_loop3A_826 = vector.shape_cast %parallel_loop3A_808 : vector<16xi32> to vector<1x16xi32>
      tpu.vector_store %arg5[%parallel_loop3A_822, %parallel_loop3A_823], %parallel_loop3A_826 {strides = array<i32>} : memref<256x128xi32, #tpu.memory_space<vmem>>, vector<1x16xi32>,
      %parallel_loop3A_827 = arith.constant 16 : i32
      %parallel_loop3A_828 = arith.muli %parallel_loop3A_46, %parallel_loop3A_827 : i32
      %parallel_loop3A_829 = arith.constant 10 : i32
      %parallel_loop3A_830 = arith.addi %parallel_loop3A_828, %parallel_loop3A_829 : i32
      %parallel_loop3A_831 = arith.index_cast %parallel_loop3A_830 : i32 to index
      %parallel_loop3A_832 = arith.constant 32 : index
      %parallel_loop3A_833 = tpu.vector_load %arg5[%parallel_loop3A_831, %parallel_loop3A_832] {strides = array<i32>} : memref<256x128xi32, #tpu.memory_space<vmem>>, vector<1x16xi32>,
      %parallel_loop3A_834 = vector.shape_cast %parallel_loop3A_833 : vector<1x16xi32> to vector<16xi32>
      %parallel_loop3A_835 = vector.shape_cast %parallel_loop3A_808 : vector<16xi32> to vector<1x16xi32>
      tpu.vector_store %arg5[%parallel_loop3A_831, %parallel_loop3A_832], %parallel_loop3A_835 {strides = array<i32>} : memref<256x128xi32, #tpu.memory_space<vmem>>, vector<1x16xi32>,
      %parallel_loop3A_836 = arith.constant 16 : i32
      %parallel_loop3A_837 = arith.muli %parallel_loop3A_46, %parallel_loop3A_836 : i32
      %parallel_loop3A_838 = arith.constant 10 : i32
      %parallel_loop3A_839 = arith.addi %parallel_loop3A_837, %parallel_loop3A_838 : i32
      %parallel_loop3A_840 = arith.index_cast %parallel_loop3A_839 : i32 to index
      %parallel_loop3A_841 = arith.constant 48 : index
      %parallel_loop3A_842 = tpu.vector_load %arg5[%parallel_loop3A_840, %parallel_loop3A_841] {strides = array<i32>} : memref<256x128xi32, #tpu.memory_space<vmem>>, vector<1x16xi32>,
      %parallel_loop3A_843 = vector.shape_cast %parallel_loop3A_842 : vector<1x16xi32> to vector<16xi32>
      %parallel_loop3A_844 = vector.shape_cast %parallel_loop3A_808 : vector<16xi32> to vector<1x16xi32>
      tpu.vector_store %arg5[%parallel_loop3A_840, %parallel_loop3A_841], %parallel_loop3A_844 {strides = array<i32>} : memref<256x128xi32, #tpu.memory_space<vmem>>, vector<1x16xi32>,
      %parallel_loop3A_845 = arith.constant 16 : i32
      %parallel_loop3A_846 = arith.muli %parallel_loop3A_46, %parallel_loop3A_845 : i32
      %parallel_loop3A_847 = arith.constant 10 : i32
      %parallel_loop3A_848 = arith.addi %parallel_loop3A_846, %parallel_loop3A_847 : i32
      %parallel_loop3A_849 = arith.index_cast %parallel_loop3A_848 : i32 to index
      %parallel_loop3A_850 = arith.constant 64 : index
      %parallel_loop3A_851 = tpu.vector_load %arg5[%parallel_loop3A_849, %parallel_loop3A_850] {strides = array<i32>} : memref<256x128xi32, #tpu.memory_space<vmem>>, vector<1x16xi32>,
      %parallel_loop3A_852 = vector.shape_cast %parallel_loop3A_851 : vector<1x16xi32> to vector<16xi32>
      %parallel_loop3A_853 = vector.shape_cast %parallel_loop3A_808 : vector<16xi32> to vector<1x16xi32>
      tpu.vector_store %arg5[%parallel_loop3A_849, %parallel_loop3A_850], %parallel_loop3A_853 {strides = array<i32>} : memref<256x128xi32, #tpu.memory_space<vmem>>, vector<1x16xi32>,
      %parallel_loop3A_854 = arith.constant 16 : i32
      %parallel_loop3A_855 = arith.muli %parallel_loop3A_46, %parallel_loop3A_854 : i32
      %parallel_loop3A_856 = arith.constant 10 : i32
      %parallel_loop3A_857 = arith.addi %parallel_loop3A_855, %parallel_loop3A_856 : i32
      %parallel_loop3A_858 = arith.index_cast %parallel_loop3A_857 : i32 to index
      %parallel_loop3A_859 = arith.constant 80 : index
      %parallel_loop3A_860 = tpu.vector_load %arg5[%parallel_loop3A_858, %parallel_loop3A_859] {strides = array<i32>} : memref<256x128xi32, #tpu.memory_space<vmem>>, vector<1x16xi32>,
      %parallel_loop3A_861 = vector.shape_cast %parallel_loop3A_860 : vector<1x16xi32> to vector<16xi32>
      %parallel_loop3A_862 = vector.shape_cast %parallel_loop3A_808 : vector<16xi32> to vector<1x16xi32>
      tpu.vector_store %arg5[%parallel_loop3A_858, %parallel_loop3A_859], %parallel_loop3A_862 {strides = array<i32>} : memref<256x128xi32, #tpu.memory_space<vmem>>, vector<1x16xi32>,
      %parallel_loop3A_863 = arith.constant 16 : i32
      %parallel_loop3A_864 = arith.muli %parallel_loop3A_46, %parallel_loop3A_863 : i32
      %parallel_loop3A_865 = arith.constant 10 : i32
      %parallel_loop3A_866 = arith.addi %parallel_loop3A_864, %parallel_loop3A_865 : i32
      %parallel_loop3A_867 = arith.index_cast %parallel_loop3A_866 : i32 to index
      %parallel_loop3A_868 = arith.constant 96 : index
      %parallel_loop3A_869 = tpu.vector_load %arg5[%parallel_loop3A_867, %parallel_loop3A_868] {strides = array<i32>} : memref<256x128xi32, #tpu.memory_space<vmem>>, vector<1x16xi32>,
      %parallel_loop3A_870 = vector.shape_cast %parallel_loop3A_869 : vector<1x16xi32> to vector<16xi32>
      %parallel_loop3A_871 = vector.shape_cast %parallel_loop3A_808 : vector<16xi32> to vector<1x16xi32>
      tpu.vector_store %arg5[%parallel_loop3A_867, %parallel_loop3A_868], %parallel_loop3A_871 {strides = array<i32>} : memref<256x128xi32, #tpu.memory_space<vmem>>, vector<1x16xi32>,
      %parallel_loop3A_872 = arith.constant 16 : i32
      %parallel_loop3A_873 = arith.muli %parallel_loop3A_46, %parallel_loop3A_872 : i32
      %parallel_loop3A_874 = arith.constant 10 : i32
      %parallel_loop3A_875 = arith.addi %parallel_loop3A_873, %parallel_loop3A_874 : i32
      %parallel_loop3A_876 = arith.index_cast %parallel_loop3A_875 : i32 to index
      %parallel_loop3A_877 = arith.constant 112 : index
      %parallel_loop3A_878 = tpu.vector_load %arg5[%parallel_loop3A_876, %parallel_loop3A_877] {strides = array<i32>} : memref<256x128xi32, #tpu.memory_space<vmem>>, vector<1x16xi32>,
      %parallel_loop3A_879 = vector.shape_cast %parallel_loop3A_878 : vector<1x16xi32> to vector<16xi32>
      %parallel_loop3A_880 = vector.shape_cast %parallel_loop3A_808 : vector<16xi32> to vector<1x16xi32>
      tpu.vector_store %arg5[%parallel_loop3A_876, %parallel_loop3A_877], %parallel_loop3A_880 {strides = array<i32>} : memref<256x128xi32, #tpu.memory_space<vmem>>, vector<1x16xi32>,
      %parallel_loop3A_881 = vector.extract_strided_slice %parallel_loop3A_55 {offsets = [11], sizes = [1], strides = [1]} : vector<16xi32> to vector<1xi32>
      %parallel_loop3A_882 = vector.extract %parallel_loop3A_881[0] : i32 from vector<1xi32>
      %parallel_loop3A_883 = vector.broadcast %parallel_loop3A_882 : i32 to vector<16xi32>
      %parallel_loop3A_884 = arith.constant 16 : i32
      %parallel_loop3A_885 = arith.muli %parallel_loop3A_46, %parallel_loop3A_884 : i32
      %parallel_loop3A_886 = arith.constant 11 : i32
      %parallel_loop3A_887 = arith.addi %parallel_loop3A_885, %parallel_loop3A_886 : i32
      %parallel_loop3A_888 = arith.index_cast %parallel_loop3A_887 : i32 to index
      %parallel_loop3A_889 = arith.constant 0 : index
      %parallel_loop3A_890 = tpu.vector_load %arg5[%parallel_loop3A_888, %parallel_loop3A_889] {strides = array<i32>} : memref<256x128xi32, #tpu.memory_space<vmem>>, vector<1x16xi32>,
      %parallel_loop3A_891 = vector.shape_cast %parallel_loop3A_890 : vector<1x16xi32> to vector<16xi32>
      %parallel_loop3A_892 = vector.shape_cast %parallel_loop3A_883 : vector<16xi32> to vector<1x16xi32>
      tpu.vector_store %arg5[%parallel_loop3A_888, %parallel_loop3A_889], %parallel_loop3A_892 {strides = array<i32>} : memref<256x128xi32, #tpu.memory_space<vmem>>, vector<1x16xi32>,
      %parallel_loop3A_893 = arith.constant 16 : i32
      %parallel_loop3A_894 = arith.muli %parallel_loop3A_46, %parallel_loop3A_893 : i32
      %parallel_loop3A_895 = arith.constant 11 : i32
      %parallel_loop3A_896 = arith.addi %parallel_loop3A_894, %parallel_loop3A_895 : i32
      %parallel_loop3A_897 = arith.index_cast %parallel_loop3A_896 : i32 to index
      %parallel_loop3A_898 = arith.constant 16 : index
      %parallel_loop3A_899 = tpu.vector_load %arg5[%parallel_loop3A_897, %parallel_loop3A_898] {strides = array<i32>} : memref<256x128xi32, #tpu.memory_space<vmem>>, vector<1x16xi32>,
      %parallel_loop3A_900 = vector.shape_cast %parallel_loop3A_899 : vector<1x16xi32> to vector<16xi32>
      %parallel_loop3A_901 = vector.shape_cast %parallel_loop3A_883 : vector<16xi32> to vector<1x16xi32>
      tpu.vector_store %arg5[%parallel_loop3A_897, %parallel_loop3A_898], %parallel_loop3A_901 {strides = array<i32>} : memref<256x128xi32, #tpu.memory_space<vmem>>, vector<1x16xi32>,
      %parallel_loop3A_902 = arith.constant 16 : i32
      %parallel_loop3A_903 = arith.muli %parallel_loop3A_46, %parallel_loop3A_902 : i32
      %parallel_loop3A_904 = arith.constant 11 : i32
      %parallel_loop3A_905 = arith.addi %parallel_loop3A_903, %parallel_loop3A_904 : i32
      %parallel_loop3A_906 = arith.index_cast %parallel_loop3A_905 : i32 to index
      %parallel_loop3A_907 = arith.constant 32 : index
      %parallel_loop3A_908 = tpu.vector_load %arg5[%parallel_loop3A_906, %parallel_loop3A_907] {strides = array<i32>} : memref<256x128xi32, #tpu.memory_space<vmem>>, vector<1x16xi32>,
      %parallel_loop3A_909 = vector.shape_cast %parallel_loop3A_908 : vector<1x16xi32> to vector<16xi32>
      %parallel_loop3A_910 = vector.shape_cast %parallel_loop3A_883 : vector<16xi32> to vector<1x16xi32>
      tpu.vector_store %arg5[%parallel_loop3A_906, %parallel_loop3A_907], %parallel_loop3A_910 {strides = array<i32>} : memref<256x128xi32, #tpu.memory_space<vmem>>, vector<1x16xi32>,
      %parallel_loop3A_911 = arith.constant 16 : i32
      %parallel_loop3A_912 = arith.muli %parallel_loop3A_46, %parallel_loop3A_911 : i32
      %parallel_loop3A_913 = arith.constant 11 : i32
      %parallel_loop3A_914 = arith.addi %parallel_loop3A_912, %parallel_loop3A_913 : i32
      %parallel_loop3A_915 = arith.index_cast %parallel_loop3A_914 : i32 to index
      %parallel_loop3A_916 = arith.constant 48 : index
      %parallel_loop3A_917 = tpu.vector_load %arg5[%parallel_loop3A_915, %parallel_loop3A_916] {strides = array<i32>} : memref<256x128xi32, #tpu.memory_space<vmem>>, vector<1x16xi32>,
      %parallel_loop3A_918 = vector.shape_cast %parallel_loop3A_917 : vector<1x16xi32> to vector<16xi32>
      %parallel_loop3A_919 = vector.shape_cast %parallel_loop3A_883 : vector<16xi32> to vector<1x16xi32>
      tpu.vector_store %arg5[%parallel_loop3A_915, %parallel_loop3A_916], %parallel_loop3A_919 {strides = array<i32>} : memref<256x128xi32, #tpu.memory_space<vmem>>, vector<1x16xi32>,
      %parallel_loop3A_920 = arith.constant 16 : i32
      %parallel_loop3A_921 = arith.muli %parallel_loop3A_46, %parallel_loop3A_920 : i32
      %parallel_loop3A_922 = arith.constant 11 : i32
      %parallel_loop3A_923 = arith.addi %parallel_loop3A_921, %parallel_loop3A_922 : i32
      %parallel_loop3A_924 = arith.index_cast %parallel_loop3A_923 : i32 to index
      %parallel_loop3A_925 = arith.constant 64 : index
      %parallel_loop3A_926 = tpu.vector_load %arg5[%parallel_loop3A_924, %parallel_loop3A_925] {strides = array<i32>} : memref<256x128xi32, #tpu.memory_space<vmem>>, vector<1x16xi32>,
      %parallel_loop3A_927 = vector.shape_cast %parallel_loop3A_926 : vector<1x16xi32> to vector<16xi32>
      %parallel_loop3A_928 = vector.shape_cast %parallel_loop3A_883 : vector<16xi32> to vector<1x16xi32>
      tpu.vector_store %arg5[%parallel_loop3A_924, %parallel_loop3A_925], %parallel_loop3A_928 {strides = array<i32>} : memref<256x128xi32, #tpu.memory_space<vmem>>, vector<1x16xi32>,
      %parallel_loop3A_929 = arith.constant 16 : i32
      %parallel_loop3A_930 = arith.muli %parallel_loop3A_46, %parallel_loop3A_929 : i32
      %parallel_loop3A_931 = arith.constant 11 : i32
      %parallel_loop3A_932 = arith.addi %parallel_loop3A_930, %parallel_loop3A_931 : i32
      %parallel_loop3A_933 = arith.index_cast %parallel_loop3A_932 : i32 to index
      %parallel_loop3A_934 = arith.constant 80 : index
      %parallel_loop3A_935 = tpu.vector_load %arg5[%parallel_loop3A_933, %parallel_loop3A_934] {strides = array<i32>} : memref<256x128xi32, #tpu.memory_space<vmem>>, vector<1x16xi32>,
      %parallel_loop3A_936 = vector.shape_cast %parallel_loop3A_935 : vector<1x16xi32> to vector<16xi32>
      %parallel_loop3A_937 = vector.shape_cast %parallel_loop3A_883 : vector<16xi32> to vector<1x16xi32>
      tpu.vector_store %arg5[%parallel_loop3A_933, %parallel_loop3A_934], %parallel_loop3A_937 {strides = array<i32>} : memref<256x128xi32, #tpu.memory_space<vmem>>, vector<1x16xi32>,
      %parallel_loop3A_938 = arith.constant 16 : i32
      %parallel_loop3A_939 = arith.muli %parallel_loop3A_46, %parallel_loop3A_938 : i32
      %parallel_loop3A_940 = arith.constant 11 : i32
      %parallel_loop3A_941 = arith.addi %parallel_loop3A_939, %parallel_loop3A_940 : i32
      %parallel_loop3A_942 = arith.index_cast %parallel_loop3A_941 : i32 to index
      %parallel_loop3A_943 = arith.constant 96 : index
      %parallel_loop3A_944 = tpu.vector_load %arg5[%parallel_loop3A_942, %parallel_loop3A_943] {strides = array<i32>} : memref<256x128xi32, #tpu.memory_space<vmem>>, vector<1x16xi32>,
      %parallel_loop3A_945 = vector.shape_cast %parallel_loop3A_944 : vector<1x16xi32> to vector<16xi32>
      %parallel_loop3A_946 = vector.shape_cast %parallel_loop3A_883 : vector<16xi32> to vector<1x16xi32>
      tpu.vector_store %arg5[%parallel_loop3A_942, %parallel_loop3A_943], %parallel_loop3A_946 {strides = array<i32>} : memref<256x128xi32, #tpu.memory_space<vmem>>, vector<1x16xi32>,
      %parallel_loop3A_947 = arith.constant 16 : i32
      %parallel_loop3A_948 = arith.muli %parallel_loop3A_46, %parallel_loop3A_947 : i32
      %parallel_loop3A_949 = arith.constant 11 : i32
      %parallel_loop3A_950 = arith.addi %parallel_loop3A_948, %parallel_loop3A_949 : i32
      %parallel_loop3A_951 = arith.index_cast %parallel_loop3A_950 : i32 to index
      %parallel_loop3A_952 = arith.constant 112 : index
      %parallel_loop3A_953 = tpu.vector_load %arg5[%parallel_loop3A_951, %parallel_loop3A_952] {strides = array<i32>} : memref<256x128xi32, #tpu.memory_space<vmem>>, vector<1x16xi32>,
      %parallel_loop3A_954 = vector.shape_cast %parallel_loop3A_953 : vector<1x16xi32> to vector<16xi32>
      %parallel_loop3A_955 = vector.shape_cast %parallel_loop3A_883 : vector<16xi32> to vector<1x16xi32>
      tpu.vector_store %arg5[%parallel_loop3A_951, %parallel_loop3A_952], %parallel_loop3A_955 {strides = array<i32>} : memref<256x128xi32, #tpu.memory_space<vmem>>, vector<1x16xi32>,
      %parallel_loop3A_956 = vector.extract_strided_slice %parallel_loop3A_55 {offsets = [12], sizes = [1], strides = [1]} : vector<16xi32> to vector<1xi32>
      %parallel_loop3A_957 = vector.extract %parallel_loop3A_956[0] : i32 from vector<1xi32>
      %parallel_loop3A_958 = vector.broadcast %parallel_loop3A_957 : i32 to vector<16xi32>
      %parallel_loop3A_959 = arith.constant 16 : i32
      %parallel_loop3A_960 = arith.muli %parallel_loop3A_46, %parallel_loop3A_959 : i32
      %parallel_loop3A_961 = arith.constant 12 : i32
      %parallel_loop3A_962 = arith.addi %parallel_loop3A_960, %parallel_loop3A_961 : i32
      %parallel_loop3A_963 = arith.index_cast %parallel_loop3A_962 : i32 to index
      %parallel_loop3A_964 = arith.constant 0 : index
      %parallel_loop3A_965 = tpu.vector_load %arg5[%parallel_loop3A_963, %parallel_loop3A_964] {strides = array<i32>} : memref<256x128xi32, #tpu.memory_space<vmem>>, vector<1x16xi32>,
      %parallel_loop3A_966 = vector.shape_cast %parallel_loop3A_965 : vector<1x16xi32> to vector<16xi32>
      %parallel_loop3A_967 = vector.shape_cast %parallel_loop3A_958 : vector<16xi32> to vector<1x16xi32>
      tpu.vector_store %arg5[%parallel_loop3A_963, %parallel_loop3A_964], %parallel_loop3A_967 {strides = array<i32>} : memref<256x128xi32, #tpu.memory_space<vmem>>, vector<1x16xi32>,
      %parallel_loop3A_968 = arith.constant 16 : i32
      %parallel_loop3A_969 = arith.muli %parallel_loop3A_46, %parallel_loop3A_968 : i32
      %parallel_loop3A_970 = arith.constant 12 : i32
      %parallel_loop3A_971 = arith.addi %parallel_loop3A_969, %parallel_loop3A_970 : i32
      %parallel_loop3A_972 = arith.index_cast %parallel_loop3A_971 : i32 to index
      %parallel_loop3A_973 = arith.constant 16 : index
      %parallel_loop3A_974 = tpu.vector_load %arg5[%parallel_loop3A_972, %parallel_loop3A_973] {strides = array<i32>} : memref<256x128xi32, #tpu.memory_space<vmem>>, vector<1x16xi32>,
      %parallel_loop3A_975 = vector.shape_cast %parallel_loop3A_974 : vector<1x16xi32> to vector<16xi32>
      %parallel_loop3A_976 = vector.shape_cast %parallel_loop3A_958 : vector<16xi32> to vector<1x16xi32>
      tpu.vector_store %arg5[%parallel_loop3A_972, %parallel_loop3A_973], %parallel_loop3A_976 {strides = array<i32>} : memref<256x128xi32, #tpu.memory_space<vmem>>, vector<1x16xi32>,
      %parallel_loop3A_977 = arith.constant 16 : i32
      %parallel_loop3A_978 = arith.muli %parallel_loop3A_46, %parallel_loop3A_977 : i32
      %parallel_loop3A_979 = arith.constant 12 : i32
      %parallel_loop3A_980 = arith.addi %parallel_loop3A_978, %parallel_loop3A_979 : i32
      %parallel_loop3A_981 = arith.index_cast %parallel_loop3A_980 : i32 to index
      %parallel_loop3A_982 = arith.constant 32 : index
      %parallel_loop3A_983 = tpu.vector_load %arg5[%parallel_loop3A_981, %parallel_loop3A_982] {strides = array<i32>} : memref<256x128xi32, #tpu.memory_space<vmem>>, vector<1x16xi32>,
      %parallel_loop3A_984 = vector.shape_cast %parallel_loop3A_983 : vector<1x16xi32> to vector<16xi32>
      %parallel_loop3A_985 = vector.shape_cast %parallel_loop3A_958 : vector<16xi32> to vector<1x16xi32>
      tpu.vector_store %arg5[%parallel_loop3A_981, %parallel_loop3A_982], %parallel_loop3A_985 {strides = array<i32>} : memref<256x128xi32, #tpu.memory_space<vmem>>, vector<1x16xi32>,
      %parallel_loop3A_986 = arith.constant 16 : i32
      %parallel_loop3A_987 = arith.muli %parallel_loop3A_46, %parallel_loop3A_986 : i32
      %parallel_loop3A_988 = arith.constant 12 : i32
      %parallel_loop3A_989 = arith.addi %parallel_loop3A_987, %parallel_loop3A_988 : i32
      %parallel_loop3A_990 = arith.index_cast %parallel_loop3A_989 : i32 to index
      %parallel_loop3A_991 = arith.constant 48 : index
      %parallel_loop3A_992 = tpu.vector_load %arg5[%parallel_loop3A_990, %parallel_loop3A_991] {strides = array<i32>} : memref<256x128xi32, #tpu.memory_space<vmem>>, vector<1x16xi32>,
      %parallel_loop3A_993 = vector.shape_cast %parallel_loop3A_992 : vector<1x16xi32> to vector<16xi32>
      %parallel_loop3A_994 = vector.shape_cast %parallel_loop3A_958 : vector<16xi32> to vector<1x16xi32>
      tpu.vector_store %arg5[%parallel_loop3A_990, %parallel_loop3A_991], %parallel_loop3A_994 {strides = array<i32>} : memref<256x128xi32, #tpu.memory_space<vmem>>, vector<1x16xi32>,
      %parallel_loop3A_995 = arith.constant 16 : i32
      %parallel_loop3A_996 = arith.muli %parallel_loop3A_46, %parallel_loop3A_995 : i32
      %parallel_loop3A_997 = arith.constant 12 : i32
      %parallel_loop3A_998 = arith.addi %parallel_loop3A_996, %parallel_loop3A_997 : i32
      %parallel_loop3A_999 = arith.index_cast %parallel_loop3A_998 : i32 to index
      %parallel_loop3A_1000 = arith.constant 64 : index
      %parallel_loop3A_1001 = tpu.vector_load %arg5[%parallel_loop3A_999, %parallel_loop3A_1000] {strides = array<i32>} : memref<256x128xi32, #tpu.memory_space<vmem>>, vector<1x16xi32>,
      %parallel_loop3A_1002 = vector.shape_cast %parallel_loop3A_1001 : vector<1x16xi32> to vector<16xi32>
      %parallel_loop3A_1003 = vector.shape_cast %parallel_loop3A_958 : vector<16xi32> to vector<1x16xi32>
      tpu.vector_store %arg5[%parallel_loop3A_999, %parallel_loop3A_1000], %parallel_loop3A_1003 {strides = array<i32>} : memref<256x128xi32, #tpu.memory_space<vmem>>, vector<1x16xi32>,
      %parallel_loop3A_1004 = arith.constant 16 : i32
      %parallel_loop3A_1005 = arith.muli %parallel_loop3A_46, %parallel_loop3A_1004 : i32
      %parallel_loop3A_1006 = arith.constant 12 : i32
      %parallel_loop3A_1007 = arith.addi %parallel_loop3A_1005, %parallel_loop3A_1006 : i32
      %parallel_loop3A_1008 = arith.index_cast %parallel_loop3A_1007 : i32 to index
      %parallel_loop3A_1009 = arith.constant 80 : index
      %parallel_loop3A_1010 = tpu.vector_load %arg5[%parallel_loop3A_1008, %parallel_loop3A_1009] {strides = array<i32>} : memref<256x128xi32, #tpu.memory_space<vmem>>, vector<1x16xi32>,
      %parallel_loop3A_1011 = vector.shape_cast %parallel_loop3A_1010 : vector<1x16xi32> to vector<16xi32>
      %parallel_loop3A_1012 = vector.shape_cast %parallel_loop3A_958 : vector<16xi32> to vector<1x16xi32>
      tpu.vector_store %arg5[%parallel_loop3A_1008, %parallel_loop3A_1009], %parallel_loop3A_1012 {strides = array<i32>} : memref<256x128xi32, #tpu.memory_space<vmem>>, vector<1x16xi32>,
      %parallel_loop3A_1013 = arith.constant 16 : i32
      %parallel_loop3A_1014 = arith.muli %parallel_loop3A_46, %parallel_loop3A_1013 : i32
      %parallel_loop3A_1015 = arith.constant 12 : i32
      %parallel_loop3A_1016 = arith.addi %parallel_loop3A_1014, %parallel_loop3A_1015 : i32
      %parallel_loop3A_1017 = arith.index_cast %parallel_loop3A_1016 : i32 to index
      %parallel_loop3A_1018 = arith.constant 96 : index
      %parallel_loop3A_1019 = tpu.vector_load %arg5[%parallel_loop3A_1017, %parallel_loop3A_1018] {strides = array<i32>} : memref<256x128xi32, #tpu.memory_space<vmem>>, vector<1x16xi32>,
      %parallel_loop3A_1020 = vector.shape_cast %parallel_loop3A_1019 : vector<1x16xi32> to vector<16xi32>
      %parallel_loop3A_1021 = vector.shape_cast %parallel_loop3A_958 : vector<16xi32> to vector<1x16xi32>
      tpu.vector_store %arg5[%parallel_loop3A_1017, %parallel_loop3A_1018], %parallel_loop3A_1021 {strides = array<i32>} : memref<256x128xi32, #tpu.memory_space<vmem>>, vector<1x16xi32>,
      %parallel_loop3A_1022 = arith.constant 16 : i32
      %parallel_loop3A_1023 = arith.muli %parallel_loop3A_46, %parallel_loop3A_1022 : i32
      %parallel_loop3A_1024 = arith.constant 12 : i32
      %parallel_loop3A_1025 = arith.addi %parallel_loop3A_1023, %parallel_loop3A_1024 : i32
      %parallel_loop3A_1026 = arith.index_cast %parallel_loop3A_1025 : i32 to index
      %parallel_loop3A_1027 = arith.constant 112 : index
      %parallel_loop3A_1028 = tpu.vector_load %arg5[%parallel_loop3A_1026, %parallel_loop3A_1027] {strides = array<i32>} : memref<256x128xi32, #tpu.memory_space<vmem>>, vector<1x16xi32>,
      %parallel_loop3A_1029 = vector.shape_cast %parallel_loop3A_1028 : vector<1x16xi32> to vector<16xi32>
      %parallel_loop3A_1030 = vector.shape_cast %parallel_loop3A_958 : vector<16xi32> to vector<1x16xi32>
      tpu.vector_store %arg5[%parallel_loop3A_1026, %parallel_loop3A_1027], %parallel_loop3A_1030 {strides = array<i32>} : memref<256x128xi32, #tpu.memory_space<vmem>>, vector<1x16xi32>,
      %parallel_loop3A_1031 = vector.extract_strided_slice %parallel_loop3A_55 {offsets = [13], sizes = [1], strides = [1]} : vector<16xi32> to vector<1xi32>
      %parallel_loop3A_1032 = vector.extract %parallel_loop3A_1031[0] : i32 from vector<1xi32>
      %parallel_loop3A_1033 = vector.broadcast %parallel_loop3A_1032 : i32 to vector<16xi32>
      %parallel_loop3A_1034 = arith.constant 16 : i32
      %parallel_loop3A_1035 = arith.muli %parallel_loop3A_46, %parallel_loop3A_1034 : i32
      %parallel_loop3A_1036 = arith.constant 13 : i32
      %parallel_loop3A_1037 = arith.addi %parallel_loop3A_1035, %parallel_loop3A_1036 : i32
      %parallel_loop3A_1038 = arith.index_cast %parallel_loop3A_1037 : i32 to index
      %parallel_loop3A_1039 = arith.constant 0 : index
      %parallel_loop3A_1040 = tpu.vector_load %arg5[%parallel_loop3A_1038, %parallel_loop3A_1039] {strides = array<i32>} : memref<256x128xi32, #tpu.memory_space<vmem>>, vector<1x16xi32>,
      %parallel_loop3A_1041 = vector.shape_cast %parallel_loop3A_1040 : vector<1x16xi32> to vector<16xi32>
      %parallel_loop3A_1042 = vector.shape_cast %parallel_loop3A_1033 : vector<16xi32> to vector<1x16xi32>
      tpu.vector_store %arg5[%parallel_loop3A_1038, %parallel_loop3A_1039], %parallel_loop3A_1042 {strides = array<i32>} : memref<256x128xi32, #tpu.memory_space<vmem>>, vector<1x16xi32>,
      %parallel_loop3A_1043 = arith.constant 16 : i32
      %parallel_loop3A_1044 = arith.muli %parallel_loop3A_46, %parallel_loop3A_1043 : i32
      %parallel_loop3A_1045 = arith.constant 13 : i32
      %parallel_loop3A_1046 = arith.addi %parallel_loop3A_1044, %parallel_loop3A_1045 : i32
      %parallel_loop3A_1047 = arith.index_cast %parallel_loop3A_1046 : i32 to index
      %parallel_loop3A_1048 = arith.constant 16 : index
      %parallel_loop3A_1049 = tpu.vector_load %arg5[%parallel_loop3A_1047, %parallel_loop3A_1048] {strides = array<i32>} : memref<256x128xi32, #tpu.memory_space<vmem>>, vector<1x16xi32>,
      %parallel_loop3A_1050 = vector.shape_cast %parallel_loop3A_1049 : vector<1x16xi32> to vector<16xi32>
      %parallel_loop3A_1051 = vector.shape_cast %parallel_loop3A_1033 : vector<16xi32> to vector<1x16xi32>
      tpu.vector_store %arg5[%parallel_loop3A_1047, %parallel_loop3A_1048], %parallel_loop3A_1051 {strides = array<i32>} : memref<256x128xi32, #tpu.memory_space<vmem>>, vector<1x16xi32>,
      %parallel_loop3A_1052 = arith.constant 16 : i32
      %parallel_loop3A_1053 = arith.muli %parallel_loop3A_46, %parallel_loop3A_1052 : i32
      %parallel_loop3A_1054 = arith.constant 13 : i32
      %parallel_loop3A_1055 = arith.addi %parallel_loop3A_1053, %parallel_loop3A_1054 : i32
      %parallel_loop3A_1056 = arith.index_cast %parallel_loop3A_1055 : i32 to index
      %parallel_loop3A_1057 = arith.constant 32 : index
      %parallel_loop3A_1058 = tpu.vector_load %arg5[%parallel_loop3A_1056, %parallel_loop3A_1057] {strides = array<i32>} : memref<256x128xi32, #tpu.memory_space<vmem>>, vector<1x16xi32>,
      %parallel_loop3A_1059 = vector.shape_cast %parallel_loop3A_1058 : vector<1x16xi32> to vector<16xi32>
      %parallel_loop3A_1060 = vector.shape_cast %parallel_loop3A_1033 : vector<16xi32> to vector<1x16xi32>
      tpu.vector_store %arg5[%parallel_loop3A_1056, %parallel_loop3A_1057], %parallel_loop3A_1060 {strides = array<i32>} : memref<256x128xi32, #tpu.memory_space<vmem>>, vector<1x16xi32>,
      %parallel_loop3A_1061 = arith.constant 16 : i32
      %parallel_loop3A_1062 = arith.muli %parallel_loop3A_46, %parallel_loop3A_1061 : i32
      %parallel_loop3A_1063 = arith.constant 13 : i32
      %parallel_loop3A_1064 = arith.addi %parallel_loop3A_1062, %parallel_loop3A_1063 : i32
      %parallel_loop3A_1065 = arith.index_cast %parallel_loop3A_1064 : i32 to index
      %parallel_loop3A_1066 = arith.constant 48 : index
      %parallel_loop3A_1067 = tpu.vector_load %arg5[%parallel_loop3A_1065, %parallel_loop3A_1066] {strides = array<i32>} : memref<256x128xi32, #tpu.memory_space<vmem>>, vector<1x16xi32>,
      %parallel_loop3A_1068 = vector.shape_cast %parallel_loop3A_1067 : vector<1x16xi32> to vector<16xi32>
      %parallel_loop3A_1069 = vector.shape_cast %parallel_loop3A_1033 : vector<16xi32> to vector<1x16xi32>
      tpu.vector_store %arg5[%parallel_loop3A_1065, %parallel_loop3A_1066], %parallel_loop3A_1069 {strides = array<i32>} : memref<256x128xi32, #tpu.memory_space<vmem>>, vector<1x16xi32>,
      %parallel_loop3A_1070 = arith.constant 16 : i32
      %parallel_loop3A_1071 = arith.muli %parallel_loop3A_46, %parallel_loop3A_1070 : i32
      %parallel_loop3A_1072 = arith.constant 13 : i32
      %parallel_loop3A_1073 = arith.addi %parallel_loop3A_1071, %parallel_loop3A_1072 : i32
      %parallel_loop3A_1074 = arith.index_cast %parallel_loop3A_1073 : i32 to index
      %parallel_loop3A_1075 = arith.constant 64 : index
      %parallel_loop3A_1076 = tpu.vector_load %arg5[%parallel_loop3A_1074, %parallel_loop3A_1075] {strides = array<i32>} : memref<256x128xi32, #tpu.memory_space<vmem>>, vector<1x16xi32>,
      %parallel_loop3A_1077 = vector.shape_cast %parallel_loop3A_1076 : vector<1x16xi32> to vector<16xi32>
      %parallel_loop3A_1078 = vector.shape_cast %parallel_loop3A_1033 : vector<16xi32> to vector<1x16xi32>
      tpu.vector_store %arg5[%parallel_loop3A_1074, %parallel_loop3A_1075], %parallel_loop3A_1078 {strides = array<i32>} : memref<256x128xi32, #tpu.memory_space<vmem>>, vector<1x16xi32>,
      %parallel_loop3A_1079 = arith.constant 16 : i32
      %parallel_loop3A_1080 = arith.muli %parallel_loop3A_46, %parallel_loop3A_1079 : i32
      %parallel_loop3A_1081 = arith.constant 13 : i32
      %parallel_loop3A_1082 = arith.addi %parallel_loop3A_1080, %parallel_loop3A_1081 : i32
      %parallel_loop3A_1083 = arith.index_cast %parallel_loop3A_1082 : i32 to index
      %parallel_loop3A_1084 = arith.constant 80 : index
      %parallel_loop3A_1085 = tpu.vector_load %arg5[%parallel_loop3A_1083, %parallel_loop3A_1084] {strides = array<i32>} : memref<256x128xi32, #tpu.memory_space<vmem>>, vector<1x16xi32>,
      %parallel_loop3A_1086 = vector.shape_cast %parallel_loop3A_1085 : vector<1x16xi32> to vector<16xi32>
      %parallel_loop3A_1087 = vector.shape_cast %parallel_loop3A_1033 : vector<16xi32> to vector<1x16xi32>
      tpu.vector_store %arg5[%parallel_loop3A_1083, %parallel_loop3A_1084], %parallel_loop3A_1087 {strides = array<i32>} : memref<256x128xi32, #tpu.memory_space<vmem>>, vector<1x16xi32>,
      %parallel_loop3A_1088 = arith.constant 16 : i32
      %parallel_loop3A_1089 = arith.muli %parallel_loop3A_46, %parallel_loop3A_1088 : i32
      %parallel_loop3A_1090 = arith.constant 13 : i32
      %parallel_loop3A_1091 = arith.addi %parallel_loop3A_1089, %parallel_loop3A_1090 : i32
      %parallel_loop3A_1092 = arith.index_cast %parallel_loop3A_1091 : i32 to index
      %parallel_loop3A_1093 = arith.constant 96 : index
      %parallel_loop3A_1094 = tpu.vector_load %arg5[%parallel_loop3A_1092, %parallel_loop3A_1093] {strides = array<i32>} : memref<256x128xi32, #tpu.memory_space<vmem>>, vector<1x16xi32>,
      %parallel_loop3A_1095 = vector.shape_cast %parallel_loop3A_1094 : vector<1x16xi32> to vector<16xi32>
      %parallel_loop3A_1096 = vector.shape_cast %parallel_loop3A_1033 : vector<16xi32> to vector<1x16xi32>
      tpu.vector_store %arg5[%parallel_loop3A_1092, %parallel_loop3A_1093], %parallel_loop3A_1096 {strides = array<i32>} : memref<256x128xi32, #tpu.memory_space<vmem>>, vector<1x16xi32>,
      %parallel_loop3A_1097 = arith.constant 16 : i32
      %parallel_loop3A_1098 = arith.muli %parallel_loop3A_46, %parallel_loop3A_1097 : i32
      %parallel_loop3A_1099 = arith.constant 13 : i32
      %parallel_loop3A_1100 = arith.addi %parallel_loop3A_1098, %parallel_loop3A_1099 : i32
      %parallel_loop3A_1101 = arith.index_cast %parallel_loop3A_1100 : i32 to index
      %parallel_loop3A_1102 = arith.constant 112 : index
      %parallel_loop3A_1103 = tpu.vector_load %arg5[%parallel_loop3A_1101, %parallel_loop3A_1102] {strides = array<i32>} : memref<256x128xi32, #tpu.memory_space<vmem>>, vector<1x16xi32>,
      %parallel_loop3A_1104 = vector.shape_cast %parallel_loop3A_1103 : vector<1x16xi32> to vector<16xi32>
      %parallel_loop3A_1105 = vector.shape_cast %parallel_loop3A_1033 : vector<16xi32> to vector<1x16xi32>
      tpu.vector_store %arg5[%parallel_loop3A_1101, %parallel_loop3A_1102], %parallel_loop3A_1105 {strides = array<i32>} : memref<256x128xi32, #tpu.memory_space<vmem>>, vector<1x16xi32>,
      %parallel_loop3A_1106 = vector.extract_strided_slice %parallel_loop3A_55 {offsets = [14], sizes = [1], strides = [1]} : vector<16xi32> to vector<1xi32>
      %parallel_loop3A_1107 = vector.extract %parallel_loop3A_1106[0] : i32 from vector<1xi32>
      %parallel_loop3A_1108 = vector.broadcast %parallel_loop3A_1107 : i32 to vector<16xi32>
      %parallel_loop3A_1109 = arith.constant 16 : i32
      %parallel_loop3A_1110 = arith.muli %parallel_loop3A_46, %parallel_loop3A_1109 : i32
      %parallel_loop3A_1111 = arith.constant 14 : i32
      %parallel_loop3A_1112 = arith.addi %parallel_loop3A_1110, %parallel_loop3A_1111 : i32
      %parallel_loop3A_1113 = arith.index_cast %parallel_loop3A_1112 : i32 to index
      %parallel_loop3A_1114 = arith.constant 0 : index
      %parallel_loop3A_1115 = tpu.vector_load %arg5[%parallel_loop3A_1113, %parallel_loop3A_1114] {strides = array<i32>} : memref<256x128xi32, #tpu.memory_space<vmem>>, vector<1x16xi32>,
      %parallel_loop3A_1116 = vector.shape_cast %parallel_loop3A_1115 : vector<1x16xi32> to vector<16xi32>
      %parallel_loop3A_1117 = vector.shape_cast %parallel_loop3A_1108 : vector<16xi32> to vector<1x16xi32>
      tpu.vector_store %arg5[%parallel_loop3A_1113, %parallel_loop3A_1114], %parallel_loop3A_1117 {strides = array<i32>} : memref<256x128xi32, #tpu.memory_space<vmem>>, vector<1x16xi32>,
      %parallel_loop3A_1118 = arith.constant 16 : i32
      %parallel_loop3A_1119 = arith.muli %parallel_loop3A_46, %parallel_loop3A_1118 : i32
      %parallel_loop3A_1120 = arith.constant 14 : i32
      %parallel_loop3A_1121 = arith.addi %parallel_loop3A_1119, %parallel_loop3A_1120 : i32
      %parallel_loop3A_1122 = arith.index_cast %parallel_loop3A_1121 : i32 to index
      %parallel_loop3A_1123 = arith.constant 16 : index
      %parallel_loop3A_1124 = tpu.vector_load %arg5[%parallel_loop3A_1122, %parallel_loop3A_1123] {strides = array<i32>} : memref<256x128xi32, #tpu.memory_space<vmem>>, vector<1x16xi32>,
      %parallel_loop3A_1125 = vector.shape_cast %parallel_loop3A_1124 : vector<1x16xi32> to vector<16xi32>
      %parallel_loop3A_1126 = vector.shape_cast %parallel_loop3A_1108 : vector<16xi32> to vector<1x16xi32>
      tpu.vector_store %arg5[%parallel_loop3A_1122, %parallel_loop3A_1123], %parallel_loop3A_1126 {strides = array<i32>} : memref<256x128xi32, #tpu.memory_space<vmem>>, vector<1x16xi32>,
      %parallel_loop3A_1127 = arith.constant 16 : i32
      %parallel_loop3A_1128 = arith.muli %parallel_loop3A_46, %parallel_loop3A_1127 : i32
      %parallel_loop3A_1129 = arith.constant 14 : i32
      %parallel_loop3A_1130 = arith.addi %parallel_loop3A_1128, %parallel_loop3A_1129 : i32
      %parallel_loop3A_1131 = arith.index_cast %parallel_loop3A_1130 : i32 to index
      %parallel_loop3A_1132 = arith.constant 32 : index
      %parallel_loop3A_1133 = tpu.vector_load %arg5[%parallel_loop3A_1131, %parallel_loop3A_1132] {strides = array<i32>} : memref<256x128xi32, #tpu.memory_space<vmem>>, vector<1x16xi32>,
      %parallel_loop3A_1134 = vector.shape_cast %parallel_loop3A_1133 : vector<1x16xi32> to vector<16xi32>
      %parallel_loop3A_1135 = vector.shape_cast %parallel_loop3A_1108 : vector<16xi32> to vector<1x16xi32>
      tpu.vector_store %arg5[%parallel_loop3A_1131, %parallel_loop3A_1132], %parallel_loop3A_1135 {strides = array<i32>} : memref<256x128xi32, #tpu.memory_space<vmem>>, vector<1x16xi32>,
      %parallel_loop3A_1136 = arith.constant 16 : i32
      %parallel_loop3A_1137 = arith.muli %parallel_loop3A_46, %parallel_loop3A_1136 : i32
      %parallel_loop3A_1138 = arith.constant 14 : i32
      %parallel_loop3A_1139 = arith.addi %parallel_loop3A_1137, %parallel_loop3A_1138 : i32
      %parallel_loop3A_1140 = arith.index_cast %parallel_loop3A_1139 : i32 to index
      %parallel_loop3A_1141 = arith.constant 48 : index
      %parallel_loop3A_1142 = tpu.vector_load %arg5[%parallel_loop3A_1140, %parallel_loop3A_1141] {strides = array<i32>} : memref<256x128xi32, #tpu.memory_space<vmem>>, vector<1x16xi32>,
      %parallel_loop3A_1143 = vector.shape_cast %parallel_loop3A_1142 : vector<1x16xi32> to vector<16xi32>
      %parallel_loop3A_1144 = vector.shape_cast %parallel_loop3A_1108 : vector<16xi32> to vector<1x16xi32>
      tpu.vector_store %arg5[%parallel_loop3A_1140, %parallel_loop3A_1141], %parallel_loop3A_1144 {strides = array<i32>} : memref<256x128xi32, #tpu.memory_space<vmem>>, vector<1x16xi32>,
      %parallel_loop3A_1145 = arith.constant 16 : i32
      %parallel_loop3A_1146 = arith.muli %parallel_loop3A_46, %parallel_loop3A_1145 : i32
      %parallel_loop3A_1147 = arith.constant 14 : i32
      %parallel_loop3A_1148 = arith.addi %parallel_loop3A_1146, %parallel_loop3A_1147 : i32
      %parallel_loop3A_1149 = arith.index_cast %parallel_loop3A_1148 : i32 to index
      %parallel_loop3A_1150 = arith.constant 64 : index
      %parallel_loop3A_1151 = tpu.vector_load %arg5[%parallel_loop3A_1149, %parallel_loop3A_1150] {strides = array<i32>} : memref<256x128xi32, #tpu.memory_space<vmem>>, vector<1x16xi32>,
      %parallel_loop3A_1152 = vector.shape_cast %parallel_loop3A_1151 : vector<1x16xi32> to vector<16xi32>
      %parallel_loop3A_1153 = vector.shape_cast %parallel_loop3A_1108 : vector<16xi32> to vector<1x16xi32>
      tpu.vector_store %arg5[%parallel_loop3A_1149, %parallel_loop3A_1150], %parallel_loop3A_1153 {strides = array<i32>} : memref<256x128xi32, #tpu.memory_space<vmem>>, vector<1x16xi32>,
      %parallel_loop3A_1154 = arith.constant 16 : i32
      %parallel_loop3A_1155 = arith.muli %parallel_loop3A_46, %parallel_loop3A_1154 : i32
      %parallel_loop3A_1156 = arith.constant 14 : i32
      %parallel_loop3A_1157 = arith.addi %parallel_loop3A_1155, %parallel_loop3A_1156 : i32
      %parallel_loop3A_1158 = arith.index_cast %parallel_loop3A_1157 : i32 to index
      %parallel_loop3A_1159 = arith.constant 80 : index
      %parallel_loop3A_1160 = tpu.vector_load %arg5[%parallel_loop3A_1158, %parallel_loop3A_1159] {strides = array<i32>} : memref<256x128xi32, #tpu.memory_space<vmem>>, vector<1x16xi32>,
      %parallel_loop3A_1161 = vector.shape_cast %parallel_loop3A_1160 : vector<1x16xi32> to vector<16xi32>
      %parallel_loop3A_1162 = vector.shape_cast %parallel_loop3A_1108 : vector<16xi32> to vector<1x16xi32>
      tpu.vector_store %arg5[%parallel_loop3A_1158, %parallel_loop3A_1159], %parallel_loop3A_1162 {strides = array<i32>} : memref<256x128xi32, #tpu.memory_space<vmem>>, vector<1x16xi32>,
      %parallel_loop3A_1163 = arith.constant 16 : i32
      %parallel_loop3A_1164 = arith.muli %parallel_loop3A_46, %parallel_loop3A_1163 : i32
      %parallel_loop3A_1165 = arith.constant 14 : i32
      %parallel_loop3A_1166 = arith.addi %parallel_loop3A_1164, %parallel_loop3A_1165 : i32
      %parallel_loop3A_1167 = arith.index_cast %parallel_loop3A_1166 : i32 to index
      %parallel_loop3A_1168 = arith.constant 96 : index
      %parallel_loop3A_1169 = tpu.vector_load %arg5[%parallel_loop3A_1167, %parallel_loop3A_1168] {strides = array<i32>} : memref<256x128xi32, #tpu.memory_space<vmem>>, vector<1x16xi32>,
      %parallel_loop3A_1170 = vector.shape_cast %parallel_loop3A_1169 : vector<1x16xi32> to vector<16xi32>
      %parallel_loop3A_1171 = vector.shape_cast %parallel_loop3A_1108 : vector<16xi32> to vector<1x16xi32>
      tpu.vector_store %arg5[%parallel_loop3A_1167, %parallel_loop3A_1168], %parallel_loop3A_1171 {strides = array<i32>} : memref<256x128xi32, #tpu.memory_space<vmem>>, vector<1x16xi32>,
      %parallel_loop3A_1172 = arith.constant 16 : i32
      %parallel_loop3A_1173 = arith.muli %parallel_loop3A_46, %parallel_loop3A_1172 : i32
      %parallel_loop3A_1174 = arith.constant 14 : i32
      %parallel_loop3A_1175 = arith.addi %parallel_loop3A_1173, %parallel_loop3A_1174 : i32
      %parallel_loop3A_1176 = arith.index_cast %parallel_loop3A_1175 : i32 to index
      %parallel_loop3A_1177 = arith.constant 112 : index
      %parallel_loop3A_1178 = tpu.vector_load %arg5[%parallel_loop3A_1176, %parallel_loop3A_1177] {strides = array<i32>} : memref<256x128xi32, #tpu.memory_space<vmem>>, vector<1x16xi32>,
      %parallel_loop3A_1179 = vector.shape_cast %parallel_loop3A_1178 : vector<1x16xi32> to vector<16xi32>
      %parallel_loop3A_1180 = vector.shape_cast %parallel_loop3A_1108 : vector<16xi32> to vector<1x16xi32>
      tpu.vector_store %arg5[%parallel_loop3A_1176, %parallel_loop3A_1177], %parallel_loop3A_1180 {strides = array<i32>} : memref<256x128xi32, #tpu.memory_space<vmem>>, vector<1x16xi32>,
      %parallel_loop3A_1181 = vector.extract_strided_slice %parallel_loop3A_55 {offsets = [15], sizes = [1], strides = [1]} : vector<16xi32> to vector<1xi32>
      %parallel_loop3A_1182 = vector.extract %parallel_loop3A_1181[0] : i32 from vector<1xi32>
      %parallel_loop3A_1183 = vector.broadcast %parallel_loop3A_1182 : i32 to vector<16xi32>
      %parallel_loop3A_1184 = arith.constant 16 : i32
      %parallel_loop3A_1185 = arith.muli %parallel_loop3A_46, %parallel_loop3A_1184 : i32
      %parallel_loop3A_1186 = arith.constant 15 : i32
      %parallel_loop3A_1187 = arith.addi %parallel_loop3A_1185, %parallel_loop3A_1186 : i32
      %parallel_loop3A_1188 = arith.index_cast %parallel_loop3A_1187 : i32 to index
      %parallel_loop3A_1189 = arith.constant 0 : index
      %parallel_loop3A_1190 = tpu.vector_load %arg5[%parallel_loop3A_1188, %parallel_loop3A_1189] {strides = array<i32>} : memref<256x128xi32, #tpu.memory_space<vmem>>, vector<1x16xi32>,
      %parallel_loop3A_1191 = vector.shape_cast %parallel_loop3A_1190 : vector<1x16xi32> to vector<16xi32>
      %parallel_loop3A_1192 = vector.shape_cast %parallel_loop3A_1183 : vector<16xi32> to vector<1x16xi32>
      tpu.vector_store %arg5[%parallel_loop3A_1188, %parallel_loop3A_1189], %parallel_loop3A_1192 {strides = array<i32>} : memref<256x128xi32, #tpu.memory_space<vmem>>, vector<1x16xi32>,
      %parallel_loop3A_1193 = arith.constant 16 : i32
      %parallel_loop3A_1194 = arith.muli %parallel_loop3A_46, %parallel_loop3A_1193 : i32
      %parallel_loop3A_1195 = arith.constant 15 : i32
      %parallel_loop3A_1196 = arith.addi %parallel_loop3A_1194, %parallel_loop3A_1195 : i32
      %parallel_loop3A_1197 = arith.index_cast %parallel_loop3A_1196 : i32 to index
      %parallel_loop3A_1198 = arith.constant 16 : index
      %parallel_loop3A_1199 = tpu.vector_load %arg5[%parallel_loop3A_1197, %parallel_loop3A_1198] {strides = array<i32>} : memref<256x128xi32, #tpu.memory_space<vmem>>, vector<1x16xi32>,
      %parallel_loop3A_1200 = vector.shape_cast %parallel_loop3A_1199 : vector<1x16xi32> to vector<16xi32>
      %parallel_loop3A_1201 = vector.shape_cast %parallel_loop3A_1183 : vector<16xi32> to vector<1x16xi32>
      tpu.vector_store %arg5[%parallel_loop3A_1197, %parallel_loop3A_1198], %parallel_loop3A_1201 {strides = array<i32>} : memref<256x128xi32, #tpu.memory_space<vmem>>, vector<1x16xi32>,
      %parallel_loop3A_1202 = arith.constant 16 : i32
      %parallel_loop3A_1203 = arith.muli %parallel_loop3A_46, %parallel_loop3A_1202 : i32
      %parallel_loop3A_1204 = arith.constant 15 : i32
      %parallel_loop3A_1205 = arith.addi %parallel_loop3A_1203, %parallel_loop3A_1204 : i32
      %parallel_loop3A_1206 = arith.index_cast %parallel_loop3A_1205 : i32 to index
      %parallel_loop3A_1207 = arith.constant 32 : index
      %parallel_loop3A_1208 = tpu.vector_load %arg5[%parallel_loop3A_1206, %parallel_loop3A_1207] {strides = array<i32>} : memref<256x128xi32, #tpu.memory_space<vmem>>, vector<1x16xi32>,
      %parallel_loop3A_1209 = vector.shape_cast %parallel_loop3A_1208 : vector<1x16xi32> to vector<16xi32>
      %parallel_loop3A_1210 = vector.shape_cast %parallel_loop3A_1183 : vector<16xi32> to vector<1x16xi32>
      tpu.vector_store %arg5[%parallel_loop3A_1206, %parallel_loop3A_1207], %parallel_loop3A_1210 {strides = array<i32>} : memref<256x128xi32, #tpu.memory_space<vmem>>, vector<1x16xi32>,
      %parallel_loop3A_1211 = arith.constant 16 : i32
      %parallel_loop3A_1212 = arith.muli %parallel_loop3A_46, %parallel_loop3A_1211 : i32
      %parallel_loop3A_1213 = arith.constant 15 : i32
      %parallel_loop3A_1214 = arith.addi %parallel_loop3A_1212, %parallel_loop3A_1213 : i32
      %parallel_loop3A_1215 = arith.index_cast %parallel_loop3A_1214 : i32 to index
      %parallel_loop3A_1216 = arith.constant 48 : index
      %parallel_loop3A_1217 = tpu.vector_load %arg5[%parallel_loop3A_1215, %parallel_loop3A_1216] {strides = array<i32>} : memref<256x128xi32, #tpu.memory_space<vmem>>, vector<1x16xi32>,
      %parallel_loop3A_1218 = vector.shape_cast %parallel_loop3A_1217 : vector<1x16xi32> to vector<16xi32>
      %parallel_loop3A_1219 = vector.shape_cast %parallel_loop3A_1183 : vector<16xi32> to vector<1x16xi32>
      tpu.vector_store %arg5[%parallel_loop3A_1215, %parallel_loop3A_1216], %parallel_loop3A_1219 {strides = array<i32>} : memref<256x128xi32, #tpu.memory_space<vmem>>, vector<1x16xi32>,
      %parallel_loop3A_1220 = arith.constant 16 : i32
      %parallel_loop3A_1221 = arith.muli %parallel_loop3A_46, %parallel_loop3A_1220 : i32
      %parallel_loop3A_1222 = arith.constant 15 : i32
      %parallel_loop3A_1223 = arith.addi %parallel_loop3A_1221, %parallel_loop3A_1222 : i32
      %parallel_loop3A_1224 = arith.index_cast %parallel_loop3A_1223 : i32 to index
      %parallel_loop3A_1225 = arith.constant 64 : index
      %parallel_loop3A_1226 = tpu.vector_load %arg5[%parallel_loop3A_1224, %parallel_loop3A_1225] {strides = array<i32>} : memref<256x128xi32, #tpu.memory_space<vmem>>, vector<1x16xi32>,
      %parallel_loop3A_1227 = vector.shape_cast %parallel_loop3A_1226 : vector<1x16xi32> to vector<16xi32>
      %parallel_loop3A_1228 = vector.shape_cast %parallel_loop3A_1183 : vector<16xi32> to vector<1x16xi32>
      tpu.vector_store %arg5[%parallel_loop3A_1224, %parallel_loop3A_1225], %parallel_loop3A_1228 {strides = array<i32>} : memref<256x128xi32, #tpu.memory_space<vmem>>, vector<1x16xi32>,
      %parallel_loop3A_1229 = arith.constant 16 : i32
      %parallel_loop3A_1230 = arith.muli %parallel_loop3A_46, %parallel_loop3A_1229 : i32
      %parallel_loop3A_1231 = arith.constant 15 : i32
      %parallel_loop3A_1232 = arith.addi %parallel_loop3A_1230, %parallel_loop3A_1231 : i32
      %parallel_loop3A_1233 = arith.index_cast %parallel_loop3A_1232 : i32 to index
      %parallel_loop3A_1234 = arith.constant 80 : index
      %parallel_loop3A_1235 = tpu.vector_load %arg5[%parallel_loop3A_1233, %parallel_loop3A_1234] {strides = array<i32>} : memref<256x128xi32, #tpu.memory_space<vmem>>, vector<1x16xi32>,
      %parallel_loop3A_1236 = vector.shape_cast %parallel_loop3A_1235 : vector<1x16xi32> to vector<16xi32>
      %parallel_loop3A_1237 = vector.shape_cast %parallel_loop3A_1183 : vector<16xi32> to vector<1x16xi32>
      tpu.vector_store %arg5[%parallel_loop3A_1233, %parallel_loop3A_1234], %parallel_loop3A_1237 {strides = array<i32>} : memref<256x128xi32, #tpu.memory_space<vmem>>, vector<1x16xi32>,
      %parallel_loop3A_1238 = arith.constant 16 : i32
      %parallel_loop3A_1239 = arith.muli %parallel_loop3A_46, %parallel_loop3A_1238 : i32
      %parallel_loop3A_1240 = arith.constant 15 : i32
      %parallel_loop3A_1241 = arith.addi %parallel_loop3A_1239, %parallel_loop3A_1240 : i32
      %parallel_loop3A_1242 = arith.index_cast %parallel_loop3A_1241 : i32 to index
      %parallel_loop3A_1243 = arith.constant 96 : index
      %parallel_loop3A_1244 = tpu.vector_load %arg5[%parallel_loop3A_1242, %parallel_loop3A_1243] {strides = array<i32>} : memref<256x128xi32, #tpu.memory_space<vmem>>, vector<1x16xi32>,
      %parallel_loop3A_1245 = vector.shape_cast %parallel_loop3A_1244 : vector<1x16xi32> to vector<16xi32>
      %parallel_loop3A_1246 = vector.shape_cast %parallel_loop3A_1183 : vector<16xi32> to vector<1x16xi32>
      tpu.vector_store %arg5[%parallel_loop3A_1242, %parallel_loop3A_1243], %parallel_loop3A_1246 {strides = array<i32>} : memref<256x128xi32, #tpu.memory_space<vmem>>, vector<1x16xi32>,
      %parallel_loop3A_1247 = arith.constant 16 : i32
      %parallel_loop3A_1248 = arith.muli %parallel_loop3A_46, %parallel_loop3A_1247 : i32
      %parallel_loop3A_1249 = arith.constant 15 : i32
      %parallel_loop3A_1250 = arith.addi %parallel_loop3A_1248, %parallel_loop3A_1249 : i32
      %parallel_loop3A_1251 = arith.index_cast %parallel_loop3A_1250 : i32 to index
      %parallel_loop3A_1252 = arith.constant 112 : index
      %parallel_loop3A_1253 = tpu.vector_load %arg5[%parallel_loop3A_1251, %parallel_loop3A_1252] {strides = array<i32>} : memref<256x128xi32, #tpu.memory_space<vmem>>, vector<1x16xi32>,
      %parallel_loop3A_1254 = vector.shape_cast %parallel_loop3A_1253 : vector<1x16xi32> to vector<16xi32>
      %parallel_loop3A_1255 = vector.shape_cast %parallel_loop3A_1183 : vector<16xi32> to vector<1x16xi32>
      tpu.vector_store %arg5[%parallel_loop3A_1251, %parallel_loop3A_1252], %parallel_loop3A_1255 {strides = array<i32>} : memref<256x128xi32, #tpu.memory_space<vmem>>, vector<1x16xi32>,
    } {sc.loop_unroll_factor = 2 : i64, sc.parallel_access}
    %add3A_5 = arith.constant 0 : i32
    %add3A_6 = arith.addi %mul3A_2, %add3A_5 : i32
    %dma_start3A = arith.constant 0 : i32
    %dma_start3A_7 = tpu.memref_slice %arg3[%add3A_6, %dma_start3A] : memref<16384x256xi32, #tpu.memory_space<hbm>> -> memref<256x128xi32, #tpu.memory_space<hbm>>
    %dma_start3A_8 = arith.constant 0 : i32
    %dma_start3A_9 = tpu.memref_slice %arg3[%add3A_6, %dma_start3A_8] : memref<16384x256xi32, #tpu.memory_space<hbm>> -> memref<256x128xi32, #tpu.memory_space<hbm>>
    tpu.enqueue_dma source(%arg5 : memref<256x128xi32, #tpu.memory_space<vmem>>) target(%dma_start3A_9 : memref<256x128xi32, #tpu.memory_space<hbm>>) target_semaphore(%arg7 : memref<!tpu.dma_semaphore, #tpu.memory_space<semaphore_mem>>)
    %add3A_10 = arith.constant 0 : i32
    %add3A_11 = arith.addi %mul3A_2, %add3A_10 : i32
    %dma_start3A_12 = arith.constant 128 : i32
    %dma_start3A_13 = tpu.memref_slice %arg3[%add3A_11, %dma_start3A_12] : memref<16384x256xi32, #tpu.memory_space<hbm>> -> memref<256x128xi32, #tpu.memory_space<hbm>>
    %dma_start3A_14 = arith.constant 128 : i32
    %dma_start3A_15 = tpu.memref_slice %arg3[%add3A_11, %dma_start3A_14] : memref<16384x256xi32, #tpu.memory_space<hbm>> -> memref<256x128xi32, #tpu.memory_space<hbm>>
    tpu.enqueue_dma source(%arg5 : memref<256x128xi32, #tpu.memory_space<vmem>>) target(%dma_start3A_15 : memref<256x128xi32, #tpu.memory_space<hbm>>) target_semaphore(%arg7 : memref<!tpu.dma_semaphore, #tpu.memory_space<semaphore_mem>>)
    %parallel_loop3A_16 = arith.constant 0 : i32
    %parallel_loop3A_17 = arith.constant 16 : i32
    %parallel_loop3A_18 = arith.constant 1 : i32
    scf.for %parallel_loop3A_46 = %parallel_loop3A_16 to %parallel_loop3A_17 step %parallel_loop3A_18  : i32 {
      %parallel_loop3A_47 = arith.constant 16 : i32
      %parallel_loop3A_48 = arith.muli %parallel_loop3A_46, %parallel_loop3A_47 : i32
      %parallel_loop3A_49 = arith.constant 256 : i32
      %parallel_loop3A_50 = arith.addi %parallel_loop3A_49, %parallel_loop3A_48 : i32
      %parallel_loop3A_51 = arith.constant 0 : i32
      %parallel_loop3A_52 = arith.index_cast %parallel_loop3A_51 : i32 to index
      %parallel_loop3A_53 = arith.index_cast %parallel_loop3A_50 : i32 to index
      %parallel_loop3A_54 = tpu.vector_load %arg4[%parallel_loop3A_52, %parallel_loop3A_53] {strides = array<i32>} : memref<8x512xi32, #tpu.memory_space<vmem>>, vector<1x16xi32>,
      %parallel_loop3A_55 = vector.shape_cast %parallel_loop3A_54 : vector<1x16xi32> to vector<16xi32>
      %parallel_loop3A_56 = vector.extract_strided_slice %parallel_loop3A_55 {offsets = [0], sizes = [1], strides = [1]} : vector<16xi32> to vector<1xi32>
      %parallel_loop3A_57 = vector.extract %parallel_loop3A_56[0] : i32 from vector<1xi32>
      %parallel_loop3A_58 = vector.broadcast %parallel_loop3A_57 : i32 to vector<16xi32>
      %parallel_loop3A_59 = arith.constant 16 : i32
      %parallel_loop3A_60 = arith.muli %parallel_loop3A_46, %parallel_loop3A_59 : i32
      %parallel_loop3A_61 = arith.constant 0 : i32
      %parallel_loop3A_62 = arith.addi %parallel_loop3A_60, %parallel_loop3A_61 : i32
      %parallel_loop3A_63 = arith.index_cast %parallel_loop3A_62 : i32 to index
      %parallel_loop3A_64 = arith.constant 0 : index
      %parallel_loop3A_65 = tpu.vector_load %arg6[%parallel_loop3A_63, %parallel_loop3A_64] {strides = array<i32>} : memref<256x128xi32, #tpu.memory_space<vmem>>, vector<1x16xi32>,
      %parallel_loop3A_66 = vector.shape_cast %parallel_loop3A_65 : vector<1x16xi32> to vector<16xi32>
      %parallel_loop3A_67 = vector.shape_cast %parallel_loop3A_58 : vector<16xi32> to vector<1x16xi32>
      tpu.vector_store %arg6[%parallel_loop3A_63, %parallel_loop3A_64], %parallel_loop3A_67 {strides = array<i32>} : memref<256x128xi32, #tpu.memory_space<vmem>>, vector<1x16xi32>,
      %parallel_loop3A_68 = arith.constant 16 : i32
      %parallel_loop3A_69 = arith.muli %parallel_loop3A_46, %parallel_loop3A_68 : i32
      %parallel_loop3A_70 = arith.constant 0 : i32
      %parallel_loop3A_71 = arith.addi %parallel_loop3A_69, %parallel_loop3A_70 : i32
      %parallel_loop3A_72 = arith.index_cast %parallel_loop3A_71 : i32 to index
      %parallel_loop3A_73 = arith.constant 16 : index
      %parallel_loop3A_74 = tpu.vector_load %arg6[%parallel_loop3A_72, %parallel_loop3A_73] {strides = array<i32>} : memref<256x128xi32, #tpu.memory_space<vmem>>, vector<1x16xi32>,
      %parallel_loop3A_75 = vector.shape_cast %parallel_loop3A_74 : vector<1x16xi32> to vector<16xi32>
      %parallel_loop3A_76 = vector.shape_cast %parallel_loop3A_58 : vector<16xi32> to vector<1x16xi32>
      tpu.vector_store %arg6[%parallel_loop3A_72, %parallel_loop3A_73], %parallel_loop3A_76 {strides = array<i32>} : memref<256x128xi32, #tpu.memory_space<vmem>>, vector<1x16xi32>,
      %parallel_loop3A_77 = arith.constant 16 : i32
      %parallel_loop3A_78 = arith.muli %parallel_loop3A_46, %parallel_loop3A_77 : i32
      %parallel_loop3A_79 = arith.constant 0 : i32
      %parallel_loop3A_80 = arith.addi %parallel_loop3A_78, %parallel_loop3A_79 : i32
      %parallel_loop3A_81 = arith.index_cast %parallel_loop3A_80 : i32 to index
      %parallel_loop3A_82 = arith.constant 32 : index
      %parallel_loop3A_83 = tpu.vector_load %arg6[%parallel_loop3A_81, %parallel_loop3A_82] {strides = array<i32>} : memref<256x128xi32, #tpu.memory_space<vmem>>, vector<1x16xi32>,
      %parallel_loop3A_84 = vector.shape_cast %parallel_loop3A_83 : vector<1x16xi32> to vector<16xi32>
      %parallel_loop3A_85 = vector.shape_cast %parallel_loop3A_58 : vector<16xi32> to vector<1x16xi32>
      tpu.vector_store %arg6[%parallel_loop3A_81, %parallel_loop3A_82], %parallel_loop3A_85 {strides = array<i32>} : memref<256x128xi32, #tpu.memory_space<vmem>>, vector<1x16xi32>,
      %parallel_loop3A_86 = arith.constant 16 : i32
      %parallel_loop3A_87 = arith.muli %parallel_loop3A_46, %parallel_loop3A_86 : i32
      %parallel_loop3A_88 = arith.constant 0 : i32
      %parallel_loop3A_89 = arith.addi %parallel_loop3A_87, %parallel_loop3A_88 : i32
      %parallel_loop3A_90 = arith.index_cast %parallel_loop3A_89 : i32 to index
      %parallel_loop3A_91 = arith.constant 48 : index
      %parallel_loop3A_92 = tpu.vector_load %arg6[%parallel_loop3A_90, %parallel_loop3A_91] {strides = array<i32>} : memref<256x128xi32, #tpu.memory_space<vmem>>, vector<1x16xi32>,
      %parallel_loop3A_93 = vector.shape_cast %parallel_loop3A_92 : vector<1x16xi32> to vector<16xi32>
      %parallel_loop3A_94 = vector.shape_cast %parallel_loop3A_58 : vector<16xi32> to vector<1x16xi32>
      tpu.vector_store %arg6[%parallel_loop3A_90, %parallel_loop3A_91], %parallel_loop3A_94 {strides = array<i32>} : memref<256x128xi32, #tpu.memory_space<vmem>>, vector<1x16xi32>,
      %parallel_loop3A_95 = arith.constant 16 : i32
      %parallel_loop3A_96 = arith.muli %parallel_loop3A_46, %parallel_loop3A_95 : i32
      %parallel_loop3A_97 = arith.constant 0 : i32
      %parallel_loop3A_98 = arith.addi %parallel_loop3A_96, %parallel_loop3A_97 : i32
      %parallel_loop3A_99 = arith.index_cast %parallel_loop3A_98 : i32 to index
      %parallel_loop3A_100 = arith.constant 64 : index
      %parallel_loop3A_101 = tpu.vector_load %arg6[%parallel_loop3A_99, %parallel_loop3A_100] {strides = array<i32>} : memref<256x128xi32, #tpu.memory_space<vmem>>, vector<1x16xi32>,
      %parallel_loop3A_102 = vector.shape_cast %parallel_loop3A_101 : vector<1x16xi32> to vector<16xi32>
      %parallel_loop3A_103 = vector.shape_cast %parallel_loop3A_58 : vector<16xi32> to vector<1x16xi32>
      tpu.vector_store %arg6[%parallel_loop3A_99, %parallel_loop3A_100], %parallel_loop3A_103 {strides = array<i32>} : memref<256x128xi32, #tpu.memory_space<vmem>>, vector<1x16xi32>,
      %parallel_loop3A_104 = arith.constant 16 : i32
      %parallel_loop3A_105 = arith.muli %parallel_loop3A_46, %parallel_loop3A_104 : i32
      %parallel_loop3A_106 = arith.constant 0 : i32
      %parallel_loop3A_107 = arith.addi %parallel_loop3A_105, %parallel_loop3A_106 : i32
      %parallel_loop3A_108 = arith.index_cast %parallel_loop3A_107 : i32 to index
      %parallel_loop3A_109 = arith.constant 80 : index
      %parallel_loop3A_110 = tpu.vector_load %arg6[%parallel_loop3A_108, %parallel_loop3A_109] {strides = array<i32>} : memref<256x128xi32, #tpu.memory_space<vmem>>, vector<1x16xi32>,
      %parallel_loop3A_111 = vector.shape_cast %parallel_loop3A_110 : vector<1x16xi32> to vector<16xi32>
      %parallel_loop3A_112 = vector.shape_cast %parallel_loop3A_58 : vector<16xi32> to vector<1x16xi32>
      tpu.vector_store %arg6[%parallel_loop3A_108, %parallel_loop3A_109], %parallel_loop3A_112 {strides = array<i32>} : memref<256x128xi32, #tpu.memory_space<vmem>>, vector<1x16xi32>,
      %parallel_loop3A_113 = arith.constant 16 : i32
      %parallel_loop3A_114 = arith.muli %parallel_loop3A_46, %parallel_loop3A_113 : i32
      %parallel_loop3A_115 = arith.constant 0 : i32
      %parallel_loop3A_116 = arith.addi %parallel_loop3A_114, %parallel_loop3A_115 : i32
      %parallel_loop3A_117 = arith.index_cast %parallel_loop3A_116 : i32 to index
      %parallel_loop3A_118 = arith.constant 96 : index
      %parallel_loop3A_119 = tpu.vector_load %arg6[%parallel_loop3A_117, %parallel_loop3A_118] {strides = array<i32>} : memref<256x128xi32, #tpu.memory_space<vmem>>, vector<1x16xi32>,
      %parallel_loop3A_120 = vector.shape_cast %parallel_loop3A_119 : vector<1x16xi32> to vector<16xi32>
      %parallel_loop3A_121 = vector.shape_cast %parallel_loop3A_58 : vector<16xi32> to vector<1x16xi32>
      tpu.vector_store %arg6[%parallel_loop3A_117, %parallel_loop3A_118], %parallel_loop3A_121 {strides = array<i32>} : memref<256x128xi32, #tpu.memory_space<vmem>>, vector<1x16xi32>,
      %parallel_loop3A_122 = arith.constant 16 : i32
      %parallel_loop3A_123 = arith.muli %parallel_loop3A_46, %parallel_loop3A_122 : i32
      %parallel_loop3A_124 = arith.constant 0 : i32
      %parallel_loop3A_125 = arith.addi %parallel_loop3A_123, %parallel_loop3A_124 : i32
      %parallel_loop3A_126 = arith.index_cast %parallel_loop3A_125 : i32 to index
      %parallel_loop3A_127 = arith.constant 112 : index
      %parallel_loop3A_128 = tpu.vector_load %arg6[%parallel_loop3A_126, %parallel_loop3A_127] {strides = array<i32>} : memref<256x128xi32, #tpu.memory_space<vmem>>, vector<1x16xi32>,
      %parallel_loop3A_129 = vector.shape_cast %parallel_loop3A_128 : vector<1x16xi32> to vector<16xi32>
      %parallel_loop3A_130 = vector.shape_cast %parallel_loop3A_58 : vector<16xi32> to vector<1x16xi32>
      tpu.vector_store %arg6[%parallel_loop3A_126, %parallel_loop3A_127], %parallel_loop3A_130 {strides = array<i32>} : memref<256x128xi32, #tpu.memory_space<vmem>>, vector<1x16xi32>,
      %parallel_loop3A_131 = vector.extract_strided_slice %parallel_loop3A_55 {offsets = [1], sizes = [1], strides = [1]} : vector<16xi32> to vector<1xi32>
      %parallel_loop3A_132 = vector.extract %parallel_loop3A_131[0] : i32 from vector<1xi32>
      %parallel_loop3A_133 = vector.broadcast %parallel_loop3A_132 : i32 to vector<16xi32>
      %parallel_loop3A_134 = arith.constant 16 : i32
      %parallel_loop3A_135 = arith.muli %parallel_loop3A_46, %parallel_loop3A_134 : i32
      %parallel_loop3A_136 = arith.constant 1 : i32
      %parallel_loop3A_137 = arith.addi %parallel_loop3A_135, %parallel_loop3A_136 : i32
      %parallel_loop3A_138 = arith.index_cast %parallel_loop3A_137 : i32 to index
      %parallel_loop3A_139 = arith.constant 0 : index
      %parallel_loop3A_140 = tpu.vector_load %arg6[%parallel_loop3A_138, %parallel_loop3A_139] {strides = array<i32>} : memref<256x128xi32, #tpu.memory_space<vmem>>, vector<1x16xi32>,
      %parallel_loop3A_141 = vector.shape_cast %parallel_loop3A_140 : vector<1x16xi32> to vector<16xi32>
      %parallel_loop3A_142 = vector.shape_cast %parallel_loop3A_133 : vector<16xi32> to vector<1x16xi32>
      tpu.vector_store %arg6[%parallel_loop3A_138, %parallel_loop3A_139], %parallel_loop3A_142 {strides = array<i32>} : memref<256x128xi32, #tpu.memory_space<vmem>>, vector<1x16xi32>,
      %parallel_loop3A_143 = arith.constant 16 : i32
      %parallel_loop3A_144 = arith.muli %parallel_loop3A_46, %parallel_loop3A_143 : i32
      %parallel_loop3A_145 = arith.constant 1 : i32
      %parallel_loop3A_146 = arith.addi %parallel_loop3A_144, %parallel_loop3A_145 : i32
      %parallel_loop3A_147 = arith.index_cast %parallel_loop3A_146 : i32 to index
      %parallel_loop3A_148 = arith.constant 16 : index
      %parallel_loop3A_149 = tpu.vector_load %arg6[%parallel_loop3A_147, %parallel_loop3A_148] {strides = array<i32>} : memref<256x128xi32, #tpu.memory_space<vmem>>, vector<1x16xi32>,
      %parallel_loop3A_150 = vector.shape_cast %parallel_loop3A_149 : vector<1x16xi32> to vector<16xi32>
      %parallel_loop3A_151 = vector.shape_cast %parallel_loop3A_133 : vector<16xi32> to vector<1x16xi32>
      tpu.vector_store %arg6[%parallel_loop3A_147, %parallel_loop3A_148], %parallel_loop3A_151 {strides = array<i32>} : memref<256x128xi32, #tpu.memory_space<vmem>>, vector<1x16xi32>,
      %parallel_loop3A_152 = arith.constant 16 : i32
      %parallel_loop3A_153 = arith.muli %parallel_loop3A_46, %parallel_loop3A_152 : i32
      %parallel_loop3A_154 = arith.constant 1 : i32
      %parallel_loop3A_155 = arith.addi %parallel_loop3A_153, %parallel_loop3A_154 : i32
      %parallel_loop3A_156 = arith.index_cast %parallel_loop3A_155 : i32 to index
      %parallel_loop3A_157 = arith.constant 32 : index
      %parallel_loop3A_158 = tpu.vector_load %arg6[%parallel_loop3A_156, %parallel_loop3A_157] {strides = array<i32>} : memref<256x128xi32, #tpu.memory_space<vmem>>, vector<1x16xi32>,
      %parallel_loop3A_159 = vector.shape_cast %parallel_loop3A_158 : vector<1x16xi32> to vector<16xi32>
      %parallel_loop3A_160 = vector.shape_cast %parallel_loop3A_133 : vector<16xi32> to vector<1x16xi32>
      tpu.vector_store %arg6[%parallel_loop3A_156, %parallel_loop3A_157], %parallel_loop3A_160 {strides = array<i32>} : memref<256x128xi32, #tpu.memory_space<vmem>>, vector<1x16xi32>,
      %parallel_loop3A_161 = arith.constant 16 : i32
      %parallel_loop3A_162 = arith.muli %parallel_loop3A_46, %parallel_loop3A_161 : i32
      %parallel_loop3A_163 = arith.constant 1 : i32
      %parallel_loop3A_164 = arith.addi %parallel_loop3A_162, %parallel_loop3A_163 : i32
      %parallel_loop3A_165 = arith.index_cast %parallel_loop3A_164 : i32 to index
      %parallel_loop3A_166 = arith.constant 48 : index
      %parallel_loop3A_167 = tpu.vector_load %arg6[%parallel_loop3A_165, %parallel_loop3A_166] {strides = array<i32>} : memref<256x128xi32, #tpu.memory_space<vmem>>, vector<1x16xi32>,
      %parallel_loop3A_168 = vector.shape_cast %parallel_loop3A_167 : vector<1x16xi32> to vector<16xi32>
      %parallel_loop3A_169 = vector.shape_cast %parallel_loop3A_133 : vector<16xi32> to vector<1x16xi32>
      tpu.vector_store %arg6[%parallel_loop3A_165, %parallel_loop3A_166], %parallel_loop3A_169 {strides = array<i32>} : memref<256x128xi32, #tpu.memory_space<vmem>>, vector<1x16xi32>,
      %parallel_loop3A_170 = arith.constant 16 : i32
      %parallel_loop3A_171 = arith.muli %parallel_loop3A_46, %parallel_loop3A_170 : i32
      %parallel_loop3A_172 = arith.constant 1 : i32
      %parallel_loop3A_173 = arith.addi %parallel_loop3A_171, %parallel_loop3A_172 : i32
      %parallel_loop3A_174 = arith.index_cast %parallel_loop3A_173 : i32 to index
      %parallel_loop3A_175 = arith.constant 64 : index
      %parallel_loop3A_176 = tpu.vector_load %arg6[%parallel_loop3A_174, %parallel_loop3A_175] {strides = array<i32>} : memref<256x128xi32, #tpu.memory_space<vmem>>, vector<1x16xi32>,
      %parallel_loop3A_177 = vector.shape_cast %parallel_loop3A_176 : vector<1x16xi32> to vector<16xi32>
      %parallel_loop3A_178 = vector.shape_cast %parallel_loop3A_133 : vector<16xi32> to vector<1x16xi32>
      tpu.vector_store %arg6[%parallel_loop3A_174, %parallel_loop3A_175], %parallel_loop3A_178 {strides = array<i32>} : memref<256x128xi32, #tpu.memory_space<vmem>>, vector<1x16xi32>,
      %parallel_loop3A_179 = arith.constant 16 : i32
      %parallel_loop3A_180 = arith.muli %parallel_loop3A_46, %parallel_loop3A_179 : i32
      %parallel_loop3A_181 = arith.constant 1 : i32
      %parallel_loop3A_182 = arith.addi %parallel_loop3A_180, %parallel_loop3A_181 : i32
      %parallel_loop3A_183 = arith.index_cast %parallel_loop3A_182 : i32 to index
      %parallel_loop3A_184 = arith.constant 80 : index
      %parallel_loop3A_185 = tpu.vector_load %arg6[%parallel_loop3A_183, %parallel_loop3A_184] {strides = array<i32>} : memref<256x128xi32, #tpu.memory_space<vmem>>, vector<1x16xi32>,
      %parallel_loop3A_186 = vector.shape_cast %parallel_loop3A_185 : vector<1x16xi32> to vector<16xi32>
      %parallel_loop3A_187 = vector.shape_cast %parallel_loop3A_133 : vector<16xi32> to vector<1x16xi32>
      tpu.vector_store %arg6[%parallel_loop3A_183, %parallel_loop3A_184], %parallel_loop3A_187 {strides = array<i32>} : memref<256x128xi32, #tpu.memory_space<vmem>>, vector<1x16xi32>,
      %parallel_loop3A_188 = arith.constant 16 : i32
      %parallel_loop3A_189 = arith.muli %parallel_loop3A_46, %parallel_loop3A_188 : i32
      %parallel_loop3A_190 = arith.constant 1 : i32
      %parallel_loop3A_191 = arith.addi %parallel_loop3A_189, %parallel_loop3A_190 : i32
      %parallel_loop3A_192 = arith.index_cast %parallel_loop3A_191 : i32 to index
      %parallel_loop3A_193 = arith.constant 96 : index
      %parallel_loop3A_194 = tpu.vector_load %arg6[%parallel_loop3A_192, %parallel_loop3A_193] {strides = array<i32>} : memref<256x128xi32, #tpu.memory_space<vmem>>, vector<1x16xi32>,
      %parallel_loop3A_195 = vector.shape_cast %parallel_loop3A_194 : vector<1x16xi32> to vector<16xi32>
      %parallel_loop3A_196 = vector.shape_cast %parallel_loop3A_133 : vector<16xi32> to vector<1x16xi32>
      tpu.vector_store %arg6[%parallel_loop3A_192, %parallel_loop3A_193], %parallel_loop3A_196 {strides = array<i32>} : memref<256x128xi32, #tpu.memory_space<vmem>>, vector<1x16xi32>,
      %parallel_loop3A_197 = arith.constant 16 : i32
      %parallel_loop3A_198 = arith.muli %parallel_loop3A_46, %parallel_loop3A_197 : i32
      %parallel_loop3A_199 = arith.constant 1 : i32
      %parallel_loop3A_200 = arith.addi %parallel_loop3A_198, %parallel_loop3A_199 : i32
      %parallel_loop3A_201 = arith.index_cast %parallel_loop3A_200 : i32 to index
      %parallel_loop3A_202 = arith.constant 112 : index
      %parallel_loop3A_203 = tpu.vector_load %arg6[%parallel_loop3A_201, %parallel_loop3A_202] {strides = array<i32>} : memref<256x128xi32, #tpu.memory_space<vmem>>, vector<1x16xi32>,
      %parallel_loop3A_204 = vector.shape_cast %parallel_loop3A_203 : vector<1x16xi32> to vector<16xi32>
      %parallel_loop3A_205 = vector.shape_cast %parallel_loop3A_133 : vector<16xi32> to vector<1x16xi32>
      tpu.vector_store %arg6[%parallel_loop3A_201, %parallel_loop3A_202], %parallel_loop3A_205 {strides = array<i32>} : memref<256x128xi32, #tpu.memory_space<vmem>>, vector<1x16xi32>,
      %parallel_loop3A_206 = vector.extract_strided_slice %parallel_loop3A_55 {offsets = [2], sizes = [1], strides = [1]} : vector<16xi32> to vector<1xi32>
      %parallel_loop3A_207 = vector.extract %parallel_loop3A_206[0] : i32 from vector<1xi32>
      %parallel_loop3A_208 = vector.broadcast %parallel_loop3A_207 : i32 to vector<16xi32>
      %parallel_loop3A_209 = arith.constant 16 : i32
      %parallel_loop3A_210 = arith.muli %parallel_loop3A_46, %parallel_loop3A_209 : i32
      %parallel_loop3A_211 = arith.constant 2 : i32
      %parallel_loop3A_212 = arith.addi %parallel_loop3A_210, %parallel_loop3A_211 : i32
      %parallel_loop3A_213 = arith.index_cast %parallel_loop3A_212 : i32 to index
      %parallel_loop3A_214 = arith.constant 0 : index
      %parallel_loop3A_215 = tpu.vector_load %arg6[%parallel_loop3A_213, %parallel_loop3A_214] {strides = array<i32>} : memref<256x128xi32, #tpu.memory_space<vmem>>, vector<1x16xi32>,
      %parallel_loop3A_216 = vector.shape_cast %parallel_loop3A_215 : vector<1x16xi32> to vector<16xi32>
      %parallel_loop3A_217 = vector.shape_cast %parallel_loop3A_208 : vector<16xi32> to vector<1x16xi32>
      tpu.vector_store %arg6[%parallel_loop3A_213, %parallel_loop3A_214], %parallel_loop3A_217 {strides = array<i32>} : memref<256x128xi32, #tpu.memory_space<vmem>>, vector<1x16xi32>,
      %parallel_loop3A_218 = arith.constant 16 : i32
      %parallel_loop3A_219 = arith.muli %parallel_loop3A_46, %parallel_loop3A_218 : i32
      %parallel_loop3A_220 = arith.constant 2 : i32
      %parallel_loop3A_221 = arith.addi %parallel_loop3A_219, %parallel_loop3A_220 : i32
      %parallel_loop3A_222 = arith.index_cast %parallel_loop3A_221 : i32 to index
      %parallel_loop3A_223 = arith.constant 16 : index
      %parallel_loop3A_224 = tpu.vector_load %arg6[%parallel_loop3A_222, %parallel_loop3A_223] {strides = array<i32>} : memref<256x128xi32, #tpu.memory_space<vmem>>, vector<1x16xi32>,
      %parallel_loop3A_225 = vector.shape_cast %parallel_loop3A_224 : vector<1x16xi32> to vector<16xi32>
      %parallel_loop3A_226 = vector.shape_cast %parallel_loop3A_208 : vector<16xi32> to vector<1x16xi32>
      tpu.vector_store %arg6[%parallel_loop3A_222, %parallel_loop3A_223], %parallel_loop3A_226 {strides = array<i32>} : memref<256x128xi32, #tpu.memory_space<vmem>>, vector<1x16xi32>,
      %parallel_loop3A_227 = arith.constant 16 : i32
      %parallel_loop3A_228 = arith.muli %parallel_loop3A_46, %parallel_loop3A_227 : i32
      %parallel_loop3A_229 = arith.constant 2 : i32
      %parallel_loop3A_230 = arith.addi %parallel_loop3A_228, %parallel_loop3A_229 : i32
      %parallel_loop3A_231 = arith.index_cast %parallel_loop3A_230 : i32 to index
      %parallel_loop3A_232 = arith.constant 32 : index
      %parallel_loop3A_233 = tpu.vector_load %arg6[%parallel_loop3A_231, %parallel_loop3A_232] {strides = array<i32>} : memref<256x128xi32, #tpu.memory_space<vmem>>, vector<1x16xi32>,
      %parallel_loop3A_234 = vector.shape_cast %parallel_loop3A_233 : vector<1x16xi32> to vector<16xi32>
      %parallel_loop3A_235 = vector.shape_cast %parallel_loop3A_208 : vector<16xi32> to vector<1x16xi32>
      tpu.vector_store %arg6[%parallel_loop3A_231, %parallel_loop3A_232], %parallel_loop3A_235 {strides = array<i32>} : memref<256x128xi32, #tpu.memory_space<vmem>>, vector<1x16xi32>,
      %parallel_loop3A_236 = arith.constant 16 : i32
      %parallel_loop3A_237 = arith.muli %parallel_loop3A_46, %parallel_loop3A_236 : i32
      %parallel_loop3A_238 = arith.constant 2 : i32
      %parallel_loop3A_239 = arith.addi %parallel_loop3A_237, %parallel_loop3A_238 : i32
      %parallel_loop3A_240 = arith.index_cast %parallel_loop3A_239 : i32 to index
      %parallel_loop3A_241 = arith.constant 48 : index
      %parallel_loop3A_242 = tpu.vector_load %arg6[%parallel_loop3A_240, %parallel_loop3A_241] {strides = array<i32>} : memref<256x128xi32, #tpu.memory_space<vmem>>, vector<1x16xi32>,
      %parallel_loop3A_243 = vector.shape_cast %parallel_loop3A_242 : vector<1x16xi32> to vector<16xi32>
      %parallel_loop3A_244 = vector.shape_cast %parallel_loop3A_208 : vector<16xi32> to vector<1x16xi32>
      tpu.vector_store %arg6[%parallel_loop3A_240, %parallel_loop3A_241], %parallel_loop3A_244 {strides = array<i32>} : memref<256x128xi32, #tpu.memory_space<vmem>>, vector<1x16xi32>,
      %parallel_loop3A_245 = arith.constant 16 : i32
      %parallel_loop3A_246 = arith.muli %parallel_loop3A_46, %parallel_loop3A_245 : i32
      %parallel_loop3A_247 = arith.constant 2 : i32
      %parallel_loop3A_248 = arith.addi %parallel_loop3A_246, %parallel_loop3A_247 : i32
      %parallel_loop3A_249 = arith.index_cast %parallel_loop3A_248 : i32 to index
      %parallel_loop3A_250 = arith.constant 64 : index
      %parallel_loop3A_251 = tpu.vector_load %arg6[%parallel_loop3A_249, %parallel_loop3A_250] {strides = array<i32>} : memref<256x128xi32, #tpu.memory_space<vmem>>, vector<1x16xi32>,
      %parallel_loop3A_252 = vector.shape_cast %parallel_loop3A_251 : vector<1x16xi32> to vector<16xi32>
      %parallel_loop3A_253 = vector.shape_cast %parallel_loop3A_208 : vector<16xi32> to vector<1x16xi32>
      tpu.vector_store %arg6[%parallel_loop3A_249, %parallel_loop3A_250], %parallel_loop3A_253 {strides = array<i32>} : memref<256x128xi32, #tpu.memory_space<vmem>>, vector<1x16xi32>,
      %parallel_loop3A_254 = arith.constant 16 : i32
      %parallel_loop3A_255 = arith.muli %parallel_loop3A_46, %parallel_loop3A_254 : i32
      %parallel_loop3A_256 = arith.constant 2 : i32
      %parallel_loop3A_257 = arith.addi %parallel_loop3A_255, %parallel_loop3A_256 : i32
      %parallel_loop3A_258 = arith.index_cast %parallel_loop3A_257 : i32 to index
      %parallel_loop3A_259 = arith.constant 80 : index
      %parallel_loop3A_260 = tpu.vector_load %arg6[%parallel_loop3A_258, %parallel_loop3A_259] {strides = array<i32>} : memref<256x128xi32, #tpu.memory_space<vmem>>, vector<1x16xi32>,
      %parallel_loop3A_261 = vector.shape_cast %parallel_loop3A_260 : vector<1x16xi32> to vector<16xi32>
      %parallel_loop3A_262 = vector.shape_cast %parallel_loop3A_208 : vector<16xi32> to vector<1x16xi32>
      tpu.vector_store %arg6[%parallel_loop3A_258, %parallel_loop3A_259], %parallel_loop3A_262 {strides = array<i32>} : memref<256x128xi32, #tpu.memory_space<vmem>>, vector<1x16xi32>,
      %parallel_loop3A_263 = arith.constant 16 : i32
      %parallel_loop3A_264 = arith.muli %parallel_loop3A_46, %parallel_loop3A_263 : i32
      %parallel_loop3A_265 = arith.constant 2 : i32
      %parallel_loop3A_266 = arith.addi %parallel_loop3A_264, %parallel_loop3A_265 : i32
      %parallel_loop3A_267 = arith.index_cast %parallel_loop3A_266 : i32 to index
      %parallel_loop3A_268 = arith.constant 96 : index
      %parallel_loop3A_269 = tpu.vector_load %arg6[%parallel_loop3A_267, %parallel_loop3A_268] {strides = array<i32>} : memref<256x128xi32, #tpu.memory_space<vmem>>, vector<1x16xi32>,
      %parallel_loop3A_270 = vector.shape_cast %parallel_loop3A_269 : vector<1x16xi32> to vector<16xi32>
      %parallel_loop3A_271 = vector.shape_cast %parallel_loop3A_208 : vector<16xi32> to vector<1x16xi32>
      tpu.vector_store %arg6[%parallel_loop3A_267, %parallel_loop3A_268], %parallel_loop3A_271 {strides = array<i32>} : memref<256x128xi32, #tpu.memory_space<vmem>>, vector<1x16xi32>,
      %parallel_loop3A_272 = arith.constant 16 : i32
      %parallel_loop3A_273 = arith.muli %parallel_loop3A_46, %parallel_loop3A_272 : i32
      %parallel_loop3A_274 = arith.constant 2 : i32
      %parallel_loop3A_275 = arith.addi %parallel_loop3A_273, %parallel_loop3A_274 : i32
      %parallel_loop3A_276 = arith.index_cast %parallel_loop3A_275 : i32 to index
      %parallel_loop3A_277 = arith.constant 112 : index
      %parallel_loop3A_278 = tpu.vector_load %arg6[%parallel_loop3A_276, %parallel_loop3A_277] {strides = array<i32>} : memref<256x128xi32, #tpu.memory_space<vmem>>, vector<1x16xi32>,
      %parallel_loop3A_279 = vector.shape_cast %parallel_loop3A_278 : vector<1x16xi32> to vector<16xi32>
      %parallel_loop3A_280 = vector.shape_cast %parallel_loop3A_208 : vector<16xi32> to vector<1x16xi32>
      tpu.vector_store %arg6[%parallel_loop3A_276, %parallel_loop3A_277], %parallel_loop3A_280 {strides = array<i32>} : memref<256x128xi32, #tpu.memory_space<vmem>>, vector<1x16xi32>,
      %parallel_loop3A_281 = vector.extract_strided_slice %parallel_loop3A_55 {offsets = [3], sizes = [1], strides = [1]} : vector<16xi32> to vector<1xi32>
      %parallel_loop3A_282 = vector.extract %parallel_loop3A_281[0] : i32 from vector<1xi32>
      %parallel_loop3A_283 = vector.broadcast %parallel_loop3A_282 : i32 to vector<16xi32>
      %parallel_loop3A_284 = arith.constant 16 : i32
      %parallel_loop3A_285 = arith.muli %parallel_loop3A_46, %parallel_loop3A_284 : i32
      %parallel_loop3A_286 = arith.constant 3 : i32
      %parallel_loop3A_287 = arith.addi %parallel_loop3A_285, %parallel_loop3A_286 : i32
      %parallel_loop3A_288 = arith.index_cast %parallel_loop3A_287 : i32 to index
      %parallel_loop3A_289 = arith.constant 0 : index
      %parallel_loop3A_290 = tpu.vector_load %arg6[%parallel_loop3A_288, %parallel_loop3A_289] {strides = array<i32>} : memref<256x128xi32, #tpu.memory_space<vmem>>, vector<1x16xi32>,
      %parallel_loop3A_291 = vector.shape_cast %parallel_loop3A_290 : vector<1x16xi32> to vector<16xi32>
      %parallel_loop3A_292 = vector.shape_cast %parallel_loop3A_283 : vector<16xi32> to vector<1x16xi32>
      tpu.vector_store %arg6[%parallel_loop3A_288, %parallel_loop3A_289], %parallel_loop3A_292 {strides = array<i32>} : memref<256x128xi32, #tpu.memory_space<vmem>>, vector<1x16xi32>,
      %parallel_loop3A_293 = arith.constant 16 : i32
      %parallel_loop3A_294 = arith.muli %parallel_loop3A_46, %parallel_loop3A_293 : i32
      %parallel_loop3A_295 = arith.constant 3 : i32
      %parallel_loop3A_296 = arith.addi %parallel_loop3A_294, %parallel_loop3A_295 : i32
      %parallel_loop3A_297 = arith.index_cast %parallel_loop3A_296 : i32 to index
      %parallel_loop3A_298 = arith.constant 16 : index
      %parallel_loop3A_299 = tpu.vector_load %arg6[%parallel_loop3A_297, %parallel_loop3A_298] {strides = array<i32>} : memref<256x128xi32, #tpu.memory_space<vmem>>, vector<1x16xi32>,
      %parallel_loop3A_300 = vector.shape_cast %parallel_loop3A_299 : vector<1x16xi32> to vector<16xi32>
      %parallel_loop3A_301 = vector.shape_cast %parallel_loop3A_283 : vector<16xi32> to vector<1x16xi32>
      tpu.vector_store %arg6[%parallel_loop3A_297, %parallel_loop3A_298], %parallel_loop3A_301 {strides = array<i32>} : memref<256x128xi32, #tpu.memory_space<vmem>>, vector<1x16xi32>,
      %parallel_loop3A_302 = arith.constant 16 : i32
      %parallel_loop3A_303 = arith.muli %parallel_loop3A_46, %parallel_loop3A_302 : i32
      %parallel_loop3A_304 = arith.constant 3 : i32
      %parallel_loop3A_305 = arith.addi %parallel_loop3A_303, %parallel_loop3A_304 : i32
      %parallel_loop3A_306 = arith.index_cast %parallel_loop3A_305 : i32 to index
      %parallel_loop3A_307 = arith.constant 32 : index
      %parallel_loop3A_308 = tpu.vector_load %arg6[%parallel_loop3A_306, %parallel_loop3A_307] {strides = array<i32>} : memref<256x128xi32, #tpu.memory_space<vmem>>, vector<1x16xi32>,
      %parallel_loop3A_309 = vector.shape_cast %parallel_loop3A_308 : vector<1x16xi32> to vector<16xi32>
      %parallel_loop3A_310 = vector.shape_cast %parallel_loop3A_283 : vector<16xi32> to vector<1x16xi32>
      tpu.vector_store %arg6[%parallel_loop3A_306, %parallel_loop3A_307], %parallel_loop3A_310 {strides = array<i32>} : memref<256x128xi32, #tpu.memory_space<vmem>>, vector<1x16xi32>,
      %parallel_loop3A_311 = arith.constant 16 : i32
      %parallel_loop3A_312 = arith.muli %parallel_loop3A_46, %parallel_loop3A_311 : i32
      %parallel_loop3A_313 = arith.constant 3 : i32
      %parallel_loop3A_314 = arith.addi %parallel_loop3A_312, %parallel_loop3A_313 : i32
      %parallel_loop3A_315 = arith.index_cast %parallel_loop3A_314 : i32 to index
      %parallel_loop3A_316 = arith.constant 48 : index
      %parallel_loop3A_317 = tpu.vector_load %arg6[%parallel_loop3A_315, %parallel_loop3A_316] {strides = array<i32>} : memref<256x128xi32, #tpu.memory_space<vmem>>, vector<1x16xi32>,
      %parallel_loop3A_318 = vector.shape_cast %parallel_loop3A_317 : vector<1x16xi32> to vector<16xi32>
      %parallel_loop3A_319 = vector.shape_cast %parallel_loop3A_283 : vector<16xi32> to vector<1x16xi32>
      tpu.vector_store %arg6[%parallel_loop3A_315, %parallel_loop3A_316], %parallel_loop3A_319 {strides = array<i32>} : memref<256x128xi32, #tpu.memory_space<vmem>>, vector<1x16xi32>,
      %parallel_loop3A_320 = arith.constant 16 : i32
      %parallel_loop3A_321 = arith.muli %parallel_loop3A_46, %parallel_loop3A_320 : i32
      %parallel_loop3A_322 = arith.constant 3 : i32
      %parallel_loop3A_323 = arith.addi %parallel_loop3A_321, %parallel_loop3A_322 : i32
      %parallel_loop3A_324 = arith.index_cast %parallel_loop3A_323 : i32 to index
      %parallel_loop3A_325 = arith.constant 64 : index
      %parallel_loop3A_326 = tpu.vector_load %arg6[%parallel_loop3A_324, %parallel_loop3A_325] {strides = array<i32>} : memref<256x128xi32, #tpu.memory_space<vmem>>, vector<1x16xi32>,
      %parallel_loop3A_327 = vector.shape_cast %parallel_loop3A_326 : vector<1x16xi32> to vector<16xi32>
      %parallel_loop3A_328 = vector.shape_cast %parallel_loop3A_283 : vector<16xi32> to vector<1x16xi32>
      tpu.vector_store %arg6[%parallel_loop3A_324, %parallel_loop3A_325], %parallel_loop3A_328 {strides = array<i32>} : memref<256x128xi32, #tpu.memory_space<vmem>>, vector<1x16xi32>,
      %parallel_loop3A_329 = arith.constant 16 : i32
      %parallel_loop3A_330 = arith.muli %parallel_loop3A_46, %parallel_loop3A_329 : i32
      %parallel_loop3A_331 = arith.constant 3 : i32
      %parallel_loop3A_332 = arith.addi %parallel_loop3A_330, %parallel_loop3A_331 : i32
      %parallel_loop3A_333 = arith.index_cast %parallel_loop3A_332 : i32 to index
      %parallel_loop3A_334 = arith.constant 80 : index
      %parallel_loop3A_335 = tpu.vector_load %arg6[%parallel_loop3A_333, %parallel_loop3A_334] {strides = array<i32>} : memref<256x128xi32, #tpu.memory_space<vmem>>, vector<1x16xi32>,
      %parallel_loop3A_336 = vector.shape_cast %parallel_loop3A_335 : vector<1x16xi32> to vector<16xi32>
      %parallel_loop3A_337 = vector.shape_cast %parallel_loop3A_283 : vector<16xi32> to vector<1x16xi32>
      tpu.vector_store %arg6[%parallel_loop3A_333, %parallel_loop3A_334], %parallel_loop3A_337 {strides = array<i32>} : memref<256x128xi32, #tpu.memory_space<vmem>>, vector<1x16xi32>,
      %parallel_loop3A_338 = arith.constant 16 : i32
      %parallel_loop3A_339 = arith.muli %parallel_loop3A_46, %parallel_loop3A_338 : i32
      %parallel_loop3A_340 = arith.constant 3 : i32
      %parallel_loop3A_341 = arith.addi %parallel_loop3A_339, %parallel_loop3A_340 : i32
      %parallel_loop3A_342 = arith.index_cast %parallel_loop3A_341 : i32 to index
      %parallel_loop3A_343 = arith.constant 96 : index
      %parallel_loop3A_344 = tpu.vector_load %arg6[%parallel_loop3A_342, %parallel_loop3A_343] {strides = array<i32>} : memref<256x128xi32, #tpu.memory_space<vmem>>, vector<1x16xi32>,
      %parallel_loop3A_345 = vector.shape_cast %parallel_loop3A_344 : vector<1x16xi32> to vector<16xi32>
      %parallel_loop3A_346 = vector.shape_cast %parallel_loop3A_283 : vector<16xi32> to vector<1x16xi32>
      tpu.vector_store %arg6[%parallel_loop3A_342, %parallel_loop3A_343], %parallel_loop3A_346 {strides = array<i32>} : memref<256x128xi32, #tpu.memory_space<vmem>>, vector<1x16xi32>,
      %parallel_loop3A_347 = arith.constant 16 : i32
      %parallel_loop3A_348 = arith.muli %parallel_loop3A_46, %parallel_loop3A_347 : i32
      %parallel_loop3A_349 = arith.constant 3 : i32
      %parallel_loop3A_350 = arith.addi %parallel_loop3A_348, %parallel_loop3A_349 : i32
      %parallel_loop3A_351 = arith.index_cast %parallel_loop3A_350 : i32 to index
      %parallel_loop3A_352 = arith.constant 112 : index
      %parallel_loop3A_353 = tpu.vector_load %arg6[%parallel_loop3A_351, %parallel_loop3A_352] {strides = array<i32>} : memref<256x128xi32, #tpu.memory_space<vmem>>, vector<1x16xi32>,
      %parallel_loop3A_354 = vector.shape_cast %parallel_loop3A_353 : vector<1x16xi32> to vector<16xi32>
      %parallel_loop3A_355 = vector.shape_cast %parallel_loop3A_283 : vector<16xi32> to vector<1x16xi32>
      tpu.vector_store %arg6[%parallel_loop3A_351, %parallel_loop3A_352], %parallel_loop3A_355 {strides = array<i32>} : memref<256x128xi32, #tpu.memory_space<vmem>>, vector<1x16xi32>,
      %parallel_loop3A_356 = vector.extract_strided_slice %parallel_loop3A_55 {offsets = [4], sizes = [1], strides = [1]} : vector<16xi32> to vector<1xi32>
      %parallel_loop3A_357 = vector.extract %parallel_loop3A_356[0] : i32 from vector<1xi32>
      %parallel_loop3A_358 = vector.broadcast %parallel_loop3A_357 : i32 to vector<16xi32>
      %parallel_loop3A_359 = arith.constant 16 : i32
      %parallel_loop3A_360 = arith.muli %parallel_loop3A_46, %parallel_loop3A_359 : i32
      %parallel_loop3A_361 = arith.constant 4 : i32
      %parallel_loop3A_362 = arith.addi %parallel_loop3A_360, %parallel_loop3A_361 : i32
      %parallel_loop3A_363 = arith.index_cast %parallel_loop3A_362 : i32 to index
      %parallel_loop3A_364 = arith.constant 0 : index
      %parallel_loop3A_365 = tpu.vector_load %arg6[%parallel_loop3A_363, %parallel_loop3A_364] {strides = array<i32>} : memref<256x128xi32, #tpu.memory_space<vmem>>, vector<1x16xi32>,
      %parallel_loop3A_366 = vector.shape_cast %parallel_loop3A_365 : vector<1x16xi32> to vector<16xi32>
      %parallel_loop3A_367 = vector.shape_cast %parallel_loop3A_358 : vector<16xi32> to vector<1x16xi32>
      tpu.vector_store %arg6[%parallel_loop3A_363, %parallel_loop3A_364], %parallel_loop3A_367 {strides = array<i32>} : memref<256x128xi32, #tpu.memory_space<vmem>>, vector<1x16xi32>,
      %parallel_loop3A_368 = arith.constant 16 : i32
      %parallel_loop3A_369 = arith.muli %parallel_loop3A_46, %parallel_loop3A_368 : i32
      %parallel_loop3A_370 = arith.constant 4 : i32
      %parallel_loop3A_371 = arith.addi %parallel_loop3A_369, %parallel_loop3A_370 : i32
      %parallel_loop3A_372 = arith.index_cast %parallel_loop3A_371 : i32 to index
      %parallel_loop3A_373 = arith.constant 16 : index
      %parallel_loop3A_374 = tpu.vector_load %arg6[%parallel_loop3A_372, %parallel_loop3A_373] {strides = array<i32>} : memref<256x128xi32, #tpu.memory_space<vmem>>, vector<1x16xi32>,
      %parallel_loop3A_375 = vector.shape_cast %parallel_loop3A_374 : vector<1x16xi32> to vector<16xi32>
      %parallel_loop3A_376 = vector.shape_cast %parallel_loop3A_358 : vector<16xi32> to vector<1x16xi32>
      tpu.vector_store %arg6[%parallel_loop3A_372, %parallel_loop3A_373], %parallel_loop3A_376 {strides = array<i32>} : memref<256x128xi32, #tpu.memory_space<vmem>>, vector<1x16xi32>,
      %parallel_loop3A_377 = arith.constant 16 : i32
      %parallel_loop3A_378 = arith.muli %parallel_loop3A_46, %parallel_loop3A_377 : i32
      %parallel_loop3A_379 = arith.constant 4 : i32
      %parallel_loop3A_380 = arith.addi %parallel_loop3A_378, %parallel_loop3A_379 : i32
      %parallel_loop3A_381 = arith.index_cast %parallel_loop3A_380 : i32 to index
      %parallel_loop3A_382 = arith.constant 32 : index
      %parallel_loop3A_383 = tpu.vector_load %arg6[%parallel_loop3A_381, %parallel_loop3A_382] {strides = array<i32>} : memref<256x128xi32, #tpu.memory_space<vmem>>, vector<1x16xi32>,
      %parallel_loop3A_384 = vector.shape_cast %parallel_loop3A_383 : vector<1x16xi32> to vector<16xi32>
      %parallel_loop3A_385 = vector.shape_cast %parallel_loop3A_358 : vector<16xi32> to vector<1x16xi32>
      tpu.vector_store %arg6[%parallel_loop3A_381, %parallel_loop3A_382], %parallel_loop3A_385 {strides = array<i32>} : memref<256x128xi32, #tpu.memory_space<vmem>>, vector<1x16xi32>,
      %parallel_loop3A_386 = arith.constant 16 : i32
      %parallel_loop3A_387 = arith.muli %parallel_loop3A_46, %parallel_loop3A_386 : i32
      %parallel_loop3A_388 = arith.constant 4 : i32
      %parallel_loop3A_389 = arith.addi %parallel_loop3A_387, %parallel_loop3A_388 : i32
      %parallel_loop3A_390 = arith.index_cast %parallel_loop3A_389 : i32 to index
      %parallel_loop3A_391 = arith.constant 48 : index
      %parallel_loop3A_392 = tpu.vector_load %arg6[%parallel_loop3A_390, %parallel_loop3A_391] {strides = array<i32>} : memref<256x128xi32, #tpu.memory_space<vmem>>, vector<1x16xi32>,
      %parallel_loop3A_393 = vector.shape_cast %parallel_loop3A_392 : vector<1x16xi32> to vector<16xi32>
      %parallel_loop3A_394 = vector.shape_cast %parallel_loop3A_358 : vector<16xi32> to vector<1x16xi32>
      tpu.vector_store %arg6[%parallel_loop3A_390, %parallel_loop3A_391], %parallel_loop3A_394 {strides = array<i32>} : memref<256x128xi32, #tpu.memory_space<vmem>>, vector<1x16xi32>,
      %parallel_loop3A_395 = arith.constant 16 : i32
      %parallel_loop3A_396 = arith.muli %parallel_loop3A_46, %parallel_loop3A_395 : i32
      %parallel_loop3A_397 = arith.constant 4 : i32
      %parallel_loop3A_398 = arith.addi %parallel_loop3A_396, %parallel_loop3A_397 : i32
      %parallel_loop3A_399 = arith.index_cast %parallel_loop3A_398 : i32 to index
      %parallel_loop3A_400 = arith.constant 64 : index
      %parallel_loop3A_401 = tpu.vector_load %arg6[%parallel_loop3A_399, %parallel_loop3A_400] {strides = array<i32>} : memref<256x128xi32, #tpu.memory_space<vmem>>, vector<1x16xi32>,
      %parallel_loop3A_402 = vector.shape_cast %parallel_loop3A_401 : vector<1x16xi32> to vector<16xi32>
      %parallel_loop3A_403 = vector.shape_cast %parallel_loop3A_358 : vector<16xi32> to vector<1x16xi32>
      tpu.vector_store %arg6[%parallel_loop3A_399, %parallel_loop3A_400], %parallel_loop3A_403 {strides = array<i32>} : memref<256x128xi32, #tpu.memory_space<vmem>>, vector<1x16xi32>,
      %parallel_loop3A_404 = arith.constant 16 : i32
      %parallel_loop3A_405 = arith.muli %parallel_loop3A_46, %parallel_loop3A_404 : i32
      %parallel_loop3A_406 = arith.constant 4 : i32
      %parallel_loop3A_407 = arith.addi %parallel_loop3A_405, %parallel_loop3A_406 : i32
      %parallel_loop3A_408 = arith.index_cast %parallel_loop3A_407 : i32 to index
      %parallel_loop3A_409 = arith.constant 80 : index
      %parallel_loop3A_410 = tpu.vector_load %arg6[%parallel_loop3A_408, %parallel_loop3A_409] {strides = array<i32>} : memref<256x128xi32, #tpu.memory_space<vmem>>, vector<1x16xi32>,
      %parallel_loop3A_411 = vector.shape_cast %parallel_loop3A_410 : vector<1x16xi32> to vector<16xi32>
      %parallel_loop3A_412 = vector.shape_cast %parallel_loop3A_358 : vector<16xi32> to vector<1x16xi32>
      tpu.vector_store %arg6[%parallel_loop3A_408, %parallel_loop3A_409], %parallel_loop3A_412 {strides = array<i32>} : memref<256x128xi32, #tpu.memory_space<vmem>>, vector<1x16xi32>,
      %parallel_loop3A_413 = arith.constant 16 : i32
      %parallel_loop3A_414 = arith.muli %parallel_loop3A_46, %parallel_loop3A_413 : i32
      %parallel_loop3A_415 = arith.constant 4 : i32
      %parallel_loop3A_416 = arith.addi %parallel_loop3A_414, %parallel_loop3A_415 : i32
      %parallel_loop3A_417 = arith.index_cast %parallel_loop3A_416 : i32 to index
      %parallel_loop3A_418 = arith.constant 96 : index
      %parallel_loop3A_419 = tpu.vector_load %arg6[%parallel_loop3A_417, %parallel_loop3A_418] {strides = array<i32>} : memref<256x128xi32, #tpu.memory_space<vmem>>, vector<1x16xi32>,
      %parallel_loop3A_420 = vector.shape_cast %parallel_loop3A_419 : vector<1x16xi32> to vector<16xi32>
      %parallel_loop3A_421 = vector.shape_cast %parallel_loop3A_358 : vector<16xi32> to vector<1x16xi32>
      tpu.vector_store %arg6[%parallel_loop3A_417, %parallel_loop3A_418], %parallel_loop3A_421 {strides = array<i32>} : memref<256x128xi32, #tpu.memory_space<vmem>>, vector<1x16xi32>,
      %parallel_loop3A_422 = arith.constant 16 : i32
      %parallel_loop3A_423 = arith.muli %parallel_loop3A_46, %parallel_loop3A_422 : i32
      %parallel_loop3A_424 = arith.constant 4 : i32
      %parallel_loop3A_425 = arith.addi %parallel_loop3A_423, %parallel_loop3A_424 : i32
      %parallel_loop3A_426 = arith.index_cast %parallel_loop3A_425 : i32 to index
      %parallel_loop3A_427 = arith.constant 112 : index
      %parallel_loop3A_428 = tpu.vector_load %arg6[%parallel_loop3A_426, %parallel_loop3A_427] {strides = array<i32>} : memref<256x128xi32, #tpu.memory_space<vmem>>, vector<1x16xi32>,
      %parallel_loop3A_429 = vector.shape_cast %parallel_loop3A_428 : vector<1x16xi32> to vector<16xi32>
      %parallel_loop3A_430 = vector.shape_cast %parallel_loop3A_358 : vector<16xi32> to vector<1x16xi32>
      tpu.vector_store %arg6[%parallel_loop3A_426, %parallel_loop3A_427], %parallel_loop3A_430 {strides = array<i32>} : memref<256x128xi32, #tpu.memory_space<vmem>>, vector<1x16xi32>,
      %parallel_loop3A_431 = vector.extract_strided_slice %parallel_loop3A_55 {offsets = [5], sizes = [1], strides = [1]} : vector<16xi32> to vector<1xi32>
      %parallel_loop3A_432 = vector.extract %parallel_loop3A_431[0] : i32 from vector<1xi32>
      %parallel_loop3A_433 = vector.broadcast %parallel_loop3A_432 : i32 to vector<16xi32>
      %parallel_loop3A_434 = arith.constant 16 : i32
      %parallel_loop3A_435 = arith.muli %parallel_loop3A_46, %parallel_loop3A_434 : i32
      %parallel_loop3A_436 = arith.constant 5 : i32
      %parallel_loop3A_437 = arith.addi %parallel_loop3A_435, %parallel_loop3A_436 : i32
      %parallel_loop3A_438 = arith.index_cast %parallel_loop3A_437 : i32 to index
      %parallel_loop3A_439 = arith.constant 0 : index
      %parallel_loop3A_440 = tpu.vector_load %arg6[%parallel_loop3A_438, %parallel_loop3A_439] {strides = array<i32>} : memref<256x128xi32, #tpu.memory_space<vmem>>, vector<1x16xi32>,
      %parallel_loop3A_441 = vector.shape_cast %parallel_loop3A_440 : vector<1x16xi32> to vector<16xi32>
      %parallel_loop3A_442 = vector.shape_cast %parallel_loop3A_433 : vector<16xi32> to vector<1x16xi32>
      tpu.vector_store %arg6[%parallel_loop3A_438, %parallel_loop3A_439], %parallel_loop3A_442 {strides = array<i32>} : memref<256x128xi32, #tpu.memory_space<vmem>>, vector<1x16xi32>,
      %parallel_loop3A_443 = arith.constant 16 : i32
      %parallel_loop3A_444 = arith.muli %parallel_loop3A_46, %parallel_loop3A_443 : i32
      %parallel_loop3A_445 = arith.constant 5 : i32
      %parallel_loop3A_446 = arith.addi %parallel_loop3A_444, %parallel_loop3A_445 : i32
      %parallel_loop3A_447 = arith.index_cast %parallel_loop3A_446 : i32 to index
      %parallel_loop3A_448 = arith.constant 16 : index
      %parallel_loop3A_449 = tpu.vector_load %arg6[%parallel_loop3A_447, %parallel_loop3A_448] {strides = array<i32>} : memref<256x128xi32, #tpu.memory_space<vmem>>, vector<1x16xi32>,
      %parallel_loop3A_450 = vector.shape_cast %parallel_loop3A_449 : vector<1x16xi32> to vector<16xi32>
      %parallel_loop3A_451 = vector.shape_cast %parallel_loop3A_433 : vector<16xi32> to vector<1x16xi32>
      tpu.vector_store %arg6[%parallel_loop3A_447, %parallel_loop3A_448], %parallel_loop3A_451 {strides = array<i32>} : memref<256x128xi32, #tpu.memory_space<vmem>>, vector<1x16xi32>,
      %parallel_loop3A_452 = arith.constant 16 : i32
      %parallel_loop3A_453 = arith.muli %parallel_loop3A_46, %parallel_loop3A_452 : i32
      %parallel_loop3A_454 = arith.constant 5 : i32
      %parallel_loop3A_455 = arith.addi %parallel_loop3A_453, %parallel_loop3A_454 : i32
      %parallel_loop3A_456 = arith.index_cast %parallel_loop3A_455 : i32 to index
      %parallel_loop3A_457 = arith.constant 32 : index
      %parallel_loop3A_458 = tpu.vector_load %arg6[%parallel_loop3A_456, %parallel_loop3A_457] {strides = array<i32>} : memref<256x128xi32, #tpu.memory_space<vmem>>, vector<1x16xi32>,
      %parallel_loop3A_459 = vector.shape_cast %parallel_loop3A_458 : vector<1x16xi32> to vector<16xi32>
      %parallel_loop3A_460 = vector.shape_cast %parallel_loop3A_433 : vector<16xi32> to vector<1x16xi32>
      tpu.vector_store %arg6[%parallel_loop3A_456, %parallel_loop3A_457], %parallel_loop3A_460 {strides = array<i32>} : memref<256x128xi32, #tpu.memory_space<vmem>>, vector<1x16xi32>,
      %parallel_loop3A_461 = arith.constant 16 : i32
      %parallel_loop3A_462 = arith.muli %parallel_loop3A_46, %parallel_loop3A_461 : i32
      %parallel_loop3A_463 = arith.constant 5 : i32
      %parallel_loop3A_464 = arith.addi %parallel_loop3A_462, %parallel_loop3A_463 : i32
      %parallel_loop3A_465 = arith.index_cast %parallel_loop3A_464 : i32 to index
      %parallel_loop3A_466 = arith.constant 48 : index
      %parallel_loop3A_467 = tpu.vector_load %arg6[%parallel_loop3A_465, %parallel_loop3A_466] {strides = array<i32>} : memref<256x128xi32, #tpu.memory_space<vmem>>, vector<1x16xi32>,
      %parallel_loop3A_468 = vector.shape_cast %parallel_loop3A_467 : vector<1x16xi32> to vector<16xi32>
      %parallel_loop3A_469 = vector.shape_cast %parallel_loop3A_433 : vector<16xi32> to vector<1x16xi32>
      tpu.vector_store %arg6[%parallel_loop3A_465, %parallel_loop3A_466], %parallel_loop3A_469 {strides = array<i32>} : memref<256x128xi32, #tpu.memory_space<vmem>>, vector<1x16xi32>,
      %parallel_loop3A_470 = arith.constant 16 : i32
      %parallel_loop3A_471 = arith.muli %parallel_loop3A_46, %parallel_loop3A_470 : i32
      %parallel_loop3A_472 = arith.constant 5 : i32
      %parallel_loop3A_473 = arith.addi %parallel_loop3A_471, %parallel_loop3A_472 : i32
      %parallel_loop3A_474 = arith.index_cast %parallel_loop3A_473 : i32 to index
      %parallel_loop3A_475 = arith.constant 64 : index
      %parallel_loop3A_476 = tpu.vector_load %arg6[%parallel_loop3A_474, %parallel_loop3A_475] {strides = array<i32>} : memref<256x128xi32, #tpu.memory_space<vmem>>, vector<1x16xi32>,
      %parallel_loop3A_477 = vector.shape_cast %parallel_loop3A_476 : vector<1x16xi32> to vector<16xi32>
      %parallel_loop3A_478 = vector.shape_cast %parallel_loop3A_433 : vector<16xi32> to vector<1x16xi32>
      tpu.vector_store %arg6[%parallel_loop3A_474, %parallel_loop3A_475], %parallel_loop3A_478 {strides = array<i32>} : memref<256x128xi32, #tpu.memory_space<vmem>>, vector<1x16xi32>,
      %parallel_loop3A_479 = arith.constant 16 : i32
      %parallel_loop3A_480 = arith.muli %parallel_loop3A_46, %parallel_loop3A_479 : i32
      %parallel_loop3A_481 = arith.constant 5 : i32
      %parallel_loop3A_482 = arith.addi %parallel_loop3A_480, %parallel_loop3A_481 : i32
      %parallel_loop3A_483 = arith.index_cast %parallel_loop3A_482 : i32 to index
      %parallel_loop3A_484 = arith.constant 80 : index
      %parallel_loop3A_485 = tpu.vector_load %arg6[%parallel_loop3A_483, %parallel_loop3A_484] {strides = array<i32>} : memref<256x128xi32, #tpu.memory_space<vmem>>, vector<1x16xi32>,
      %parallel_loop3A_486 = vector.shape_cast %parallel_loop3A_485 : vector<1x16xi32> to vector<16xi32>
      %parallel_loop3A_487 = vector.shape_cast %parallel_loop3A_433 : vector<16xi32> to vector<1x16xi32>
      tpu.vector_store %arg6[%parallel_loop3A_483, %parallel_loop3A_484], %parallel_loop3A_487 {strides = array<i32>} : memref<256x128xi32, #tpu.memory_space<vmem>>, vector<1x16xi32>,
      %parallel_loop3A_488 = arith.constant 16 : i32
      %parallel_loop3A_489 = arith.muli %parallel_loop3A_46, %parallel_loop3A_488 : i32
      %parallel_loop3A_490 = arith.constant 5 : i32
      %parallel_loop3A_491 = arith.addi %parallel_loop3A_489, %parallel_loop3A_490 : i32
      %parallel_loop3A_492 = arith.index_cast %parallel_loop3A_491 : i32 to index
      %parallel_loop3A_493 = arith.constant 96 : index
      %parallel_loop3A_494 = tpu.vector_load %arg6[%parallel_loop3A_492, %parallel_loop3A_493] {strides = array<i32>} : memref<256x128xi32, #tpu.memory_space<vmem>>, vector<1x16xi32>,
      %parallel_loop3A_495 = vector.shape_cast %parallel_loop3A_494 : vector<1x16xi32> to vector<16xi32>
      %parallel_loop3A_496 = vector.shape_cast %parallel_loop3A_433 : vector<16xi32> to vector<1x16xi32>
      tpu.vector_store %arg6[%parallel_loop3A_492, %parallel_loop3A_493], %parallel_loop3A_496 {strides = array<i32>} : memref<256x128xi32, #tpu.memory_space<vmem>>, vector<1x16xi32>,
      %parallel_loop3A_497 = arith.constant 16 : i32
      %parallel_loop3A_498 = arith.muli %parallel_loop3A_46, %parallel_loop3A_497 : i32
      %parallel_loop3A_499 = arith.constant 5 : i32
      %parallel_loop3A_500 = arith.addi %parallel_loop3A_498, %parallel_loop3A_499 : i32
      %parallel_loop3A_501 = arith.index_cast %parallel_loop3A_500 : i32 to index
      %parallel_loop3A_502 = arith.constant 112 : index
      %parallel_loop3A_503 = tpu.vector_load %arg6[%parallel_loop3A_501, %parallel_loop3A_502] {strides = array<i32>} : memref<256x128xi32, #tpu.memory_space<vmem>>, vector<1x16xi32>,
      %parallel_loop3A_504 = vector.shape_cast %parallel_loop3A_503 : vector<1x16xi32> to vector<16xi32>
      %parallel_loop3A_505 = vector.shape_cast %parallel_loop3A_433 : vector<16xi32> to vector<1x16xi32>
      tpu.vector_store %arg6[%parallel_loop3A_501, %parallel_loop3A_502], %parallel_loop3A_505 {strides = array<i32>} : memref<256x128xi32, #tpu.memory_space<vmem>>, vector<1x16xi32>,
      %parallel_loop3A_506 = vector.extract_strided_slice %parallel_loop3A_55 {offsets = [6], sizes = [1], strides = [1]} : vector<16xi32> to vector<1xi32>
      %parallel_loop3A_507 = vector.extract %parallel_loop3A_506[0] : i32 from vector<1xi32>
      %parallel_loop3A_508 = vector.broadcast %parallel_loop3A_507 : i32 to vector<16xi32>
      %parallel_loop3A_509 = arith.constant 16 : i32
      %parallel_loop3A_510 = arith.muli %parallel_loop3A_46, %parallel_loop3A_509 : i32
      %parallel_loop3A_511 = arith.constant 6 : i32
      %parallel_loop3A_512 = arith.addi %parallel_loop3A_510, %parallel_loop3A_511 : i32
      %parallel_loop3A_513 = arith.index_cast %parallel_loop3A_512 : i32 to index
      %parallel_loop3A_514 = arith.constant 0 : index
      %parallel_loop3A_515 = tpu.vector_load %arg6[%parallel_loop3A_513, %parallel_loop3A_514] {strides = array<i32>} : memref<256x128xi32, #tpu.memory_space<vmem>>, vector<1x16xi32>,
      %parallel_loop3A_516 = vector.shape_cast %parallel_loop3A_515 : vector<1x16xi32> to vector<16xi32>
      %parallel_loop3A_517 = vector.shape_cast %parallel_loop3A_508 : vector<16xi32> to vector<1x16xi32>
      tpu.vector_store %arg6[%parallel_loop3A_513, %parallel_loop3A_514], %parallel_loop3A_517 {strides = array<i32>} : memref<256x128xi32, #tpu.memory_space<vmem>>, vector<1x16xi32>,
      %parallel_loop3A_518 = arith.constant 16 : i32
      %parallel_loop3A_519 = arith.muli %parallel_loop3A_46, %parallel_loop3A_518 : i32
      %parallel_loop3A_520 = arith.constant 6 : i32
      %parallel_loop3A_521 = arith.addi %parallel_loop3A_519, %parallel_loop3A_520 : i32
      %parallel_loop3A_522 = arith.index_cast %parallel_loop3A_521 : i32 to index
      %parallel_loop3A_523 = arith.constant 16 : index
      %parallel_loop3A_524 = tpu.vector_load %arg6[%parallel_loop3A_522, %parallel_loop3A_523] {strides = array<i32>} : memref<256x128xi32, #tpu.memory_space<vmem>>, vector<1x16xi32>,
      %parallel_loop3A_525 = vector.shape_cast %parallel_loop3A_524 : vector<1x16xi32> to vector<16xi32>
      %parallel_loop3A_526 = vector.shape_cast %parallel_loop3A_508 : vector<16xi32> to vector<1x16xi32>
      tpu.vector_store %arg6[%parallel_loop3A_522, %parallel_loop3A_523], %parallel_loop3A_526 {strides = array<i32>} : memref<256x128xi32, #tpu.memory_space<vmem>>, vector<1x16xi32>,
      %parallel_loop3A_527 = arith.constant 16 : i32
      %parallel_loop3A_528 = arith.muli %parallel_loop3A_46, %parallel_loop3A_527 : i32
      %parallel_loop3A_529 = arith.constant 6 : i32
      %parallel_loop3A_530 = arith.addi %parallel_loop3A_528, %parallel_loop3A_529 : i32
      %parallel_loop3A_531 = arith.index_cast %parallel_loop3A_530 : i32 to index
      %parallel_loop3A_532 = arith.constant 32 : index
      %parallel_loop3A_533 = tpu.vector_load %arg6[%parallel_loop3A_531, %parallel_loop3A_532] {strides = array<i32>} : memref<256x128xi32, #tpu.memory_space<vmem>>, vector<1x16xi32>,
      %parallel_loop3A_534 = vector.shape_cast %parallel_loop3A_533 : vector<1x16xi32> to vector<16xi32>
      %parallel_loop3A_535 = vector.shape_cast %parallel_loop3A_508 : vector<16xi32> to vector<1x16xi32>
      tpu.vector_store %arg6[%parallel_loop3A_531, %parallel_loop3A_532], %parallel_loop3A_535 {strides = array<i32>} : memref<256x128xi32, #tpu.memory_space<vmem>>, vector<1x16xi32>,
      %parallel_loop3A_536 = arith.constant 16 : i32
      %parallel_loop3A_537 = arith.muli %parallel_loop3A_46, %parallel_loop3A_536 : i32
      %parallel_loop3A_538 = arith.constant 6 : i32
      %parallel_loop3A_539 = arith.addi %parallel_loop3A_537, %parallel_loop3A_538 : i32
      %parallel_loop3A_540 = arith.index_cast %parallel_loop3A_539 : i32 to index
      %parallel_loop3A_541 = arith.constant 48 : index
      %parallel_loop3A_542 = tpu.vector_load %arg6[%parallel_loop3A_540, %parallel_loop3A_541] {strides = array<i32>} : memref<256x128xi32, #tpu.memory_space<vmem>>, vector<1x16xi32>,
      %parallel_loop3A_543 = vector.shape_cast %parallel_loop3A_542 : vector<1x16xi32> to vector<16xi32>
      %parallel_loop3A_544 = vector.shape_cast %parallel_loop3A_508 : vector<16xi32> to vector<1x16xi32>
      tpu.vector_store %arg6[%parallel_loop3A_540, %parallel_loop3A_541], %parallel_loop3A_544 {strides = array<i32>} : memref<256x128xi32, #tpu.memory_space<vmem>>, vector<1x16xi32>,
      %parallel_loop3A_545 = arith.constant 16 : i32
      %parallel_loop3A_546 = arith.muli %parallel_loop3A_46, %parallel_loop3A_545 : i32
      %parallel_loop3A_547 = arith.constant 6 : i32
      %parallel_loop3A_548 = arith.addi %parallel_loop3A_546, %parallel_loop3A_547 : i32
      %parallel_loop3A_549 = arith.index_cast %parallel_loop3A_548 : i32 to index
      %parallel_loop3A_550 = arith.constant 64 : index
      %parallel_loop3A_551 = tpu.vector_load %arg6[%parallel_loop3A_549, %parallel_loop3A_550] {strides = array<i32>} : memref<256x128xi32, #tpu.memory_space<vmem>>, vector<1x16xi32>,
      %parallel_loop3A_552 = vector.shape_cast %parallel_loop3A_551 : vector<1x16xi32> to vector<16xi32>
      %parallel_loop3A_553 = vector.shape_cast %parallel_loop3A_508 : vector<16xi32> to vector<1x16xi32>
      tpu.vector_store %arg6[%parallel_loop3A_549, %parallel_loop3A_550], %parallel_loop3A_553 {strides = array<i32>} : memref<256x128xi32, #tpu.memory_space<vmem>>, vector<1x16xi32>,
      %parallel_loop3A_554 = arith.constant 16 : i32
      %parallel_loop3A_555 = arith.muli %parallel_loop3A_46, %parallel_loop3A_554 : i32
      %parallel_loop3A_556 = arith.constant 6 : i32
      %parallel_loop3A_557 = arith.addi %parallel_loop3A_555, %parallel_loop3A_556 : i32
      %parallel_loop3A_558 = arith.index_cast %parallel_loop3A_557 : i32 to index
      %parallel_loop3A_559 = arith.constant 80 : index
      %parallel_loop3A_560 = tpu.vector_load %arg6[%parallel_loop3A_558, %parallel_loop3A_559] {strides = array<i32>} : memref<256x128xi32, #tpu.memory_space<vmem>>, vector<1x16xi32>,
      %parallel_loop3A_561 = vector.shape_cast %parallel_loop3A_560 : vector<1x16xi32> to vector<16xi32>
      %parallel_loop3A_562 = vector.shape_cast %parallel_loop3A_508 : vector<16xi32> to vector<1x16xi32>
      tpu.vector_store %arg6[%parallel_loop3A_558, %parallel_loop3A_559], %parallel_loop3A_562 {strides = array<i32>} : memref<256x128xi32, #tpu.memory_space<vmem>>, vector<1x16xi32>,
      %parallel_loop3A_563 = arith.constant 16 : i32
      %parallel_loop3A_564 = arith.muli %parallel_loop3A_46, %parallel_loop3A_563 : i32
      %parallel_loop3A_565 = arith.constant 6 : i32
      %parallel_loop3A_566 = arith.addi %parallel_loop3A_564, %parallel_loop3A_565 : i32
      %parallel_loop3A_567 = arith.index_cast %parallel_loop3A_566 : i32 to index
      %parallel_loop3A_568 = arith.constant 96 : index
      %parallel_loop3A_569 = tpu.vector_load %arg6[%parallel_loop3A_567, %parallel_loop3A_568] {strides = array<i32>} : memref<256x128xi32, #tpu.memory_space<vmem>>, vector<1x16xi32>,
      %parallel_loop3A_570 = vector.shape_cast %parallel_loop3A_569 : vector<1x16xi32> to vector<16xi32>
      %parallel_loop3A_571 = vector.shape_cast %parallel_loop3A_508 : vector<16xi32> to vector<1x16xi32>
      tpu.vector_store %arg6[%parallel_loop3A_567, %parallel_loop3A_568], %parallel_loop3A_571 {strides = array<i32>} : memref<256x128xi32, #tpu.memory_space<vmem>>, vector<1x16xi32>,
      %parallel_loop3A_572 = arith.constant 16 : i32
      %parallel_loop3A_573 = arith.muli %parallel_loop3A_46, %parallel_loop3A_572 : i32
      %parallel_loop3A_574 = arith.constant 6 : i32
      %parallel_loop3A_575 = arith.addi %parallel_loop3A_573, %parallel_loop3A_574 : i32
      %parallel_loop3A_576 = arith.index_cast %parallel_loop3A_575 : i32 to index
      %parallel_loop3A_577 = arith.constant 112 : index
      %parallel_loop3A_578 = tpu.vector_load %arg6[%parallel_loop3A_576, %parallel_loop3A_577] {strides = array<i32>} : memref<256x128xi32, #tpu.memory_space<vmem>>, vector<1x16xi32>,
      %parallel_loop3A_579 = vector.shape_cast %parallel_loop3A_578 : vector<1x16xi32> to vector<16xi32>
      %parallel_loop3A_580 = vector.shape_cast %parallel_loop3A_508 : vector<16xi32> to vector<1x16xi32>
      tpu.vector_store %arg6[%parallel_loop3A_576, %parallel_loop3A_577], %parallel_loop3A_580 {strides = array<i32>} : memref<256x128xi32, #tpu.memory_space<vmem>>, vector<1x16xi32>,
      %parallel_loop3A_581 = vector.extract_strided_slice %parallel_loop3A_55 {offsets = [7], sizes = [1], strides = [1]} : vector<16xi32> to vector<1xi32>
      %parallel_loop3A_582 = vector.extract %parallel_loop3A_581[0] : i32 from vector<1xi32>
      %parallel_loop3A_583 = vector.broadcast %parallel_loop3A_582 : i32 to vector<16xi32>
      %parallel_loop3A_584 = arith.constant 16 : i32
      %parallel_loop3A_585 = arith.muli %parallel_loop3A_46, %parallel_loop3A_584 : i32
      %parallel_loop3A_586 = arith.constant 7 : i32
      %parallel_loop3A_587 = arith.addi %parallel_loop3A_585, %parallel_loop3A_586 : i32
      %parallel_loop3A_588 = arith.index_cast %parallel_loop3A_587 : i32 to index
      %parallel_loop3A_589 = arith.constant 0 : index
      %parallel_loop3A_590 = tpu.vector_load %arg6[%parallel_loop3A_588, %parallel_loop3A_589] {strides = array<i32>} : memref<256x128xi32, #tpu.memory_space<vmem>>, vector<1x16xi32>,
      %parallel_loop3A_591 = vector.shape_cast %parallel_loop3A_590 : vector<1x16xi32> to vector<16xi32>
      %parallel_loop3A_592 = vector.shape_cast %parallel_loop3A_583 : vector<16xi32> to vector<1x16xi32>
      tpu.vector_store %arg6[%parallel_loop3A_588, %parallel_loop3A_589], %parallel_loop3A_592 {strides = array<i32>} : memref<256x128xi32, #tpu.memory_space<vmem>>, vector<1x16xi32>,
      %parallel_loop3A_593 = arith.constant 16 : i32
      %parallel_loop3A_594 = arith.muli %parallel_loop3A_46, %parallel_loop3A_593 : i32
      %parallel_loop3A_595 = arith.constant 7 : i32
      %parallel_loop3A_596 = arith.addi %parallel_loop3A_594, %parallel_loop3A_595 : i32
      %parallel_loop3A_597 = arith.index_cast %parallel_loop3A_596 : i32 to index
      %parallel_loop3A_598 = arith.constant 16 : index
      %parallel_loop3A_599 = tpu.vector_load %arg6[%parallel_loop3A_597, %parallel_loop3A_598] {strides = array<i32>} : memref<256x128xi32, #tpu.memory_space<vmem>>, vector<1x16xi32>,
      %parallel_loop3A_600 = vector.shape_cast %parallel_loop3A_599 : vector<1x16xi32> to vector<16xi32>
      %parallel_loop3A_601 = vector.shape_cast %parallel_loop3A_583 : vector<16xi32> to vector<1x16xi32>
      tpu.vector_store %arg6[%parallel_loop3A_597, %parallel_loop3A_598], %parallel_loop3A_601 {strides = array<i32>} : memref<256x128xi32, #tpu.memory_space<vmem>>, vector<1x16xi32>,
      %parallel_loop3A_602 = arith.constant 16 : i32
      %parallel_loop3A_603 = arith.muli %parallel_loop3A_46, %parallel_loop3A_602 : i32
      %parallel_loop3A_604 = arith.constant 7 : i32
      %parallel_loop3A_605 = arith.addi %parallel_loop3A_603, %parallel_loop3A_604 : i32
      %parallel_loop3A_606 = arith.index_cast %parallel_loop3A_605 : i32 to index
      %parallel_loop3A_607 = arith.constant 32 : index
      %parallel_loop3A_608 = tpu.vector_load %arg6[%parallel_loop3A_606, %parallel_loop3A_607] {strides = array<i32>} : memref<256x128xi32, #tpu.memory_space<vmem>>, vector<1x16xi32>,
      %parallel_loop3A_609 = vector.shape_cast %parallel_loop3A_608 : vector<1x16xi32> to vector<16xi32>
      %parallel_loop3A_610 = vector.shape_cast %parallel_loop3A_583 : vector<16xi32> to vector<1x16xi32>
      tpu.vector_store %arg6[%parallel_loop3A_606, %parallel_loop3A_607], %parallel_loop3A_610 {strides = array<i32>} : memref<256x128xi32, #tpu.memory_space<vmem>>, vector<1x16xi32>,
      %parallel_loop3A_611 = arith.constant 16 : i32
      %parallel_loop3A_612 = arith.muli %parallel_loop3A_46, %parallel_loop3A_611 : i32
      %parallel_loop3A_613 = arith.constant 7 : i32
      %parallel_loop3A_614 = arith.addi %parallel_loop3A_612, %parallel_loop3A_613 : i32
      %parallel_loop3A_615 = arith.index_cast %parallel_loop3A_614 : i32 to index
      %parallel_loop3A_616 = arith.constant 48 : index
      %parallel_loop3A_617 = tpu.vector_load %arg6[%parallel_loop3A_615, %parallel_loop3A_616] {strides = array<i32>} : memref<256x128xi32, #tpu.memory_space<vmem>>, vector<1x16xi32>,
      %parallel_loop3A_618 = vector.shape_cast %parallel_loop3A_617 : vector<1x16xi32> to vector<16xi32>
      %parallel_loop3A_619 = vector.shape_cast %parallel_loop3A_583 : vector<16xi32> to vector<1x16xi32>
      tpu.vector_store %arg6[%parallel_loop3A_615, %parallel_loop3A_616], %parallel_loop3A_619 {strides = array<i32>} : memref<256x128xi32, #tpu.memory_space<vmem>>, vector<1x16xi32>,
      %parallel_loop3A_620 = arith.constant 16 : i32
      %parallel_loop3A_621 = arith.muli %parallel_loop3A_46, %parallel_loop3A_620 : i32
      %parallel_loop3A_622 = arith.constant 7 : i32
      %parallel_loop3A_623 = arith.addi %parallel_loop3A_621, %parallel_loop3A_622 : i32
      %parallel_loop3A_624 = arith.index_cast %parallel_loop3A_623 : i32 to index
      %parallel_loop3A_625 = arith.constant 64 : index
      %parallel_loop3A_626 = tpu.vector_load %arg6[%parallel_loop3A_624, %parallel_loop3A_625] {strides = array<i32>} : memref<256x128xi32, #tpu.memory_space<vmem>>, vector<1x16xi32>,
      %parallel_loop3A_627 = vector.shape_cast %parallel_loop3A_626 : vector<1x16xi32> to vector<16xi32>
      %parallel_loop3A_628 = vector.shape_cast %parallel_loop3A_583 : vector<16xi32> to vector<1x16xi32>
      tpu.vector_store %arg6[%parallel_loop3A_624, %parallel_loop3A_625], %parallel_loop3A_628 {strides = array<i32>} : memref<256x128xi32, #tpu.memory_space<vmem>>, vector<1x16xi32>,
      %parallel_loop3A_629 = arith.constant 16 : i32
      %parallel_loop3A_630 = arith.muli %parallel_loop3A_46, %parallel_loop3A_629 : i32
      %parallel_loop3A_631 = arith.constant 7 : i32
      %parallel_loop3A_632 = arith.addi %parallel_loop3A_630, %parallel_loop3A_631 : i32
      %parallel_loop3A_633 = arith.index_cast %parallel_loop3A_632 : i32 to index
      %parallel_loop3A_634 = arith.constant 80 : index
      %parallel_loop3A_635 = tpu.vector_load %arg6[%parallel_loop3A_633, %parallel_loop3A_634] {strides = array<i32>} : memref<256x128xi32, #tpu.memory_space<vmem>>, vector<1x16xi32>,
      %parallel_loop3A_636 = vector.shape_cast %parallel_loop3A_635 : vector<1x16xi32> to vector<16xi32>
      %parallel_loop3A_637 = vector.shape_cast %parallel_loop3A_583 : vector<16xi32> to vector<1x16xi32>
      tpu.vector_store %arg6[%parallel_loop3A_633, %parallel_loop3A_634], %parallel_loop3A_637 {strides = array<i32>} : memref<256x128xi32, #tpu.memory_space<vmem>>, vector<1x16xi32>,
      %parallel_loop3A_638 = arith.constant 16 : i32
      %parallel_loop3A_639 = arith.muli %parallel_loop3A_46, %parallel_loop3A_638 : i32
      %parallel_loop3A_640 = arith.constant 7 : i32
      %parallel_loop3A_641 = arith.addi %parallel_loop3A_639, %parallel_loop3A_640 : i32
      %parallel_loop3A_642 = arith.index_cast %parallel_loop3A_641 : i32 to index
      %parallel_loop3A_643 = arith.constant 96 : index
      %parallel_loop3A_644 = tpu.vector_load %arg6[%parallel_loop3A_642, %parallel_loop3A_643] {strides = array<i32>} : memref<256x128xi32, #tpu.memory_space<vmem>>, vector<1x16xi32>,
      %parallel_loop3A_645 = vector.shape_cast %parallel_loop3A_644 : vector<1x16xi32> to vector<16xi32>
      %parallel_loop3A_646 = vector.shape_cast %parallel_loop3A_583 : vector<16xi32> to vector<1x16xi32>
      tpu.vector_store %arg6[%parallel_loop3A_642, %parallel_loop3A_643], %parallel_loop3A_646 {strides = array<i32>} : memref<256x128xi32, #tpu.memory_space<vmem>>, vector<1x16xi32>,
      %parallel_loop3A_647 = arith.constant 16 : i32
      %parallel_loop3A_648 = arith.muli %parallel_loop3A_46, %parallel_loop3A_647 : i32
      %parallel_loop3A_649 = arith.constant 7 : i32
      %parallel_loop3A_650 = arith.addi %parallel_loop3A_648, %parallel_loop3A_649 : i32
      %parallel_loop3A_651 = arith.index_cast %parallel_loop3A_650 : i32 to index
      %parallel_loop3A_652 = arith.constant 112 : index
      %parallel_loop3A_653 = tpu.vector_load %arg6[%parallel_loop3A_651, %parallel_loop3A_652] {strides = array<i32>} : memref<256x128xi32, #tpu.memory_space<vmem>>, vector<1x16xi32>,
      %parallel_loop3A_654 = vector.shape_cast %parallel_loop3A_653 : vector<1x16xi32> to vector<16xi32>
      %parallel_loop3A_655 = vector.shape_cast %parallel_loop3A_583 : vector<16xi32> to vector<1x16xi32>
      tpu.vector_store %arg6[%parallel_loop3A_651, %parallel_loop3A_652], %parallel_loop3A_655 {strides = array<i32>} : memref<256x128xi32, #tpu.memory_space<vmem>>, vector<1x16xi32>,
      %parallel_loop3A_656 = vector.extract_strided_slice %parallel_loop3A_55 {offsets = [8], sizes = [1], strides = [1]} : vector<16xi32> to vector<1xi32>
      %parallel_loop3A_657 = vector.extract %parallel_loop3A_656[0] : i32 from vector<1xi32>
      %parallel_loop3A_658 = vector.broadcast %parallel_loop3A_657 : i32 to vector<16xi32>
      %parallel_loop3A_659 = arith.constant 16 : i32
      %parallel_loop3A_660 = arith.muli %parallel_loop3A_46, %parallel_loop3A_659 : i32
      %parallel_loop3A_661 = arith.constant 8 : i32
      %parallel_loop3A_662 = arith.addi %parallel_loop3A_660, %parallel_loop3A_661 : i32
      %parallel_loop3A_663 = arith.index_cast %parallel_loop3A_662 : i32 to index
      %parallel_loop3A_664 = arith.constant 0 : index
      %parallel_loop3A_665 = tpu.vector_load %arg6[%parallel_loop3A_663, %parallel_loop3A_664] {strides = array<i32>} : memref<256x128xi32, #tpu.memory_space<vmem>>, vector<1x16xi32>,
      %parallel_loop3A_666 = vector.shape_cast %parallel_loop3A_665 : vector<1x16xi32> to vector<16xi32>
      %parallel_loop3A_667 = vector.shape_cast %parallel_loop3A_658 : vector<16xi32> to vector<1x16xi32>
      tpu.vector_store %arg6[%parallel_loop3A_663, %parallel_loop3A_664], %parallel_loop3A_667 {strides = array<i32>} : memref<256x128xi32, #tpu.memory_space<vmem>>, vector<1x16xi32>,
      %parallel_loop3A_668 = arith.constant 16 : i32
      %parallel_loop3A_669 = arith.muli %parallel_loop3A_46, %parallel_loop3A_668 : i32
      %parallel_loop3A_670 = arith.constant 8 : i32
      %parallel_loop3A_671 = arith.addi %parallel_loop3A_669, %parallel_loop3A_670 : i32
      %parallel_loop3A_672 = arith.index_cast %parallel_loop3A_671 : i32 to index
      %parallel_loop3A_673 = arith.constant 16 : index
      %parallel_loop3A_674 = tpu.vector_load %arg6[%parallel_loop3A_672, %parallel_loop3A_673] {strides = array<i32>} : memref<256x128xi32, #tpu.memory_space<vmem>>, vector<1x16xi32>,
      %parallel_loop3A_675 = vector.shape_cast %parallel_loop3A_674 : vector<1x16xi32> to vector<16xi32>
      %parallel_loop3A_676 = vector.shape_cast %parallel_loop3A_658 : vector<16xi32> to vector<1x16xi32>
      tpu.vector_store %arg6[%parallel_loop3A_672, %parallel_loop3A_673], %parallel_loop3A_676 {strides = array<i32>} : memref<256x128xi32, #tpu.memory_space<vmem>>, vector<1x16xi32>,
      %parallel_loop3A_677 = arith.constant 16 : i32
      %parallel_loop3A_678 = arith.muli %parallel_loop3A_46, %parallel_loop3A_677 : i32
      %parallel_loop3A_679 = arith.constant 8 : i32
      %parallel_loop3A_680 = arith.addi %parallel_loop3A_678, %parallel_loop3A_679 : i32
      %parallel_loop3A_681 = arith.index_cast %parallel_loop3A_680 : i32 to index
      %parallel_loop3A_682 = arith.constant 32 : index
      %parallel_loop3A_683 = tpu.vector_load %arg6[%parallel_loop3A_681, %parallel_loop3A_682] {strides = array<i32>} : memref<256x128xi32, #tpu.memory_space<vmem>>, vector<1x16xi32>,
      %parallel_loop3A_684 = vector.shape_cast %parallel_loop3A_683 : vector<1x16xi32> to vector<16xi32>
      %parallel_loop3A_685 = vector.shape_cast %parallel_loop3A_658 : vector<16xi32> to vector<1x16xi32>
      tpu.vector_store %arg6[%parallel_loop3A_681, %parallel_loop3A_682], %parallel_loop3A_685 {strides = array<i32>} : memref<256x128xi32, #tpu.memory_space<vmem>>, vector<1x16xi32>,
      %parallel_loop3A_686 = arith.constant 16 : i32
      %parallel_loop3A_687 = arith.muli %parallel_loop3A_46, %parallel_loop3A_686 : i32
      %parallel_loop3A_688 = arith.constant 8 : i32
      %parallel_loop3A_689 = arith.addi %parallel_loop3A_687, %parallel_loop3A_688 : i32
      %parallel_loop3A_690 = arith.index_cast %parallel_loop3A_689 : i32 to index
      %parallel_loop3A_691 = arith.constant 48 : index
      %parallel_loop3A_692 = tpu.vector_load %arg6[%parallel_loop3A_690, %parallel_loop3A_691] {strides = array<i32>} : memref<256x128xi32, #tpu.memory_space<vmem>>, vector<1x16xi32>,
      %parallel_loop3A_693 = vector.shape_cast %parallel_loop3A_692 : vector<1x16xi32> to vector<16xi32>
      %parallel_loop3A_694 = vector.shape_cast %parallel_loop3A_658 : vector<16xi32> to vector<1x16xi32>
      tpu.vector_store %arg6[%parallel_loop3A_690, %parallel_loop3A_691], %parallel_loop3A_694 {strides = array<i32>} : memref<256x128xi32, #tpu.memory_space<vmem>>, vector<1x16xi32>,
      %parallel_loop3A_695 = arith.constant 16 : i32
      %parallel_loop3A_696 = arith.muli %parallel_loop3A_46, %parallel_loop3A_695 : i32
      %parallel_loop3A_697 = arith.constant 8 : i32
      %parallel_loop3A_698 = arith.addi %parallel_loop3A_696, %parallel_loop3A_697 : i32
      %parallel_loop3A_699 = arith.index_cast %parallel_loop3A_698 : i32 to index
      %parallel_loop3A_700 = arith.constant 64 : index
      %parallel_loop3A_701 = tpu.vector_load %arg6[%parallel_loop3A_699, %parallel_loop3A_700] {strides = array<i32>} : memref<256x128xi32, #tpu.memory_space<vmem>>, vector<1x16xi32>,
      %parallel_loop3A_702 = vector.shape_cast %parallel_loop3A_701 : vector<1x16xi32> to vector<16xi32>
      %parallel_loop3A_703 = vector.shape_cast %parallel_loop3A_658 : vector<16xi32> to vector<1x16xi32>
      tpu.vector_store %arg6[%parallel_loop3A_699, %parallel_loop3A_700], %parallel_loop3A_703 {strides = array<i32>} : memref<256x128xi32, #tpu.memory_space<vmem>>, vector<1x16xi32>,
      %parallel_loop3A_704 = arith.constant 16 : i32
      %parallel_loop3A_705 = arith.muli %parallel_loop3A_46, %parallel_loop3A_704 : i32
      %parallel_loop3A_706 = arith.constant 8 : i32
      %parallel_loop3A_707 = arith.addi %parallel_loop3A_705, %parallel_loop3A_706 : i32
      %parallel_loop3A_708 = arith.index_cast %parallel_loop3A_707 : i32 to index
      %parallel_loop3A_709 = arith.constant 80 : index
      %parallel_loop3A_710 = tpu.vector_load %arg6[%parallel_loop3A_708, %parallel_loop3A_709] {strides = array<i32>} : memref<256x128xi32, #tpu.memory_space<vmem>>, vector<1x16xi32>,
      %parallel_loop3A_711 = vector.shape_cast %parallel_loop3A_710 : vector<1x16xi32> to vector<16xi32>
      %parallel_loop3A_712 = vector.shape_cast %parallel_loop3A_658 : vector<16xi32> to vector<1x16xi32>
      tpu.vector_store %arg6[%parallel_loop3A_708, %parallel_loop3A_709], %parallel_loop3A_712 {strides = array<i32>} : memref<256x128xi32, #tpu.memory_space<vmem>>, vector<1x16xi32>,
      %parallel_loop3A_713 = arith.constant 16 : i32
      %parallel_loop3A_714 = arith.muli %parallel_loop3A_46, %parallel_loop3A_713 : i32
      %parallel_loop3A_715 = arith.constant 8 : i32
      %parallel_loop3A_716 = arith.addi %parallel_loop3A_714, %parallel_loop3A_715 : i32
      %parallel_loop3A_717 = arith.index_cast %parallel_loop3A_716 : i32 to index
      %parallel_loop3A_718 = arith.constant 96 : index
      %parallel_loop3A_719 = tpu.vector_load %arg6[%parallel_loop3A_717, %parallel_loop3A_718] {strides = array<i32>} : memref<256x128xi32, #tpu.memory_space<vmem>>, vector<1x16xi32>,
      %parallel_loop3A_720 = vector.shape_cast %parallel_loop3A_719 : vector<1x16xi32> to vector<16xi32>
      %parallel_loop3A_721 = vector.shape_cast %parallel_loop3A_658 : vector<16xi32> to vector<1x16xi32>
      tpu.vector_store %arg6[%parallel_loop3A_717, %parallel_loop3A_718], %parallel_loop3A_721 {strides = array<i32>} : memref<256x128xi32, #tpu.memory_space<vmem>>, vector<1x16xi32>,
      %parallel_loop3A_722 = arith.constant 16 : i32
      %parallel_loop3A_723 = arith.muli %parallel_loop3A_46, %parallel_loop3A_722 : i32
      %parallel_loop3A_724 = arith.constant 8 : i32
      %parallel_loop3A_725 = arith.addi %parallel_loop3A_723, %parallel_loop3A_724 : i32
      %parallel_loop3A_726 = arith.index_cast %parallel_loop3A_725 : i32 to index
      %parallel_loop3A_727 = arith.constant 112 : index
      %parallel_loop3A_728 = tpu.vector_load %arg6[%parallel_loop3A_726, %parallel_loop3A_727] {strides = array<i32>} : memref<256x128xi32, #tpu.memory_space<vmem>>, vector<1x16xi32>,
      %parallel_loop3A_729 = vector.shape_cast %parallel_loop3A_728 : vector<1x16xi32> to vector<16xi32>
      %parallel_loop3A_730 = vector.shape_cast %parallel_loop3A_658 : vector<16xi32> to vector<1x16xi32>
      tpu.vector_store %arg6[%parallel_loop3A_726, %parallel_loop3A_727], %parallel_loop3A_730 {strides = array<i32>} : memref<256x128xi32, #tpu.memory_space<vmem>>, vector<1x16xi32>,
      %parallel_loop3A_731 = vector.extract_strided_slice %parallel_loop3A_55 {offsets = [9], sizes = [1], strides = [1]} : vector<16xi32> to vector<1xi32>
      %parallel_loop3A_732 = vector.extract %parallel_loop3A_731[0] : i32 from vector<1xi32>
      %parallel_loop3A_733 = vector.broadcast %parallel_loop3A_732 : i32 to vector<16xi32>
      %parallel_loop3A_734 = arith.constant 16 : i32
      %parallel_loop3A_735 = arith.muli %parallel_loop3A_46, %parallel_loop3A_734 : i32
      %parallel_loop3A_736 = arith.constant 9 : i32
      %parallel_loop3A_737 = arith.addi %parallel_loop3A_735, %parallel_loop3A_736 : i32
      %parallel_loop3A_738 = arith.index_cast %parallel_loop3A_737 : i32 to index
      %parallel_loop3A_739 = arith.constant 0 : index
      %parallel_loop3A_740 = tpu.vector_load %arg6[%parallel_loop3A_738, %parallel_loop3A_739] {strides = array<i32>} : memref<256x128xi32, #tpu.memory_space<vmem>>, vector<1x16xi32>,
      %parallel_loop3A_741 = vector.shape_cast %parallel_loop3A_740 : vector<1x16xi32> to vector<16xi32>
      %parallel_loop3A_742 = vector.shape_cast %parallel_loop3A_733 : vector<16xi32> to vector<1x16xi32>
      tpu.vector_store %arg6[%parallel_loop3A_738, %parallel_loop3A_739], %parallel_loop3A_742 {strides = array<i32>} : memref<256x128xi32, #tpu.memory_space<vmem>>, vector<1x16xi32>,
      %parallel_loop3A_743 = arith.constant 16 : i32
      %parallel_loop3A_744 = arith.muli %parallel_loop3A_46, %parallel_loop3A_743 : i32
      %parallel_loop3A_745 = arith.constant 9 : i32
      %parallel_loop3A_746 = arith.addi %parallel_loop3A_744, %parallel_loop3A_745 : i32
      %parallel_loop3A_747 = arith.index_cast %parallel_loop3A_746 : i32 to index
      %parallel_loop3A_748 = arith.constant 16 : index
      %parallel_loop3A_749 = tpu.vector_load %arg6[%parallel_loop3A_747, %parallel_loop3A_748] {strides = array<i32>} : memref<256x128xi32, #tpu.memory_space<vmem>>, vector<1x16xi32>,
      %parallel_loop3A_750 = vector.shape_cast %parallel_loop3A_749 : vector<1x16xi32> to vector<16xi32>
      %parallel_loop3A_751 = vector.shape_cast %parallel_loop3A_733 : vector<16xi32> to vector<1x16xi32>
      tpu.vector_store %arg6[%parallel_loop3A_747, %parallel_loop3A_748], %parallel_loop3A_751 {strides = array<i32>} : memref<256x128xi32, #tpu.memory_space<vmem>>, vector<1x16xi32>,
      %parallel_loop3A_752 = arith.constant 16 : i32
      %parallel_loop3A_753 = arith.muli %parallel_loop3A_46, %parallel_loop3A_752 : i32
      %parallel_loop3A_754 = arith.constant 9 : i32
      %parallel_loop3A_755 = arith.addi %parallel_loop3A_753, %parallel_loop3A_754 : i32
      %parallel_loop3A_756 = arith.index_cast %parallel_loop3A_755 : i32 to index
      %parallel_loop3A_757 = arith.constant 32 : index
      %parallel_loop3A_758 = tpu.vector_load %arg6[%parallel_loop3A_756, %parallel_loop3A_757] {strides = array<i32>} : memref<256x128xi32, #tpu.memory_space<vmem>>, vector<1x16xi32>,
      %parallel_loop3A_759 = vector.shape_cast %parallel_loop3A_758 : vector<1x16xi32> to vector<16xi32>
      %parallel_loop3A_760 = vector.shape_cast %parallel_loop3A_733 : vector<16xi32> to vector<1x16xi32>
      tpu.vector_store %arg6[%parallel_loop3A_756, %parallel_loop3A_757], %parallel_loop3A_760 {strides = array<i32>} : memref<256x128xi32, #tpu.memory_space<vmem>>, vector<1x16xi32>,
      %parallel_loop3A_761 = arith.constant 16 : i32
      %parallel_loop3A_762 = arith.muli %parallel_loop3A_46, %parallel_loop3A_761 : i32
      %parallel_loop3A_763 = arith.constant 9 : i32
      %parallel_loop3A_764 = arith.addi %parallel_loop3A_762, %parallel_loop3A_763 : i32
      %parallel_loop3A_765 = arith.index_cast %parallel_loop3A_764 : i32 to index
      %parallel_loop3A_766 = arith.constant 48 : index
      %parallel_loop3A_767 = tpu.vector_load %arg6[%parallel_loop3A_765, %parallel_loop3A_766] {strides = array<i32>} : memref<256x128xi32, #tpu.memory_space<vmem>>, vector<1x16xi32>,
      %parallel_loop3A_768 = vector.shape_cast %parallel_loop3A_767 : vector<1x16xi32> to vector<16xi32>
      %parallel_loop3A_769 = vector.shape_cast %parallel_loop3A_733 : vector<16xi32> to vector<1x16xi32>
      tpu.vector_store %arg6[%parallel_loop3A_765, %parallel_loop3A_766], %parallel_loop3A_769 {strides = array<i32>} : memref<256x128xi32, #tpu.memory_space<vmem>>, vector<1x16xi32>,
      %parallel_loop3A_770 = arith.constant 16 : i32
      %parallel_loop3A_771 = arith.muli %parallel_loop3A_46, %parallel_loop3A_770 : i32
      %parallel_loop3A_772 = arith.constant 9 : i32
      %parallel_loop3A_773 = arith.addi %parallel_loop3A_771, %parallel_loop3A_772 : i32
      %parallel_loop3A_774 = arith.index_cast %parallel_loop3A_773 : i32 to index
      %parallel_loop3A_775 = arith.constant 64 : index
      %parallel_loop3A_776 = tpu.vector_load %arg6[%parallel_loop3A_774, %parallel_loop3A_775] {strides = array<i32>} : memref<256x128xi32, #tpu.memory_space<vmem>>, vector<1x16xi32>,
      %parallel_loop3A_777 = vector.shape_cast %parallel_loop3A_776 : vector<1x16xi32> to vector<16xi32>
      %parallel_loop3A_778 = vector.shape_cast %parallel_loop3A_733 : vector<16xi32> to vector<1x16xi32>
      tpu.vector_store %arg6[%parallel_loop3A_774, %parallel_loop3A_775], %parallel_loop3A_778 {strides = array<i32>} : memref<256x128xi32, #tpu.memory_space<vmem>>, vector<1x16xi32>,
      %parallel_loop3A_779 = arith.constant 16 : i32
      %parallel_loop3A_780 = arith.muli %parallel_loop3A_46, %parallel_loop3A_779 : i32
      %parallel_loop3A_781 = arith.constant 9 : i32
      %parallel_loop3A_782 = arith.addi %parallel_loop3A_780, %parallel_loop3A_781 : i32
      %parallel_loop3A_783 = arith.index_cast %parallel_loop3A_782 : i32 to index
      %parallel_loop3A_784 = arith.constant 80 : index
      %parallel_loop3A_785 = tpu.vector_load %arg6[%parallel_loop3A_783, %parallel_loop3A_784] {strides = array<i32>} : memref<256x128xi32, #tpu.memory_space<vmem>>, vector<1x16xi32>,
      %parallel_loop3A_786 = vector.shape_cast %parallel_loop3A_785 : vector<1x16xi32> to vector<16xi32>
      %parallel_loop3A_787 = vector.shape_cast %parallel_loop3A_733 : vector<16xi32> to vector<1x16xi32>
      tpu.vector_store %arg6[%parallel_loop3A_783, %parallel_loop3A_784], %parallel_loop3A_787 {strides = array<i32>} : memref<256x128xi32, #tpu.memory_space<vmem>>, vector<1x16xi32>,
      %parallel_loop3A_788 = arith.constant 16 : i32
      %parallel_loop3A_789 = arith.muli %parallel_loop3A_46, %parallel_loop3A_788 : i32
      %parallel_loop3A_790 = arith.constant 9 : i32
      %parallel_loop3A_791 = arith.addi %parallel_loop3A_789, %parallel_loop3A_790 : i32
      %parallel_loop3A_792 = arith.index_cast %parallel_loop3A_791 : i32 to index
      %parallel_loop3A_793 = arith.constant 96 : index
      %parallel_loop3A_794 = tpu.vector_load %arg6[%parallel_loop3A_792, %parallel_loop3A_793] {strides = array<i32>} : memref<256x128xi32, #tpu.memory_space<vmem>>, vector<1x16xi32>,
      %parallel_loop3A_795 = vector.shape_cast %parallel_loop3A_794 : vector<1x16xi32> to vector<16xi32>
      %parallel_loop3A_796 = vector.shape_cast %parallel_loop3A_733 : vector<16xi32> to vector<1x16xi32>
      tpu.vector_store %arg6[%parallel_loop3A_792, %parallel_loop3A_793], %parallel_loop3A_796 {strides = array<i32>} : memref<256x128xi32, #tpu.memory_space<vmem>>, vector<1x16xi32>,
      %parallel_loop3A_797 = arith.constant 16 : i32
      %parallel_loop3A_798 = arith.muli %parallel_loop3A_46, %parallel_loop3A_797 : i32
      %parallel_loop3A_799 = arith.constant 9 : i32
      %parallel_loop3A_800 = arith.addi %parallel_loop3A_798, %parallel_loop3A_799 : i32
      %parallel_loop3A_801 = arith.index_cast %parallel_loop3A_800 : i32 to index
      %parallel_loop3A_802 = arith.constant 112 : index
      %parallel_loop3A_803 = tpu.vector_load %arg6[%parallel_loop3A_801, %parallel_loop3A_802] {strides = array<i32>} : memref<256x128xi32, #tpu.memory_space<vmem>>, vector<1x16xi32>,
      %parallel_loop3A_804 = vector.shape_cast %parallel_loop3A_803 : vector<1x16xi32> to vector<16xi32>
      %parallel_loop3A_805 = vector.shape_cast %parallel_loop3A_733 : vector<16xi32> to vector<1x16xi32>
      tpu.vector_store %arg6[%parallel_loop3A_801, %parallel_loop3A_802], %parallel_loop3A_805 {strides = array<i32>} : memref<256x128xi32, #tpu.memory_space<vmem>>, vector<1x16xi32>,
      %parallel_loop3A_806 = vector.extract_strided_slice %parallel_loop3A_55 {offsets = [10], sizes = [1], strides = [1]} : vector<16xi32> to vector<1xi32>
      %parallel_loop3A_807 = vector.extract %parallel_loop3A_806[0] : i32 from vector<1xi32>
      %parallel_loop3A_808 = vector.broadcast %parallel_loop3A_807 : i32 to vector<16xi32>
      %parallel_loop3A_809 = arith.constant 16 : i32
      %parallel_loop3A_810 = arith.muli %parallel_loop3A_46, %parallel_loop3A_809 : i32
      %parallel_loop3A_811 = arith.constant 10 : i32
      %parallel_loop3A_812 = arith.addi %parallel_loop3A_810, %parallel_loop3A_811 : i32
      %parallel_loop3A_813 = arith.index_cast %parallel_loop3A_812 : i32 to index
      %parallel_loop3A_814 = arith.constant 0 : index
      %parallel_loop3A_815 = tpu.vector_load %arg6[%parallel_loop3A_813, %parallel_loop3A_814] {strides = array<i32>} : memref<256x128xi32, #tpu.memory_space<vmem>>, vector<1x16xi32>,
      %parallel_loop3A_816 = vector.shape_cast %parallel_loop3A_815 : vector<1x16xi32> to vector<16xi32>
      %parallel_loop3A_817 = vector.shape_cast %parallel_loop3A_808 : vector<16xi32> to vector<1x16xi32>
      tpu.vector_store %arg6[%parallel_loop3A_813, %parallel_loop3A_814], %parallel_loop3A_817 {strides = array<i32>} : memref<256x128xi32, #tpu.memory_space<vmem>>, vector<1x16xi32>,
      %parallel_loop3A_818 = arith.constant 16 : i32
      %parallel_loop3A_819 = arith.muli %parallel_loop3A_46, %parallel_loop3A_818 : i32
      %parallel_loop3A_820 = arith.constant 10 : i32
      %parallel_loop3A_821 = arith.addi %parallel_loop3A_819, %parallel_loop3A_820 : i32
      %parallel_loop3A_822 = arith.index_cast %parallel_loop3A_821 : i32 to index
      %parallel_loop3A_823 = arith.constant 16 : index
      %parallel_loop3A_824 = tpu.vector_load %arg6[%parallel_loop3A_822, %parallel_loop3A_823] {strides = array<i32>} : memref<256x128xi32, #tpu.memory_space<vmem>>, vector<1x16xi32>,
      %parallel_loop3A_825 = vector.shape_cast %parallel_loop3A_824 : vector<1x16xi32> to vector<16xi32>
      %parallel_loop3A_826 = vector.shape_cast %parallel_loop3A_808 : vector<16xi32> to vector<1x16xi32>
      tpu.vector_store %arg6[%parallel_loop3A_822, %parallel_loop3A_823], %parallel_loop3A_826 {strides = array<i32>} : memref<256x128xi32, #tpu.memory_space<vmem>>, vector<1x16xi32>,
      %parallel_loop3A_827 = arith.constant 16 : i32
      %parallel_loop3A_828 = arith.muli %parallel_loop3A_46, %parallel_loop3A_827 : i32
      %parallel_loop3A_829 = arith.constant 10 : i32
      %parallel_loop3A_830 = arith.addi %parallel_loop3A_828, %parallel_loop3A_829 : i32
      %parallel_loop3A_831 = arith.index_cast %parallel_loop3A_830 : i32 to index
      %parallel_loop3A_832 = arith.constant 32 : index
      %parallel_loop3A_833 = tpu.vector_load %arg6[%parallel_loop3A_831, %parallel_loop3A_832] {strides = array<i32>} : memref<256x128xi32, #tpu.memory_space<vmem>>, vector<1x16xi32>,
      %parallel_loop3A_834 = vector.shape_cast %parallel_loop3A_833 : vector<1x16xi32> to vector<16xi32>
      %parallel_loop3A_835 = vector.shape_cast %parallel_loop3A_808 : vector<16xi32> to vector<1x16xi32>
      tpu.vector_store %arg6[%parallel_loop3A_831, %parallel_loop3A_832], %parallel_loop3A_835 {strides = array<i32>} : memref<256x128xi32, #tpu.memory_space<vmem>>, vector<1x16xi32>,
      %parallel_loop3A_836 = arith.constant 16 : i32
      %parallel_loop3A_837 = arith.muli %parallel_loop3A_46, %parallel_loop3A_836 : i32
      %parallel_loop3A_838 = arith.constant 10 : i32
      %parallel_loop3A_839 = arith.addi %parallel_loop3A_837, %parallel_loop3A_838 : i32
      %parallel_loop3A_840 = arith.index_cast %parallel_loop3A_839 : i32 to index
      %parallel_loop3A_841 = arith.constant 48 : index
      %parallel_loop3A_842 = tpu.vector_load %arg6[%parallel_loop3A_840, %parallel_loop3A_841] {strides = array<i32>} : memref<256x128xi32, #tpu.memory_space<vmem>>, vector<1x16xi32>,
      %parallel_loop3A_843 = vector.shape_cast %parallel_loop3A_842 : vector<1x16xi32> to vector<16xi32>
      %parallel_loop3A_844 = vector.shape_cast %parallel_loop3A_808 : vector<16xi32> to vector<1x16xi32>
      tpu.vector_store %arg6[%parallel_loop3A_840, %parallel_loop3A_841], %parallel_loop3A_844 {strides = array<i32>} : memref<256x128xi32, #tpu.memory_space<vmem>>, vector<1x16xi32>,
      %parallel_loop3A_845 = arith.constant 16 : i32
      %parallel_loop3A_846 = arith.muli %parallel_loop3A_46, %parallel_loop3A_845 : i32
      %parallel_loop3A_847 = arith.constant 10 : i32
      %parallel_loop3A_848 = arith.addi %parallel_loop3A_846, %parallel_loop3A_847 : i32
      %parallel_loop3A_849 = arith.index_cast %parallel_loop3A_848 : i32 to index
      %parallel_loop3A_850 = arith.constant 64 : index
      %parallel_loop3A_851 = tpu.vector_load %arg6[%parallel_loop3A_849, %parallel_loop3A_850] {strides = array<i32>} : memref<256x128xi32, #tpu.memory_space<vmem>>, vector<1x16xi32>,
      %parallel_loop3A_852 = vector.shape_cast %parallel_loop3A_851 : vector<1x16xi32> to vector<16xi32>
      %parallel_loop3A_853 = vector.shape_cast %parallel_loop3A_808 : vector<16xi32> to vector<1x16xi32>
      tpu.vector_store %arg6[%parallel_loop3A_849, %parallel_loop3A_850], %parallel_loop3A_853 {strides = array<i32>} : memref<256x128xi32, #tpu.memory_space<vmem>>, vector<1x16xi32>,
      %parallel_loop3A_854 = arith.constant 16 : i32
      %parallel_loop3A_855 = arith.muli %parallel_loop3A_46, %parallel_loop3A_854 : i32
      %parallel_loop3A_856 = arith.constant 10 : i32
      %parallel_loop3A_857 = arith.addi %parallel_loop3A_855, %parallel_loop3A_856 : i32
      %parallel_loop3A_858 = arith.index_cast %parallel_loop3A_857 : i32 to index
      %parallel_loop3A_859 = arith.constant 80 : index
      %parallel_loop3A_860 = tpu.vector_load %arg6[%parallel_loop3A_858, %parallel_loop3A_859] {strides = array<i32>} : memref<256x128xi32, #tpu.memory_space<vmem>>, vector<1x16xi32>,
      %parallel_loop3A_861 = vector.shape_cast %parallel_loop3A_860 : vector<1x16xi32> to vector<16xi32>
      %parallel_loop3A_862 = vector.shape_cast %parallel_loop3A_808 : vector<16xi32> to vector<1x16xi32>
      tpu.vector_store %arg6[%parallel_loop3A_858, %parallel_loop3A_859], %parallel_loop3A_862 {strides = array<i32>} : memref<256x128xi32, #tpu.memory_space<vmem>>, vector<1x16xi32>,
      %parallel_loop3A_863 = arith.constant 16 : i32
      %parallel_loop3A_864 = arith.muli %parallel_loop3A_46, %parallel_loop3A_863 : i32
      %parallel_loop3A_865 = arith.constant 10 : i32
      %parallel_loop3A_866 = arith.addi %parallel_loop3A_864, %parallel_loop3A_865 : i32
      %parallel_loop3A_867 = arith.index_cast %parallel_loop3A_866 : i32 to index
      %parallel_loop3A_868 = arith.constant 96 : index
      %parallel_loop3A_869 = tpu.vector_load %arg6[%parallel_loop3A_867, %parallel_loop3A_868] {strides = array<i32>} : memref<256x128xi32, #tpu.memory_space<vmem>>, vector<1x16xi32>,
      %parallel_loop3A_870 = vector.shape_cast %parallel_loop3A_869 : vector<1x16xi32> to vector<16xi32>
      %parallel_loop3A_871 = vector.shape_cast %parallel_loop3A_808 : vector<16xi32> to vector<1x16xi32>
      tpu.vector_store %arg6[%parallel_loop3A_867, %parallel_loop3A_868], %parallel_loop3A_871 {strides = array<i32>} : memref<256x128xi32, #tpu.memory_space<vmem>>, vector<1x16xi32>,
      %parallel_loop3A_872 = arith.constant 16 : i32
      %parallel_loop3A_873 = arith.muli %parallel_loop3A_46, %parallel_loop3A_872 : i32
      %parallel_loop3A_874 = arith.constant 10 : i32
      %parallel_loop3A_875 = arith.addi %parallel_loop3A_873, %parallel_loop3A_874 : i32
      %parallel_loop3A_876 = arith.index_cast %parallel_loop3A_875 : i32 to index
      %parallel_loop3A_877 = arith.constant 112 : index
      %parallel_loop3A_878 = tpu.vector_load %arg6[%parallel_loop3A_876, %parallel_loop3A_877] {strides = array<i32>} : memref<256x128xi32, #tpu.memory_space<vmem>>, vector<1x16xi32>,
      %parallel_loop3A_879 = vector.shape_cast %parallel_loop3A_878 : vector<1x16xi32> to vector<16xi32>
      %parallel_loop3A_880 = vector.shape_cast %parallel_loop3A_808 : vector<16xi32> to vector<1x16xi32>
      tpu.vector_store %arg6[%parallel_loop3A_876, %parallel_loop3A_877], %parallel_loop3A_880 {strides = array<i32>} : memref<256x128xi32, #tpu.memory_space<vmem>>, vector<1x16xi32>,
      %parallel_loop3A_881 = vector.extract_strided_slice %parallel_loop3A_55 {offsets = [11], sizes = [1], strides = [1]} : vector<16xi32> to vector<1xi32>
      %parallel_loop3A_882 = vector.extract %parallel_loop3A_881[0] : i32 from vector<1xi32>
      %parallel_loop3A_883 = vector.broadcast %parallel_loop3A_882 : i32 to vector<16xi32>
      %parallel_loop3A_884 = arith.constant 16 : i32
      %parallel_loop3A_885 = arith.muli %parallel_loop3A_46, %parallel_loop3A_884 : i32
      %parallel_loop3A_886 = arith.constant 11 : i32
      %parallel_loop3A_887 = arith.addi %parallel_loop3A_885, %parallel_loop3A_886 : i32
      %parallel_loop3A_888 = arith.index_cast %parallel_loop3A_887 : i32 to index
      %parallel_loop3A_889 = arith.constant 0 : index
      %parallel_loop3A_890 = tpu.vector_load %arg6[%parallel_loop3A_888, %parallel_loop3A_889] {strides = array<i32>} : memref<256x128xi32, #tpu.memory_space<vmem>>, vector<1x16xi32>,
      %parallel_loop3A_891 = vector.shape_cast %parallel_loop3A_890 : vector<1x16xi32> to vector<16xi32>
      %parallel_loop3A_892 = vector.shape_cast %parallel_loop3A_883 : vector<16xi32> to vector<1x16xi32>
      tpu.vector_store %arg6[%parallel_loop3A_888, %parallel_loop3A_889], %parallel_loop3A_892 {strides = array<i32>} : memref<256x128xi32, #tpu.memory_space<vmem>>, vector<1x16xi32>,
      %parallel_loop3A_893 = arith.constant 16 : i32
      %parallel_loop3A_894 = arith.muli %parallel_loop3A_46, %parallel_loop3A_893 : i32
      %parallel_loop3A_895 = arith.constant 11 : i32
      %parallel_loop3A_896 = arith.addi %parallel_loop3A_894, %parallel_loop3A_895 : i32
      %parallel_loop3A_897 = arith.index_cast %parallel_loop3A_896 : i32 to index
      %parallel_loop3A_898 = arith.constant 16 : index
      %parallel_loop3A_899 = tpu.vector_load %arg6[%parallel_loop3A_897, %parallel_loop3A_898] {strides = array<i32>} : memref<256x128xi32, #tpu.memory_space<vmem>>, vector<1x16xi32>,
      %parallel_loop3A_900 = vector.shape_cast %parallel_loop3A_899 : vector<1x16xi32> to vector<16xi32>
      %parallel_loop3A_901 = vector.shape_cast %parallel_loop3A_883 : vector<16xi32> to vector<1x16xi32>
      tpu.vector_store %arg6[%parallel_loop3A_897, %parallel_loop3A_898], %parallel_loop3A_901 {strides = array<i32>} : memref<256x128xi32, #tpu.memory_space<vmem>>, vector<1x16xi32>,
      %parallel_loop3A_902 = arith.constant 16 : i32
      %parallel_loop3A_903 = arith.muli %parallel_loop3A_46, %parallel_loop3A_902 : i32
      %parallel_loop3A_904 = arith.constant 11 : i32
      %parallel_loop3A_905 = arith.addi %parallel_loop3A_903, %parallel_loop3A_904 : i32
      %parallel_loop3A_906 = arith.index_cast %parallel_loop3A_905 : i32 to index
      %parallel_loop3A_907 = arith.constant 32 : index
      %parallel_loop3A_908 = tpu.vector_load %arg6[%parallel_loop3A_906, %parallel_loop3A_907] {strides = array<i32>} : memref<256x128xi32, #tpu.memory_space<vmem>>, vector<1x16xi32>,
      %parallel_loop3A_909 = vector.shape_cast %parallel_loop3A_908 : vector<1x16xi32> to vector<16xi32>
      %parallel_loop3A_910 = vector.shape_cast %parallel_loop3A_883 : vector<16xi32> to vector<1x16xi32>
      tpu.vector_store %arg6[%parallel_loop3A_906, %parallel_loop3A_907], %parallel_loop3A_910 {strides = array<i32>} : memref<256x128xi32, #tpu.memory_space<vmem>>, vector<1x16xi32>,
      %parallel_loop3A_911 = arith.constant 16 : i32
      %parallel_loop3A_912 = arith.muli %parallel_loop3A_46, %parallel_loop3A_911 : i32
      %parallel_loop3A_913 = arith.constant 11 : i32
      %parallel_loop3A_914 = arith.addi %parallel_loop3A_912, %parallel_loop3A_913 : i32
      %parallel_loop3A_915 = arith.index_cast %parallel_loop3A_914 : i32 to index
      %parallel_loop3A_916 = arith.constant 48 : index
      %parallel_loop3A_917 = tpu.vector_load %arg6[%parallel_loop3A_915, %parallel_loop3A_916] {strides = array<i32>} : memref<256x128xi32, #tpu.memory_space<vmem>>, vector<1x16xi32>,
      %parallel_loop3A_918 = vector.shape_cast %parallel_loop3A_917 : vector<1x16xi32> to vector<16xi32>
      %parallel_loop3A_919 = vector.shape_cast %parallel_loop3A_883 : vector<16xi32> to vector<1x16xi32>
      tpu.vector_store %arg6[%parallel_loop3A_915, %parallel_loop3A_916], %parallel_loop3A_919 {strides = array<i32>} : memref<256x128xi32, #tpu.memory_space<vmem>>, vector<1x16xi32>,
      %parallel_loop3A_920 = arith.constant 16 : i32
      %parallel_loop3A_921 = arith.muli %parallel_loop3A_46, %parallel_loop3A_920 : i32
      %parallel_loop3A_922 = arith.constant 11 : i32
      %parallel_loop3A_923 = arith.addi %parallel_loop3A_921, %parallel_loop3A_922 : i32
      %parallel_loop3A_924 = arith.index_cast %parallel_loop3A_923 : i32 to index
      %parallel_loop3A_925 = arith.constant 64 : index
      %parallel_loop3A_926 = tpu.vector_load %arg6[%parallel_loop3A_924, %parallel_loop3A_925] {strides = array<i32>} : memref<256x128xi32, #tpu.memory_space<vmem>>, vector<1x16xi32>,
      %parallel_loop3A_927 = vector.shape_cast %parallel_loop3A_926 : vector<1x16xi32> to vector<16xi32>
      %parallel_loop3A_928 = vector.shape_cast %parallel_loop3A_883 : vector<16xi32> to vector<1x16xi32>
      tpu.vector_store %arg6[%parallel_loop3A_924, %parallel_loop3A_925], %parallel_loop3A_928 {strides = array<i32>} : memref<256x128xi32, #tpu.memory_space<vmem>>, vector<1x16xi32>,
      %parallel_loop3A_929 = arith.constant 16 : i32
      %parallel_loop3A_930 = arith.muli %parallel_loop3A_46, %parallel_loop3A_929 : i32
      %parallel_loop3A_931 = arith.constant 11 : i32
      %parallel_loop3A_932 = arith.addi %parallel_loop3A_930, %parallel_loop3A_931 : i32
      %parallel_loop3A_933 = arith.index_cast %parallel_loop3A_932 : i32 to index
      %parallel_loop3A_934 = arith.constant 80 : index
      %parallel_loop3A_935 = tpu.vector_load %arg6[%parallel_loop3A_933, %parallel_loop3A_934] {strides = array<i32>} : memref<256x128xi32, #tpu.memory_space<vmem>>, vector<1x16xi32>,
      %parallel_loop3A_936 = vector.shape_cast %parallel_loop3A_935 : vector<1x16xi32> to vector<16xi32>
      %parallel_loop3A_937 = vector.shape_cast %parallel_loop3A_883 : vector<16xi32> to vector<1x16xi32>
      tpu.vector_store %arg6[%parallel_loop3A_933, %parallel_loop3A_934], %parallel_loop3A_937 {strides = array<i32>} : memref<256x128xi32, #tpu.memory_space<vmem>>, vector<1x16xi32>,
      %parallel_loop3A_938 = arith.constant 16 : i32
      %parallel_loop3A_939 = arith.muli %parallel_loop3A_46, %parallel_loop3A_938 : i32
      %parallel_loop3A_940 = arith.constant 11 : i32
      %parallel_loop3A_941 = arith.addi %parallel_loop3A_939, %parallel_loop3A_940 : i32
      %parallel_loop3A_942 = arith.index_cast %parallel_loop3A_941 : i32 to index
      %parallel_loop3A_943 = arith.constant 96 : index
      %parallel_loop3A_944 = tpu.vector_load %arg6[%parallel_loop3A_942, %parallel_loop3A_943] {strides = array<i32>} : memref<256x128xi32, #tpu.memory_space<vmem>>, vector<1x16xi32>,
      %parallel_loop3A_945 = vector.shape_cast %parallel_loop3A_944 : vector<1x16xi32> to vector<16xi32>
      %parallel_loop3A_946 = vector.shape_cast %parallel_loop3A_883 : vector<16xi32> to vector<1x16xi32>
      tpu.vector_store %arg6[%parallel_loop3A_942, %parallel_loop3A_943], %parallel_loop3A_946 {strides = array<i32>} : memref<256x128xi32, #tpu.memory_space<vmem>>, vector<1x16xi32>,
      %parallel_loop3A_947 = arith.constant 16 : i32
      %parallel_loop3A_948 = arith.muli %parallel_loop3A_46, %parallel_loop3A_947 : i32
      %parallel_loop3A_949 = arith.constant 11 : i32
      %parallel_loop3A_950 = arith.addi %parallel_loop3A_948, %parallel_loop3A_949 : i32
      %parallel_loop3A_951 = arith.index_cast %parallel_loop3A_950 : i32 to index
      %parallel_loop3A_952 = arith.constant 112 : index
      %parallel_loop3A_953 = tpu.vector_load %arg6[%parallel_loop3A_951, %parallel_loop3A_952] {strides = array<i32>} : memref<256x128xi32, #tpu.memory_space<vmem>>, vector<1x16xi32>,
      %parallel_loop3A_954 = vector.shape_cast %parallel_loop3A_953 : vector<1x16xi32> to vector<16xi32>
      %parallel_loop3A_955 = vector.shape_cast %parallel_loop3A_883 : vector<16xi32> to vector<1x16xi32>
      tpu.vector_store %arg6[%parallel_loop3A_951, %parallel_loop3A_952], %parallel_loop3A_955 {strides = array<i32>} : memref<256x128xi32, #tpu.memory_space<vmem>>, vector<1x16xi32>,
      %parallel_loop3A_956 = vector.extract_strided_slice %parallel_loop3A_55 {offsets = [12], sizes = [1], strides = [1]} : vector<16xi32> to vector<1xi32>
      %parallel_loop3A_957 = vector.extract %parallel_loop3A_956[0] : i32 from vector<1xi32>
      %parallel_loop3A_958 = vector.broadcast %parallel_loop3A_957 : i32 to vector<16xi32>
      %parallel_loop3A_959 = arith.constant 16 : i32
      %parallel_loop3A_960 = arith.muli %parallel_loop3A_46, %parallel_loop3A_959 : i32
      %parallel_loop3A_961 = arith.constant 12 : i32
      %parallel_loop3A_962 = arith.addi %parallel_loop3A_960, %parallel_loop3A_961 : i32
      %parallel_loop3A_963 = arith.index_cast %parallel_loop3A_962 : i32 to index
      %parallel_loop3A_964 = arith.constant 0 : index
      %parallel_loop3A_965 = tpu.vector_load %arg6[%parallel_loop3A_963, %parallel_loop3A_964] {strides = array<i32>} : memref<256x128xi32, #tpu.memory_space<vmem>>, vector<1x16xi32>,
      %parallel_loop3A_966 = vector.shape_cast %parallel_loop3A_965 : vector<1x16xi32> to vector<16xi32>
      %parallel_loop3A_967 = vector.shape_cast %parallel_loop3A_958 : vector<16xi32> to vector<1x16xi32>
      tpu.vector_store %arg6[%parallel_loop3A_963, %parallel_loop3A_964], %parallel_loop3A_967 {strides = array<i32>} : memref<256x128xi32, #tpu.memory_space<vmem>>, vector<1x16xi32>,
      %parallel_loop3A_968 = arith.constant 16 : i32
      %parallel_loop3A_969 = arith.muli %parallel_loop3A_46, %parallel_loop3A_968 : i32
      %parallel_loop3A_970 = arith.constant 12 : i32
      %parallel_loop3A_971 = arith.addi %parallel_loop3A_969, %parallel_loop3A_970 : i32
      %parallel_loop3A_972 = arith.index_cast %parallel_loop3A_971 : i32 to index
      %parallel_loop3A_973 = arith.constant 16 : index
      %parallel_loop3A_974 = tpu.vector_load %arg6[%parallel_loop3A_972, %parallel_loop3A_973] {strides = array<i32>} : memref<256x128xi32, #tpu.memory_space<vmem>>, vector<1x16xi32>,
      %parallel_loop3A_975 = vector.shape_cast %parallel_loop3A_974 : vector<1x16xi32> to vector<16xi32>
      %parallel_loop3A_976 = vector.shape_cast %parallel_loop3A_958 : vector<16xi32> to vector<1x16xi32>
      tpu.vector_store %arg6[%parallel_loop3A_972, %parallel_loop3A_973], %parallel_loop3A_976 {strides = array<i32>} : memref<256x128xi32, #tpu.memory_space<vmem>>, vector<1x16xi32>,
      %parallel_loop3A_977 = arith.constant 16 : i32
      %parallel_loop3A_978 = arith.muli %parallel_loop3A_46, %parallel_loop3A_977 : i32
      %parallel_loop3A_979 = arith.constant 12 : i32
      %parallel_loop3A_980 = arith.addi %parallel_loop3A_978, %parallel_loop3A_979 : i32
      %parallel_loop3A_981 = arith.index_cast %parallel_loop3A_980 : i32 to index
      %parallel_loop3A_982 = arith.constant 32 : index
      %parallel_loop3A_983 = tpu.vector_load %arg6[%parallel_loop3A_981, %parallel_loop3A_982] {strides = array<i32>} : memref<256x128xi32, #tpu.memory_space<vmem>>, vector<1x16xi32>,
      %parallel_loop3A_984 = vector.shape_cast %parallel_loop3A_983 : vector<1x16xi32> to vector<16xi32>
      %parallel_loop3A_985 = vector.shape_cast %parallel_loop3A_958 : vector<16xi32> to vector<1x16xi32>
      tpu.vector_store %arg6[%parallel_loop3A_981, %parallel_loop3A_982], %parallel_loop3A_985 {strides = array<i32>} : memref<256x128xi32, #tpu.memory_space<vmem>>, vector<1x16xi32>,
      %parallel_loop3A_986 = arith.constant 16 : i32
      %parallel_loop3A_987 = arith.muli %parallel_loop3A_46, %parallel_loop3A_986 : i32
      %parallel_loop3A_988 = arith.constant 12 : i32
      %parallel_loop3A_989 = arith.addi %parallel_loop3A_987, %parallel_loop3A_988 : i32
      %parallel_loop3A_990 = arith.index_cast %parallel_loop3A_989 : i32 to index
      %parallel_loop3A_991 = arith.constant 48 : index
      %parallel_loop3A_992 = tpu.vector_load %arg6[%parallel_loop3A_990, %parallel_loop3A_991] {strides = array<i32>} : memref<256x128xi32, #tpu.memory_space<vmem>>, vector<1x16xi32>,
      %parallel_loop3A_993 = vector.shape_cast %parallel_loop3A_992 : vector<1x16xi32> to vector<16xi32>
      %parallel_loop3A_994 = vector.shape_cast %parallel_loop3A_958 : vector<16xi32> to vector<1x16xi32>
      tpu.vector_store %arg6[%parallel_loop3A_990, %parallel_loop3A_991], %parallel_loop3A_994 {strides = array<i32>} : memref<256x128xi32, #tpu.memory_space<vmem>>, vector<1x16xi32>,
      %parallel_loop3A_995 = arith.constant 16 : i32
      %parallel_loop3A_996 = arith.muli %parallel_loop3A_46, %parallel_loop3A_995 : i32
      %parallel_loop3A_997 = arith.constant 12 : i32
      %parallel_loop3A_998 = arith.addi %parallel_loop3A_996, %parallel_loop3A_997 : i32
      %parallel_loop3A_999 = arith.index_cast %parallel_loop3A_998 : i32 to index
      %parallel_loop3A_1000 = arith.constant 64 : index
      %parallel_loop3A_1001 = tpu.vector_load %arg6[%parallel_loop3A_999, %parallel_loop3A_1000] {strides = array<i32>} : memref<256x128xi32, #tpu.memory_space<vmem>>, vector<1x16xi32>,
      %parallel_loop3A_1002 = vector.shape_cast %parallel_loop3A_1001 : vector<1x16xi32> to vector<16xi32>
      %parallel_loop3A_1003 = vector.shape_cast %parallel_loop3A_958 : vector<16xi32> to vector<1x16xi32>
      tpu.vector_store %arg6[%parallel_loop3A_999, %parallel_loop3A_1000], %parallel_loop3A_1003 {strides = array<i32>} : memref<256x128xi32, #tpu.memory_space<vmem>>, vector<1x16xi32>,
      %parallel_loop3A_1004 = arith.constant 16 : i32
      %parallel_loop3A_1005 = arith.muli %parallel_loop3A_46, %parallel_loop3A_1004 : i32
      %parallel_loop3A_1006 = arith.constant 12 : i32
      %parallel_loop3A_1007 = arith.addi %parallel_loop3A_1005, %parallel_loop3A_1006 : i32
      %parallel_loop3A_1008 = arith.index_cast %parallel_loop3A_1007 : i32 to index
      %parallel_loop3A_1009 = arith.constant 80 : index
      %parallel_loop3A_1010 = tpu.vector_load %arg6[%parallel_loop3A_1008, %parallel_loop3A_1009] {strides = array<i32>} : memref<256x128xi32, #tpu.memory_space<vmem>>, vector<1x16xi32>,
      %parallel_loop3A_1011 = vector.shape_cast %parallel_loop3A_1010 : vector<1x16xi32> to vector<16xi32>
      %parallel_loop3A_1012 = vector.shape_cast %parallel_loop3A_958 : vector<16xi32> to vector<1x16xi32>
      tpu.vector_store %arg6[%parallel_loop3A_1008, %parallel_loop3A_1009], %parallel_loop3A_1012 {strides = array<i32>} : memref<256x128xi32, #tpu.memory_space<vmem>>, vector<1x16xi32>,
      %parallel_loop3A_1013 = arith.constant 16 : i32
      %parallel_loop3A_1014 = arith.muli %parallel_loop3A_46, %parallel_loop3A_1013 : i32
      %parallel_loop3A_1015 = arith.constant 12 : i32
      %parallel_loop3A_1016 = arith.addi %parallel_loop3A_1014, %parallel_loop3A_1015 : i32
      %parallel_loop3A_1017 = arith.index_cast %parallel_loop3A_1016 : i32 to index
      %parallel_loop3A_1018 = arith.constant 96 : index
      %parallel_loop3A_1019 = tpu.vector_load %arg6[%parallel_loop3A_1017, %parallel_loop3A_1018] {strides = array<i32>} : memref<256x128xi32, #tpu.memory_space<vmem>>, vector<1x16xi32>,
      %parallel_loop3A_1020 = vector.shape_cast %parallel_loop3A_1019 : vector<1x16xi32> to vector<16xi32>
      %parallel_loop3A_1021 = vector.shape_cast %parallel_loop3A_958 : vector<16xi32> to vector<1x16xi32>
      tpu.vector_store %arg6[%parallel_loop3A_1017, %parallel_loop3A_1018], %parallel_loop3A_1021 {strides = array<i32>} : memref<256x128xi32, #tpu.memory_space<vmem>>, vector<1x16xi32>,
      %parallel_loop3A_1022 = arith.constant 16 : i32
      %parallel_loop3A_1023 = arith.muli %parallel_loop3A_46, %parallel_loop3A_1022 : i32
      %parallel_loop3A_1024 = arith.constant 12 : i32
      %parallel_loop3A_1025 = arith.addi %parallel_loop3A_1023, %parallel_loop3A_1024 : i32
      %parallel_loop3A_1026 = arith.index_cast %parallel_loop3A_1025 : i32 to index
      %parallel_loop3A_1027 = arith.constant 112 : index
      %parallel_loop3A_1028 = tpu.vector_load %arg6[%parallel_loop3A_1026, %parallel_loop3A_1027] {strides = array<i32>} : memref<256x128xi32, #tpu.memory_space<vmem>>, vector<1x16xi32>,
      %parallel_loop3A_1029 = vector.shape_cast %parallel_loop3A_1028 : vector<1x16xi32> to vector<16xi32>
      %parallel_loop3A_1030 = vector.shape_cast %parallel_loop3A_958 : vector<16xi32> to vector<1x16xi32>
      tpu.vector_store %arg6[%parallel_loop3A_1026, %parallel_loop3A_1027], %parallel_loop3A_1030 {strides = array<i32>} : memref<256x128xi32, #tpu.memory_space<vmem>>, vector<1x16xi32>,
      %parallel_loop3A_1031 = vector.extract_strided_slice %parallel_loop3A_55 {offsets = [13], sizes = [1], strides = [1]} : vector<16xi32> to vector<1xi32>
      %parallel_loop3A_1032 = vector.extract %parallel_loop3A_1031[0] : i32 from vector<1xi32>
      %parallel_loop3A_1033 = vector.broadcast %parallel_loop3A_1032 : i32 to vector<16xi32>
      %parallel_loop3A_1034 = arith.constant 16 : i32
      %parallel_loop3A_1035 = arith.muli %parallel_loop3A_46, %parallel_loop3A_1034 : i32
      %parallel_loop3A_1036 = arith.constant 13 : i32
      %parallel_loop3A_1037 = arith.addi %parallel_loop3A_1035, %parallel_loop3A_1036 : i32
      %parallel_loop3A_1038 = arith.index_cast %parallel_loop3A_1037 : i32 to index
      %parallel_loop3A_1039 = arith.constant 0 : index
      %parallel_loop3A_1040 = tpu.vector_load %arg6[%parallel_loop3A_1038, %parallel_loop3A_1039] {strides = array<i32>} : memref<256x128xi32, #tpu.memory_space<vmem>>, vector<1x16xi32>,
      %parallel_loop3A_1041 = vector.shape_cast %parallel_loop3A_1040 : vector<1x16xi32> to vector<16xi32>
      %parallel_loop3A_1042 = vector.shape_cast %parallel_loop3A_1033 : vector<16xi32> to vector<1x16xi32>
      tpu.vector_store %arg6[%parallel_loop3A_1038, %parallel_loop3A_1039], %parallel_loop3A_1042 {strides = array<i32>} : memref<256x128xi32, #tpu.memory_space<vmem>>, vector<1x16xi32>,
      %parallel_loop3A_1043 = arith.constant 16 : i32
      %parallel_loop3A_1044 = arith.muli %parallel_loop3A_46, %parallel_loop3A_1043 : i32
      %parallel_loop3A_1045 = arith.constant 13 : i32
      %parallel_loop3A_1046 = arith.addi %parallel_loop3A_1044, %parallel_loop3A_1045 : i32
      %parallel_loop3A_1047 = arith.index_cast %parallel_loop3A_1046 : i32 to index
      %parallel_loop3A_1048 = arith.constant 16 : index
      %parallel_loop3A_1049 = tpu.vector_load %arg6[%parallel_loop3A_1047, %parallel_loop3A_1048] {strides = array<i32>} : memref<256x128xi32, #tpu.memory_space<vmem>>, vector<1x16xi32>,
      %parallel_loop3A_1050 = vector.shape_cast %parallel_loop3A_1049 : vector<1x16xi32> to vector<16xi32>
      %parallel_loop3A_1051 = vector.shape_cast %parallel_loop3A_1033 : vector<16xi32> to vector<1x16xi32>
      tpu.vector_store %arg6[%parallel_loop3A_1047, %parallel_loop3A_1048], %parallel_loop3A_1051 {strides = array<i32>} : memref<256x128xi32, #tpu.memory_space<vmem>>, vector<1x16xi32>,
      %parallel_loop3A_1052 = arith.constant 16 : i32
      %parallel_loop3A_1053 = arith.muli %parallel_loop3A_46, %parallel_loop3A_1052 : i32
      %parallel_loop3A_1054 = arith.constant 13 : i32
      %parallel_loop3A_1055 = arith.addi %parallel_loop3A_1053, %parallel_loop3A_1054 : i32
      %parallel_loop3A_1056 = arith.index_cast %parallel_loop3A_1055 : i32 to index
      %parallel_loop3A_1057 = arith.constant 32 : index
      %parallel_loop3A_1058 = tpu.vector_load %arg6[%parallel_loop3A_1056, %parallel_loop3A_1057] {strides = array<i32>} : memref<256x128xi32, #tpu.memory_space<vmem>>, vector<1x16xi32>,
      %parallel_loop3A_1059 = vector.shape_cast %parallel_loop3A_1058 : vector<1x16xi32> to vector<16xi32>
      %parallel_loop3A_1060 = vector.shape_cast %parallel_loop3A_1033 : vector<16xi32> to vector<1x16xi32>
      tpu.vector_store %arg6[%parallel_loop3A_1056, %parallel_loop3A_1057], %parallel_loop3A_1060 {strides = array<i32>} : memref<256x128xi32, #tpu.memory_space<vmem>>, vector<1x16xi32>,
      %parallel_loop3A_1061 = arith.constant 16 : i32
      %parallel_loop3A_1062 = arith.muli %parallel_loop3A_46, %parallel_loop3A_1061 : i32
      %parallel_loop3A_1063 = arith.constant 13 : i32
      %parallel_loop3A_1064 = arith.addi %parallel_loop3A_1062, %parallel_loop3A_1063 : i32
      %parallel_loop3A_1065 = arith.index_cast %parallel_loop3A_1064 : i32 to index
      %parallel_loop3A_1066 = arith.constant 48 : index
      %parallel_loop3A_1067 = tpu.vector_load %arg6[%parallel_loop3A_1065, %parallel_loop3A_1066] {strides = array<i32>} : memref<256x128xi32, #tpu.memory_space<vmem>>, vector<1x16xi32>,
      %parallel_loop3A_1068 = vector.shape_cast %parallel_loop3A_1067 : vector<1x16xi32> to vector<16xi32>
      %parallel_loop3A_1069 = vector.shape_cast %parallel_loop3A_1033 : vector<16xi32> to vector<1x16xi32>
      tpu.vector_store %arg6[%parallel_loop3A_1065, %parallel_loop3A_1066], %parallel_loop3A_1069 {strides = array<i32>} : memref<256x128xi32, #tpu.memory_space<vmem>>, vector<1x16xi32>,
      %parallel_loop3A_1070 = arith.constant 16 : i32
      %parallel_loop3A_1071 = arith.muli %parallel_loop3A_46, %parallel_loop3A_1070 : i32
      %parallel_loop3A_1072 = arith.constant 13 : i32
      %parallel_loop3A_1073 = arith.addi %parallel_loop3A_1071, %parallel_loop3A_1072 : i32
      %parallel_loop3A_1074 = arith.index_cast %parallel_loop3A_1073 : i32 to index
      %parallel_loop3A_1075 = arith.constant 64 : index
      %parallel_loop3A_1076 = tpu.vector_load %arg6[%parallel_loop3A_1074, %parallel_loop3A_1075] {strides = array<i32>} : memref<256x128xi32, #tpu.memory_space<vmem>>, vector<1x16xi32>,
      %parallel_loop3A_1077 = vector.shape_cast %parallel_loop3A_1076 : vector<1x16xi32> to vector<16xi32>
      %parallel_loop3A_1078 = vector.shape_cast %parallel_loop3A_1033 : vector<16xi32> to vector<1x16xi32>
      tpu.vector_store %arg6[%parallel_loop3A_1074, %parallel_loop3A_1075], %parallel_loop3A_1078 {strides = array<i32>} : memref<256x128xi32, #tpu.memory_space<vmem>>, vector<1x16xi32>,
      %parallel_loop3A_1079 = arith.constant 16 : i32
      %parallel_loop3A_1080 = arith.muli %parallel_loop3A_46, %parallel_loop3A_1079 : i32
      %parallel_loop3A_1081 = arith.constant 13 : i32
      %parallel_loop3A_1082 = arith.addi %parallel_loop3A_1080, %parallel_loop3A_1081 : i32
      %parallel_loop3A_1083 = arith.index_cast %parallel_loop3A_1082 : i32 to index
      %parallel_loop3A_1084 = arith.constant 80 : index
      %parallel_loop3A_1085 = tpu.vector_load %arg6[%parallel_loop3A_1083, %parallel_loop3A_1084] {strides = array<i32>} : memref<256x128xi32, #tpu.memory_space<vmem>>, vector<1x16xi32>,
      %parallel_loop3A_1086 = vector.shape_cast %parallel_loop3A_1085 : vector<1x16xi32> to vector<16xi32>
      %parallel_loop3A_1087 = vector.shape_cast %parallel_loop3A_1033 : vector<16xi32> to vector<1x16xi32>
      tpu.vector_store %arg6[%parallel_loop3A_1083, %parallel_loop3A_1084], %parallel_loop3A_1087 {strides = array<i32>} : memref<256x128xi32, #tpu.memory_space<vmem>>, vector<1x16xi32>,
      %parallel_loop3A_1088 = arith.constant 16 : i32
      %parallel_loop3A_1089 = arith.muli %parallel_loop3A_46, %parallel_loop3A_1088 : i32
      %parallel_loop3A_1090 = arith.constant 13 : i32
      %parallel_loop3A_1091 = arith.addi %parallel_loop3A_1089, %parallel_loop3A_1090 : i32
      %parallel_loop3A_1092 = arith.index_cast %parallel_loop3A_1091 : i32 to index
      %parallel_loop3A_1093 = arith.constant 96 : index
      %parallel_loop3A_1094 = tpu.vector_load %arg6[%parallel_loop3A_1092, %parallel_loop3A_1093] {strides = array<i32>} : memref<256x128xi32, #tpu.memory_space<vmem>>, vector<1x16xi32>,
      %parallel_loop3A_1095 = vector.shape_cast %parallel_loop3A_1094 : vector<1x16xi32> to vector<16xi32>
      %parallel_loop3A_1096 = vector.shape_cast %parallel_loop3A_1033 : vector<16xi32> to vector<1x16xi32>
      tpu.vector_store %arg6[%parallel_loop3A_1092, %parallel_loop3A_1093], %parallel_loop3A_1096 {strides = array<i32>} : memref<256x128xi32, #tpu.memory_space<vmem>>, vector<1x16xi32>,
      %parallel_loop3A_1097 = arith.constant 16 : i32
      %parallel_loop3A_1098 = arith.muli %parallel_loop3A_46, %parallel_loop3A_1097 : i32
      %parallel_loop3A_1099 = arith.constant 13 : i32
      %parallel_loop3A_1100 = arith.addi %parallel_loop3A_1098, %parallel_loop3A_1099 : i32
      %parallel_loop3A_1101 = arith.index_cast %parallel_loop3A_1100 : i32 to index
      %parallel_loop3A_1102 = arith.constant 112 : index
      %parallel_loop3A_1103 = tpu.vector_load %arg6[%parallel_loop3A_1101, %parallel_loop3A_1102] {strides = array<i32>} : memref<256x128xi32, #tpu.memory_space<vmem>>, vector<1x16xi32>,
      %parallel_loop3A_1104 = vector.shape_cast %parallel_loop3A_1103 : vector<1x16xi32> to vector<16xi32>
      %parallel_loop3A_1105 = vector.shape_cast %parallel_loop3A_1033 : vector<16xi32> to vector<1x16xi32>
      tpu.vector_store %arg6[%parallel_loop3A_1101, %parallel_loop3A_1102], %parallel_loop3A_1105 {strides = array<i32>} : memref<256x128xi32, #tpu.memory_space<vmem>>, vector<1x16xi32>,
      %parallel_loop3A_1106 = vector.extract_strided_slice %parallel_loop3A_55 {offsets = [14], sizes = [1], strides = [1]} : vector<16xi32> to vector<1xi32>
      %parallel_loop3A_1107 = vector.extract %parallel_loop3A_1106[0] : i32 from vector<1xi32>
      %parallel_loop3A_1108 = vector.broadcast %parallel_loop3A_1107 : i32 to vector<16xi32>
      %parallel_loop3A_1109 = arith.constant 16 : i32
      %parallel_loop3A_1110 = arith.muli %parallel_loop3A_46, %parallel_loop3A_1109 : i32
      %parallel_loop3A_1111 = arith.constant 14 : i32
      %parallel_loop3A_1112 = arith.addi %parallel_loop3A_1110, %parallel_loop3A_1111 : i32
      %parallel_loop3A_1113 = arith.index_cast %parallel_loop3A_1112 : i32 to index
      %parallel_loop3A_1114 = arith.constant 0 : index
      %parallel_loop3A_1115 = tpu.vector_load %arg6[%parallel_loop3A_1113, %parallel_loop3A_1114] {strides = array<i32>} : memref<256x128xi32, #tpu.memory_space<vmem>>, vector<1x16xi32>,
      %parallel_loop3A_1116 = vector.shape_cast %parallel_loop3A_1115 : vector<1x16xi32> to vector<16xi32>
      %parallel_loop3A_1117 = vector.shape_cast %parallel_loop3A_1108 : vector<16xi32> to vector<1x16xi32>
      tpu.vector_store %arg6[%parallel_loop3A_1113, %parallel_loop3A_1114], %parallel_loop3A_1117 {strides = array<i32>} : memref<256x128xi32, #tpu.memory_space<vmem>>, vector<1x16xi32>,
      %parallel_loop3A_1118 = arith.constant 16 : i32
      %parallel_loop3A_1119 = arith.muli %parallel_loop3A_46, %parallel_loop3A_1118 : i32
      %parallel_loop3A_1120 = arith.constant 14 : i32
      %parallel_loop3A_1121 = arith.addi %parallel_loop3A_1119, %parallel_loop3A_1120 : i32
      %parallel_loop3A_1122 = arith.index_cast %parallel_loop3A_1121 : i32 to index
      %parallel_loop3A_1123 = arith.constant 16 : index
      %parallel_loop3A_1124 = tpu.vector_load %arg6[%parallel_loop3A_1122, %parallel_loop3A_1123] {strides = array<i32>} : memref<256x128xi32, #tpu.memory_space<vmem>>, vector<1x16xi32>,
      %parallel_loop3A_1125 = vector.shape_cast %parallel_loop3A_1124 : vector<1x16xi32> to vector<16xi32>
      %parallel_loop3A_1126 = vector.shape_cast %parallel_loop3A_1108 : vector<16xi32> to vector<1x16xi32>
      tpu.vector_store %arg6[%parallel_loop3A_1122, %parallel_loop3A_1123], %parallel_loop3A_1126 {strides = array<i32>} : memref<256x128xi32, #tpu.memory_space<vmem>>, vector<1x16xi32>,
      %parallel_loop3A_1127 = arith.constant 16 : i32
      %parallel_loop3A_1128 = arith.muli %parallel_loop3A_46, %parallel_loop3A_1127 : i32
      %parallel_loop3A_1129 = arith.constant 14 : i32
      %parallel_loop3A_1130 = arith.addi %parallel_loop3A_1128, %parallel_loop3A_1129 : i32
      %parallel_loop3A_1131 = arith.index_cast %parallel_loop3A_1130 : i32 to index
      %parallel_loop3A_1132 = arith.constant 32 : index
      %parallel_loop3A_1133 = tpu.vector_load %arg6[%parallel_loop3A_1131, %parallel_loop3A_1132] {strides = array<i32>} : memref<256x128xi32, #tpu.memory_space<vmem>>, vector<1x16xi32>,
      %parallel_loop3A_1134 = vector.shape_cast %parallel_loop3A_1133 : vector<1x16xi32> to vector<16xi32>
      %parallel_loop3A_1135 = vector.shape_cast %parallel_loop3A_1108 : vector<16xi32> to vector<1x16xi32>
      tpu.vector_store %arg6[%parallel_loop3A_1131, %parallel_loop3A_1132], %parallel_loop3A_1135 {strides = array<i32>} : memref<256x128xi32, #tpu.memory_space<vmem>>, vector<1x16xi32>,
      %parallel_loop3A_1136 = arith.constant 16 : i32
      %parallel_loop3A_1137 = arith.muli %parallel_loop3A_46, %parallel_loop3A_1136 : i32
      %parallel_loop3A_1138 = arith.constant 14 : i32
      %parallel_loop3A_1139 = arith.addi %parallel_loop3A_1137, %parallel_loop3A_1138 : i32
      %parallel_loop3A_1140 = arith.index_cast %parallel_loop3A_1139 : i32 to index
      %parallel_loop3A_1141 = arith.constant 48 : index
      %parallel_loop3A_1142 = tpu.vector_load %arg6[%parallel_loop3A_1140, %parallel_loop3A_1141] {strides = array<i32>} : memref<256x128xi32, #tpu.memory_space<vmem>>, vector<1x16xi32>,
      %parallel_loop3A_1143 = vector.shape_cast %parallel_loop3A_1142 : vector<1x16xi32> to vector<16xi32>
      %parallel_loop3A_1144 = vector.shape_cast %parallel_loop3A_1108 : vector<16xi32> to vector<1x16xi32>
      tpu.vector_store %arg6[%parallel_loop3A_1140, %parallel_loop3A_1141], %parallel_loop3A_1144 {strides = array<i32>} : memref<256x128xi32, #tpu.memory_space<vmem>>, vector<1x16xi32>,
      %parallel_loop3A_1145 = arith.constant 16 : i32
      %parallel_loop3A_1146 = arith.muli %parallel_loop3A_46, %parallel_loop3A_1145 : i32
      %parallel_loop3A_1147 = arith.constant 14 : i32
      %parallel_loop3A_1148 = arith.addi %parallel_loop3A_1146, %parallel_loop3A_1147 : i32
      %parallel_loop3A_1149 = arith.index_cast %parallel_loop3A_1148 : i32 to index
      %parallel_loop3A_1150 = arith.constant 64 : index
      %parallel_loop3A_1151 = tpu.vector_load %arg6[%parallel_loop3A_1149, %parallel_loop3A_1150] {strides = array<i32>} : memref<256x128xi32, #tpu.memory_space<vmem>>, vector<1x16xi32>,
      %parallel_loop3A_1152 = vector.shape_cast %parallel_loop3A_1151 : vector<1x16xi32> to vector<16xi32>
      %parallel_loop3A_1153 = vector.shape_cast %parallel_loop3A_1108 : vector<16xi32> to vector<1x16xi32>
      tpu.vector_store %arg6[%parallel_loop3A_1149, %parallel_loop3A_1150], %parallel_loop3A_1153 {strides = array<i32>} : memref<256x128xi32, #tpu.memory_space<vmem>>, vector<1x16xi32>,
      %parallel_loop3A_1154 = arith.constant 16 : i32
      %parallel_loop3A_1155 = arith.muli %parallel_loop3A_46, %parallel_loop3A_1154 : i32
      %parallel_loop3A_1156 = arith.constant 14 : i32
      %parallel_loop3A_1157 = arith.addi %parallel_loop3A_1155, %parallel_loop3A_1156 : i32
      %parallel_loop3A_1158 = arith.index_cast %parallel_loop3A_1157 : i32 to index
      %parallel_loop3A_1159 = arith.constant 80 : index
      %parallel_loop3A_1160 = tpu.vector_load %arg6[%parallel_loop3A_1158, %parallel_loop3A_1159] {strides = array<i32>} : memref<256x128xi32, #tpu.memory_space<vmem>>, vector<1x16xi32>,
      %parallel_loop3A_1161 = vector.shape_cast %parallel_loop3A_1160 : vector<1x16xi32> to vector<16xi32>
      %parallel_loop3A_1162 = vector.shape_cast %parallel_loop3A_1108 : vector<16xi32> to vector<1x16xi32>
      tpu.vector_store %arg6[%parallel_loop3A_1158, %parallel_loop3A_1159], %parallel_loop3A_1162 {strides = array<i32>} : memref<256x128xi32, #tpu.memory_space<vmem>>, vector<1x16xi32>,
      %parallel_loop3A_1163 = arith.constant 16 : i32
      %parallel_loop3A_1164 = arith.muli %parallel_loop3A_46, %parallel_loop3A_1163 : i32
      %parallel_loop3A_1165 = arith.constant 14 : i32
      %parallel_loop3A_1166 = arith.addi %parallel_loop3A_1164, %parallel_loop3A_1165 : i32
      %parallel_loop3A_1167 = arith.index_cast %parallel_loop3A_1166 : i32 to index
      %parallel_loop3A_1168 = arith.constant 96 : index
      %parallel_loop3A_1169 = tpu.vector_load %arg6[%parallel_loop3A_1167, %parallel_loop3A_1168] {strides = array<i32>} : memref<256x128xi32, #tpu.memory_space<vmem>>, vector<1x16xi32>,
      %parallel_loop3A_1170 = vector.shape_cast %parallel_loop3A_1169 : vector<1x16xi32> to vector<16xi32>
      %parallel_loop3A_1171 = vector.shape_cast %parallel_loop3A_1108 : vector<16xi32> to vector<1x16xi32>
      tpu.vector_store %arg6[%parallel_loop3A_1167, %parallel_loop3A_1168], %parallel_loop3A_1171 {strides = array<i32>} : memref<256x128xi32, #tpu.memory_space<vmem>>, vector<1x16xi32>,
      %parallel_loop3A_1172 = arith.constant 16 : i32
      %parallel_loop3A_1173 = arith.muli %parallel_loop3A_46, %parallel_loop3A_1172 : i32
      %parallel_loop3A_1174 = arith.constant 14 : i32
      %parallel_loop3A_1175 = arith.addi %parallel_loop3A_1173, %parallel_loop3A_1174 : i32
      %parallel_loop3A_1176 = arith.index_cast %parallel_loop3A_1175 : i32 to index
      %parallel_loop3A_1177 = arith.constant 112 : index
      %parallel_loop3A_1178 = tpu.vector_load %arg6[%parallel_loop3A_1176, %parallel_loop3A_1177] {strides = array<i32>} : memref<256x128xi32, #tpu.memory_space<vmem>>, vector<1x16xi32>,
      %parallel_loop3A_1179 = vector.shape_cast %parallel_loop3A_1178 : vector<1x16xi32> to vector<16xi32>
      %parallel_loop3A_1180 = vector.shape_cast %parallel_loop3A_1108 : vector<16xi32> to vector<1x16xi32>
      tpu.vector_store %arg6[%parallel_loop3A_1176, %parallel_loop3A_1177], %parallel_loop3A_1180 {strides = array<i32>} : memref<256x128xi32, #tpu.memory_space<vmem>>, vector<1x16xi32>,
      %parallel_loop3A_1181 = vector.extract_strided_slice %parallel_loop3A_55 {offsets = [15], sizes = [1], strides = [1]} : vector<16xi32> to vector<1xi32>
      %parallel_loop3A_1182 = vector.extract %parallel_loop3A_1181[0] : i32 from vector<1xi32>
      %parallel_loop3A_1183 = vector.broadcast %parallel_loop3A_1182 : i32 to vector<16xi32>
      %parallel_loop3A_1184 = arith.constant 16 : i32
      %parallel_loop3A_1185 = arith.muli %parallel_loop3A_46, %parallel_loop3A_1184 : i32
      %parallel_loop3A_1186 = arith.constant 15 : i32
      %parallel_loop3A_1187 = arith.addi %parallel_loop3A_1185, %parallel_loop3A_1186 : i32
      %parallel_loop3A_1188 = arith.index_cast %parallel_loop3A_1187 : i32 to index
      %parallel_loop3A_1189 = arith.constant 0 : index
      %parallel_loop3A_1190 = tpu.vector_load %arg6[%parallel_loop3A_1188, %parallel_loop3A_1189] {strides = array<i32>} : memref<256x128xi32, #tpu.memory_space<vmem>>, vector<1x16xi32>,
      %parallel_loop3A_1191 = vector.shape_cast %parallel_loop3A_1190 : vector<1x16xi32> to vector<16xi32>
      %parallel_loop3A_1192 = vector.shape_cast %parallel_loop3A_1183 : vector<16xi32> to vector<1x16xi32>
      tpu.vector_store %arg6[%parallel_loop3A_1188, %parallel_loop3A_1189], %parallel_loop3A_1192 {strides = array<i32>} : memref<256x128xi32, #tpu.memory_space<vmem>>, vector<1x16xi32>,
      %parallel_loop3A_1193 = arith.constant 16 : i32
      %parallel_loop3A_1194 = arith.muli %parallel_loop3A_46, %parallel_loop3A_1193 : i32
      %parallel_loop3A_1195 = arith.constant 15 : i32
      %parallel_loop3A_1196 = arith.addi %parallel_loop3A_1194, %parallel_loop3A_1195 : i32
      %parallel_loop3A_1197 = arith.index_cast %parallel_loop3A_1196 : i32 to index
      %parallel_loop3A_1198 = arith.constant 16 : index
      %parallel_loop3A_1199 = tpu.vector_load %arg6[%parallel_loop3A_1197, %parallel_loop3A_1198] {strides = array<i32>} : memref<256x128xi32, #tpu.memory_space<vmem>>, vector<1x16xi32>,
      %parallel_loop3A_1200 = vector.shape_cast %parallel_loop3A_1199 : vector<1x16xi32> to vector<16xi32>
      %parallel_loop3A_1201 = vector.shape_cast %parallel_loop3A_1183 : vector<16xi32> to vector<1x16xi32>
      tpu.vector_store %arg6[%parallel_loop3A_1197, %parallel_loop3A_1198], %parallel_loop3A_1201 {strides = array<i32>} : memref<256x128xi32, #tpu.memory_space<vmem>>, vector<1x16xi32>,
      %parallel_loop3A_1202 = arith.constant 16 : i32
      %parallel_loop3A_1203 = arith.muli %parallel_loop3A_46, %parallel_loop3A_1202 : i32
      %parallel_loop3A_1204 = arith.constant 15 : i32
      %parallel_loop3A_1205 = arith.addi %parallel_loop3A_1203, %parallel_loop3A_1204 : i32
      %parallel_loop3A_1206 = arith.index_cast %parallel_loop3A_1205 : i32 to index
      %parallel_loop3A_1207 = arith.constant 32 : index
      %parallel_loop3A_1208 = tpu.vector_load %arg6[%parallel_loop3A_1206, %parallel_loop3A_1207] {strides = array<i32>} : memref<256x128xi32, #tpu.memory_space<vmem>>, vector<1x16xi32>,
      %parallel_loop3A_1209 = vector.shape_cast %parallel_loop3A_1208 : vector<1x16xi32> to vector<16xi32>
      %parallel_loop3A_1210 = vector.shape_cast %parallel_loop3A_1183 : vector<16xi32> to vector<1x16xi32>
      tpu.vector_store %arg6[%parallel_loop3A_1206, %parallel_loop3A_1207], %parallel_loop3A_1210 {strides = array<i32>} : memref<256x128xi32, #tpu.memory_space<vmem>>, vector<1x16xi32>,
      %parallel_loop3A_1211 = arith.constant 16 : i32
      %parallel_loop3A_1212 = arith.muli %parallel_loop3A_46, %parallel_loop3A_1211 : i32
      %parallel_loop3A_1213 = arith.constant 15 : i32
      %parallel_loop3A_1214 = arith.addi %parallel_loop3A_1212, %parallel_loop3A_1213 : i32
      %parallel_loop3A_1215 = arith.index_cast %parallel_loop3A_1214 : i32 to index
      %parallel_loop3A_1216 = arith.constant 48 : index
      %parallel_loop3A_1217 = tpu.vector_load %arg6[%parallel_loop3A_1215, %parallel_loop3A_1216] {strides = array<i32>} : memref<256x128xi32, #tpu.memory_space<vmem>>, vector<1x16xi32>,
      %parallel_loop3A_1218 = vector.shape_cast %parallel_loop3A_1217 : vector<1x16xi32> to vector<16xi32>
      %parallel_loop3A_1219 = vector.shape_cast %parallel_loop3A_1183 : vector<16xi32> to vector<1x16xi32>
      tpu.vector_store %arg6[%parallel_loop3A_1215, %parallel_loop3A_1216], %parallel_loop3A_1219 {strides = array<i32>} : memref<256x128xi32, #tpu.memory_space<vmem>>, vector<1x16xi32>,
      %parallel_loop3A_1220 = arith.constant 16 : i32
      %parallel_loop3A_1221 = arith.muli %parallel_loop3A_46, %parallel_loop3A_1220 : i32
      %parallel_loop3A_1222 = arith.constant 15 : i32
      %parallel_loop3A_1223 = arith.addi %parallel_loop3A_1221, %parallel_loop3A_1222 : i32
      %parallel_loop3A_1224 = arith.index_cast %parallel_loop3A_1223 : i32 to index
      %parallel_loop3A_1225 = arith.constant 64 : index
      %parallel_loop3A_1226 = tpu.vector_load %arg6[%parallel_loop3A_1224, %parallel_loop3A_1225] {strides = array<i32>} : memref<256x128xi32, #tpu.memory_space<vmem>>, vector<1x16xi32>,
      %parallel_loop3A_1227 = vector.shape_cast %parallel_loop3A_1226 : vector<1x16xi32> to vector<16xi32>
      %parallel_loop3A_1228 = vector.shape_cast %parallel_loop3A_1183 : vector<16xi32> to vector<1x16xi32>
      tpu.vector_store %arg6[%parallel_loop3A_1224, %parallel_loop3A_1225], %parallel_loop3A_1228 {strides = array<i32>} : memref<256x128xi32, #tpu.memory_space<vmem>>, vector<1x16xi32>,
      %parallel_loop3A_1229 = arith.constant 16 : i32
      %parallel_loop3A_1230 = arith.muli %parallel_loop3A_46, %parallel_loop3A_1229 : i32
      %parallel_loop3A_1231 = arith.constant 15 : i32
      %parallel_loop3A_1232 = arith.addi %parallel_loop3A_1230, %parallel_loop3A_1231 : i32
      %parallel_loop3A_1233 = arith.index_cast %parallel_loop3A_1232 : i32 to index
      %parallel_loop3A_1234 = arith.constant 80 : index
      %parallel_loop3A_1235 = tpu.vector_load %arg6[%parallel_loop3A_1233, %parallel_loop3A_1234] {strides = array<i32>} : memref<256x128xi32, #tpu.memory_space<vmem>>, vector<1x16xi32>,
      %parallel_loop3A_1236 = vector.shape_cast %parallel_loop3A_1235 : vector<1x16xi32> to vector<16xi32>
      %parallel_loop3A_1237 = vector.shape_cast %parallel_loop3A_1183 : vector<16xi32> to vector<1x16xi32>
      tpu.vector_store %arg6[%parallel_loop3A_1233, %parallel_loop3A_1234], %parallel_loop3A_1237 {strides = array<i32>} : memref<256x128xi32, #tpu.memory_space<vmem>>, vector<1x16xi32>,
      %parallel_loop3A_1238 = arith.constant 16 : i32
      %parallel_loop3A_1239 = arith.muli %parallel_loop3A_46, %parallel_loop3A_1238 : i32
      %parallel_loop3A_1240 = arith.constant 15 : i32
      %parallel_loop3A_1241 = arith.addi %parallel_loop3A_1239, %parallel_loop3A_1240 : i32
      %parallel_loop3A_1242 = arith.index_cast %parallel_loop3A_1241 : i32 to index
      %parallel_loop3A_1243 = arith.constant 96 : index
      %parallel_loop3A_1244 = tpu.vector_load %arg6[%parallel_loop3A_1242, %parallel_loop3A_1243] {strides = array<i32>} : memref<256x128xi32, #tpu.memory_space<vmem>>, vector<1x16xi32>,
      %parallel_loop3A_1245 = vector.shape_cast %parallel_loop3A_1244 : vector<1x16xi32> to vector<16xi32>
      %parallel_loop3A_1246 = vector.shape_cast %parallel_loop3A_1183 : vector<16xi32> to vector<1x16xi32>
      tpu.vector_store %arg6[%parallel_loop3A_1242, %parallel_loop3A_1243], %parallel_loop3A_1246 {strides = array<i32>} : memref<256x128xi32, #tpu.memory_space<vmem>>, vector<1x16xi32>,
      %parallel_loop3A_1247 = arith.constant 16 : i32
      %parallel_loop3A_1248 = arith.muli %parallel_loop3A_46, %parallel_loop3A_1247 : i32
      %parallel_loop3A_1249 = arith.constant 15 : i32
      %parallel_loop3A_1250 = arith.addi %parallel_loop3A_1248, %parallel_loop3A_1249 : i32
      %parallel_loop3A_1251 = arith.index_cast %parallel_loop3A_1250 : i32 to index
      %parallel_loop3A_1252 = arith.constant 112 : index
      %parallel_loop3A_1253 = tpu.vector_load %arg6[%parallel_loop3A_1251, %parallel_loop3A_1252] {strides = array<i32>} : memref<256x128xi32, #tpu.memory_space<vmem>>, vector<1x16xi32>,
      %parallel_loop3A_1254 = vector.shape_cast %parallel_loop3A_1253 : vector<1x16xi32> to vector<16xi32>
      %parallel_loop3A_1255 = vector.shape_cast %parallel_loop3A_1183 : vector<16xi32> to vector<1x16xi32>
      tpu.vector_store %arg6[%parallel_loop3A_1251, %parallel_loop3A_1252], %parallel_loop3A_1255 {strides = array<i32>} : memref<256x128xi32, #tpu.memory_space<vmem>>, vector<1x16xi32>,
    } {sc.loop_unroll_factor = 2 : i64, sc.parallel_access}
    %add3A_19 = arith.constant 256 : i32
    %add3A_20 = arith.addi %mul3A_2, %add3A_19 : i32
    %dma_start3A_21 = arith.constant 0 : i32
    %dma_start3A_22 = tpu.memref_slice %arg3[%add3A_20, %dma_start3A_21] : memref<16384x256xi32, #tpu.memory_space<hbm>> -> memref<256x128xi32, #tpu.memory_space<hbm>>
    %dma_start3A_23 = arith.constant 0 : i32
    %dma_start3A_24 = tpu.memref_slice %arg3[%add3A_20, %dma_start3A_23] : memref<16384x256xi32, #tpu.memory_space<hbm>> -> memref<256x128xi32, #tpu.memory_space<hbm>>
    tpu.enqueue_dma source(%arg6 : memref<256x128xi32, #tpu.memory_space<vmem>>) target(%dma_start3A_24 : memref<256x128xi32, #tpu.memory_space<hbm>>) target_semaphore(%arg8 : memref<!tpu.dma_semaphore, #tpu.memory_space<semaphore_mem>>)
    %add3A_25 = arith.constant 256 : i32
    %add3A_26 = arith.addi %mul3A_2, %add3A_25 : i32
    %dma_start3A_27 = arith.constant 128 : i32
    %dma_start3A_28 = tpu.memref_slice %arg3[%add3A_26, %dma_start3A_27] : memref<16384x256xi32, #tpu.memory_space<hbm>> -> memref<256x128xi32, #tpu.memory_space<hbm>>
    %dma_start3A_29 = arith.constant 128 : i32
    %dma_start3A_30 = tpu.memref_slice %arg3[%add3A_26, %dma_start3A_29] : memref<16384x256xi32, #tpu.memory_space<hbm>> -> memref<256x128xi32, #tpu.memory_space<hbm>>
    tpu.enqueue_dma source(%arg6 : memref<256x128xi32, #tpu.memory_space<vmem>>) target(%dma_start3A_30 : memref<256x128xi32, #tpu.memory_space<hbm>>) target_semaphore(%arg8 : memref<!tpu.dma_semaphore, #tpu.memory_space<semaphore_mem>>)
    %dma_wait3A = arith.constant 0 : i32
    %dma_wait3A_31 = tpu.memref_slice %arg3[%add3A_6, %dma_wait3A] : memref<16384x256xi32, #tpu.memory_space<hbm>> -> memref<256x128xi32, #tpu.memory_space<hbm>>
    %dma_wait3A_32 = arith.constant 0 : i32
    %dma_wait3A_33 = tpu.memref_slice %arg3[%add3A_6, %dma_wait3A_32] : memref<16384x256xi32, #tpu.memory_space<hbm>> -> memref<256x128xi32, #tpu.memory_space<hbm>>
    tpu.wait_dma2 semaphore(%arg7 : memref<!tpu.dma_semaphore, #tpu.memory_space<semaphore_mem>>) src(%arg5 : memref<256x128xi32, #tpu.memory_space<vmem>>) dst(%dma_wait3A_33 : memref<256x128xi32, #tpu.memory_space<hbm>>)
    %dma_wait3A_34 = arith.constant 128 : i32
    %dma_wait3A_35 = tpu.memref_slice %arg3[%add3A_11, %dma_wait3A_34] : memref<16384x256xi32, #tpu.memory_space<hbm>> -> memref<256x128xi32, #tpu.memory_space<hbm>>
    %dma_wait3A_36 = arith.constant 128 : i32
    %dma_wait3A_37 = tpu.memref_slice %arg3[%add3A_11, %dma_wait3A_36] : memref<16384x256xi32, #tpu.memory_space<hbm>> -> memref<256x128xi32, #tpu.memory_space<hbm>>
    tpu.wait_dma2 semaphore(%arg7 : memref<!tpu.dma_semaphore, #tpu.memory_space<semaphore_mem>>) src(%arg5 : memref<256x128xi32, #tpu.memory_space<vmem>>) dst(%dma_wait3A_37 : memref<256x128xi32, #tpu.memory_space<hbm>>)
    %dma_wait3A_38 = arith.constant 0 : i32
    %dma_wait3A_39 = tpu.memref_slice %arg3[%add3A_20, %dma_wait3A_38] : memref<16384x256xi32, #tpu.memory_space<hbm>> -> memref<256x128xi32, #tpu.memory_space<hbm>>
    %dma_wait3A_40 = arith.constant 0 : i32
    %dma_wait3A_41 = tpu.memref_slice %arg3[%add3A_20, %dma_wait3A_40] : memref<16384x256xi32, #tpu.memory_space<hbm>> -> memref<256x128xi32, #tpu.memory_space<hbm>>
    tpu.wait_dma2 semaphore(%arg8 : memref<!tpu.dma_semaphore, #tpu.memory_space<semaphore_mem>>) src(%arg6 : memref<256x128xi32, #tpu.memory_space<vmem>>) dst(%dma_wait3A_41 : memref<256x128xi32, #tpu.memory_space<hbm>>)
    %dma_wait3A_42 = arith.constant 128 : i32
    %dma_wait3A_43 = tpu.memref_slice %arg3[%add3A_26, %dma_wait3A_42] : memref<16384x256xi32, #tpu.memory_space<hbm>> -> memref<256x128xi32, #tpu.memory_space<hbm>>
    %dma_wait3A_44 = arith.constant 128 : i32
    %dma_wait3A_45 = tpu.memref_slice %arg3[%add3A_26, %dma_wait3A_44] : memref<16384x256xi32, #tpu.memory_space<hbm>> -> memref<256x128xi32, #tpu.memory_space<hbm>>
    tpu.wait_dma2 semaphore(%arg8 : memref<!tpu.dma_semaphore, #tpu.memory_space<semaphore_mem>>) src(%arg6 : memref<256x128xi32, #tpu.memory_space<vmem>>) dst(%dma_wait3A_45 : memref<256x128xi32, #tpu.memory_space<hbm>>)
    return
  }
}

</mosaic_0001>

<sc_bundles>
// kernel: kernel.3.cloned.1.call-start
scs
__scs_entry_jumppad:
0x0: {  	(pc) =	sbr.rel $0x88, $3  }
0x1: {  	(tag) =	ssettag $0x0;
	lr =	simm.s32 $0x1  }
0x2: {  	[smem:$0x3FA0] =	sst lr;
	_ =	strace $0xD0000000  }
0x3: {  	_ = 	snop  }
0x4: {  	_ = 	snop  }
0x5: {  	_ = 	snop  }
0x6: {  	_ = 	snop  }
0x7: {  	_ = 	snop  }
__scs_overlays_trampoline_lowered:
0x8: {  	[smem:$0x3FAF] =	sst s0  }
0x9: {  	[smem:$0x3FB0] =	sst s1  }
0xa: {  	[smem:$0x3FB1] =	sst s2  }
0xb: {  	[smem:$0x3FB2] =	sst s3  }
0xc: {  	[smem:$0x3FB3] =	sst s4  }
0xd: {  	[smem:$0x3FB4] =	sst s5  }
0xe: {  	[smem:$0x3FB5] =	sst s6  }
0xf: {  	[smem:$0x3FB6] =	sst s7  }
0x10: {  	[smem:$0x3FB7] =	sst s8  }
0x11: {  	[smem:$0x3FB8] =	sst s9;
	s0 =	simm.s32 @!p0 $0x0  }
0x12: {  	s1 =	sld [smem:$0x3F9E];
	s0 =	simm.s32 @p0 $0x1  }
0x13: {  	[smem:$0x3FB9] =	sst s0;
	s0 =	simm.s32 @!p1 $0x0  }
0x14: {  	s2 =	sld [smem:$0x3F9D];
	s0 =	simm.s32 @p1 $0x1  }
0x15: {  	[smem:$0x3FBA] =	sst s0;
	s0 =	simm.s32 @!p2 $0x0  }
0x16: {  	s3 =	sld [smem:$0x3FDB];
	s0 =	simm.s32 @p2 $0x1  }
0x17: {  	s4 =	simm.s32 $0x1BF5;
	[smem:$0x3FBC] =	sst s0  }
0x18: {  	s0 =	sld [smem:$0x3F9F];
	_ =	swait.ge [sflag:s4], $0x0  }
0x19: {  	s7 =	sld [smem:$0x3FA0]  }
0x1a: {  	s8 =	sadd.s32 $0xFFFFE003, lr  }
0x1b: {  	s9 =	sadd.s32 $0xFFFFFEF7, lr;
	s5 =	simm.s32 $0xFFFFFFFF;
	p2 =	slt.u32 s8, $0xFFFFF086  }
0x1c: {  	p1 =	slt.u32 s9, $0xF7A;
	s5 =	simm.s32 @!p2 $0x0  }
0x1d: {  	s5 =	simm.s32 @p1 $0x1;
	p0 =	seq.s32 s7, s2  }
0x1e: {  	s7 =	smul.u32 @!p0 $0xF7A, s2;
	p2 =	seq.s32 @!p0 s5, $0x0  }
0x1f: {  	s9 =	smul.u32 $0xF7A, s1;
	s8 =	simm.s32 @!p0 $0x1BF5;
	p2 =	por !p2, p0  }
0x20: {  	[sflag:s8] =	ssyncset.s32 @!p0 $0xFFFFF086;
	s6 =	sadd.s32 @!p0 s3, s7;
	s7 =	simm.s32 @!p0 $0x108  }
0x21: {  	s3 =	sadd.s32 s3, s9;
	s6 =	sadd.s32 @!p0 $0x88, s6;
	s7 =	simm.s32 @p2 $0x1082  }
0x22: {  	[simem:s7], [sflag:s8] =	dma.local @!p0 [hbm:s6], $0xF7A  }
0x23: {  	s9 =	sor.u32 $0xD0000000, s2;
	s6 =	simm.s32 $0x108;
	_ =	swait.ge @!p0 [sflag:s8], $0x0  }
0x24: {  	s3 =	sadd.s32 $0x88, s3;
	s6 =	simm.s32 @!p1 $0x1082;
	[sflag:s4] =	ssyncset.s32 $0xFFFFF086  }
0x25: {  	[simem:s6], [sflag:s4] =	dma.local [hbm:s3], $0xF7A  }
0x26: {  	[smem:$0x3FA0] =	sst s1;
	(tag) =	ssettag s2;
	_ =	strace s9  }
0x27: {  	s1 =	sld [smem:$0x3FB0]  }
0x28: {  	s2 =	sld [smem:$0x3FB1]  }
0x29: {  	s4 =	sld [smem:$0x3FB3]  }
0x2a: {  	p0 =	seq.s32 s5, $0x0;
	s5 =	sld [smem:$0x3FB4]  }
0x2b: {  	s6 =	sld [smem:$0x3FB5]  }
0x2c: {  	s7 =	sld [smem:$0x3FB6]  }
0x2d: {  	s3 =	simm.s32 $0x108;
	s8 =	sld [smem:$0x3FB7]  }
0x2e: {  	s3 =	simm.s32 @!p0 $0x1082;
	s9 =	sld [smem:$0x3FB8]  }
0x2f: {  	lr =	sadd.s32 s0, s3;
	s0 =	sld [smem:$0x3FAF]  }
0x30: {  	s3 =	sld [smem:$0x3FB2]  }
0x31: {  	[smem:$0x3FBB] =	sst s10  }
0x32: {  	s10 =	sld [smem:$0x3FB9];
	_ =	sdelay $0x3  }
0x33: {  	p0 =	seq.s32 s10, $0x1;
	s10 =	sld [smem:$0x3FBB];
	_ =	sdelay $0x3  }
0x34: {  	[smem:$0x3FBB] =	sst s10  }
0x35: {  	s10 =	sld [smem:$0x3FBA];
	_ =	sdelay $0x3  }
0x36: {  	p1 =	seq.s32 s10, $0x1;
	s10 =	sld [smem:$0x3FBB];
	_ =	sdelay $0x3  }
0x37: {  	[smem:$0x3FBB] =	sst s10  }
0x38: {  	s10 =	sld [smem:$0x3FBC]  }
0x39: {  	_ = 	snop;
	(pc) =	sbr.ind lr, $3  }
0x3a: {  	_ = 	snop  }
0x3b: {  	_ = 	snop  }
0x3c: {  	p2 =	seq.s32 s10, $0x1;
	s10 =	sld [smem:$0x3FBB]  }
0x3d: {  	_ =	shalt  }
0x3e: {  	_ =	shalt  }
0x3f: {  	_ =	shalt  }
0x40: {  	_ =	shalt  }
0x41: {  	_ =	shalt  }
0x42: {  	_ =	shalt  }
0x43: {  	_ =	shalt  }
0x44: {  	_ =	shalt  }
0x45: {  	_ =	shalt  }
0x46: {  	_ =	shalt  }
0x47: {  	_ =	shalt  }
0x48: {  	_ =	shalt  }
0x49: {  	_ =	shalt  }
0x4a: {  	_ =	shalt  }
0x4b: {  	_ =	shalt  }
0x4c: {  	_ =	shalt  }
0x4d: {  	_ =	shalt  }
0x4e: {  	_ =	shalt  }
0x4f: {  	_ =	shalt  }
0x50: {  	_ =	shalt  }
0x51: {  	_ =	shalt  }
0x52: {  	_ =	shalt  }
0x53: {  	_ =	shalt  }
0x54: {  	_ =	shalt  }
0x55: {  	_ =	shalt  }
0x56: {  	_ =	shalt  }
0x57: {  	_ =	shalt  }
0x58: {  	_ =	shalt  }
0x59: {  	_ =	shalt  }
0x5a: {  	_ =	shalt  }
0x5b: {  	_ =	shalt  }
0x5c: {  	_ =	shalt  }
0x5d: {  	_ =	shalt  }
0x5e: {  	_ =	shalt  }
0x5f: {  	_ =	shalt  }
0x60: {  	_ =	shalt  }
0x61: {  	_ =	shalt  }
0x62: {  	_ =	shalt  }
0x63: {  	_ =	shalt  }
0x64: {  	_ =	shalt  }
0x65: {  	_ =	shalt  }
0x66: {  	_ =	shalt  }
0x67: {  	_ =	shalt  }
0x68: {  	_ =	shalt  }
0x69: {  	_ =	shalt  }
0x6a: {  	_ =	shalt  }
0x6b: {  	_ =	shalt  }
0x6c: {  	_ =	shalt  }
0x6d: {  	_ =	shalt  }
0x6e: {  	_ =	shalt  }
0x6f: {  	_ =	shalt  }
0x70: {  	_ =	shalt  }
0x71: {  	_ =	shalt  }
0x72: {  	_ =	shalt  }
0x73: {  	_ =	shalt  }
0x74: {  	_ =	shalt  }
0x75: {  	_ =	shalt  }
0x76: {  	_ =	shalt  }
0x77: {  	_ =	shalt  }
0x78: {  	_ =	shalt  }
0x79: {  	_ =	shalt  }
0x7a: {  	_ =	shalt  }
0x7b: {  	_ =	shalt  }
0x7c: {  	_ =	shalt  }
0x7d: {  	_ =	shalt  }
0x7e: {  	_ =	shalt  }
0x7f: {  	_ =	shalt  }
0x80: {  	_ =	shalt  }
0x81: {  	_ =	shalt  }
0x82: {  	_ =	shalt  }
0x83: {  	_ =	shalt  }
0x84: {  	_ =	shalt  }
0x85: {  	_ =	shalt  }
0x86: {  	_ =	shalt  }
0x87: {  	_ =	shalt  }
.Lfunc_end0:
.L_simem_size_0:
called_computation_lowered:
.L_overlay_start_0:
0x88: {  	s2 =	sld [smem:$0x3FD9]  }
0x89: {  	s3 =	sld [smem:$0x3FFE];
	_ =	sdelay $0x1  }
0x8a: {  	s1 =	srdreg.scid  }
0x8b: {  	s0 =	sand.u32 $0x1, s1  }
0x8c: {  	s18 =	sshll.u32 s0, $0xA;
	s2 =	sadd.s32 s3, s2  }
0x8d: {  	s2 =	sadd.s32 s2, s18  }
0x8e: {  	[smem:$0x3FC7] =	sst s2  }
0x8f: {  	_ = 	snop  }
0x90: {  	s2 =	sld [smem:$0x3FC9]  }
0x91: {  	s19 =	sld [smem:$0x3FD0];
	(tm) =	ssettm $0x1  }
0x92: {  	s4 =	sld [smem:$0x3FFB];
	_ =	sdelay $0x3  }
0x93: {  	_ =	strace s4  }
0x94: {  	s4 =	sld [smem:$0x3FFC];
	_ =	sdelay $0x3  }
0x95: {  	_ =	strace s4  }
0x96: {  	s4 =	sld [smem:$0x3FFD];
	_ =	sdelay $0x3  }
0x97: {  	_ =	strace s4  }
0x98: {  	_ =	strace $0x8FFFFFFF  }
0x99: {  	s20 =	sld [smem:$0x3FDB];
	_ =	sdelay $0x1  }
0x9a: {  	s5 =	simm.s32 $_scs_section_size  }
0x9b: {  	s6 =	simm.s32 $_size__tile_overlayer_lowered;
	s7 =	simm.s32 $_tile_overlayer_lowered  }
0x9c: {  	s23 =	simm.s32 $0x1BFF;
	s22 =	sshll.u32 s7, $0x1;
	s4 =	sadd.s32 s5, s20  }
0x9d: {  	s8 =	simm.s32 $0x0;
	s21 =	sshll.u32 s6, $0x1;
	s6 =	sadd.s32 s22, s4  }
0x9e: {  	[timem:s8], [sflag:s23] =	dma.local [hbm:s6], s21  }
0x9f: {  	_ =	swait.ge [sflag:s23], s21  }
0xa0: {  	s5 =	ssub.s32 $0x0, s21;
	[sflag:s23] =	ssyncset.done $0x0  }
0xa1: {  	[sflag:s23] =	ssyncadd.s32 s5;
	_ =	sdelay $0x1  }
0xa2: {  	s24 =	simm.s32 $0x1B8B  }
0xa3: {  	_ =	swait.ge [sflag:s24], $0x1  }
0xa4: {  	[sflag:s24] =	ssyncset.done $0x0  }
0xa5: {  	s25 =	simm.s32 $0x1B8E;
	[sflag:s24] =	ssyncadd.s32 $0xFFFFFFFF  }
0xa6: {  	s26 =	simm.s32 $execute0_lowered;
	[smem:$0x3FD2] =	sst s25  }
0xa7: {  	s5 =	sshll.u32 s26, $0x1;
	_ =	strace $0x80000046;
	[dreg:$0x1] =	wrdreg $0xFFFFFFFF  }
0xa8: {  	s28 =	simm.s32 $_size_execute0_lowered;
	s4 =	sadd.s32 s4, s5;
	[dreg:$0x0] =	wrdreg $0x0  }
0xa9: {  	s5 =	sshll.u32 s28, $0x1;
	[dreg:$0x2] =	wrdreg s4  }
0xaa: {  	[dreg:$0x3] =	wrdreg s5  }
0xab: {  	[dreg:$0x4] =	wrdreg $0xC0  }
0xac: {  	_ =	task [dreg:s8], $0x5FFFF  }
0xad: {  	[dreg:$0x1] =	wrdreg $0xFFFFFFFF  }
0xae: {  	[dreg:$0x0] =	wrdreg $0x60  }
0xaf: {  	[dreg:$0x2] =	wrdreg s2  }
0xb0: {  	[dreg:$0x3] =	wrdreg s19  }
0xb1: {  	[dreg:$0x4] =	wrdreg $0x9  }
0xb2: {  	_ =	task.clear_ibuf [dreg:s8], $0x5FFFF;
	_ =	strace $0x90000046  }
0xb3: {  	s29 =	simm.s32 $0x9;
	_ =	strace $0x80000048  }
0xb4: {  	_ =	swait.ge [sflag:s29], $0x1  }
0xb5: {  	[sflag:s29] =	ssyncadd.s32 $0xFFFFFFFF  }
0xb6: {  	_ =	strace $0x90000048  }
0xb7: {  	_ =	sfence  }
0xb8: {  	s30 =	sld [smem:$0x0];
	_ =	sdelay $0x2  }
0xb9: {  	s31 =	sshll.u32 s1, $0xD;
	s1 =	sshrl.u32 s1, $0x2  }
0xba: {  	s3 =	sand.u32 $0x4000, s31;
	s1 =	sadd.s32 s1, s30  }
0xbb: {  	s0 =	sor.u32 s3, s0;
	s1 =	sshll.u32 s1, $0x11  }
0xbc: {  	s0 =	sor.u32 s1, s0  }
0xbd: {  	s0 =	sadd.s32 $0x8F2B, s0  }
0xbe: {  	[sflag:s0] =	ssyncadd.remote.s32 $0x1  }
0xbf: {  	_ =	sfence.sel $0xFFFF  }
0xc0: {  	[dreg:$0x0] =	wrdreg $0xFFFFFFFF;
	(pc) =	sbr.abs _section_cstart, $3  }
0xc1: {  	[dreg:$0x1] =	wrdreg $0xFFFFFFFF  }
0xc2: {  	_ =	task.clear_ibuf [dreg:s8], $0x2FFFF;
	_ =	strace $0x9FFFFFFF  }
0xc3: {  	(tm) =	ssettm $0x7FFFFFFF  }
tec
execute0_lowered:
.L_overlay_start_1:
0x0: {  	(tag) =	ssettag $0x1  }
0x1: {  	s3 =	rddreg [dreg:$0x0]  }
0x2: {  	s4 =	rddreg [dreg:$0x1];
	s2 =	srdreg.scid  }
0x3: {  	s0 =	rddreg [dreg:$0x2];
	s1 =	stileid.u32;
	s10 =	simm.s32 $0x400  }
0x4: {  	s11 =	simm.s32 $0x800;
	s12 =	simm.s32 $0x1000;
	s13 =	simm.s32 $0x9000  }
0x5: {  	s14 =	simm.s32 $0x1;
	s15 =	simm.s32 $0x2;
	s16 =	simm.s32 $0x0  }
0x6: {  	s5 =	sand.u32 $0x1, s2;
	s2 =	simm.s32 $0x0;
	s6 =	sshll.u32 s1, $0xA  }
0x7: {  	s7 =	sshll.u32 s5, $0x9;
	[smem:$0x7FF] =	sst s2;
	s5 =	ssub.s32 $0x2, s5  }
0x8: {  	s6 =	sor.u32 s7, s6;
	_ =	strace $0x80000047;
	s31 =	sshrl.u32 s5, $0x1  }
0x9: {  	s8 =	sshll.u32 s6, $0x5;
	s9 =	ssub.s32 s5, s31;
	s3 =	sadd.s32 s3, s6  }
0xa: {  	s4 =	sadd.s32 s4, s8;
	s8 =	smax.u32 s9, $0x1;
	s9 =	simm.s32 $0x3  }
0xb: {  	s5 =	sadd.s32 $0x80, s4;
	s6 =	sadd.s32 $0x2000, s4;
	s7 =	sadd.s32 $0x2080, s4  }
.LBB2_1:
0xc: {  	[tilespmem:s2], [sflag:$0x3] =	stream.linear.gather [hbm4b:s3+s2], $0x1000, $0x38;
	[tilespmem:$0x11000] =	vst v63  }
0xd: {  	_ =	swait.ge [sflag:s9], $0x1000  }
0xe: {  	[sflag:s9] =	ssyncset.done $0x0  }
0xf: {  	s17 =	simm.s32 $0x0;
	[sflag:s9] =	ssyncadd.s32 $0xFFFFF000  }
.LBB2_2:
0x10: {  	s20 =	sshll.u32 s17, $0x4;
	s18 =	sshll.u32 s17, $0x7  }
0x11: {  	s21 =	sand.u32 $0x60, s20;
	s19 =	sand.u32 $0x400, s18  }
0x12: {  	s18 =	sor.u32 s21, s19  }
0x13: {  	v0 =	vld [tilespmem:s18+$0x0];
	_ =	sdelay $0x4  }
0x14: {  	s28 =	sshll.u32 s17, $0xB;
	v1 =	vbroadcast v0, $0x0  }
0x15: {  	s18 =	sand.u32 $0x3FFFF800, s28  }
0x16: {  	[tilespmem:s18+$0x1000] =	vst v1  }
0x17: {  	[tilespmem:s18+$0x1010] =	vst v1  }
0x18: {  	[tilespmem:s18+$0x1020] =	vst v1  }
0x19: {  	[tilespmem:s18+$0x1030] =	vst v1  }
0x1a: {  	[tilespmem:s18+$0x1040] =	vst v1  }
0x1b: {  	[tilespmem:s18+$0x1050] =	vst v1  }
0x1c: {  	v2 =	vbroadcast v0, $0x1;
	[tilespmem:s18+$0x1060] =	vst v1  }
0x1d: {  	[tilespmem:s18+$0x1070] =	vst v1  }
0x1e: {  	[tilespmem:s18+$0x1080] =	vst v2  }
0x1f: {  	[tilespmem:s18+$0x1090] =	vst v2  }
0x20: {  	[tilespmem:s18+$0x10A0] =	vst v2  }
0x21: {  	[tilespmem:s18+$0x10B0] =	vst v2  }
0x22: {  	[tilespmem:s18+$0x10C0] =	vst v2  }
0x23: {  	[tilespmem:s18+$0x10D0] =	vst v2  }
0x24: {  	v34 =	vbroadcast v0, $0x2;
	[tilespmem:s18+$0x10E0] =	vst v2  }
0x25: {  	[tilespmem:s18+$0x10F0] =	vst v2  }
0x26: {  	[tilespmem:s18+$0x1100] =	vst v34  }
0x27: {  	[tilespmem:s18+$0x1110] =	vst v34  }
0x28: {  	[tilespmem:s18+$0x1120] =	vst v34  }
0x29: {  	[tilespmem:s18+$0x1130] =	vst v34  }
0x2a: {  	[tilespmem:s18+$0x1140] =	vst v34  }
0x2b: {  	[tilespmem:s18+$0x1150] =	vst v34  }
0x2c: {  	v35 =	vbroadcast v0, $0x3;
	[tilespmem:s18+$0x1160] =	vst v34  }
0x2d: {  	[tilespmem:s18+$0x1170] =	vst v34  }
0x2e: {  	[tilespmem:s18+$0x1180] =	vst v35  }
0x2f: {  	[tilespmem:s18+$0x1190] =	vst v35  }
0x30: {  	[tilespmem:s18+$0x11A0] =	vst v35  }
0x31: {  	[tilespmem:s18+$0x11B0] =	vst v35  }
0x32: {  	[tilespmem:s18+$0x11C0] =	vst v35  }
0x33: {  	[tilespmem:s18+$0x11D0] =	vst v35  }
0x34: {  	v36 =	vbroadcast v0, $0x4;
	[tilespmem:s18+$0x11E0] =	vst v35  }
0x35: {  	[tilespmem:s18+$0x11F0] =	vst v35  }
0x36: {  	[tilespmem:s18+$0x1200] =	vst v36  }
0x37: {  	[tilespmem:s18+$0x1210] =	vst v36  }
0x38: {  	[tilespmem:s18+$0x1220] =	vst v36  }
0x39: {  	[tilespmem:s18+$0x1230] =	vst v36  }
0x3a: {  	[tilespmem:s18+$0x1240] =	vst v36  }
0x3b: {  	[tilespmem:s18+$0x1250] =	vst v36  }
0x3c: {  	v37 =	vbroadcast v0, $0x5;
	[tilespmem:s18+$0x1260] =	vst v36  }
0x3d: {  	[tilespmem:s18+$0x1270] =	vst v36  }
0x3e: {  	[tilespmem:s18+$0x1280] =	vst v37  }
0x3f: {  	[tilespmem:s18+$0x1290] =	vst v37  }
0x40: {  	[tilespmem:s18+$0x12A0] =	vst v37  }
0x41: {  	[tilespmem:s18+$0x12B0] =	vst v37  }
0x42: {  	[tilespmem:s18+$0x12C0] =	vst v37  }
0x43: {  	[tilespmem:s18+$0x12D0] =	vst v37  }
0x44: {  	v38 =	vbroadcast v0, $0x6;
	[tilespmem:s18+$0x12E0] =	vst v37  }
0x45: {  	[tilespmem:s18+$0x12F0] =	vst v37  }
0x46: {  	[tilespmem:s18+$0x1300] =	vst v38  }
0x47: {  	[tilespmem:s18+$0x1310] =	vst v38  }
0x48: {  	[tilespmem:s18+$0x1320] =	vst v38  }
0x49: {  	[tilespmem:s18+$0x1330] =	vst v38  }
0x4a: {  	[tilespmem:s18+$0x1340] =	vst v38  }
0x4b: {  	[tilespmem:s18+$0x1350] =	vst v38  }
0x4c: {  	v39 =	vbroadcast v0, $0x7;
	[tilespmem:s18+$0x1360] =	vst v38  }
0x4d: {  	[tilespmem:s18+$0x1370] =	vst v38  }
0x4e: {  	[tilespmem:s18+$0x1380] =	vst v39  }
0x4f: {  	[tilespmem:s18+$0x1390] =	vst v39  }
0x50: {  	[tilespmem:s18+$0x13A0] =	vst v39  }
0x51: {  	[tilespmem:s18+$0x13B0] =	vst v39  }
0x52: {  	[tilespmem:s18+$0x13C0] =	vst v39  }
0x53: {  	[tilespmem:s18+$0x13D0] =	vst v39  }
0x54: {  	v40 =	vbroadcast v0, $0x8;
	[tilespmem:s18+$0x13E0] =	vst v39  }
0x55: {  	[tilespmem:s18+$0x13F0] =	vst v39  }
0x56: {  	[tilespmem:s18+$0x1400] =	vst v40  }
0x57: {  	[tilespmem:s18+$0x1410] =	vst v40  }
0x58: {  	[tilespmem:s18+$0x1420] =	vst v40  }
0x59: {  	[tilespmem:s18+$0x1430] =	vst v40  }
0x5a: {  	[tilespmem:s18+$0x1440] =	vst v40  }
0x5b: {  	[tilespmem:s18+$0x1450] =	vst v40  }
0x5c: {  	v41 =	vbroadcast v0, $0x9;
	[tilespmem:s18+$0x1460] =	vst v40  }
0x5d: {  	[tilespmem:s18+$0x1470] =	vst v40  }
0x5e: {  	[tilespmem:s18+$0x1480] =	vst v41  }
0x5f: {  	[tilespmem:s18+$0x1490] =	vst v41  }
0x60: {  	[tilespmem:s18+$0x14A0] =	vst v41  }
0x61: {  	[tilespmem:s18+$0x14B0] =	vst v41  }
0x62: {  	[tilespmem:s18+$0x14C0] =	vst v41  }
0x63: {  	[tilespmem:s18+$0x14D0] =	vst v41  }
0x64: {  	v42 =	vbroadcast v0, $0xA;
	[tilespmem:s18+$0x14E0] =	vst v41  }
0x65: {  	[tilespmem:s18+$0x14F0] =	vst v41  }
0x66: {  	[tilespmem:s18+$0x1500] =	vst v42  }
0x67: {  	[tilespmem:s18+$0x1510] =	vst v42  }
0x68: {  	[tilespmem:s18+$0x1520] =	vst v42  }
0x69: {  	[tilespmem:s18+$0x1530] =	vst v42  }
0x6a: {  	[tilespmem:s18+$0x1540] =	vst v42  }
0x6b: {  	[tilespmem:s18+$0x1550] =	vst v42  }
0x6c: {  	v43 =	vbroadcast v0, $0xB;
	[tilespmem:s18+$0x1560] =	vst v42  }
0x6d: {  	[tilespmem:s18+$0x1570] =	vst v42  }
0x6e: {  	[tilespmem:s18+$0x1580] =	vst v43  }
0x6f: {  	[tilespmem:s18+$0x1590] =	vst v43  }
0x70: {  	[tilespmem:s18+$0x15A0] =	vst v43  }
0x71: {  	[tilespmem:s18+$0x15B0] =	vst v43  }
0x72: {  	[tilespmem:s18+$0x15C0] =	vst v43  }
0x73: {  	[tilespmem:s18+$0x15D0] =	vst v43  }
0x74: {  	v44 =	vbroadcast v0, $0xC;
	[tilespmem:s18+$0x15E0] =	vst v43  }
0x75: {  	[tilespmem:s18+$0x15F0] =	vst v43  }
0x76: {  	[tilespmem:s18+$0x1600] =	vst v44  }
0x77: {  	[tilespmem:s18+$0x1610] =	vst v44  }
0x78: {  	[tilespmem:s18+$0x1620] =	vst v44  }
0x79: {  	[tilespmem:s18+$0x1630] =	vst v44  }
0x7a: {  	[tilespmem:s18+$0x1640] =	vst v44  }
0x7b: {  	[tilespmem:s18+$0x1650] =	vst v44  }
0x7c: {  	v45 =	vbroadcast v0, $0xD;
	[tilespmem:s18+$0x1660] =	vst v44  }
0x7d: {  	[tilespmem:s18+$0x1670] =	vst v44  }
0x7e: {  	[tilespmem:s18+$0x1680] =	vst v45  }
0x7f: {  	[tilespmem:s18+$0x1690] =	vst v45  }
0x80: {  	[tilespmem:s18+$0x16A0] =	vst v45  }
0x81: {  	[tilespmem:s18+$0x16B0] =	vst v45  }
0x82: {  	[tilespmem:s18+$0x16C0] =	vst v45  }
0x83: {  	[tilespmem:s18+$0x16D0] =	vst v45  }
0x84: {  	v46 =	vbroadcast v0, $0xE;
	[tilespmem:s18+$0x16E0] =	vst v45  }
0x85: {  	[tilespmem:s18+$0x16F0] =	vst v45  }
0x86: {  	[tilespmem:s18+$0x1700] =	vst v46  }
0x87: {  	[tilespmem:s18+$0x1710] =	vst v46  }
0x88: {  	[tilespmem:s18+$0x1720] =	vst v46  }
0x89: {  	[tilespmem:s18+$0x1730] =	vst v46  }
0x8a: {  	[tilespmem:s18+$0x1740] =	vst v46  }
0x8b: {  	[tilespmem:s18+$0x1750] =	vst v46  }
0x8c: {  	s20 =	sor.u32 $0x10, s20;
	v47 =	vbroadcast v0, $0xF;
	[tilespmem:s18+$0x1760] =	vst v46  }
0x8d: {  	s29 =	sand.u32 $0x70, s20;
	[tilespmem:s18+$0x1770] =	vst v46  }
0x8e: {  	s19 =	sor.u32 s29, s19;
	[tilespmem:s18+$0x1780] =	vst v47  }
0x8f: {  	v48 =	vld [tilespmem:s19+$0x0];
	[tilespmem:s18+$0x1790] =	vst v47  }
0x90: {  	[tilespmem:s18+$0x17A0] =	vst v47  }
0x91: {  	[tilespmem:s18+$0x17B0] =	vst v47  }
0x92: {  	[tilespmem:s18+$0x17C0] =	vst v47  }
0x93: {  	[tilespmem:s18+$0x17D0] =	vst v47  }
0x94: {  	s30 =	sshll.u32 s20, $0x7;
	v49 =	vbroadcast v48, $0x0;
	[tilespmem:s18+$0x17E0] =	vst v47  }
0x95: {  	s19 =	sand.u32 $0x3FFFF800, s30;
	[tilespmem:s18+$0x17F0] =	vst v47  }
0x96: {  	[tilespmem:s19+$0x1000] =	vst v49  }
0x97: {  	[tilespmem:s19+$0x1010] =	vst v49  }
0x98: {  	[tilespmem:s19+$0x1020] =	vst v49  }
0x99: {  	[tilespmem:s19+$0x1030] =	vst v49  }
0x9a: {  	[tilespmem:s19+$0x1040] =	vst v49  }
0x9b: {  	[tilespmem:s19+$0x1050] =	vst v49  }
0x9c: {  	v50 =	vbroadcast v48, $0x1;
	[tilespmem:s19+$0x1060] =	vst v49  }
0x9d: {  	[tilespmem:s19+$0x1070] =	vst v49  }
0x9e: {  	[tilespmem:s18+$0x1880] =	vst v50  }
0x9f: {  	[tilespmem:s18+$0x1890] =	vst v50  }
0xa0: {  	[tilespmem:s18+$0x18A0] =	vst v50  }
0xa1: {  	[tilespmem:s18+$0x18B0] =	vst v50  }
0xa2: {  	[tilespmem:s18+$0x18C0] =	vst v50  }
0xa3: {  	[tilespmem:s18+$0x18D0] =	vst v50  }
0xa4: {  	v51 =	vbroadcast v48, $0x2;
	[tilespmem:s18+$0x18E0] =	vst v50  }
0xa5: {  	[tilespmem:s18+$0x18F0] =	vst v50  }
0xa6: {  	[tilespmem:s18+$0x1900] =	vst v51  }
0xa7: {  	[tilespmem:s18+$0x1910] =	vst v51  }
0xa8: {  	[tilespmem:s18+$0x1920] =	vst v51  }
0xa9: {  	[tilespmem:s18+$0x1930] =	vst v51  }
0xaa: {  	[tilespmem:s18+$0x1940] =	vst v51  }
0xab: {  	[tilespmem:s18+$0x1950] =	vst v51  }
0xac: {  	v52 =	vbroadcast v48, $0x3;
	[tilespmem:s18+$0x1960] =	vst v51  }
0xad: {  	[tilespmem:s18+$0x1970] =	vst v51  }
0xae: {  	[tilespmem:s18+$0x1980] =	vst v52  }
0xaf: {  	[tilespmem:s18+$0x1990] =	vst v52  }
0xb0: {  	[tilespmem:s18+$0x19A0] =	vst v52  }
0xb1: {  	[tilespmem:s18+$0x19B0] =	vst v52  }
0xb2: {  	[tilespmem:s18+$0x19C0] =	vst v52  }
0xb3: {  	[tilespmem:s18+$0x19D0] =	vst v52  }
0xb4: {  	v53 =	vbroadcast v48, $0x4;
	[tilespmem:s18+$0x19E0] =	vst v52  }
0xb5: {  	[tilespmem:s18+$0x19F0] =	vst v52  }
0xb6: {  	[tilespmem:s18+$0x1A00] =	vst v53  }
0xb7: {  	[tilespmem:s18+$0x1A10] =	vst v53  }
0xb8: {  	[tilespmem:s18+$0x1A20] =	vst v53  }
0xb9: {  	[tilespmem:s18+$0x1A30] =	vst v53  }
0xba: {  	[tilespmem:s18+$0x1A40] =	vst v53  }
0xbb: {  	[tilespmem:s18+$0x1A50] =	vst v53  }
0xbc: {  	v54 =	vbroadcast v48, $0x5;
	[tilespmem:s18+$0x1A60] =	vst v53  }
0xbd: {  	[tilespmem:s18+$0x1A70] =	vst v53  }
0xbe: {  	[tilespmem:s18+$0x1A80] =	vst v54  }
0xbf: {  	[tilespmem:s18+$0x1A90] =	vst v54  }
0xc0: {  	[tilespmem:s18+$0x1AA0] =	vst v54  }
0xc1: {  	[tilespmem:s18+$0x1AB0] =	vst v54  }
0xc2: {  	[tilespmem:s18+$0x1AC0] =	vst v54  }
0xc3: {  	[tilespmem:s18+$0x1AD0] =	vst v54  }
0xc4: {  	v55 =	vbroadcast v48, $0x6;
	[tilespmem:s18+$0x1AE0] =	vst v54  }
0xc5: {  	[tilespmem:s18+$0x1AF0] =	vst v54  }
0xc6: {  	[tilespmem:s18+$0x1B00] =	vst v55  }
0xc7: {  	[tilespmem:s18+$0x1B10] =	vst v55  }
0xc8: {  	[tilespmem:s18+$0x1B20] =	vst v55  }
0xc9: {  	[tilespmem:s18+$0x1B30] =	vst v55  }
0xca: {  	[tilespmem:s18+$0x1B40] =	vst v55  }
0xcb: {  	[tilespmem:s18+$0x1B50] =	vst v55  }
0xcc: {  	v56 =	vbroadcast v48, $0x7;
	[tilespmem:s18+$0x1B60] =	vst v55  }
0xcd: {  	[tilespmem:s18+$0x1B70] =	vst v55  }
0xce: {  	[tilespmem:s18+$0x1B80] =	vst v56  }
0xcf: {  	[tilespmem:s18+$0x1B90] =	vst v56  }
0xd0: {  	[tilespmem:s18+$0x1BA0] =	vst v56  }
0xd1: {  	[tilespmem:s18+$0x1BB0] =	vst v56  }
0xd2: {  	[tilespmem:s18+$0x1BC0] =	vst v56  }
0xd3: {  	[tilespmem:s18+$0x1BD0] =	vst v56  }
0xd4: {  	v57 =	vbroadcast v48, $0x8;
	[tilespmem:s18+$0x1BE0] =	vst v56  }
0xd5: {  	[tilespmem:s18+$0x1BF0] =	vst v56  }
0xd6: {  	[tilespmem:s18+$0x1C00] =	vst v57  }
0xd7: {  	[tilespmem:s18+$0x1C10] =	vst v57  }
0xd8: {  	[tilespmem:s18+$0x1C20] =	vst v57  }
0xd9: {  	[tilespmem:s18+$0x1C30] =	vst v57  }
0xda: {  	[tilespmem:s18+$0x1C40] =	vst v57  }
0xdb: {  	[tilespmem:s18+$0x1C50] =	vst v57  }
0xdc: {  	v58 =	vbroadcast v48, $0x9;
	[tilespmem:s18+$0x1C60] =	vst v57  }
0xdd: {  	[tilespmem:s18+$0x1C70] =	vst v57  }
0xde: {  	[tilespmem:s18+$0x1C80] =	vst v58  }
0xdf: {  	[tilespmem:s18+$0x1C90] =	vst v58  }
0xe0: {  	[tilespmem:s18+$0x1CA0] =	vst v58  }
0xe1: {  	[tilespmem:s18+$0x1CB0] =	vst v58  }
0xe2: {  	[tilespmem:s18+$0x1CC0] =	vst v58  }
0xe3: {  	[tilespmem:s18+$0x1CD0] =	vst v58  }
0xe4: {  	v59 =	vbroadcast v48, $0xA;
	[tilespmem:s18+$0x1CE0] =	vst v58  }
0xe5: {  	[tilespmem:s18+$0x1CF0] =	vst v58  }
0xe6: {  	[tilespmem:s18+$0x1D00] =	vst v59  }
0xe7: {  	[tilespmem:s18+$0x1D10] =	vst v59  }
0xe8: {  	[tilespmem:s18+$0x1D20] =	vst v59  }
0xe9: {  	[tilespmem:s18+$0x1D30] =	vst v59  }
0xea: {  	[tilespmem:s18+$0x1D40] =	vst v59  }
0xeb: {  	[tilespmem:s18+$0x1D50] =	vst v59  }
0xec: {  	v60 =	vbroadcast v48, $0xB;
	[tilespmem:s18+$0x1D60] =	vst v59  }
0xed: {  	[tilespmem:s18+$0x1D70] =	vst v59  }
0xee: {  	[tilespmem:s18+$0x1D80] =	vst v60  }
0xef: {  	[tilespmem:s18+$0x1D90] =	vst v60  }
0xf0: {  	[tilespmem:s18+$0x1DA0] =	vst v60  }
0xf1: {  	[tilespmem:s18+$0x1DB0] =	vst v60  }
0xf2: {  	[tilespmem:s18+$0x1DC0] =	vst v60  }
0xf3: {  	[tilespmem:s18+$0x1DD0] =	vst v60  }
0xf4: {  	v61 =	vbroadcast v48, $0xC;
	[tilespmem:s18+$0x1DE0] =	vst v60  }
0xf5: {  	[tilespmem:s18+$0x1DF0] =	vst v60  }
0xf6: {  	[tilespmem:s18+$0x1E00] =	vst v61  }
0xf7: {  	[tilespmem:s18+$0x1E10] =	vst v61  }
0xf8: {  	[tilespmem:s18+$0x1E20] =	vst v61  }
0xf9: {  	[tilespmem:s18+$0x1E30] =	vst v61  }
0xfa: {  	[tilespmem:s18+$0x1E40] =	vst v61  }
0xfb: {  	[tilespmem:s18+$0x1E50] =	vst v61  }
0xfc: {  	v62 =	vbroadcast v48, $0xD;
	[tilespmem:s18+$0x1E60] =	vst v61  }
0xfd: {  	[tilespmem:s18+$0x1E70] =	vst v61  }
0xfe: {  	[tilespmem:s18+$0x1E80] =	vst v62  }
0xff: {  	[tilespmem:s18+$0x1E90] =	vst v62  }
0x100: {  	[tilespmem:s18+$0x1EA0] =	vst v62  }
0x101: {  	[tilespmem:s18+$0x1EB0] =	vst v62  }
0x102: {  	[tilespmem:s18+$0x1EC0] =	vst v62  }
0x103: {  	[tilespmem:s18+$0x1ED0] =	vst v62  }
0x104: {  	v63 =	vbroadcast v48, $0xE;
	[tilespmem:s18+$0x1EE0] =	vst v62  }
0x105: {  	[tilespmem:s18+$0x1EF0] =	vst v62  }
0x106: {  	[tilespmem:s18+$0x1F00] =	vst v63  }
0x107: {  	[tilespmem:s18+$0x1F10] =	vst v63  }
0x108: {  	[tilespmem:s18+$0x1F20] =	vst v63  }
0x109: {  	[tilespmem:s18+$0x1F30] =	vst v63  }
0x10a: {  	[tilespmem:s18+$0x1F40] =	vst v63  }
0x10b: {  	[tilespmem:s18+$0x1F50] =	vst v63  }
0x10c: {  	v0 =	vbroadcast v48, $0xF;
	[tilespmem:s18+$0x1F60] =	vst v63  }
0x10d: {  	[tilespmem:s18+$0x1F70] =	vst v63  }
0x10e: {  	[tilespmem:s18+$0x1F80] =	vst v0  }
0x10f: {  	[tilespmem:s18+$0x1F90] =	vst v0  }
0x110: {  	p0 =	slt.u32 s17, $0xE;
	[tilespmem:s18+$0x1FA0] =	vst v0  }
.Ltmp0:
0x111: {  	[tilespmem:s18+$0x1FB0] =	vst v0;
	(pc) =	sbr.rel @p0 .LBB2_2-.Ltmp0, $4  }
0x112: {  	[tilespmem:s18+$0x1FC0] =	vst v0  }
0x113: {  	[tilespmem:s18+$0x1FD0] =	vst v0  }
0x114: {  	s31 =	sadd.s32 $0x2, s17;
	[tilespmem:s18+$0x1FE0] =	vst v0  }
0x115: {  	s17 =	smov.u32 s31;
	[tilespmem:s18+$0x1FF0] =	vst v0  }
0x116: {  	[hbm4b:s4+s10] =	stream.strided.scatter [tilespmem:s12], [sflag:$0x1], $0x8000, s11, s10, $0x38;
	[tilespmem:$0x11000] =	vst v63  }
0x117: {  	s18 =	simm.s32 $0x0  }
0x118: {  	s17 =	sor.u32 $0x110, s18  }
0x119: {  	[hbm4b:s5+s10] =	stream.strided.scatter [tilespmem:s12], [sflag:$0x1], $0x8000, s11, s10, $0x38;
	[tilespmem:$0x11000] =	vst v63  }
0x11a: {  	s19 =	sshll.u32 s17, $0x3  }
0x11b: {  	s17 =	sand.u32 $0x70, s17;
	s19 =	sand.u32 $0xC00, s19  }
0x11c: {  	s17 =	sor.u32 s17, s19  }
0x11d: {  	v1 =	vld [tilespmem:s17+$0x0];
	_ =	sdelay $0x4  }
0x11e: {  	s30 =	simm.s32 $0x0;
	v0 =	vbroadcast v1, $0xF  }
0x11f: {  	s17 =	sand.u32 $0x3FFFF800, s30;
	v2 =	vbroadcast v1, $0x0  }
0x120: {  	[tilespmem:s17+$0x9FF0] =	vst v0  }
0x121: {  	[tilespmem:s17+$0x9800] =	vst v2  }
0x122: {  	[tilespmem:s17+$0x9810] =	vst v2  }
0x123: {  	[tilespmem:s17+$0x9820] =	vst v2  }
0x124: {  	[tilespmem:s17+$0x9830] =	vst v2  }
0x125: {  	[tilespmem:s17+$0x9840] =	vst v2  }
0x126: {  	[tilespmem:s17+$0x9850] =	vst v2  }
0x127: {  	v3 =	vbroadcast v1, $0x1;
	[tilespmem:s17+$0x9860] =	vst v2  }
0x128: {  	[tilespmem:s17+$0x9870] =	vst v2  }
0x129: {  	[tilespmem:s17+$0x9880] =	vst v3  }
0x12a: {  	[tilespmem:s17+$0x9890] =	vst v3  }
0x12b: {  	[tilespmem:s17+$0x98A0] =	vst v3  }
0x12c: {  	[tilespmem:s17+$0x98B0] =	vst v3  }
0x12d: {  	[tilespmem:s17+$0x98C0] =	vst v3  }
0x12e: {  	[tilespmem:s17+$0x98D0] =	vst v3  }
0x12f: {  	[tilespmem:s17+$0x98E0] =	vst v3  }
0x130: {  	[tilespmem:s17+$0x98F0] =	vst v3  }
0x131: {  	[tilespmem:s17+$0x9F80] =	vst v0  }
0x132: {  	[tilespmem:s17+$0x9F90] =	vst v0  }
0x133: {  	[tilespmem:s17+$0x9FA0] =	vst v0  }
0x134: {  	[tilespmem:s17+$0x9FB0] =	vst v0  }
0x135: {  	[tilespmem:s17+$0x9FC0] =	vst v0  }
0x136: {  	v2 =	vbroadcast v1, $0x2;
	[tilespmem:s17+$0x9FD0] =	vst v0  }
0x137: {  	[tilespmem:s17+$0x9FE0] =	vst v0  }
0x138: {  	[tilespmem:s17+$0x9900] =	vst v2  }
0x139: {  	[tilespmem:s17+$0x9910] =	vst v2  }
0x13a: {  	[tilespmem:s17+$0x9920] =	vst v2  }
0x13b: {  	[tilespmem:s17+$0x9930] =	vst v2  }
0x13c: {  	[tilespmem:s17+$0x9940] =	vst v2  }
0x13d: {  	[tilespmem:s17+$0x9950] =	vst v2  }
0x13e: {  	v3 =	vbroadcast v1, $0x3;
	[tilespmem:s17+$0x9960] =	vst v2  }
0x13f: {  	[tilespmem:s17+$0x9970] =	vst v2  }
0x140: {  	[tilespmem:s17+$0x9980] =	vst v3  }
0x141: {  	[tilespmem:s17+$0x9990] =	vst v3  }
0x142: {  	[tilespmem:s17+$0x99A0] =	vst v3  }
0x143: {  	[tilespmem:s17+$0x99B0] =	vst v3  }
0x144: {  	[tilespmem:s17+$0x99C0] =	vst v3  }
0x145: {  	[tilespmem:s17+$0x99D0] =	vst v3  }
0x146: {  	v2 =	vbroadcast v1, $0x4;
	[tilespmem:s17+$0x99E0] =	vst v3  }
0x147: {  	[tilespmem:s17+$0x99F0] =	vst v3  }
0x148: {  	[tilespmem:s17+$0x9A00] =	vst v2  }
0x149: {  	[tilespmem:s17+$0x9A10] =	vst v2  }
0x14a: {  	[tilespmem:s17+$0x9A20] =	vst v2  }
0x14b: {  	[tilespmem:s17+$0x9A30] =	vst v2  }
0x14c: {  	[tilespmem:s17+$0x9A40] =	vst v2  }
0x14d: {  	[tilespmem:s17+$0x9A50] =	vst v2  }
0x14e: {  	v3 =	vbroadcast v1, $0x5;
	[tilespmem:s17+$0x9A60] =	vst v2  }
0x14f: {  	[tilespmem:s17+$0x9A70] =	vst v2  }
0x150: {  	[tilespmem:s17+$0x9A80] =	vst v3  }
0x151: {  	[tilespmem:s17+$0x9A90] =	vst v3  }
0x152: {  	[tilespmem:s17+$0x9AA0] =	vst v3  }
0x153: {  	[tilespmem:s17+$0x9AB0] =	vst v3  }
0x154: {  	[tilespmem:s17+$0x9AC0] =	vst v3  }
0x155: {  	[tilespmem:s17+$0x9AD0] =	vst v3  }
0x156: {  	v2 =	vbroadcast v1, $0x6;
	[tilespmem:s17+$0x9AE0] =	vst v3  }
0x157: {  	[tilespmem:s17+$0x9AF0] =	vst v3  }
0x158: {  	[tilespmem:s17+$0x9B00] =	vst v2  }
0x159: {  	[tilespmem:s17+$0x9B10] =	vst v2  }
0x15a: {  	[tilespmem:s17+$0x9B20] =	vst v2  }
0x15b: {  	[tilespmem:s17+$0x9B30] =	vst v2  }
0x15c: {  	[tilespmem:s17+$0x9B40] =	vst v2  }
0x15d: {  	[tilespmem:s17+$0x9B50] =	vst v2  }
0x15e: {  	v3 =	vbroadcast v1, $0x7;
	[tilespmem:s17+$0x9B60] =	vst v2  }
0x15f: {  	[tilespmem:s17+$0x9B70] =	vst v2  }
0x160: {  	[tilespmem:s17+$0x9B80] =	vst v3  }
0x161: {  	[tilespmem:s17+$0x9B90] =	vst v3  }
0x162: {  	[tilespmem:s17+$0x9BA0] =	vst v3  }
0x163: {  	[tilespmem:s17+$0x9BB0] =	vst v3  }
0x164: {  	[tilespmem:s17+$0x9BC0] =	vst v3  }
0x165: {  	[tilespmem:s17+$0x9BD0] =	vst v3  }
0x166: {  	v2 =	vbroadcast v1, $0x8;
	[tilespmem:s17+$0x9BE0] =	vst v3  }
0x167: {  	[tilespmem:s17+$0x9BF0] =	vst v3  }
0x168: {  	[tilespmem:s17+$0x9C00] =	vst v2  }
0x169: {  	[tilespmem:s17+$0x9C10] =	vst v2  }
0x16a: {  	[tilespmem:s17+$0x9C20] =	vst v2  }
0x16b: {  	[tilespmem:s17+$0x9C30] =	vst v2  }
0x16c: {  	[tilespmem:s17+$0x9C40] =	vst v2  }
0x16d: {  	[tilespmem:s17+$0x9C50] =	vst v2  }
0x16e: {  	v3 =	vbroadcast v1, $0x9;
	[tilespmem:s17+$0x9C60] =	vst v2  }
0x16f: {  	[tilespmem:s17+$0x9C70] =	vst v2  }
0x170: {  	[tilespmem:s17+$0x9C80] =	vst v3  }
0x171: {  	[tilespmem:s17+$0x9C90] =	vst v3  }
0x172: {  	[tilespmem:s17+$0x9CA0] =	vst v3  }
0x173: {  	[tilespmem:s17+$0x9CB0] =	vst v3  }
0x174: {  	[tilespmem:s17+$0x9CC0] =	vst v3  }
0x175: {  	[tilespmem:s17+$0x9CD0] =	vst v3  }
0x176: {  	v2 =	vbroadcast v1, $0xA;
	[tilespmem:s17+$0x9CE0] =	vst v3  }
0x177: {  	[tilespmem:s17+$0x9CF0] =	vst v3  }
0x178: {  	[tilespmem:s17+$0x9D00] =	vst v2  }
0x179: {  	[tilespmem:s17+$0x9D10] =	vst v2  }
0x17a: {  	[tilespmem:s17+$0x9D20] =	vst v2  }
0x17b: {  	[tilespmem:s17+$0x9D30] =	vst v2  }
0x17c: {  	[tilespmem:s17+$0x9D40] =	vst v2  }
0x17d: {  	[tilespmem:s17+$0x9D50] =	vst v2  }
0x17e: {  	v3 =	vbroadcast v1, $0xB;
	[tilespmem:s17+$0x9D60] =	vst v2  }
0x17f: {  	[tilespmem:s17+$0x9D70] =	vst v2  }
0x180: {  	[tilespmem:s17+$0x9D80] =	vst v3  }
0x181: {  	[tilespmem:s17+$0x9D90] =	vst v3  }
0x182: {  	[tilespmem:s17+$0x9DA0] =	vst v3  }
0x183: {  	[tilespmem:s17+$0x9DB0] =	vst v3  }
0x184: {  	[tilespmem:s17+$0x9DC0] =	vst v3  }
0x185: {  	[tilespmem:s17+$0x9DD0] =	vst v3  }
0x186: {  	v2 =	vbroadcast v1, $0xC;
	[tilespmem:s17+$0x9DE0] =	vst v3  }
0x187: {  	[tilespmem:s17+$0x9DF0] =	vst v3  }
0x188: {  	[tilespmem:s17+$0x9E00] =	vst v2  }
0x189: {  	[tilespmem:s17+$0x9E10] =	vst v2  }
0x18a: {  	[tilespmem:s17+$0x9E20] =	vst v2  }
0x18b: {  	[tilespmem:s17+$0x9E30] =	vst v2  }
0x18c: {  	[tilespmem:s17+$0x9E40] =	vst v2  }
0x18d: {  	[tilespmem:s17+$0x9E50] =	vst v2  }
0x18e: {  	v3 =	vbroadcast v1, $0xD;
	[tilespmem:s17+$0x9E60] =	vst v2  }
0x18f: {  	[tilespmem:s17+$0x9E70] =	vst v2  }
0x190: {  	[tilespmem:s17+$0x9E80] =	vst v3  }
0x191: {  	[tilespmem:s17+$0x9E90] =	vst v3  }
0x192: {  	[tilespmem:s17+$0x9EA0] =	vst v3  }
0x193: {  	[tilespmem:s17+$0x9EB0] =	vst v3  }
0x194: {  	[tilespmem:s17+$0x9EC0] =	vst v3  }
0x195: {  	v1 =	vbroadcast v1, $0xE;
	[tilespmem:s17+$0x9ED0] =	vst v3  }
0x196: {  	s31 =	simm.s32 $0x0;
	[tilespmem:s17+$0x9EE0] =	vst v3  }
0x197: {  	s18 =	sand.u32 $0x60, s18;
	s19 =	sand.u32 $0x400, s31;
	[tilespmem:s17+$0x9F00] =	vst v1  }
0x198: {  	s18 =	sor.u32 s18, s19;
	[tilespmem:s17+$0x9F10] =	vst v1  }
0x199: {  	[tilespmem:s17+$0x9F20] =	vst v1;
	v2 =	vld [tilespmem:s18+$0x800]  }
0x19a: {  	[tilespmem:s17+$0x9F30] =	vst v1  }
0x19b: {  	[tilespmem:s17+$0x9F40] =	vst v1  }
0x19c: {  	[tilespmem:s17+$0x9F50] =	vst v1  }
0x19d: {  	[tilespmem:s17+$0x9F60] =	vst v1  }
0x19e: {  	[tilespmem:s17+$0x9F70] =	vst v1;
	v1 =	vbroadcast v2, $0x0  }
0x19f: {  	[tilespmem:s17+$0x9EF0] =	vst v3  }
0x1a0: {  	[tilespmem:s17+$0x9000] =	vst v1  }
0x1a1: {  	[tilespmem:s17+$0x9010] =	vst v1  }
0x1a2: {  	[tilespmem:s17+$0x9020] =	vst v1  }
0x1a3: {  	[tilespmem:s17+$0x9030] =	vst v1  }
0x1a4: {  	[tilespmem:s17+$0x9040] =	vst v1  }
0x1a5: {  	[tilespmem:s17+$0x9050] =	vst v1  }
0x1a6: {  	v0 =	vbroadcast v2, $0x1;
	[tilespmem:s17+$0x9060] =	vst v1  }
0x1a7: {  	[tilespmem:s17+$0x9070] =	vst v1  }
0x1a8: {  	[tilespmem:s17+$0x9080] =	vst v0  }
0x1a9: {  	[tilespmem:s17+$0x9090] =	vst v0  }
0x1aa: {  	[tilespmem:s17+$0x90A0] =	vst v0  }
0x1ab: {  	[tilespmem:s17+$0x90B0] =	vst v0  }
0x1ac: {  	[tilespmem:s17+$0x90C0] =	vst v0  }
0x1ad: {  	[tilespmem:s17+$0x90D0] =	vst v0  }
0x1ae: {  	v1 =	vbroadcast v2, $0x2;
	[tilespmem:s17+$0x90E0] =	vst v0  }
0x1af: {  	[tilespmem:s17+$0x90F0] =	vst v0  }
0x1b0: {  	[tilespmem:s17+$0x9100] =	vst v1  }
0x1b1: {  	[tilespmem:s17+$0x9110] =	vst v1  }
0x1b2: {  	[tilespmem:s17+$0x9120] =	vst v1  }
0x1b3: {  	[tilespmem:s17+$0x9130] =	vst v1  }
0x1b4: {  	[tilespmem:s17+$0x9140] =	vst v1  }
0x1b5: {  	[tilespmem:s17+$0x9150] =	vst v1  }
0x1b6: {  	v0 =	vbroadcast v2, $0x3;
	[tilespmem:s17+$0x9160] =	vst v1  }
0x1b7: {  	[tilespmem:s17+$0x9170] =	vst v1  }
0x1b8: {  	[tilespmem:s17+$0x9180] =	vst v0  }
0x1b9: {  	[tilespmem:s17+$0x9190] =	vst v0  }
0x1ba: {  	[tilespmem:s17+$0x91A0] =	vst v0  }
0x1bb: {  	[tilespmem:s17+$0x91B0] =	vst v0  }
0x1bc: {  	[tilespmem:s17+$0x91C0] =	vst v0  }
0x1bd: {  	[tilespmem:s17+$0x91D0] =	vst v0  }
0x1be: {  	v1 =	vbroadcast v2, $0x4;
	[tilespmem:s17+$0x91E0] =	vst v0  }
0x1bf: {  	[tilespmem:s17+$0x91F0] =	vst v0  }
0x1c0: {  	[tilespmem:s17+$0x9200] =	vst v1  }
0x1c1: {  	[tilespmem:s17+$0x9210] =	vst v1  }
0x1c2: {  	[tilespmem:s17+$0x9220] =	vst v1  }
0x1c3: {  	[tilespmem:s17+$0x9230] =	vst v1  }
0x1c4: {  	[tilespmem:s17+$0x9240] =	vst v1  }
0x1c5: {  	[tilespmem:s17+$0x9250] =	vst v1  }
0x1c6: {  	v0 =	vbroadcast v2, $0x5;
	[tilespmem:s17+$0x9260] =	vst v1  }
0x1c7: {  	[tilespmem:s17+$0x9270] =	vst v1  }
0x1c8: {  	[tilespmem:s17+$0x9280] =	vst v0  }
0x1c9: {  	[tilespmem:s17+$0x9290] =	vst v0  }
0x1ca: {  	[tilespmem:s17+$0x92A0] =	vst v0  }
0x1cb: {  	[tilespmem:s17+$0x92B0] =	vst v0  }
0x1cc: {  	[tilespmem:s17+$0x92C0] =	vst v0  }
0x1cd: {  	[tilespmem:s17+$0x92D0] =	vst v0  }
0x1ce: {  	v1 =	vbroadcast v2, $0x6;
	[tilespmem:s17+$0x92E0] =	vst v0  }
0x1cf: {  	[tilespmem:s17+$0x92F0] =	vst v0  }
0x1d0: {  	[tilespmem:s17+$0x9300] =	vst v1  }
0x1d1: {  	[tilespmem:s17+$0x9310] =	vst v1  }
0x1d2: {  	[tilespmem:s17+$0x9320] =	vst v1  }
0x1d3: {  	[tilespmem:s17+$0x9330] =	vst v1  }
0x1d4: {  	[tilespmem:s17+$0x9340] =	vst v1  }
0x1d5: {  	[tilespmem:s17+$0x9350] =	vst v1  }
0x1d6: {  	v0 =	vbroadcast v2, $0x7;
	[tilespmem:s17+$0x9360] =	vst v1  }
0x1d7: {  	[tilespmem:s17+$0x9370] =	vst v1  }
0x1d8: {  	[tilespmem:s17+$0x9380] =	vst v0  }
0x1d9: {  	[tilespmem:s17+$0x9390] =	vst v0  }
0x1da: {  	[tilespmem:s17+$0x93A0] =	vst v0  }
0x1db: {  	[tilespmem:s17+$0x93B0] =	vst v0  }
0x1dc: {  	[tilespmem:s17+$0x93C0] =	vst v0  }
0x1dd: {  	[tilespmem:s17+$0x93D0] =	vst v0  }
0x1de: {  	v1 =	vbroadcast v2, $0x8;
	[tilespmem:s17+$0x93E0] =	vst v0  }
0x1df: {  	[tilespmem:s17+$0x93F0] =	vst v0  }
0x1e0: {  	[tilespmem:s17+$0x9400] =	vst v1  }
0x1e1: {  	[tilespmem:s17+$0x9410] =	vst v1  }
0x1e2: {  	[tilespmem:s17+$0x9420] =	vst v1  }
0x1e3: {  	[tilespmem:s17+$0x9430] =	vst v1  }
0x1e4: {  	[tilespmem:s17+$0x9440] =	vst v1  }
0x1e5: {  	[tilespmem:s17+$0x9450] =	vst v1  }
0x1e6: {  	v0 =	vbroadcast v2, $0x9;
	[tilespmem:s17+$0x9460] =	vst v1  }
0x1e7: {  	[tilespmem:s17+$0x9470] =	vst v1  }
0x1e8: {  	[tilespmem:s17+$0x9480] =	vst v0  }
0x1e9: {  	[tilespmem:s17+$0x9490] =	vst v0  }
0x1ea: {  	[tilespmem:s17+$0x94A0] =	vst v0  }
0x1eb: {  	[tilespmem:s17+$0x94B0] =	vst v0  }
0x1ec: {  	[tilespmem:s17+$0x94C0] =	vst v0  }
0x1ed: {  	[tilespmem:s17+$0x94D0] =	vst v0  }
0x1ee: {  	v1 =	vbroadcast v2, $0xA;
	[tilespmem:s17+$0x94E0] =	vst v0  }
0x1ef: {  	[tilespmem:s17+$0x94F0] =	vst v0  }
0x1f0: {  	[tilespmem:s17+$0x9500] =	vst v1  }
0x1f1: {  	[tilespmem:s17+$0x9510] =	vst v1  }
0x1f2: {  	[tilespmem:s17+$0x9520] =	vst v1  }
0x1f3: {  	[tilespmem:s17+$0x9530] =	vst v1  }
0x1f4: {  	[tilespmem:s17+$0x9540] =	vst v1  }
0x1f5: {  	[tilespmem:s17+$0x9550] =	vst v1  }
0x1f6: {  	v0 =	vbroadcast v2, $0xB;
	[tilespmem:s17+$0x9560] =	vst v1  }
0x1f7: {  	[tilespmem:s17+$0x9570] =	vst v1  }
0x1f8: {  	[tilespmem:s17+$0x9580] =	vst v0  }
0x1f9: {  	[tilespmem:s17+$0x9590] =	vst v0  }
0x1fa: {  	[tilespmem:s17+$0x95A0] =	vst v0  }
0x1fb: {  	[tilespmem:s17+$0x95B0] =	vst v0  }
0x1fc: {  	[tilespmem:s17+$0x95C0] =	vst v0  }
0x1fd: {  	[tilespmem:s17+$0x95D0] =	vst v0  }
0x1fe: {  	v1 =	vbroadcast v2, $0xC;
	[tilespmem:s17+$0x95E0] =	vst v0  }
0x1ff: {  	[tilespmem:s17+$0x95F0] =	vst v0  }
0x200: {  	[tilespmem:s17+$0x9600] =	vst v1  }
0x201: {  	[tilespmem:s17+$0x9610] =	vst v1  }
0x202: {  	[tilespmem:s17+$0x9620] =	vst v1  }
0x203: {  	[tilespmem:s17+$0x9630] =	vst v1  }
0x204: {  	[tilespmem:s17+$0x9640] =	vst v1  }
0x205: {  	[tilespmem:s17+$0x9650] =	vst v1  }
0x206: {  	v0 =	vbroadcast v2, $0xD;
	[tilespmem:s17+$0x9660] =	vst v1  }
0x207: {  	[tilespmem:s17+$0x9670] =	vst v1  }
0x208: {  	[tilespmem:s17+$0x9680] =	vst v0  }
0x209: {  	[tilespmem:s17+$0x9690] =	vst v0  }
0x20a: {  	[tilespmem:s17+$0x96A0] =	vst v0  }
0x20b: {  	[tilespmem:s17+$0x96B0] =	vst v0  }
0x20c: {  	[tilespmem:s17+$0x96C0] =	vst v0  }
0x20d: {  	[tilespmem:s17+$0x96D0] =	vst v0  }
0x20e: {  	v1 =	vbroadcast v2, $0xE;
	[tilespmem:s17+$0x96E0] =	vst v0  }
0x20f: {  	[tilespmem:s17+$0x96F0] =	vst v0  }
0x210: {  	[tilespmem:s17+$0x9700] =	vst v1  }
0x211: {  	[tilespmem:s17+$0x9710] =	vst v1  }
0x212: {  	[tilespmem:s17+$0x9720] =	vst v1  }
0x213: {  	s18 =	simm.s32 $0x2;
	v0 =	vbroadcast v2, $0xF;
	[tilespmem:s17+$0x9730] =	vst v1  }
.LBB2_4:
0x214: {  	s19 =	sshll.u32 s18, $0x4;
	s20 =	sshll.u32 s18, $0x7;
	p0 =	slt.u32 s18, $0xE;
	[tilespmem:s17+$0x9740] =	vst v1  }
0x215: {  	s21 =	sand.u32 $0x60, s19;
	s20 =	sand.u32 $0x400, s20;
	s19 =	sor.u32 $0x110, s19;
	[tilespmem:s17+$0x9750] =	vst v1  }
0x216: {  	s20 =	sor.u32 s21, s20;
	s21 =	sshll.u32 s19, $0x3;
	[tilespmem:s17+$0x9760] =	vst v1  }
0x217: {  	s19 =	sand.u32 $0x70, s19;
	v26 =	vld [tilespmem:s20+$0x800];
	s20 =	sand.u32 $0xC00, s21;
	[tilespmem:s17+$0x9770] =	vst v1  }
0x218: {  	s19 =	sor.u32 s19, s20;
	[tilespmem:s17+$0x9780] =	vst v0  }
0x219: {  	v1 =	vld [tilespmem:s19+$0x0];
	[tilespmem:s17+$0x9790] =	vst v0  }
0x21a: {  	[tilespmem:s17+$0x97A0] =	vst v0  }
0x21b: {  	[tilespmem:s17+$0x97B0] =	vst v0  }
0x21c: {  	v15 =	vbroadcast v26, $0x0;
	v14 =	vbroadcast v26, $0x1;
	[tilespmem:s17+$0x97C0] =	vst v0  }
0x21d: {  	v12 =	vbroadcast v26, $0x2;
	v10 =	vbroadcast v26, $0x3;
	[tilespmem:s17+$0x97D0] =	vst v0  }
0x21e: {  	s19 =	sshll.u32 s18, $0xB;
	v2 =	vbroadcast v1, $0x0;
	v16 =	vbroadcast v1, $0xF;
	[tilespmem:s17+$0x97E0] =	vst v0  }
0x21f: {  	v27 =	vbroadcast v1, $0x1;
	v28 =	vbroadcast v1, $0x2;
	[tilespmem:s17+$0x97F0] =	vst v0;
	s17 =	sand.u32 $0x3FFFF800, s19  }
0x220: {  	v29 =	vbroadcast v1, $0x3;
	v30 =	vbroadcast v1, $0x4;
	[tilespmem:s17+$0x9FF0] =	vst v16  }
0x221: {  	v31 =	vbroadcast v1, $0x5;
	v25 =	vbroadcast v1, $0x6;
	[tilespmem:s17+$0x9800] =	vst v2  }
0x222: {  	v24 =	vbroadcast v1, $0x7;
	v23 =	vbroadcast v1, $0x8;
	[tilespmem:s17+$0x9810] =	vst v2  }
0x223: {  	v22 =	vbroadcast v1, $0x9;
	v21 =	vbroadcast v1, $0xA;
	[tilespmem:s17+$0x9820] =	vst v2  }
0x224: {  	v20 =	vbroadcast v1, $0xB;
	v19 =	vbroadcast v1, $0xC;
	[tilespmem:s17+$0x9830] =	vst v2  }
0x225: {  	v18 =	vbroadcast v1, $0xD;
	v17 =	vbroadcast v1, $0xE;
	[tilespmem:s17+$0x9840] =	vst v2  }
0x226: {  	v13 =	vbroadcast v26, $0x4;
	v11 =	vbroadcast v26, $0x5;
	[tilespmem:s17+$0x9850] =	vst v2  }
0x227: {  	v9 =	vbroadcast v26, $0x6;
	v8 =	vbroadcast v26, $0x7;
	[tilespmem:s17+$0x9860] =	vst v2  }
0x228: {  	v7 =	vbroadcast v26, $0x8;
	v6 =	vbroadcast v26, $0x9;
	[tilespmem:s17+$0x9870] =	vst v2  }
0x229: {  	v5 =	vbroadcast v26, $0xA;
	v4 =	vbroadcast v26, $0xB;
	[tilespmem:s17+$0x9880] =	vst v27  }
0x22a: {  	v3 =	vbroadcast v26, $0xC;
	v2 =	vbroadcast v26, $0xD;
	[tilespmem:s17+$0x9890] =	vst v27  }
0x22b: {  	v1 =	vbroadcast v26, $0xE;
	v0 =	vbroadcast v26, $0xF;
	[tilespmem:s17+$0x98A0] =	vst v27  }
0x22c: {  	[tilespmem:s17+$0x98B0] =	vst v27  }
0x22d: {  	[tilespmem:s17+$0x98C0] =	vst v27  }
0x22e: {  	[tilespmem:s17+$0x98D0] =	vst v27  }
0x22f: {  	[tilespmem:s17+$0x98E0] =	vst v27  }
0x230: {  	[tilespmem:s17+$0x98F0] =	vst v27  }
0x231: {  	[tilespmem:s17+$0x9900] =	vst v28  }
0x232: {  	[tilespmem:s17+$0x9910] =	vst v28  }
0x233: {  	[tilespmem:s17+$0x9920] =	vst v28  }
0x234: {  	[tilespmem:s17+$0x9930] =	vst v28  }
0x235: {  	[tilespmem:s17+$0x9940] =	vst v28  }
0x236: {  	[tilespmem:s17+$0x9950] =	vst v28  }
0x237: {  	[tilespmem:s17+$0x9960] =	vst v28  }
0x238: {  	[tilespmem:s17+$0x9970] =	vst v28  }
0x239: {  	[tilespmem:s17+$0x9980] =	vst v29  }
0x23a: {  	[tilespmem:s17+$0x9990] =	vst v29  }
0x23b: {  	[tilespmem:s17+$0x99A0] =	vst v29  }
0x23c: {  	[tilespmem:s17+$0x99B0] =	vst v29  }
0x23d: {  	[tilespmem:s17+$0x99C0] =	vst v29  }
0x23e: {  	[tilespmem:s17+$0x99D0] =	vst v29  }
0x23f: {  	[tilespmem:s17+$0x99E0] =	vst v29  }
0x240: {  	[tilespmem:s17+$0x99F0] =	vst v29  }
0x241: {  	[tilespmem:s17+$0x9A00] =	vst v30  }
0x242: {  	[tilespmem:s17+$0x9A10] =	vst v30  }
0x243: {  	[tilespmem:s17+$0x9A20] =	vst v30  }
0x244: {  	[tilespmem:s17+$0x9A30] =	vst v30  }
0x245: {  	[tilespmem:s17+$0x9A40] =	vst v30  }
0x246: {  	[tilespmem:s17+$0x9A50] =	vst v30  }
0x247: {  	[tilespmem:s17+$0x9A60] =	vst v30  }
0x248: {  	[tilespmem:s17+$0x9A70] =	vst v30  }
0x249: {  	[tilespmem:s17+$0x9A80] =	vst v31  }
0x24a: {  	[tilespmem:s17+$0x9A90] =	vst v31  }
0x24b: {  	[tilespmem:s17+$0x9AA0] =	vst v31  }
0x24c: {  	[tilespmem:s17+$0x9AB0] =	vst v31  }
0x24d: {  	[tilespmem:s17+$0x9AC0] =	vst v31  }
0x24e: {  	[tilespmem:s17+$0x9AD0] =	vst v31  }
0x24f: {  	[tilespmem:s17+$0x9AE0] =	vst v31  }
0x250: {  	[tilespmem:s17+$0x9AF0] =	vst v31  }
0x251: {  	[tilespmem:s17+$0x9B00] =	vst v25  }
0x252: {  	[tilespmem:s17+$0x9B10] =	vst v25  }
0x253: {  	[tilespmem:s17+$0x9B20] =	vst v25  }
0x254: {  	[tilespmem:s17+$0x9B30] =	vst v25  }
0x255: {  	[tilespmem:s17+$0x9B40] =	vst v25  }
0x256: {  	[tilespmem:s17+$0x9B50] =	vst v25  }
0x257: {  	[tilespmem:s17+$0x9B60] =	vst v25  }
0x258: {  	[tilespmem:s17+$0x9B70] =	vst v25  }
0x259: {  	[tilespmem:s17+$0x9B80] =	vst v24  }
0x25a: {  	[tilespmem:s17+$0x9B90] =	vst v24  }
0x25b: {  	[tilespmem:s17+$0x9BA0] =	vst v24  }
0x25c: {  	[tilespmem:s17+$0x9BB0] =	vst v24  }
0x25d: {  	[tilespmem:s17+$0x9BC0] =	vst v24  }
0x25e: {  	[tilespmem:s17+$0x9BD0] =	vst v24  }
0x25f: {  	[tilespmem:s17+$0x9BE0] =	vst v24  }
0x260: {  	[tilespmem:s17+$0x9BF0] =	vst v24  }
0x261: {  	[tilespmem:s17+$0x9C00] =	vst v23  }
0x262: {  	[tilespmem:s17+$0x9C10] =	vst v23  }
0x263: {  	[tilespmem:s17+$0x9C20] =	vst v23  }
0x264: {  	[tilespmem:s17+$0x9C30] =	vst v23  }
0x265: {  	[tilespmem:s17+$0x9C40] =	vst v23  }
0x266: {  	[tilespmem:s17+$0x9C50] =	vst v23  }
0x267: {  	[tilespmem:s17+$0x9C60] =	vst v23  }
0x268: {  	[tilespmem:s17+$0x9C70] =	vst v23  }
0x269: {  	[tilespmem:s17+$0x9C80] =	vst v22  }
0x26a: {  	[tilespmem:s17+$0x9C90] =	vst v22  }
0x26b: {  	[tilespmem:s17+$0x9CA0] =	vst v22  }
0x26c: {  	[tilespmem:s17+$0x9CB0] =	vst v22  }
0x26d: {  	[tilespmem:s17+$0x9CC0] =	vst v22  }
0x26e: {  	[tilespmem:s17+$0x9CD0] =	vst v22  }
0x26f: {  	[tilespmem:s17+$0x9CE0] =	vst v22  }
0x270: {  	[tilespmem:s17+$0x9CF0] =	vst v22  }
0x271: {  	[tilespmem:s17+$0x9D00] =	vst v21  }
0x272: {  	[tilespmem:s17+$0x9D10] =	vst v21  }
0x273: {  	[tilespmem:s17+$0x9D20] =	vst v21  }
0x274: {  	[tilespmem:s17+$0x9D30] =	vst v21  }
0x275: {  	[tilespmem:s17+$0x9D40] =	vst v21  }
0x276: {  	[tilespmem:s17+$0x9D50] =	vst v21  }
0x277: {  	[tilespmem:s17+$0x9D60] =	vst v21  }
0x278: {  	[tilespmem:s17+$0x9D70] =	vst v21  }
0x279: {  	[tilespmem:s17+$0x9D80] =	vst v20  }
0x27a: {  	[tilespmem:s17+$0x9D90] =	vst v20  }
0x27b: {  	[tilespmem:s17+$0x9DA0] =	vst v20  }
0x27c: {  	[tilespmem:s17+$0x9DB0] =	vst v20  }
0x27d: {  	[tilespmem:s17+$0x9DC0] =	vst v20  }
0x27e: {  	[tilespmem:s17+$0x9DD0] =	vst v20  }
0x27f: {  	[tilespmem:s17+$0x9DE0] =	vst v20  }
0x280: {  	[tilespmem:s17+$0x9DF0] =	vst v20  }
0x281: {  	[tilespmem:s17+$0x9E00] =	vst v19  }
0x282: {  	[tilespmem:s17+$0x9E10] =	vst v19  }
0x283: {  	[tilespmem:s17+$0x9E20] =	vst v19  }
0x284: {  	[tilespmem:s17+$0x9E30] =	vst v19  }
0x285: {  	[tilespmem:s17+$0x9E40] =	vst v19  }
0x286: {  	[tilespmem:s17+$0x9E50] =	vst v19  }
0x287: {  	[tilespmem:s17+$0x9E60] =	vst v19  }
0x288: {  	[tilespmem:s17+$0x9E70] =	vst v19  }
0x289: {  	[tilespmem:s17+$0x9E80] =	vst v18  }
0x28a: {  	[tilespmem:s17+$0x9E90] =	vst v18  }
0x28b: {  	[tilespmem:s17+$0x9EA0] =	vst v18  }
0x28c: {  	[tilespmem:s17+$0x9EB0] =	vst v18  }
0x28d: {  	[tilespmem:s17+$0x9EC0] =	vst v18  }
0x28e: {  	[tilespmem:s17+$0x9ED0] =	vst v18  }
0x28f: {  	[tilespmem:s17+$0x9EE0] =	vst v18  }
0x290: {  	[tilespmem:s17+$0x9EF0] =	vst v18  }
0x291: {  	[tilespmem:s17+$0x9F00] =	vst v17  }
0x292: {  	[tilespmem:s17+$0x9F10] =	vst v17  }
0x293: {  	[tilespmem:s17+$0x9F20] =	vst v17  }
0x294: {  	[tilespmem:s17+$0x9F30] =	vst v17  }
0x295: {  	[tilespmem:s17+$0x9F40] =	vst v17  }
0x296: {  	[tilespmem:s17+$0x9F50] =	vst v17  }
0x297: {  	[tilespmem:s17+$0x9F60] =	vst v17  }
0x298: {  	[tilespmem:s17+$0x9F70] =	vst v17  }
0x299: {  	[tilespmem:s17+$0x9F80] =	vst v16  }
0x29a: {  	[tilespmem:s17+$0x9F90] =	vst v16  }
0x29b: {  	[tilespmem:s17+$0x9FA0] =	vst v16  }
0x29c: {  	[tilespmem:s17+$0x9FB0] =	vst v16  }
0x29d: {  	[tilespmem:s17+$0x9FC0] =	vst v16  }
0x29e: {  	[tilespmem:s17+$0x9FD0] =	vst v16  }
0x29f: {  	[tilespmem:s17+$0x9FE0] =	vst v16  }
0x2a0: {  	[tilespmem:s17+$0x9000] =	vst v15  }
0x2a1: {  	[tilespmem:s17+$0x9010] =	vst v15  }
0x2a2: {  	[tilespmem:s17+$0x9020] =	vst v15  }
0x2a3: {  	[tilespmem:s17+$0x9030] =	vst v15  }
0x2a4: {  	[tilespmem:s17+$0x9040] =	vst v15  }
0x2a5: {  	[tilespmem:s17+$0x9050] =	vst v15  }
0x2a6: {  	[tilespmem:s17+$0x9060] =	vst v15  }
0x2a7: {  	[tilespmem:s17+$0x9070] =	vst v15  }
0x2a8: {  	[tilespmem:s17+$0x9080] =	vst v14  }
0x2a9: {  	[tilespmem:s17+$0x9090] =	vst v14  }
0x2aa: {  	[tilespmem:s17+$0x90A0] =	vst v14  }
0x2ab: {  	[tilespmem:s17+$0x90B0] =	vst v14  }
0x2ac: {  	[tilespmem:s17+$0x90C0] =	vst v14  }
0x2ad: {  	[tilespmem:s17+$0x90D0] =	vst v14  }
0x2ae: {  	[tilespmem:s17+$0x90E0] =	vst v14  }
0x2af: {  	[tilespmem:s17+$0x90F0] =	vst v14  }
0x2b0: {  	[tilespmem:s17+$0x9100] =	vst v12  }
0x2b1: {  	[tilespmem:s17+$0x9110] =	vst v12  }
0x2b2: {  	[tilespmem:s17+$0x9120] =	vst v12  }
0x2b3: {  	[tilespmem:s17+$0x9130] =	vst v12  }
0x2b4: {  	[tilespmem:s17+$0x9140] =	vst v12  }
0x2b5: {  	[tilespmem:s17+$0x9150] =	vst v12  }
0x2b6: {  	[tilespmem:s17+$0x9160] =	vst v12  }
0x2b7: {  	[tilespmem:s17+$0x9170] =	vst v12  }
0x2b8: {  	[tilespmem:s17+$0x9180] =	vst v10  }
0x2b9: {  	[tilespmem:s17+$0x9190] =	vst v10  }
0x2ba: {  	[tilespmem:s17+$0x91A0] =	vst v10  }
0x2bb: {  	[tilespmem:s17+$0x91B0] =	vst v10  }
0x2bc: {  	[tilespmem:s17+$0x91C0] =	vst v10  }
0x2bd: {  	[tilespmem:s17+$0x91D0] =	vst v10  }
0x2be: {  	[tilespmem:s17+$0x91E0] =	vst v10  }
0x2bf: {  	[tilespmem:s17+$0x91F0] =	vst v10  }
0x2c0: {  	[tilespmem:s17+$0x9200] =	vst v13  }
0x2c1: {  	[tilespmem:s17+$0x9210] =	vst v13  }
0x2c2: {  	[tilespmem:s17+$0x9220] =	vst v13  }
0x2c3: {  	[tilespmem:s17+$0x9230] =	vst v13  }
0x2c4: {  	[tilespmem:s17+$0x9240] =	vst v13  }
0x2c5: {  	[tilespmem:s17+$0x9250] =	vst v13  }
0x2c6: {  	[tilespmem:s17+$0x9260] =	vst v13  }
0x2c7: {  	[tilespmem:s17+$0x9270] =	vst v13  }
0x2c8: {  	[tilespmem:s17+$0x9280] =	vst v11  }
0x2c9: {  	[tilespmem:s17+$0x9290] =	vst v11  }
0x2ca: {  	[tilespmem:s17+$0x92A0] =	vst v11  }
0x2cb: {  	[tilespmem:s17+$0x92B0] =	vst v11  }
0x2cc: {  	[tilespmem:s17+$0x92C0] =	vst v11  }
0x2cd: {  	[tilespmem:s17+$0x92D0] =	vst v11  }
0x2ce: {  	[tilespmem:s17+$0x92E0] =	vst v11  }
0x2cf: {  	[tilespmem:s17+$0x92F0] =	vst v11  }
0x2d0: {  	[tilespmem:s17+$0x9300] =	vst v9  }
0x2d1: {  	[tilespmem:s17+$0x9310] =	vst v9  }
0x2d2: {  	[tilespmem:s17+$0x9320] =	vst v9  }
0x2d3: {  	[tilespmem:s17+$0x9330] =	vst v9  }
0x2d4: {  	[tilespmem:s17+$0x9340] =	vst v9  }
0x2d5: {  	[tilespmem:s17+$0x9350] =	vst v9  }
0x2d6: {  	[tilespmem:s17+$0x9360] =	vst v9  }
0x2d7: {  	[tilespmem:s17+$0x9370] =	vst v9  }
0x2d8: {  	[tilespmem:s17+$0x9380] =	vst v8  }
0x2d9: {  	[tilespmem:s17+$0x9390] =	vst v8  }
0x2da: {  	[tilespmem:s17+$0x93A0] =	vst v8  }
0x2db: {  	[tilespmem:s17+$0x93B0] =	vst v8  }
0x2dc: {  	[tilespmem:s17+$0x93C0] =	vst v8  }
0x2dd: {  	[tilespmem:s17+$0x93D0] =	vst v8  }
0x2de: {  	[tilespmem:s17+$0x93E0] =	vst v8  }
0x2df: {  	[tilespmem:s17+$0x93F0] =	vst v8  }
0x2e0: {  	[tilespmem:s17+$0x9400] =	vst v7  }
0x2e1: {  	[tilespmem:s17+$0x9410] =	vst v7  }
0x2e2: {  	[tilespmem:s17+$0x9420] =	vst v7  }
0x2e3: {  	[tilespmem:s17+$0x9430] =	vst v7  }
0x2e4: {  	[tilespmem:s17+$0x9440] =	vst v7  }
0x2e5: {  	[tilespmem:s17+$0x9450] =	vst v7  }
0x2e6: {  	[tilespmem:s17+$0x9460] =	vst v7  }
0x2e7: {  	[tilespmem:s17+$0x9470] =	vst v7  }
0x2e8: {  	[tilespmem:s17+$0x9480] =	vst v6  }
0x2e9: {  	[tilespmem:s17+$0x9490] =	vst v6  }
0x2ea: {  	[tilespmem:s17+$0x94A0] =	vst v6  }
0x2eb: {  	[tilespmem:s17+$0x94B0] =	vst v6  }
0x2ec: {  	[tilespmem:s17+$0x94C0] =	vst v6  }
0x2ed: {  	[tilespmem:s17+$0x94D0] =	vst v6  }
0x2ee: {  	[tilespmem:s17+$0x94E0] =	vst v6  }
0x2ef: {  	[tilespmem:s17+$0x94F0] =	vst v6  }
0x2f0: {  	[tilespmem:s17+$0x9500] =	vst v5  }
0x2f1: {  	[tilespmem:s17+$0x9510] =	vst v5  }
0x2f2: {  	[tilespmem:s17+$0x9520] =	vst v5  }
0x2f3: {  	[tilespmem:s17+$0x9530] =	vst v5  }
0x2f4: {  	[tilespmem:s17+$0x9540] =	vst v5  }
0x2f5: {  	[tilespmem:s17+$0x9550] =	vst v5  }
0x2f6: {  	[tilespmem:s17+$0x9560] =	vst v5  }
0x2f7: {  	[tilespmem:s17+$0x9570] =	vst v5  }
0x2f8: {  	[tilespmem:s17+$0x9580] =	vst v4  }
0x2f9: {  	[tilespmem:s17+$0x9590] =	vst v4  }
0x2fa: {  	[tilespmem:s17+$0x95A0] =	vst v4  }
0x2fb: {  	[tilespmem:s17+$0x95B0] =	vst v4  }
0x2fc: {  	[tilespmem:s17+$0x95C0] =	vst v4  }
0x2fd: {  	[tilespmem:s17+$0x95D0] =	vst v4  }
0x2fe: {  	[tilespmem:s17+$0x95E0] =	vst v4  }
0x2ff: {  	[tilespmem:s17+$0x95F0] =	vst v4  }
0x300: {  	[tilespmem:s17+$0x9600] =	vst v3  }
0x301: {  	[tilespmem:s17+$0x9610] =	vst v3  }
0x302: {  	[tilespmem:s17+$0x9620] =	vst v3  }
0x303: {  	[tilespmem:s17+$0x9630] =	vst v3  }
0x304: {  	[tilespmem:s17+$0x9640] =	vst v3  }
0x305: {  	[tilespmem:s17+$0x9650] =	vst v3  }
0x306: {  	[tilespmem:s17+$0x9660] =	vst v3  }
0x307: {  	[tilespmem:s17+$0x9670] =	vst v3  }
0x308: {  	[tilespmem:s17+$0x9680] =	vst v2  }
0x309: {  	[tilespmem:s17+$0x9690] =	vst v2  }
0x30a: {  	[tilespmem:s17+$0x96A0] =	vst v2  }
0x30b: {  	[tilespmem:s17+$0x96B0] =	vst v2  }
0x30c: {  	[tilespmem:s17+$0x96C0] =	vst v2  }
0x30d: {  	[tilespmem:s17+$0x96D0] =	vst v2  }
0x30e: {  	[tilespmem:s17+$0x96E0] =	vst v2  }
.Ltmp1:
0x30f: {  	[tilespmem:s17+$0x96F0] =	vst v2;
	(pc) =	sbr.rel @p0 .LBB2_4-.Ltmp1, $4  }
0x310: {  	[tilespmem:s17+$0x9700] =	vst v1  }
0x311: {  	[tilespmem:s17+$0x9710] =	vst v1  }
0x312: {  	[tilespmem:s17+$0x9720] =	vst v1  }
0x313: {  	s18 =	sadd.s32 $0x2, s18;
	[tilespmem:s17+$0x9730] =	vst v1  }
0x314: {  	[tilespmem:s17+$0x9740] =	vst v1  }
0x315: {  	[tilespmem:s17+$0x9750] =	vst v1  }
0x316: {  	[tilespmem:s17+$0x9760] =	vst v1  }
0x317: {  	[tilespmem:s17+$0x9770] =	vst v1  }
0x318: {  	[tilespmem:s17+$0x9780] =	vst v0  }
0x319: {  	[tilespmem:s17+$0x9790] =	vst v0  }
0x31a: {  	[tilespmem:s17+$0x97A0] =	vst v0  }
0x31b: {  	[tilespmem:s17+$0x97B0] =	vst v0  }
0x31c: {  	[tilespmem:s17+$0x97C0] =	vst v0  }
0x31d: {  	[tilespmem:s17+$0x97D0] =	vst v0  }
0x31e: {  	[tilespmem:s17+$0x97E0] =	vst v0  }
0x31f: {  	[tilespmem:s17+$0x97F0] =	vst v0  }
0x320: {  	[hbm4b:s6+s10] =	stream.strided.scatter [tilespmem:s13], [sflag:$0x2], $0x8000, s11, s10, $0x38;
	[tilespmem:$0x11000] =	vst v63  }
0x321: {  	_ = 	snop  }
0x322: {  	[hbm4b:s7+s10] =	stream.strided.scatter [tilespmem:s13], [sflag:$0x2], $0x8000, s11, s10, $0x38;
	[tilespmem:$0x11000] =	vst v63  }
0x323: {  	_ =	swait.ge [sflag:s14], $0x8000  }
0x324: {  	[sflag:s14] =	ssyncset.done $0x0  }
0x325: {  	[sflag:s14] =	ssyncadd.s32 $0xFFFF8000  }
0x326: {  	_ =	swait.ge [sflag:s14], $0x8000  }
0x327: {  	[sflag:s14] =	ssyncset.done $0x0  }
0x328: {  	s16 =	sadd.s32 $0x1, s16;
	[sflag:s14] =	ssyncadd.s32 $0xFFFF8000  }
0x329: {  	p0 =	sne.s32 s16, s8;
	_ =	swait.ge [sflag:s15], $0x8000  }
.Ltmp2:
0x32a: {  	[sflag:s15] =	ssyncset.done $0x0;
	(pc) =	sbr.rel @p0 .LBB2_1-.Ltmp2, $4  }
0x32b: {  	[sflag:s15] =	ssyncadd.s32 $0xFFFF8000  }
0x32c: {  	_ =	swait.ge [sflag:s15], $0x8000  }
0x32d: {  	[sflag:s15] =	ssyncset.done $0x0  }
0x32e: {  	[sflag:s15] =	ssyncadd.s32 $0xFFFF8000  }
0x32f: {  	_ =	sfence.sel $0x180000  }
0x330: {  	[bflag:$0x0] =	sbarrier.arrive $0xFFFF  }
0x331: {  	p0 =	sne.s32 s1, $0x0;
	_ =	strace $0x90000047  }
0x332: {  	s0 =	sadd.s32 @!p0 $0x100000, s0;
	[bflag:$0x2] =	sbarrier.arrive $0xFFFF  }
0x333: {  	[sflag:s0] =	ssyncadd.tile.s32 @!p0 $0x1;
	_ =	shalt  }
.Lfunc_end2:
_tile_overlayer_lowered:
.L_overlay_start_2:
0x334: {  	(tag) =	ssettag $0x2  }
0x335: {  	s0 =	rddreg [dreg:$0x0];
	s2 =	stileid.u32  }
0x336: {  	s1 =	rddreg [dreg:$0x1];
	p0 =	sne.s32 s2, $0x0  }
0x337: {  	s3 =	rddreg [dreg:$0x2];
	[bflag:$0x3] =	sbarrier.arrive $0xFFFF;
	s2 =	simm.s32 @!p0 $0x1C03  }
0x338: {  	[timem:s3], [sflag:s2] =	dma.local @!p0 [hbm:s0], s1  }
0x339: {  	s0 =	simm.s32 @!p0 $0x3  }
0x33a: {  	_ =	swait.ge @!p0 [sflag:s0], s1  }
0x33b: {  	s1 =	ssub.s32 @!p0 $0x0, s1;
	[sflag:s0] =	ssyncset.done @!p0 $0x0  }
0x33c: {  	[sflag:s0] =	ssyncadd.s32 @!p0 s1  }
0x33d: {  	[bflag:$0x3] =	sbarrier.arrive $0xFFFF  }
0x33e: {  	_ =	shalt  }

</sc_bundles>
